<compile_context>
chip_gen: v7x
topology: tpu7x:2x2x1
jax: 0.10.2.dev20260603
libtpu: 0.0.44.dev20260713+nightly
codegen_flags: <defaults>
</compile_context>

<pallas_src>
import functools

import jax
import jax.numpy as jnp
from jax import lax
from jax.experimental import pallas as pl
from jax.experimental.pallas import tpu as pltpu
from jax.experimental.pallas import tpu_sc as plsc

N_NODES = 10000
N_EDGES = 320000
D = 128

_ROWS = 2000


def _mlp1_body(x_ref, w_ref, b_ref, o_ref):
    y = lax.dot_general(x_ref[...], w_ref[...], (((1,), (1,)), ((), ())),
                        preferred_element_type=jnp.float32)
    o_ref[...] = jnp.maximum(y + b_ref[...], 0.0)


def _mlp1(feats, W_f, b_f):
    return pl.pallas_call(
        _mlp1_body,
        grid=(N_NODES // _ROWS,),
        in_specs=[
            pl.BlockSpec((_ROWS, D), lambda i: (i, 0)),
            pl.BlockSpec((D, D), lambda i: (0, 0)),
            pl.BlockSpec((1, D), lambda i: (0, 0)),
        ],
        out_specs=pl.BlockSpec((_ROWS, D), lambda i: (i, 0)),
        out_shape=jax.ShapeDtypeStruct((N_NODES, D), jnp.float32),
    )(feats, W_f, b_f.reshape(1, D))


_NC = 2
_NS = 16
_NW = _NC * _NS
_EB = 128
_BPW = 78
_GB = 6
_GW = _GB * _EB
_NGRP = _BPW // _GB
_NPAIR = 6
_TAILW = _NW - 4
_TAILB = _NW * _BPW
_RPT = 624
_ZR = 16


def _sc_agg(h, ei):
    mesh = plsc.VectorSubcoreMesh(core_axis_name="c", subcore_axis_name="s")

    @functools.partial(
        pl.kernel,
        out_type=jax.ShapeDtypeStruct((_NC, N_NODES, D), jnp.float32),
        mesh=mesh,
        scratch_types=[
            pltpu.VMEM((2, _GW), jnp.int32),
            pltpu.VMEM((2, _GW), jnp.int32),
            pltpu.VMEM((8, _EB), jnp.int32),
            pltpu.VMEM((8, _EB), jnp.int32),
            pltpu.VMEM((_EB, D), jnp.float32),
            pltpu.VMEM((_EB, D), jnp.float32),
            pltpu.VMEM((_ZR, D), jnp.float32),
            pltpu.VMEM_SHARED((N_NODES, D), jnp.float32),
            pltpu.SemaphoreType.DMA,
            pltpu.SemaphoreType.DMA,
            pltpu.SemaphoreType.DMA,
            pltpu.SemaphoreType.DMA,
        ],
    )
    def k(h_hbm, ei_hbm, out_hbm, sgA, sgB, dgA, dgB, rows0_v, rows1_v,
          z_v, acc_s, semA, semB, sem0, sem1):
        c_ax = lax.axis_index("c")
        s = lax.axis_index("s")
        wid = s * _NC + c_ax
        base_e = wid * (_BPW * _EB)
        rows = (rows0_v, rows1_v)
        sems = (sem0, sem1)

        def idx_start(g, sg, sem):
            off = base_e + g * _GW
            pltpu.async_copy(ei_hbm.at[pl.ds(0, 2), pl.ds(off, _GW)], sg, sem)

        def idx_wait(sg, sem):
            pltpu.make_async_copy(ei_hbm.at[pl.ds(0, 2), pl.ds(0, _GW)], sg,
                                  sem).wait()

        def g_start(sg, cc, rbuf, sem):
            pltpu.async_copy(h_hbm.at[sg.at[0, pl.ds(cc * _EB, _EB)]], rbuf,
                             sem)

        def g_wait(sg, cc, rbuf, sem):
            pltpu.make_async_copy(h_hbm.at[sg.at[0, pl.ds(cc * _EB, _EB)]],
                                  rbuf, sem).wait()

        def fill_dg(sg, dg):
            for cc in range(_GB):
                for v in range(_EB // 16):
                    dg[cc, pl.ds(v * 16, 16)] = sg[1,
                                                   pl.ds(cc * _EB + v * 16,
                                                         16)]

        def do_group(sg, dg, chain_fn):
            fill_dg(sg, dg)
            for cc in range(_GB):
                p = cc % 2
                q = (cc + 1) % 2
                if cc + 1 < _GB:
                    g_start(sg, cc + 1, rows[q], sems[q])
                else:
                    chain_fn()
                g_wait(sg, cc, rows[p], sems[p])
                pltpu.sync_copy(rows[p], acc_s.at[dg.at[cc]], add=True)

        idx_start(0, sgA, semA)
        idx_start(1, sgB, semB)

        zv = jnp.zeros((16,), jnp.float32)
        for i in range(_ZR):
            for j in range(D // 16):
                z_v[i, pl.ds(j * 16, 16)] = zv

        def zbody(r, carry):
            pltpu.sync_copy(z_v, acc_s.at[pl.ds(s * _RPT + r * _ZR, _ZR)])
            return carry

        lax.fori_loop(0, _RPT // _ZR, zbody, 0)

        @pl.when(s == _NS - 1)
        def _init_tail():
            pltpu.sync_copy(z_v, acc_s.at[pl.ds(_NS * _RPT, _ZR)])

        idx_wait(sgA, semA)
        g_start(sgA, 0, rows0_v, sem0)

        plsc.subcore_barrier()

        def chainB():
            idx_wait(sgB, semB)
            g_start(sgB, 0, rows0_v, sem0)

        def chainA():
            idx_wait(sgA, semA)
            g_start(sgA, 0, rows0_v, sem0)

        def body(jj, carry):
            do_group(sgA, dgA, chainB)
            idx_start(2 * jj + 2, sgA, semA)
            do_group(sgB, dgB, chainA)

            @pl.when(jj < _NPAIR - 1)
            def _prefetch_b():
                idx_start(2 * jj + 3, sgB, semB)

            return carry

        lax.fori_loop(0, _NPAIR, body, 0)

        do_group(sgA, dgA, lambda: None)

        @pl.when(wid >= _TAILW)
        def _tail_block():
            off = (_TAILB + wid - _TAILW) * _EB
            pltpu.sync_copy(ei_hbm.at[pl.ds(0, 2), pl.ds(off, _EB)],
                            sgA.at[pl.ds(0, 2), pl.ds(0, _EB)])
            for v in range(_EB // 16):
                dgA[0, pl.ds(v * 16, 16)] = sgA[1, pl.ds(v * 16, 16)]
            pltpu.async_copy(h_hbm.at[sgA.at[0, pl.ds(0, _EB)]], rows0_v,
                             sem0).wait()
            pltpu.sync_copy(rows0_v, acc_s.at[dgA.at[0]], add=True)

        plsc.subcore_barrier()

        pltpu.sync_copy(acc_s.at[pl.ds(s * _RPT, _RPT)],
                        out_hbm.at[c_ax, pl.ds(s * _RPT, _RPT)])

        @pl.when(s == _NS - 1)
        def _out_tail():
            pltpu.sync_copy(acc_s.at[pl.ds(_NS * _RPT, _ZR)],
                            out_hbm.at[c_ax, pl.ds(_NS * _RPT, _ZR)])

    return k(h, ei)


def _mlp2_body(h_ref, n0_ref, n1_ref, w_ref, b_ref, eps_ref, o_ref):
    t = 1.0 + eps_ref[0, 0] * h_ref[...] + n0_ref[0] + n1_ref[0]
    y = lax.dot_general(t, w_ref[...], (((1,), (1,)), ((), ())),
                        preferred_element_type=jnp.float32)
    o_ref[...] = jnp.maximum(y + b_ref[...], 0.0)


def _mlp2(h, n_parts, W_phy, b_phy, eps):
    blk = lambda i: (i, 0)
    return pl.pallas_call(
        _mlp2_body,
        grid=(N_NODES // _ROWS,),
        in_specs=[
            pl.BlockSpec((_ROWS, D), blk),
            pl.BlockSpec((1, _ROWS, D), lambda i: (0, i, 0)),
            pl.BlockSpec((1, _ROWS, D), lambda i: (1, i, 0)),
            pl.BlockSpec((D, D), lambda i: (0, 0)),
            pl.BlockSpec((1, D), lambda i: (0, 0)),
            pl.BlockSpec((1, 1), lambda i: (0, 0)),
        ],
        out_specs=pl.BlockSpec((_ROWS, D), blk),
        out_shape=jax.ShapeDtypeStruct((N_NODES, D), jnp.float32),
    )(h, n_parts, n_parts, W_phy, b_phy.reshape(1, D), eps.reshape(1, 1))


def kernel(feats, edge_index, W_f, b_f, W_phy, b_phy, eps):
    ei = edge_index.astype(jnp.int32)
    h = _mlp1(feats, W_f, b_f)
    n_parts = _sc_agg(h, ei)
    return _mlp2(h, n_parts, W_phy, b_phy, eps)

# --- scband reference (transcript-rebuilt; emitter-appended) ---
"""Pipeline reference for scband-gin-43671227466212 (READ-ONLY COPY).

The authoritative reference and input builder live on the scoring server;
editing this copy changes nothing except your own understanding.
"""

import jax, jax.numpy as jnp
import numpy as np

N_NODES = 10000
N_EDGES = 320000
IN_DIM = 128
OUT_DIM = 128

def setup_inputs(seed: int = 0) -> dict:
    key = jax.random.key(seed)
    k_feats, k_edge, k_wf, k_wphy = jax.random.split(key, 4)
    feats = jax.random.normal(k_feats, (N_NODES, IN_DIM), dtype=jnp.float32)
    edge_index = jax.random.randint(k_edge, (2, N_EDGES), 0, N_NODES, dtype=jnp.int64)
    s_f = 1.0 / np.sqrt(IN_DIM)
    s_p = 1.0 / np.sqrt(OUT_DIM)
    W_f = jax.random.uniform(k_wf, (OUT_DIM, IN_DIM), dtype=jnp.float32, minval=-s_f, maxval=s_f)
    b_f = jnp.zeros((OUT_DIM,), dtype=jnp.float32)
    W_phy = jax.random.uniform(k_wphy, (OUT_DIM, OUT_DIM), dtype=jnp.float32, minval=-s_p, maxval=s_p)
    b_phy = jnp.zeros((OUT_DIM,), dtype=jnp.float32)
    eps = jnp.zeros((1,), dtype=jnp.float32)  # init_eps = 0
    return {"feats": feats, "edge_index": edge_index, "W_f": W_f, "b_f": b_f,
            "W_phy": W_phy, "b_phy": b_phy, "eps": eps}

def reference(feats, edge_index, W_f, b_f, W_phy, b_phy, eps):
    # mlp_f (num_mlps=1): h = relu(Linear(feats))
    h = jax.nn.relu(feats @ W_f.T + b_f)
    # graph.update_all(copy_u('h','m'), sum('m','n')): scatter-add h[src] into dst
    src = edge_index[0]
    dst = edge_index[1]
    n = jax.ops.segment_sum(h[src], dst, num_segments=N_NODES)
    # h = 1 + eps * h + n (faithful to original expression)
    h = 1.0 + eps * h + n
    # mlp_phy (num_mlps=1): h = relu(Linear(h))
    h = jax.nn.relu(h @ W_phy.T + b_phy)
    return h

if __name__ == "__main__":
    import jax
    _d = setup_inputs()
    print(jax.jit(kernel)(*tuple(_d.values())))

</pallas_src>

<mosaic_0001>
#map = affine_map<(d0, d1) -> (0, 0)>
#map1 = affine_map<(d0, d1) -> (0, 0, 0)>
module attributes {stable_mosaic.version = 14 : i64} {
  func.func @k(%arg0: i32, %arg1: i32, %arg2: memref<10000x128xf32, #tpu.memory_space<hbm>>, %arg3: memref<2x320000xi32, #tpu.memory_space<hbm>>, %arg4: memref<2x10000x128xf32, #tpu.memory_space<hbm>>, %arg5: memref<2x768xi32, #tpu.memory_space<vmem>>, %arg6: memref<2x768xi32, #tpu.memory_space<vmem>>, %arg7: memref<8x128xi32, #tpu.memory_space<vmem>>, %arg8: memref<8x128xi32, #tpu.memory_space<vmem>>, %arg9: memref<128x128xf32, #tpu.memory_space<vmem>>, %arg10: memref<128x128xf32, #tpu.memory_space<vmem>>, %arg11: memref<16x128xf32, #tpu.memory_space<vmem>>, %arg12: memref<10000x128xf32, #tpu.memory_space<vmem_shared>>, %arg13: memref<!tpu.dma_semaphore, #tpu.memory_space<semaphore_mem>>, %arg14: memref<!tpu.dma_semaphore, #tpu.memory_space<semaphore_mem>>, %arg15: memref<!tpu.dma_semaphore, #tpu.memory_space<semaphore_mem>>, %arg16: memref<!tpu.dma_semaphore, #tpu.memory_space<semaphore_mem>>) attributes {dimension_semantics = [#tpu.dimension_semantics<core_parallel>, #tpu.dimension_semantics<subcore_parallel>], iteration_bounds = array<i64: 2, 16>, scalar_prefetch = 0 : i64, scratch_operands = 12 : i64, tpu.core_type = #tpu.core_type<sc_vector_subcore>, window_params = [{transform_indices = #map}, {transform_indices = #map}, {transform_indices = #map1}]} {
    %mul3A = arith.constant 2 : i32
    %mul3A_0 = arith.muli %arg1, %mul3A : i32
    %add3A = arith.addi %mul3A_0, %arg0 : i32
    %mul3A_1 = arith.constant 9984 : i32
    %mul3A_2 = arith.muli %add3A, %mul3A_1 : i32
    %add3A_3 = arith.constant 0 : i32
    %add3A_4 = arith.addi %mul3A_2, %add3A_3 : i32
    %dma_start3A = arith.constant 0 : i32
    %dma_start3A_5 = tpu.memref_slice %arg3[%dma_start3A, %add3A_4] : memref<2x320000xi32, #tpu.memory_space<hbm>> -> memref<2x768xi32, #tpu.memory_space<hbm>>
    %dma_start3A_6 = arith.constant 0 : i32
    %dma_start3A_7 = tpu.memref_slice %arg3[%dma_start3A_6, %add3A_4] : memref<2x320000xi32, #tpu.memory_space<hbm>> -> memref<2x768xi32, #tpu.memory_space<hbm>>
    tpu.enqueue_dma source(%dma_start3A_7 : memref<2x768xi32, #tpu.memory_space<hbm>>) target(%arg5 : memref<2x768xi32, #tpu.memory_space<vmem>>) target_semaphore(%arg13 : memref<!tpu.dma_semaphore, #tpu.memory_space<semaphore_mem>>)
    %add3A_8 = arith.constant 768 : i32
    %add3A_9 = arith.addi %mul3A_2, %add3A_8 : i32
    %dma_start3A_10 = arith.constant 0 : i32
    %dma_start3A_11 = tpu.memref_slice %arg3[%dma_start3A_10, %add3A_9] : memref<2x320000xi32, #tpu.memory_space<hbm>> -> memref<2x768xi32, #tpu.memory_space<hbm>>
    %dma_start3A_12 = arith.constant 0 : i32
    %dma_start3A_13 = tpu.memref_slice %arg3[%dma_start3A_12, %add3A_9] : memref<2x320000xi32, #tpu.memory_space<hbm>> -> memref<2x768xi32, #tpu.memory_space<hbm>>
    tpu.enqueue_dma source(%dma_start3A_13 : memref<2x768xi32, #tpu.memory_space<hbm>>) target(%arg6 : memref<2x768xi32, #tpu.memory_space<vmem>>) target_semaphore(%arg14 : memref<!tpu.dma_semaphore, #tpu.memory_space<semaphore_mem>>)
    %broadcast_in_dim3A = arith.constant 0.000000e+00 : f32
    %broadcast_in_dim3A_14 = vector.broadcast %broadcast_in_dim3A : f32 to vector<16xf32>
    %swap3A = arith.constant 0 : i32
    %swap3A_15 = arith.index_cast %swap3A : i32 to index
    %swap3A_16 = arith.constant 0 : index
    %swap3A_17 = tpu.vector_load %arg11[%swap3A_15, %swap3A_16] {strides = array<i32>} : memref<16x128xf32, #tpu.memory_space<vmem>>, vector<1x16xf32>,
    %swap3A_18 = vector.shape_cast %swap3A_17 : vector<1x16xf32> to vector<16xf32>
    %swap3A_19 = vector.shape_cast %broadcast_in_dim3A_14 : vector<16xf32> to vector<1x16xf32>
    tpu.vector_store %arg11[%swap3A_15, %swap3A_16], %swap3A_19 {strides = array<i32>} : memref<16x128xf32, #tpu.memory_space<vmem>>, vector<1x16xf32>,
    %swap3A_20 = arith.constant 0 : i32
    %swap3A_21 = arith.index_cast %swap3A_20 : i32 to index
    %swap3A_22 = arith.constant 16 : index
    %swap3A_23 = tpu.vector_load %arg11[%swap3A_21, %swap3A_22] {strides = array<i32>} : memref<16x128xf32, #tpu.memory_space<vmem>>, vector<1x16xf32>,
    %swap3A_24 = vector.shape_cast %swap3A_23 : vector<1x16xf32> to vector<16xf32>
    %swap3A_25 = vector.shape_cast %broadcast_in_dim3A_14 : vector<16xf32> to vector<1x16xf32>
    tpu.vector_store %arg11[%swap3A_21, %swap3A_22], %swap3A_25 {strides = array<i32>} : memref<16x128xf32, #tpu.memory_space<vmem>>, vector<1x16xf32>,
    %swap3A_26 = arith.constant 0 : i32
    %swap3A_27 = arith.index_cast %swap3A_26 : i32 to index
    %swap3A_28 = arith.constant 32 : index
    %swap3A_29 = tpu.vector_load %arg11[%swap3A_27, %swap3A_28] {strides = array<i32>} : memref<16x128xf32, #tpu.memory_space<vmem>>, vector<1x16xf32>,
    %swap3A_30 = vector.shape_cast %swap3A_29 : vector<1x16xf32> to vector<16xf32>
    %swap3A_31 = vector.shape_cast %broadcast_in_dim3A_14 : vector<16xf32> to vector<1x16xf32>
    tpu.vector_store %arg11[%swap3A_27, %swap3A_28], %swap3A_31 {strides = array<i32>} : memref<16x128xf32, #tpu.memory_space<vmem>>, vector<1x16xf32>,
    %swap3A_32 = arith.constant 0 : i32
    %swap3A_33 = arith.index_cast %swap3A_32 : i32 to index
    %swap3A_34 = arith.constant 48 : index
    %swap3A_35 = tpu.vector_load %arg11[%swap3A_33, %swap3A_34] {strides = array<i32>} : memref<16x128xf32, #tpu.memory_space<vmem>>, vector<1x16xf32>,
    %swap3A_36 = vector.shape_cast %swap3A_35 : vector<1x16xf32> to vector<16xf32>
    %swap3A_37 = vector.shape_cast %broadcast_in_dim3A_14 : vector<16xf32> to vector<1x16xf32>
    tpu.vector_store %arg11[%swap3A_33, %swap3A_34], %swap3A_37 {strides = array<i32>} : memref<16x128xf32, #tpu.memory_space<vmem>>, vector<1x16xf32>,
    %swap3A_38 = arith.constant 0 : i32
    %swap3A_39 = arith.index_cast %swap3A_38 : i32 to index
    %swap3A_40 = arith.constant 64 : index
    %swap3A_41 = tpu.vector_load %arg11[%swap3A_39, %swap3A_40] {strides = array<i32>} : memref<16x128xf32, #tpu.memory_space<vmem>>, vector<1x16xf32>,
    %swap3A_42 = vector.shape_cast %swap3A_41 : vector<1x16xf32> to vector<16xf32>
    %swap3A_43 = vector.shape_cast %broadcast_in_dim3A_14 : vector<16xf32> to vector<1x16xf32>
    tpu.vector_store %arg11[%swap3A_39, %swap3A_40], %swap3A_43 {strides = array<i32>} : memref<16x128xf32, #tpu.memory_space<vmem>>, vector<1x16xf32>,
    %swap3A_44 = arith.constant 0 : i32
    %swap3A_45 = arith.index_cast %swap3A_44 : i32 to index
    %swap3A_46 = arith.constant 80 : index
    %swap3A_47 = tpu.vector_load %arg11[%swap3A_45, %swap3A_46] {strides = array<i32>} : memref<16x128xf32, #tpu.memory_space<vmem>>, vector<1x16xf32>,
    %swap3A_48 = vector.shape_cast %swap3A_47 : vector<1x16xf32> to vector<16xf32>
    %swap3A_49 = vector.shape_cast %broadcast_in_dim3A_14 : vector<16xf32> to vector<1x16xf32>
    tpu.vector_store %arg11[%swap3A_45, %swap3A_46], %swap3A_49 {strides = array<i32>} : memref<16x128xf32, #tpu.memory_space<vmem>>, vector<1x16xf32>,
    %swap3A_50 = arith.constant 0 : i32
    %swap3A_51 = arith.index_cast %swap3A_50 : i32 to index
    %swap3A_52 = arith.constant 96 : index
    %swap3A_53 = tpu.vector_load %arg11[%swap3A_51, %swap3A_52] {strides = array<i32>} : memref<16x128xf32, #tpu.memory_space<vmem>>, vector<1x16xf32>,
    %swap3A_54 = vector.shape_cast %swap3A_53 : vector<1x16xf32> to vector<16xf32>
    %swap3A_55 = vector.shape_cast %broadcast_in_dim3A_14 : vector<16xf32> to vector<1x16xf32>
    tpu.vector_store %arg11[%swap3A_51, %swap3A_52], %swap3A_55 {strides = array<i32>} : memref<16x128xf32, #tpu.memory_space<vmem>>, vector<1x16xf32>,
    %swap3A_56 = arith.constant 0 : i32
    %swap3A_57 = arith.index_cast %swap3A_56 : i32 to index
    %swap3A_58 = arith.constant 112 : index
    %swap3A_59 = tpu.vector_load %arg11[%swap3A_57, %swap3A_58] {strides = array<i32>} : memref<16x128xf32, #tpu.memory_space<vmem>>, vector<1x16xf32>,
    %swap3A_60 = vector.shape_cast %swap3A_59 : vector<1x16xf32> to vector<16xf32>
    %swap3A_61 = vector.shape_cast %broadcast_in_dim3A_14 : vector<16xf32> to vector<1x16xf32>
    tpu.vector_store %arg11[%swap3A_57, %swap3A_58], %swap3A_61 {strides = array<i32>} : memref<16x128xf32, #tpu.memory_space<vmem>>, vector<1x16xf32>,
    %swap3A_62 = arith.constant 1 : i32
    %swap3A_63 = arith.index_cast %swap3A_62 : i32 to index
    %swap3A_64 = arith.constant 0 : index
    %swap3A_65 = tpu.vector_load %arg11[%swap3A_63, %swap3A_64] {strides = array<i32>} : memref<16x128xf32, #tpu.memory_space<vmem>>, vector<1x16xf32>,
    %swap3A_66 = vector.shape_cast %swap3A_65 : vector<1x16xf32> to vector<16xf32>
    %swap3A_67 = vector.shape_cast %broadcast_in_dim3A_14 : vector<16xf32> to vector<1x16xf32>
    tpu.vector_store %arg11[%swap3A_63, %swap3A_64], %swap3A_67 {strides = array<i32>} : memref<16x128xf32, #tpu.memory_space<vmem>>, vector<1x16xf32>,
    %swap3A_68 = arith.constant 1 : i32
    %swap3A_69 = arith.index_cast %swap3A_68 : i32 to index
    %swap3A_70 = arith.constant 16 : index
    %swap3A_71 = tpu.vector_load %arg11[%swap3A_69, %swap3A_70] {strides = array<i32>} : memref<16x128xf32, #tpu.memory_space<vmem>>, vector<1x16xf32>,
    %swap3A_72 = vector.shape_cast %swap3A_71 : vector<1x16xf32> to vector<16xf32>
    %swap3A_73 = vector.shape_cast %broadcast_in_dim3A_14 : vector<16xf32> to vector<1x16xf32>
    tpu.vector_store %arg11[%swap3A_69, %swap3A_70], %swap3A_73 {strides = array<i32>} : memref<16x128xf32, #tpu.memory_space<vmem>>, vector<1x16xf32>,
    %swap3A_74 = arith.constant 1 : i32
    %swap3A_75 = arith.index_cast %swap3A_74 : i32 to index
    %swap3A_76 = arith.constant 32 : index
    %swap3A_77 = tpu.vector_load %arg11[%swap3A_75, %swap3A_76] {strides = array<i32>} : memref<16x128xf32, #tpu.memory_space<vmem>>, vector<1x16xf32>,
    %swap3A_78 = vector.shape_cast %swap3A_77 : vector<1x16xf32> to vector<16xf32>
    %swap3A_79 = vector.shape_cast %broadcast_in_dim3A_14 : vector<16xf32> to vector<1x16xf32>
    tpu.vector_store %arg11[%swap3A_75, %swap3A_76], %swap3A_79 {strides = array<i32>} : memref<16x128xf32, #tpu.memory_space<vmem>>, vector<1x16xf32>,
    %swap3A_80 = arith.constant 1 : i32
    %swap3A_81 = arith.index_cast %swap3A_80 : i32 to index
    %swap3A_82 = arith.constant 48 : index
    %swap3A_83 = tpu.vector_load %arg11[%swap3A_81, %swap3A_82] {strides = array<i32>} : memref<16x128xf32, #tpu.memory_space<vmem>>, vector<1x16xf32>,
    %swap3A_84 = vector.shape_cast %swap3A_83 : vector<1x16xf32> to vector<16xf32>
    %swap3A_85 = vector.shape_cast %broadcast_in_dim3A_14 : vector<16xf32> to vector<1x16xf32>
    tpu.vector_store %arg11[%swap3A_81, %swap3A_82], %swap3A_85 {strides = array<i32>} : memref<16x128xf32, #tpu.memory_space<vmem>>, vector<1x16xf32>,
    %swap3A_86 = arith.constant 1 : i32
    %swap3A_87 = arith.index_cast %swap3A_86 : i32 to index
    %swap3A_88 = arith.constant 64 : index
    %swap3A_89 = tpu.vector_load %arg11[%swap3A_87, %swap3A_88] {strides = array<i32>} : memref<16x128xf32, #tpu.memory_space<vmem>>, vector<1x16xf32>,
    %swap3A_90 = vector.shape_cast %swap3A_89 : vector<1x16xf32> to vector<16xf32>
    %swap3A_91 = vector.shape_cast %broadcast_in_dim3A_14 : vector<16xf32> to vector<1x16xf32>
    tpu.vector_store %arg11[%swap3A_87, %swap3A_88], %swap3A_91 {strides = array<i32>} : memref<16x128xf32, #tpu.memory_space<vmem>>, vector<1x16xf32>,
    %swap3A_92 = arith.constant 1 : i32
    %swap3A_93 = arith.index_cast %swap3A_92 : i32 to index
    %swap3A_94 = arith.constant 80 : index
    %swap3A_95 = tpu.vector_load %arg11[%swap3A_93, %swap3A_94] {strides = array<i32>} : memref<16x128xf32, #tpu.memory_space<vmem>>, vector<1x16xf32>,
    %swap3A_96 = vector.shape_cast %swap3A_95 : vector<1x16xf32> to vector<16xf32>
    %swap3A_97 = vector.shape_cast %broadcast_in_dim3A_14 : vector<16xf32> to vector<1x16xf32>
    tpu.vector_store %arg11[%swap3A_93, %swap3A_94], %swap3A_97 {strides = array<i32>} : memref<16x128xf32, #tpu.memory_space<vmem>>, vector<1x16xf32>,
    %swap3A_98 = arith.constant 1 : i32
    %swap3A_99 = arith.index_cast %swap3A_98 : i32 to index
    %swap3A_100 = arith.constant 96 : index
    %swap3A_101 = tpu.vector_load %arg11[%swap3A_99, %swap3A_100] {strides = array<i32>} : memref<16x128xf32, #tpu.memory_space<vmem>>, vector<1x16xf32>,
    %swap3A_102 = vector.shape_cast %swap3A_101 : vector<1x16xf32> to vector<16xf32>
    %swap3A_103 = vector.shape_cast %broadcast_in_dim3A_14 : vector<16xf32> to vector<1x16xf32>
    tpu.vector_store %arg11[%swap3A_99, %swap3A_100], %swap3A_103 {strides = array<i32>} : memref<16x128xf32, #tpu.memory_space<vmem>>, vector<1x16xf32>,
    %swap3A_104 = arith.constant 1 : i32
    %swap3A_105 = arith.index_cast %swap3A_104 : i32 to index
    %swap3A_106 = arith.constant 112 : index
    %swap3A_107 = tpu.vector_load %arg11[%swap3A_105, %swap3A_106] {strides = array<i32>} : memref<16x128xf32, #tpu.memory_space<vmem>>, vector<1x16xf32>,
    %swap3A_108 = vector.shape_cast %swap3A_107 : vector<1x16xf32> to vector<16xf32>
    %swap3A_109 = vector.shape_cast %broadcast_in_dim3A_14 : vector<16xf32> to vector<1x16xf32>
    tpu.vector_store %arg11[%swap3A_105, %swap3A_106], %swap3A_109 {strides = array<i32>} : memref<16x128xf32, #tpu.memory_space<vmem>>, vector<1x16xf32>,
    %swap3A_110 = arith.constant 2 : i32
    %swap3A_111 = arith.index_cast %swap3A_110 : i32 to index
    %swap3A_112 = arith.constant 0 : index
    %swap3A_113 = tpu.vector_load %arg11[%swap3A_111, %swap3A_112] {strides = array<i32>} : memref<16x128xf32, #tpu.memory_space<vmem>>, vector<1x16xf32>,
    %swap3A_114 = vector.shape_cast %swap3A_113 : vector<1x16xf32> to vector<16xf32>
    %swap3A_115 = vector.shape_cast %broadcast_in_dim3A_14 : vector<16xf32> to vector<1x16xf32>
    tpu.vector_store %arg11[%swap3A_111, %swap3A_112], %swap3A_115 {strides = array<i32>} : memref<16x128xf32, #tpu.memory_space<vmem>>, vector<1x16xf32>,
    %swap3A_116 = arith.constant 2 : i32
    %swap3A_117 = arith.index_cast %swap3A_116 : i32 to index
    %swap3A_118 = arith.constant 16 : index
    %swap3A_119 = tpu.vector_load %arg11[%swap3A_117, %swap3A_118] {strides = array<i32>} : memref<16x128xf32, #tpu.memory_space<vmem>>, vector<1x16xf32>,
    %swap3A_120 = vector.shape_cast %swap3A_119 : vector<1x16xf32> to vector<16xf32>
    %swap3A_121 = vector.shape_cast %broadcast_in_dim3A_14 : vector<16xf32> to vector<1x16xf32>
    tpu.vector_store %arg11[%swap3A_117, %swap3A_118], %swap3A_121 {strides = array<i32>} : memref<16x128xf32, #tpu.memory_space<vmem>>, vector<1x16xf32>,
    %swap3A_122 = arith.constant 2 : i32
    %swap3A_123 = arith.index_cast %swap3A_122 : i32 to index
    %swap3A_124 = arith.constant 32 : index
    %swap3A_125 = tpu.vector_load %arg11[%swap3A_123, %swap3A_124] {strides = array<i32>} : memref<16x128xf32, #tpu.memory_space<vmem>>, vector<1x16xf32>,
    %swap3A_126 = vector.shape_cast %swap3A_125 : vector<1x16xf32> to vector<16xf32>
    %swap3A_127 = vector.shape_cast %broadcast_in_dim3A_14 : vector<16xf32> to vector<1x16xf32>
    tpu.vector_store %arg11[%swap3A_123, %swap3A_124], %swap3A_127 {strides = array<i32>} : memref<16x128xf32, #tpu.memory_space<vmem>>, vector<1x16xf32>,
    %swap3A_128 = arith.constant 2 : i32
    %swap3A_129 = arith.index_cast %swap3A_128 : i32 to index
    %swap3A_130 = arith.constant 48 : index
    %swap3A_131 = tpu.vector_load %arg11[%swap3A_129, %swap3A_130] {strides = array<i32>} : memref<16x128xf32, #tpu.memory_space<vmem>>, vector<1x16xf32>,
    %swap3A_132 = vector.shape_cast %swap3A_131 : vector<1x16xf32> to vector<16xf32>
    %swap3A_133 = vector.shape_cast %broadcast_in_dim3A_14 : vector<16xf32> to vector<1x16xf32>
    tpu.vector_store %arg11[%swap3A_129, %swap3A_130], %swap3A_133 {strides = array<i32>} : memref<16x128xf32, #tpu.memory_space<vmem>>, vector<1x16xf32>,
    %swap3A_134 = arith.constant 2 : i32
    %swap3A_135 = arith.index_cast %swap3A_134 : i32 to index
    %swap3A_136 = arith.constant 64 : index
    %swap3A_137 = tpu.vector_load %arg11[%swap3A_135, %swap3A_136] {strides = array<i32>} : memref<16x128xf32, #tpu.memory_space<vmem>>, vector<1x16xf32>,
    %swap3A_138 = vector.shape_cast %swap3A_137 : vector<1x16xf32> to vector<16xf32>
    %swap3A_139 = vector.shape_cast %broadcast_in_dim3A_14 : vector<16xf32> to vector<1x16xf32>
    tpu.vector_store %arg11[%swap3A_135, %swap3A_136], %swap3A_139 {strides = array<i32>} : memref<16x128xf32, #tpu.memory_space<vmem>>, vector<1x16xf32>,
    %swap3A_140 = arith.constant 2 : i32
    %swap3A_141 = arith.index_cast %swap3A_140 : i32 to index
    %swap3A_142 = arith.constant 80 : index
    %swap3A_143 = tpu.vector_load %arg11[%swap3A_141, %swap3A_142] {strides = array<i32>} : memref<16x128xf32, #tpu.memory_space<vmem>>, vector<1x16xf32>,
    %swap3A_144 = vector.shape_cast %swap3A_143 : vector<1x16xf32> to vector<16xf32>
    %swap3A_145 = vector.shape_cast %broadcast_in_dim3A_14 : vector<16xf32> to vector<1x16xf32>
    tpu.vector_store %arg11[%swap3A_141, %swap3A_142], %swap3A_145 {strides = array<i32>} : memref<16x128xf32, #tpu.memory_space<vmem>>, vector<1x16xf32>,
    %swap3A_146 = arith.constant 2 : i32
    %swap3A_147 = arith.index_cast %swap3A_146 : i32 to index
    %swap3A_148 = arith.constant 96 : index
    %swap3A_149 = tpu.vector_load %arg11[%swap3A_147, %swap3A_148] {strides = array<i32>} : memref<16x128xf32, #tpu.memory_space<vmem>>, vector<1x16xf32>,
    %swap3A_150 = vector.shape_cast %swap3A_149 : vector<1x16xf32> to vector<16xf32>
    %swap3A_151 = vector.shape_cast %broadcast_in_dim3A_14 : vector<16xf32> to vector<1x16xf32>
    tpu.vector_store %arg11[%swap3A_147, %swap3A_148], %swap3A_151 {strides = array<i32>} : memref<16x128xf32, #tpu.memory_space<vmem>>, vector<1x16xf32>,
    %swap3A_152 = arith.constant 2 : i32
    %swap3A_153 = arith.index_cast %swap3A_152 : i32 to index
    %swap3A_154 = arith.constant 112 : index
    %swap3A_155 = tpu.vector_load %arg11[%swap3A_153, %swap3A_154] {strides = array<i32>} : memref<16x128xf32, #tpu.memory_space<vmem>>, vector<1x16xf32>,
    %swap3A_156 = vector.shape_cast %swap3A_155 : vector<1x16xf32> to vector<16xf32>
    %swap3A_157 = vector.shape_cast %broadcast_in_dim3A_14 : vector<16xf32> to vector<1x16xf32>
    tpu.vector_store %arg11[%swap3A_153, %swap3A_154], %swap3A_157 {strides = array<i32>} : memref<16x128xf32, #tpu.memory_space<vmem>>, vector<1x16xf32>,
    %swap3A_158 = arith.constant 3 : i32
    %swap3A_159 = arith.index_cast %swap3A_158 : i32 to index
    %swap3A_160 = arith.constant 0 : index
    %swap3A_161 = tpu.vector_load %arg11[%swap3A_159, %swap3A_160] {strides = array<i32>} : memref<16x128xf32, #tpu.memory_space<vmem>>, vector<1x16xf32>,
    %swap3A_162 = vector.shape_cast %swap3A_161 : vector<1x16xf32> to vector<16xf32>
    %swap3A_163 = vector.shape_cast %broadcast_in_dim3A_14 : vector<16xf32> to vector<1x16xf32>
    tpu.vector_store %arg11[%swap3A_159, %swap3A_160], %swap3A_163 {strides = array<i32>} : memref<16x128xf32, #tpu.memory_space<vmem>>, vector<1x16xf32>,
    %swap3A_164 = arith.constant 3 : i32
    %swap3A_165 = arith.index_cast %swap3A_164 : i32 to index
    %swap3A_166 = arith.constant 16 : index
    %swap3A_167 = tpu.vector_load %arg11[%swap3A_165, %swap3A_166] {strides = array<i32>} : memref<16x128xf32, #tpu.memory_space<vmem>>, vector<1x16xf32>,
    %swap3A_168 = vector.shape_cast %swap3A_167 : vector<1x16xf32> to vector<16xf32>
    %swap3A_169 = vector.shape_cast %broadcast_in_dim3A_14 : vector<16xf32> to vector<1x16xf32>
    tpu.vector_store %arg11[%swap3A_165, %swap3A_166], %swap3A_169 {strides = array<i32>} : memref<16x128xf32, #tpu.memory_space<vmem>>, vector<1x16xf32>,
    %swap3A_170 = arith.constant 3 : i32
    %swap3A_171 = arith.index_cast %swap3A_170 : i32 to index
    %swap3A_172 = arith.constant 32 : index
    %swap3A_173 = tpu.vector_load %arg11[%swap3A_171, %swap3A_172] {strides = array<i32>} : memref<16x128xf32, #tpu.memory_space<vmem>>, vector<1x16xf32>,
    %swap3A_174 = vector.shape_cast %swap3A_173 : vector<1x16xf32> to vector<16xf32>
    %swap3A_175 = vector.shape_cast %broadcast_in_dim3A_14 : vector<16xf32> to vector<1x16xf32>
    tpu.vector_store %arg11[%swap3A_171, %swap3A_172], %swap3A_175 {strides = array<i32>} : memref<16x128xf32, #tpu.memory_space<vmem>>, vector<1x16xf32>,
    %swap3A_176 = arith.constant 3 : i32
    %swap3A_177 = arith.index_cast %swap3A_176 : i32 to index
    %swap3A_178 = arith.constant 48 : index
    %swap3A_179 = tpu.vector_load %arg11[%swap3A_177, %swap3A_178] {strides = array<i32>} : memref<16x128xf32, #tpu.memory_space<vmem>>, vector<1x16xf32>,
    %swap3A_180 = vector.shape_cast %swap3A_179 : vector<1x16xf32> to vector<16xf32>
    %swap3A_181 = vector.shape_cast %broadcast_in_dim3A_14 : vector<16xf32> to vector<1x16xf32>
    tpu.vector_store %arg11[%swap3A_177, %swap3A_178], %swap3A_181 {strides = array<i32>} : memref<16x128xf32, #tpu.memory_space<vmem>>, vector<1x16xf32>,
    %swap3A_182 = arith.constant 3 : i32
    %swap3A_183 = arith.index_cast %swap3A_182 : i32 to index
    %swap3A_184 = arith.constant 64 : index
    %swap3A_185 = tpu.vector_load %arg11[%swap3A_183, %swap3A_184] {strides = array<i32>} : memref<16x128xf32, #tpu.memory_space<vmem>>, vector<1x16xf32>,
    %swap3A_186 = vector.shape_cast %swap3A_185 : vector<1x16xf32> to vector<16xf32>
    %swap3A_187 = vector.shape_cast %broadcast_in_dim3A_14 : vector<16xf32> to vector<1x16xf32>
    tpu.vector_store %arg11[%swap3A_183, %swap3A_184], %swap3A_187 {strides = array<i32>} : memref<16x128xf32, #tpu.memory_space<vmem>>, vector<1x16xf32>,
    %swap3A_188 = arith.constant 3 : i32
    %swap3A_189 = arith.index_cast %swap3A_188 : i32 to index
    %swap3A_190 = arith.constant 80 : index
    %swap3A_191 = tpu.vector_load %arg11[%swap3A_189, %swap3A_190] {strides = array<i32>} : memref<16x128xf32, #tpu.memory_space<vmem>>, vector<1x16xf32>,
    %swap3A_192 = vector.shape_cast %swap3A_191 : vector<1x16xf32> to vector<16xf32>
    %swap3A_193 = vector.shape_cast %broadcast_in_dim3A_14 : vector<16xf32> to vector<1x16xf32>
    tpu.vector_store %arg11[%swap3A_189, %swap3A_190], %swap3A_193 {strides = array<i32>} : memref<16x128xf32, #tpu.memory_space<vmem>>, vector<1x16xf32>,
    %swap3A_194 = arith.constant 3 : i32
    %swap3A_195 = arith.index_cast %swap3A_194 : i32 to index
    %swap3A_196 = arith.constant 96 : index
    %swap3A_197 = tpu.vector_load %arg11[%swap3A_195, %swap3A_196] {strides = array<i32>} : memref<16x128xf32, #tpu.memory_space<vmem>>, vector<1x16xf32>,
    %swap3A_198 = vector.shape_cast %swap3A_197 : vector<1x16xf32> to vector<16xf32>
    %swap3A_199 = vector.shape_cast %broadcast_in_dim3A_14 : vector<16xf32> to vector<1x16xf32>
    tpu.vector_store %arg11[%swap3A_195, %swap3A_196], %swap3A_199 {strides = array<i32>} : memref<16x128xf32, #tpu.memory_space<vmem>>, vector<1x16xf32>,
    %swap3A_200 = arith.constant 3 : i32
    %swap3A_201 = arith.index_cast %swap3A_200 : i32 to index
    %swap3A_202 = arith.constant 112 : index
    %swap3A_203 = tpu.vector_load %arg11[%swap3A_201, %swap3A_202] {strides = array<i32>} : memref<16x128xf32, #tpu.memory_space<vmem>>, vector<1x16xf32>,
    %swap3A_204 = vector.shape_cast %swap3A_203 : vector<1x16xf32> to vector<16xf32>
    %swap3A_205 = vector.shape_cast %broadcast_in_dim3A_14 : vector<16xf32> to vector<1x16xf32>
    tpu.vector_store %arg11[%swap3A_201, %swap3A_202], %swap3A_205 {strides = array<i32>} : memref<16x128xf32, #tpu.memory_space<vmem>>, vector<1x16xf32>,
    %swap3A_206 = arith.constant 4 : i32
    %swap3A_207 = arith.index_cast %swap3A_206 : i32 to index
    %swap3A_208 = arith.constant 0 : index
    %swap3A_209 = tpu.vector_load %arg11[%swap3A_207, %swap3A_208] {strides = array<i32>} : memref<16x128xf32, #tpu.memory_space<vmem>>, vector<1x16xf32>,
    %swap3A_210 = vector.shape_cast %swap3A_209 : vector<1x16xf32> to vector<16xf32>
    %swap3A_211 = vector.shape_cast %broadcast_in_dim3A_14 : vector<16xf32> to vector<1x16xf32>
    tpu.vector_store %arg11[%swap3A_207, %swap3A_208], %swap3A_211 {strides = array<i32>} : memref<16x128xf32, #tpu.memory_space<vmem>>, vector<1x16xf32>,
    %swap3A_212 = arith.constant 4 : i32
    %swap3A_213 = arith.index_cast %swap3A_212 : i32 to index
    %swap3A_214 = arith.constant 16 : index
    %swap3A_215 = tpu.vector_load %arg11[%swap3A_213, %swap3A_214] {strides = array<i32>} : memref<16x128xf32, #tpu.memory_space<vmem>>, vector<1x16xf32>,
    %swap3A_216 = vector.shape_cast %swap3A_215 : vector<1x16xf32> to vector<16xf32>
    %swap3A_217 = vector.shape_cast %broadcast_in_dim3A_14 : vector<16xf32> to vector<1x16xf32>
    tpu.vector_store %arg11[%swap3A_213, %swap3A_214], %swap3A_217 {strides = array<i32>} : memref<16x128xf32, #tpu.memory_space<vmem>>, vector<1x16xf32>,
    %swap3A_218 = arith.constant 4 : i32
    %swap3A_219 = arith.index_cast %swap3A_218 : i32 to index
    %swap3A_220 = arith.constant 32 : index
    %swap3A_221 = tpu.vector_load %arg11[%swap3A_219, %swap3A_220] {strides = array<i32>} : memref<16x128xf32, #tpu.memory_space<vmem>>, vector<1x16xf32>,
    %swap3A_222 = vector.shape_cast %swap3A_221 : vector<1x16xf32> to vector<16xf32>
    %swap3A_223 = vector.shape_cast %broadcast_in_dim3A_14 : vector<16xf32> to vector<1x16xf32>
    tpu.vector_store %arg11[%swap3A_219, %swap3A_220], %swap3A_223 {strides = array<i32>} : memref<16x128xf32, #tpu.memory_space<vmem>>, vector<1x16xf32>,
    %swap3A_224 = arith.constant 4 : i32
    %swap3A_225 = arith.index_cast %swap3A_224 : i32 to index
    %swap3A_226 = arith.constant 48 : index
    %swap3A_227 = tpu.vector_load %arg11[%swap3A_225, %swap3A_226] {strides = array<i32>} : memref<16x128xf32, #tpu.memory_space<vmem>>, vector<1x16xf32>,
    %swap3A_228 = vector.shape_cast %swap3A_227 : vector<1x16xf32> to vector<16xf32>
    %swap3A_229 = vector.shape_cast %broadcast_in_dim3A_14 : vector<16xf32> to vector<1x16xf32>
    tpu.vector_store %arg11[%swap3A_225, %swap3A_226], %swap3A_229 {strides = array<i32>} : memref<16x128xf32, #tpu.memory_space<vmem>>, vector<1x16xf32>,
    %swap3A_230 = arith.constant 4 : i32
    %swap3A_231 = arith.index_cast %swap3A_230 : i32 to index
    %swap3A_232 = arith.constant 64 : index
    %swap3A_233 = tpu.vector_load %arg11[%swap3A_231, %swap3A_232] {strides = array<i32>} : memref<16x128xf32, #tpu.memory_space<vmem>>, vector<1x16xf32>,
    %swap3A_234 = vector.shape_cast %swap3A_233 : vector<1x16xf32> to vector<16xf32>
    %swap3A_235 = vector.shape_cast %broadcast_in_dim3A_14 : vector<16xf32> to vector<1x16xf32>
    tpu.vector_store %arg11[%swap3A_231, %swap3A_232], %swap3A_235 {strides = array<i32>} : memref<16x128xf32, #tpu.memory_space<vmem>>, vector<1x16xf32>,
    %swap3A_236 = arith.constant 4 : i32
    %swap3A_237 = arith.index_cast %swap3A_236 : i32 to index
    %swap3A_238 = arith.constant 80 : index
    %swap3A_239 = tpu.vector_load %arg11[%swap3A_237, %swap3A_238] {strides = array<i32>} : memref<16x128xf32, #tpu.memory_space<vmem>>, vector<1x16xf32>,
    %swap3A_240 = vector.shape_cast %swap3A_239 : vector<1x16xf32> to vector<16xf32>
    %swap3A_241 = vector.shape_cast %broadcast_in_dim3A_14 : vector<16xf32> to vector<1x16xf32>
    tpu.vector_store %arg11[%swap3A_237, %swap3A_238], %swap3A_241 {strides = array<i32>} : memref<16x128xf32, #tpu.memory_space<vmem>>, vector<1x16xf32>,
    %swap3A_242 = arith.constant 4 : i32
    %swap3A_243 = arith.index_cast %swap3A_242 : i32 to index
    %swap3A_244 = arith.constant 96 : index
    %swap3A_245 = tpu.vector_load %arg11[%swap3A_243, %swap3A_244] {strides = array<i32>} : memref<16x128xf32, #tpu.memory_space<vmem>>, vector<1x16xf32>,
    %swap3A_246 = vector.shape_cast %swap3A_245 : vector<1x16xf32> to vector<16xf32>
    %swap3A_247 = vector.shape_cast %broadcast_in_dim3A_14 : vector<16xf32> to vector<1x16xf32>
    tpu.vector_store %arg11[%swap3A_243, %swap3A_244], %swap3A_247 {strides = array<i32>} : memref<16x128xf32, #tpu.memory_space<vmem>>, vector<1x16xf32>,
    %swap3A_248 = arith.constant 4 : i32
    %swap3A_249 = arith.index_cast %swap3A_248 : i32 to index
    %swap3A_250 = arith.constant 112 : index
    %swap3A_251 = tpu.vector_load %arg11[%swap3A_249, %swap3A_250] {strides = array<i32>} : memref<16x128xf32, #tpu.memory_space<vmem>>, vector<1x16xf32>,
    %swap3A_252 = vector.shape_cast %swap3A_251 : vector<1x16xf32> to vector<16xf32>
    %swap3A_253 = vector.shape_cast %broadcast_in_dim3A_14 : vector<16xf32> to vector<1x16xf32>
    tpu.vector_store %arg11[%swap3A_249, %swap3A_250], %swap3A_253 {strides = array<i32>} : memref<16x128xf32, #tpu.memory_space<vmem>>, vector<1x16xf32>,
    %swap3A_254 = arith.constant 5 : i32
    %swap3A_255 = arith.index_cast %swap3A_254 : i32 to index
    %swap3A_256 = arith.constant 0 : index
    %swap3A_257 = tpu.vector_load %arg11[%swap3A_255, %swap3A_256] {strides = array<i32>} : memref<16x128xf32, #tpu.memory_space<vmem>>, vector<1x16xf32>,
    %swap3A_258 = vector.shape_cast %swap3A_257 : vector<1x16xf32> to vector<16xf32>
    %swap3A_259 = vector.shape_cast %broadcast_in_dim3A_14 : vector<16xf32> to vector<1x16xf32>
    tpu.vector_store %arg11[%swap3A_255, %swap3A_256], %swap3A_259 {strides = array<i32>} : memref<16x128xf32, #tpu.memory_space<vmem>>, vector<1x16xf32>,
    %swap3A_260 = arith.constant 5 : i32
    %swap3A_261 = arith.index_cast %swap3A_260 : i32 to index
    %swap3A_262 = arith.constant 16 : index
    %swap3A_263 = tpu.vector_load %arg11[%swap3A_261, %swap3A_262] {strides = array<i32>} : memref<16x128xf32, #tpu.memory_space<vmem>>, vector<1x16xf32>,
    %swap3A_264 = vector.shape_cast %swap3A_263 : vector<1x16xf32> to vector<16xf32>
    %swap3A_265 = vector.shape_cast %broadcast_in_dim3A_14 : vector<16xf32> to vector<1x16xf32>
    tpu.vector_store %arg11[%swap3A_261, %swap3A_262], %swap3A_265 {strides = array<i32>} : memref<16x128xf32, #tpu.memory_space<vmem>>, vector<1x16xf32>,
    %swap3A_266 = arith.constant 5 : i32
    %swap3A_267 = arith.index_cast %swap3A_266 : i32 to index
    %swap3A_268 = arith.constant 32 : index
    %swap3A_269 = tpu.vector_load %arg11[%swap3A_267, %swap3A_268] {strides = array<i32>} : memref<16x128xf32, #tpu.memory_space<vmem>>, vector<1x16xf32>,
    %swap3A_270 = vector.shape_cast %swap3A_269 : vector<1x16xf32> to vector<16xf32>
    %swap3A_271 = vector.shape_cast %broadcast_in_dim3A_14 : vector<16xf32> to vector<1x16xf32>
    tpu.vector_store %arg11[%swap3A_267, %swap3A_268], %swap3A_271 {strides = array<i32>} : memref<16x128xf32, #tpu.memory_space<vmem>>, vector<1x16xf32>,
    %swap3A_272 = arith.constant 5 : i32
    %swap3A_273 = arith.index_cast %swap3A_272 : i32 to index
    %swap3A_274 = arith.constant 48 : index
    %swap3A_275 = tpu.vector_load %arg11[%swap3A_273, %swap3A_274] {strides = array<i32>} : memref<16x128xf32, #tpu.memory_space<vmem>>, vector<1x16xf32>,
    %swap3A_276 = vector.shape_cast %swap3A_275 : vector<1x16xf32> to vector<16xf32>
    %swap3A_277 = vector.shape_cast %broadcast_in_dim3A_14 : vector<16xf32> to vector<1x16xf32>
    tpu.vector_store %arg11[%swap3A_273, %swap3A_274], %swap3A_277 {strides = array<i32>} : memref<16x128xf32, #tpu.memory_space<vmem>>, vector<1x16xf32>,
    %swap3A_278 = arith.constant 5 : i32
    %swap3A_279 = arith.index_cast %swap3A_278 : i32 to index
    %swap3A_280 = arith.constant 64 : index
    %swap3A_281 = tpu.vector_load %arg11[%swap3A_279, %swap3A_280] {strides = array<i32>} : memref<16x128xf32, #tpu.memory_space<vmem>>, vector<1x16xf32>,
    %swap3A_282 = vector.shape_cast %swap3A_281 : vector<1x16xf32> to vector<16xf32>
    %swap3A_283 = vector.shape_cast %broadcast_in_dim3A_14 : vector<16xf32> to vector<1x16xf32>
    tpu.vector_store %arg11[%swap3A_279, %swap3A_280], %swap3A_283 {strides = array<i32>} : memref<16x128xf32, #tpu.memory_space<vmem>>, vector<1x16xf32>,
    %swap3A_284 = arith.constant 5 : i32
    %swap3A_285 = arith.index_cast %swap3A_284 : i32 to index
    %swap3A_286 = arith.constant 80 : index
    %swap3A_287 = tpu.vector_load %arg11[%swap3A_285, %swap3A_286] {strides = array<i32>} : memref<16x128xf32, #tpu.memory_space<vmem>>, vector<1x16xf32>,
    %swap3A_288 = vector.shape_cast %swap3A_287 : vector<1x16xf32> to vector<16xf32>
    %swap3A_289 = vector.shape_cast %broadcast_in_dim3A_14 : vector<16xf32> to vector<1x16xf32>
    tpu.vector_store %arg11[%swap3A_285, %swap3A_286], %swap3A_289 {strides = array<i32>} : memref<16x128xf32, #tpu.memory_space<vmem>>, vector<1x16xf32>,
    %swap3A_290 = arith.constant 5 : i32
    %swap3A_291 = arith.index_cast %swap3A_290 : i32 to index
    %swap3A_292 = arith.constant 96 : index
    %swap3A_293 = tpu.vector_load %arg11[%swap3A_291, %swap3A_292] {strides = array<i32>} : memref<16x128xf32, #tpu.memory_space<vmem>>, vector<1x16xf32>,
    %swap3A_294 = vector.shape_cast %swap3A_293 : vector<1x16xf32> to vector<16xf32>
    %swap3A_295 = vector.shape_cast %broadcast_in_dim3A_14 : vector<16xf32> to vector<1x16xf32>
    tpu.vector_store %arg11[%swap3A_291, %swap3A_292], %swap3A_295 {strides = array<i32>} : memref<16x128xf32, #tpu.memory_space<vmem>>, vector<1x16xf32>,
    %swap3A_296 = arith.constant 5 : i32
    %swap3A_297 = arith.index_cast %swap3A_296 : i32 to index
    %swap3A_298 = arith.constant 112 : index
    %swap3A_299 = tpu.vector_load %arg11[%swap3A_297, %swap3A_298] {strides = array<i32>} : memref<16x128xf32, #tpu.memory_space<vmem>>, vector<1x16xf32>,
    %swap3A_300 = vector.shape_cast %swap3A_299 : vector<1x16xf32> to vector<16xf32>
    %swap3A_301 = vector.shape_cast %broadcast_in_dim3A_14 : vector<16xf32> to vector<1x16xf32>
    tpu.vector_store %arg11[%swap3A_297, %swap3A_298], %swap3A_301 {strides = array<i32>} : memref<16x128xf32, #tpu.memory_space<vmem>>, vector<1x16xf32>,
    %swap3A_302 = arith.constant 6 : i32
    %swap3A_303 = arith.index_cast %swap3A_302 : i32 to index
    %swap3A_304 = arith.constant 0 : index
    %swap3A_305 = tpu.vector_load %arg11[%swap3A_303, %swap3A_304] {strides = array<i32>} : memref<16x128xf32, #tpu.memory_space<vmem>>, vector<1x16xf32>,
    %swap3A_306 = vector.shape_cast %swap3A_305 : vector<1x16xf32> to vector<16xf32>
    %swap3A_307 = vector.shape_cast %broadcast_in_dim3A_14 : vector<16xf32> to vector<1x16xf32>
    tpu.vector_store %arg11[%swap3A_303, %swap3A_304], %swap3A_307 {strides = array<i32>} : memref<16x128xf32, #tpu.memory_space<vmem>>, vector<1x16xf32>,
    %swap3A_308 = arith.constant 6 : i32
    %swap3A_309 = arith.index_cast %swap3A_308 : i32 to index
    %swap3A_310 = arith.constant 16 : index
    %swap3A_311 = tpu.vector_load %arg11[%swap3A_309, %swap3A_310] {strides = array<i32>} : memref<16x128xf32, #tpu.memory_space<vmem>>, vector<1x16xf32>,
    %swap3A_312 = vector.shape_cast %swap3A_311 : vector<1x16xf32> to vector<16xf32>
    %swap3A_313 = vector.shape_cast %broadcast_in_dim3A_14 : vector<16xf32> to vector<1x16xf32>
    tpu.vector_store %arg11[%swap3A_309, %swap3A_310], %swap3A_313 {strides = array<i32>} : memref<16x128xf32, #tpu.memory_space<vmem>>, vector<1x16xf32>,
    %swap3A_314 = arith.constant 6 : i32
    %swap3A_315 = arith.index_cast %swap3A_314 : i32 to index
    %swap3A_316 = arith.constant 32 : index
    %swap3A_317 = tpu.vector_load %arg11[%swap3A_315, %swap3A_316] {strides = array<i32>} : memref<16x128xf32, #tpu.memory_space<vmem>>, vector<1x16xf32>,
    %swap3A_318 = vector.shape_cast %swap3A_317 : vector<1x16xf32> to vector<16xf32>
    %swap3A_319 = vector.shape_cast %broadcast_in_dim3A_14 : vector<16xf32> to vector<1x16xf32>
    tpu.vector_store %arg11[%swap3A_315, %swap3A_316], %swap3A_319 {strides = array<i32>} : memref<16x128xf32, #tpu.memory_space<vmem>>, vector<1x16xf32>,
    %swap3A_320 = arith.constant 6 : i32
    %swap3A_321 = arith.index_cast %swap3A_320 : i32 to index
    %swap3A_322 = arith.constant 48 : index
    %swap3A_323 = tpu.vector_load %arg11[%swap3A_321, %swap3A_322] {strides = array<i32>} : memref<16x128xf32, #tpu.memory_space<vmem>>, vector<1x16xf32>,
    %swap3A_324 = vector.shape_cast %swap3A_323 : vector<1x16xf32> to vector<16xf32>
    %swap3A_325 = vector.shape_cast %broadcast_in_dim3A_14 : vector<16xf32> to vector<1x16xf32>
    tpu.vector_store %arg11[%swap3A_321, %swap3A_322], %swap3A_325 {strides = array<i32>} : memref<16x128xf32, #tpu.memory_space<vmem>>, vector<1x16xf32>,
    %swap3A_326 = arith.constant 6 : i32
    %swap3A_327 = arith.index_cast %swap3A_326 : i32 to index
    %swap3A_328 = arith.constant 64 : index
    %swap3A_329 = tpu.vector_load %arg11[%swap3A_327, %swap3A_328] {strides = array<i32>} : memref<16x128xf32, #tpu.memory_space<vmem>>, vector<1x16xf32>,
    %swap3A_330 = vector.shape_cast %swap3A_329 : vector<1x16xf32> to vector<16xf32>
    %swap3A_331 = vector.shape_cast %broadcast_in_dim3A_14 : vector<16xf32> to vector<1x16xf32>
    tpu.vector_store %arg11[%swap3A_327, %swap3A_328], %swap3A_331 {strides = array<i32>} : memref<16x128xf32, #tpu.memory_space<vmem>>, vector<1x16xf32>,
    %swap3A_332 = arith.constant 6 : i32
    %swap3A_333 = arith.index_cast %swap3A_332 : i32 to index
    %swap3A_334 = arith.constant 80 : index
    %swap3A_335 = tpu.vector_load %arg11[%swap3A_333, %swap3A_334] {strides = array<i32>} : memref<16x128xf32, #tpu.memory_space<vmem>>, vector<1x16xf32>,
    %swap3A_336 = vector.shape_cast %swap3A_335 : vector<1x16xf32> to vector<16xf32>
    %swap3A_337 = vector.shape_cast %broadcast_in_dim3A_14 : vector<16xf32> to vector<1x16xf32>
    tpu.vector_store %arg11[%swap3A_333, %swap3A_334], %swap3A_337 {strides = array<i32>} : memref<16x128xf32, #tpu.memory_space<vmem>>, vector<1x16xf32>,
    %swap3A_338 = arith.constant 6 : i32
    %swap3A_339 = arith.index_cast %swap3A_338 : i32 to index
    %swap3A_340 = arith.constant 96 : index
    %swap3A_341 = tpu.vector_load %arg11[%swap3A_339, %swap3A_340] {strides = array<i32>} : memref<16x128xf32, #tpu.memory_space<vmem>>, vector<1x16xf32>,
    %swap3A_342 = vector.shape_cast %swap3A_341 : vector<1x16xf32> to vector<16xf32>
    %swap3A_343 = vector.shape_cast %broadcast_in_dim3A_14 : vector<16xf32> to vector<1x16xf32>
    tpu.vector_store %arg11[%swap3A_339, %swap3A_340], %swap3A_343 {strides = array<i32>} : memref<16x128xf32, #tpu.memory_space<vmem>>, vector<1x16xf32>,
    %swap3A_344 = arith.constant 6 : i32
    %swap3A_345 = arith.index_cast %swap3A_344 : i32 to index
    %swap3A_346 = arith.constant 112 : index
    %swap3A_347 = tpu.vector_load %arg11[%swap3A_345, %swap3A_346] {strides = array<i32>} : memref<16x128xf32, #tpu.memory_space<vmem>>, vector<1x16xf32>,
    %swap3A_348 = vector.shape_cast %swap3A_347 : vector<1x16xf32> to vector<16xf32>
    %swap3A_349 = vector.shape_cast %broadcast_in_dim3A_14 : vector<16xf32> to vector<1x16xf32>
    tpu.vector_store %arg11[%swap3A_345, %swap3A_346], %swap3A_349 {strides = array<i32>} : memref<16x128xf32, #tpu.memory_space<vmem>>, vector<1x16xf32>,
    %swap3A_350 = arith.constant 7 : i32
    %swap3A_351 = arith.index_cast %swap3A_350 : i32 to index
    %swap3A_352 = arith.constant 0 : index
    %swap3A_353 = tpu.vector_load %arg11[%swap3A_351, %swap3A_352] {strides = array<i32>} : memref<16x128xf32, #tpu.memory_space<vmem>>, vector<1x16xf32>,
    %swap3A_354 = vector.shape_cast %swap3A_353 : vector<1x16xf32> to vector<16xf32>
    %swap3A_355 = vector.shape_cast %broadcast_in_dim3A_14 : vector<16xf32> to vector<1x16xf32>
    tpu.vector_store %arg11[%swap3A_351, %swap3A_352], %swap3A_355 {strides = array<i32>} : memref<16x128xf32, #tpu.memory_space<vmem>>, vector<1x16xf32>,
    %swap3A_356 = arith.constant 7 : i32
    %swap3A_357 = arith.index_cast %swap3A_356 : i32 to index
    %swap3A_358 = arith.constant 16 : index
    %swap3A_359 = tpu.vector_load %arg11[%swap3A_357, %swap3A_358] {strides = array<i32>} : memref<16x128xf32, #tpu.memory_space<vmem>>, vector<1x16xf32>,
    %swap3A_360 = vector.shape_cast %swap3A_359 : vector<1x16xf32> to vector<16xf32>
    %swap3A_361 = vector.shape_cast %broadcast_in_dim3A_14 : vector<16xf32> to vector<1x16xf32>
    tpu.vector_store %arg11[%swap3A_357, %swap3A_358], %swap3A_361 {strides = array<i32>} : memref<16x128xf32, #tpu.memory_space<vmem>>, vector<1x16xf32>,
    %swap3A_362 = arith.constant 7 : i32
    %swap3A_363 = arith.index_cast %swap3A_362 : i32 to index
    %swap3A_364 = arith.constant 32 : index
    %swap3A_365 = tpu.vector_load %arg11[%swap3A_363, %swap3A_364] {strides = array<i32>} : memref<16x128xf32, #tpu.memory_space<vmem>>, vector<1x16xf32>,
    %swap3A_366 = vector.shape_cast %swap3A_365 : vector<1x16xf32> to vector<16xf32>
    %swap3A_367 = vector.shape_cast %broadcast_in_dim3A_14 : vector<16xf32> to vector<1x16xf32>
    tpu.vector_store %arg11[%swap3A_363, %swap3A_364], %swap3A_367 {strides = array<i32>} : memref<16x128xf32, #tpu.memory_space<vmem>>, vector<1x16xf32>,
    %swap3A_368 = arith.constant 7 : i32
    %swap3A_369 = arith.index_cast %swap3A_368 : i32 to index
    %swap3A_370 = arith.constant 48 : index
    %swap3A_371 = tpu.vector_load %arg11[%swap3A_369, %swap3A_370] {strides = array<i32>} : memref<16x128xf32, #tpu.memory_space<vmem>>, vector<1x16xf32>,
    %swap3A_372 = vector.shape_cast %swap3A_371 : vector<1x16xf32> to vector<16xf32>
    %swap3A_373 = vector.shape_cast %broadcast_in_dim3A_14 : vector<16xf32> to vector<1x16xf32>
    tpu.vector_store %arg11[%swap3A_369, %swap3A_370], %swap3A_373 {strides = array<i32>} : memref<16x128xf32, #tpu.memory_space<vmem>>, vector<1x16xf32>,
    %swap3A_374 = arith.constant 7 : i32
    %swap3A_375 = arith.index_cast %swap3A_374 : i32 to index
    %swap3A_376 = arith.constant 64 : index
    %swap3A_377 = tpu.vector_load %arg11[%swap3A_375, %swap3A_376] {strides = array<i32>} : memref<16x128xf32, #tpu.memory_space<vmem>>, vector<1x16xf32>,
    %swap3A_378 = vector.shape_cast %swap3A_377 : vector<1x16xf32> to vector<16xf32>
    %swap3A_379 = vector.shape_cast %broadcast_in_dim3A_14 : vector<16xf32> to vector<1x16xf32>
    tpu.vector_store %arg11[%swap3A_375, %swap3A_376], %swap3A_379 {strides = array<i32>} : memref<16x128xf32, #tpu.memory_space<vmem>>, vector<1x16xf32>,
    %swap3A_380 = arith.constant 7 : i32
    %swap3A_381 = arith.index_cast %swap3A_380 : i32 to index
    %swap3A_382 = arith.constant 80 : index
    %swap3A_383 = tpu.vector_load %arg11[%swap3A_381, %swap3A_382] {strides = array<i32>} : memref<16x128xf32, #tpu.memory_space<vmem>>, vector<1x16xf32>,
    %swap3A_384 = vector.shape_cast %swap3A_383 : vector<1x16xf32> to vector<16xf32>
    %swap3A_385 = vector.shape_cast %broadcast_in_dim3A_14 : vector<16xf32> to vector<1x16xf32>
    tpu.vector_store %arg11[%swap3A_381, %swap3A_382], %swap3A_385 {strides = array<i32>} : memref<16x128xf32, #tpu.memory_space<vmem>>, vector<1x16xf32>,
    %swap3A_386 = arith.constant 7 : i32
    %swap3A_387 = arith.index_cast %swap3A_386 : i32 to index
    %swap3A_388 = arith.constant 96 : index
    %swap3A_389 = tpu.vector_load %arg11[%swap3A_387, %swap3A_388] {strides = array<i32>} : memref<16x128xf32, #tpu.memory_space<vmem>>, vector<1x16xf32>,
    %swap3A_390 = vector.shape_cast %swap3A_389 : vector<1x16xf32> to vector<16xf32>
    %swap3A_391 = vector.shape_cast %broadcast_in_dim3A_14 : vector<16xf32> to vector<1x16xf32>
    tpu.vector_store %arg11[%swap3A_387, %swap3A_388], %swap3A_391 {strides = array<i32>} : memref<16x128xf32, #tpu.memory_space<vmem>>, vector<1x16xf32>,
    %swap3A_392 = arith.constant 7 : i32
    %swap3A_393 = arith.index_cast %swap3A_392 : i32 to index
    %swap3A_394 = arith.constant 112 : index
    %swap3A_395 = tpu.vector_load %arg11[%swap3A_393, %swap3A_394] {strides = array<i32>} : memref<16x128xf32, #tpu.memory_space<vmem>>, vector<1x16xf32>,
    %swap3A_396 = vector.shape_cast %swap3A_395 : vector<1x16xf32> to vector<16xf32>
    %swap3A_397 = vector.shape_cast %broadcast_in_dim3A_14 : vector<16xf32> to vector<1x16xf32>
    tpu.vector_store %arg11[%swap3A_393, %swap3A_394], %swap3A_397 {strides = array<i32>} : memref<16x128xf32, #tpu.memory_space<vmem>>, vector<1x16xf32>,
    %swap3A_398 = arith.constant 8 : i32
    %swap3A_399 = arith.index_cast %swap3A_398 : i32 to index
    %swap3A_400 = arith.constant 0 : index
    %swap3A_401 = tpu.vector_load %arg11[%swap3A_399, %swap3A_400] {strides = array<i32>} : memref<16x128xf32, #tpu.memory_space<vmem>>, vector<1x16xf32>,
    %swap3A_402 = vector.shape_cast %swap3A_401 : vector<1x16xf32> to vector<16xf32>
    %swap3A_403 = vector.shape_cast %broadcast_in_dim3A_14 : vector<16xf32> to vector<1x16xf32>
    tpu.vector_store %arg11[%swap3A_399, %swap3A_400], %swap3A_403 {strides = array<i32>} : memref<16x128xf32, #tpu.memory_space<vmem>>, vector<1x16xf32>,
    %swap3A_404 = arith.constant 8 : i32
    %swap3A_405 = arith.index_cast %swap3A_404 : i32 to index
    %swap3A_406 = arith.constant 16 : index
    %swap3A_407 = tpu.vector_load %arg11[%swap3A_405, %swap3A_406] {strides = array<i32>} : memref<16x128xf32, #tpu.memory_space<vmem>>, vector<1x16xf32>,
    %swap3A_408 = vector.shape_cast %swap3A_407 : vector<1x16xf32> to vector<16xf32>
    %swap3A_409 = vector.shape_cast %broadcast_in_dim3A_14 : vector<16xf32> to vector<1x16xf32>
    tpu.vector_store %arg11[%swap3A_405, %swap3A_406], %swap3A_409 {strides = array<i32>} : memref<16x128xf32, #tpu.memory_space<vmem>>, vector<1x16xf32>,
    %swap3A_410 = arith.constant 8 : i32
    %swap3A_411 = arith.index_cast %swap3A_410 : i32 to index
    %swap3A_412 = arith.constant 32 : index
    %swap3A_413 = tpu.vector_load %arg11[%swap3A_411, %swap3A_412] {strides = array<i32>} : memref<16x128xf32, #tpu.memory_space<vmem>>, vector<1x16xf32>,
    %swap3A_414 = vector.shape_cast %swap3A_413 : vector<1x16xf32> to vector<16xf32>
    %swap3A_415 = vector.shape_cast %broadcast_in_dim3A_14 : vector<16xf32> to vector<1x16xf32>
    tpu.vector_store %arg11[%swap3A_411, %swap3A_412], %swap3A_415 {strides = array<i32>} : memref<16x128xf32, #tpu.memory_space<vmem>>, vector<1x16xf32>,
    %swap3A_416 = arith.constant 8 : i32
    %swap3A_417 = arith.index_cast %swap3A_416 : i32 to index
    %swap3A_418 = arith.constant 48 : index
    %swap3A_419 = tpu.vector_load %arg11[%swap3A_417, %swap3A_418] {strides = array<i32>} : memref<16x128xf32, #tpu.memory_space<vmem>>, vector<1x16xf32>,
    %swap3A_420 = vector.shape_cast %swap3A_419 : vector<1x16xf32> to vector<16xf32>
    %swap3A_421 = vector.shape_cast %broadcast_in_dim3A_14 : vector<16xf32> to vector<1x16xf32>
    tpu.vector_store %arg11[%swap3A_417, %swap3A_418], %swap3A_421 {strides = array<i32>} : memref<16x128xf32, #tpu.memory_space<vmem>>, vector<1x16xf32>,
    %swap3A_422 = arith.constant 8 : i32
    %swap3A_423 = arith.index_cast %swap3A_422 : i32 to index
    %swap3A_424 = arith.constant 64 : index
    %swap3A_425 = tpu.vector_load %arg11[%swap3A_423, %swap3A_424] {strides = array<i32>} : memref<16x128xf32, #tpu.memory_space<vmem>>, vector<1x16xf32>,
    %swap3A_426 = vector.shape_cast %swap3A_425 : vector<1x16xf32> to vector<16xf32>
    %swap3A_427 = vector.shape_cast %broadcast_in_dim3A_14 : vector<16xf32> to vector<1x16xf32>
    tpu.vector_store %arg11[%swap3A_423, %swap3A_424], %swap3A_427 {strides = array<i32>} : memref<16x128xf32, #tpu.memory_space<vmem>>, vector<1x16xf32>,
    %swap3A_428 = arith.constant 8 : i32
    %swap3A_429 = arith.index_cast %swap3A_428 : i32 to index
    %swap3A_430 = arith.constant 80 : index
    %swap3A_431 = tpu.vector_load %arg11[%swap3A_429, %swap3A_430] {strides = array<i32>} : memref<16x128xf32, #tpu.memory_space<vmem>>, vector<1x16xf32>,
    %swap3A_432 = vector.shape_cast %swap3A_431 : vector<1x16xf32> to vector<16xf32>
    %swap3A_433 = vector.shape_cast %broadcast_in_dim3A_14 : vector<16xf32> to vector<1x16xf32>
    tpu.vector_store %arg11[%swap3A_429, %swap3A_430], %swap3A_433 {strides = array<i32>} : memref<16x128xf32, #tpu.memory_space<vmem>>, vector<1x16xf32>,
    %swap3A_434 = arith.constant 8 : i32
    %swap3A_435 = arith.index_cast %swap3A_434 : i32 to index
    %swap3A_436 = arith.constant 96 : index
    %swap3A_437 = tpu.vector_load %arg11[%swap3A_435, %swap3A_436] {strides = array<i32>} : memref<16x128xf32, #tpu.memory_space<vmem>>, vector<1x16xf32>,
    %swap3A_438 = vector.shape_cast %swap3A_437 : vector<1x16xf32> to vector<16xf32>
    %swap3A_439 = vector.shape_cast %broadcast_in_dim3A_14 : vector<16xf32> to vector<1x16xf32>
    tpu.vector_store %arg11[%swap3A_435, %swap3A_436], %swap3A_439 {strides = array<i32>} : memref<16x128xf32, #tpu.memory_space<vmem>>, vector<1x16xf32>,
    %swap3A_440 = arith.constant 8 : i32
    %swap3A_441 = arith.index_cast %swap3A_440 : i32 to index
    %swap3A_442 = arith.constant 112 : index
    %swap3A_443 = tpu.vector_load %arg11[%swap3A_441, %swap3A_442] {strides = array<i32>} : memref<16x128xf32, #tpu.memory_space<vmem>>, vector<1x16xf32>,
    %swap3A_444 = vector.shape_cast %swap3A_443 : vector<1x16xf32> to vector<16xf32>
    %swap3A_445 = vector.shape_cast %broadcast_in_dim3A_14 : vector<16xf32> to vector<1x16xf32>
    tpu.vector_store %arg11[%swap3A_441, %swap3A_442], %swap3A_445 {strides = array<i32>} : memref<16x128xf32, #tpu.memory_space<vmem>>, vector<1x16xf32>,
    %swap3A_446 = arith.constant 9 : i32
    %swap3A_447 = arith.index_cast %swap3A_446 : i32 to index
    %swap3A_448 = arith.constant 0 : index
    %swap3A_449 = tpu.vector_load %arg11[%swap3A_447, %swap3A_448] {strides = array<i32>} : memref<16x128xf32, #tpu.memory_space<vmem>>, vector<1x16xf32>,
    %swap3A_450 = vector.shape_cast %swap3A_449 : vector<1x16xf32> to vector<16xf32>
    %swap3A_451 = vector.shape_cast %broadcast_in_dim3A_14 : vector<16xf32> to vector<1x16xf32>
    tpu.vector_store %arg11[%swap3A_447, %swap3A_448], %swap3A_451 {strides = array<i32>} : memref<16x128xf32, #tpu.memory_space<vmem>>, vector<1x16xf32>,
    %swap3A_452 = arith.constant 9 : i32
    %swap3A_453 = arith.index_cast %swap3A_452 : i32 to index
    %swap3A_454 = arith.constant 16 : index
    %swap3A_455 = tpu.vector_load %arg11[%swap3A_453, %swap3A_454] {strides = array<i32>} : memref<16x128xf32, #tpu.memory_space<vmem>>, vector<1x16xf32>,
    %swap3A_456 = vector.shape_cast %swap3A_455 : vector<1x16xf32> to vector<16xf32>
    %swap3A_457 = vector.shape_cast %broadcast_in_dim3A_14 : vector<16xf32> to vector<1x16xf32>
    tpu.vector_store %arg11[%swap3A_453, %swap3A_454], %swap3A_457 {strides = array<i32>} : memref<16x128xf32, #tpu.memory_space<vmem>>, vector<1x16xf32>,
    %swap3A_458 = arith.constant 9 : i32
    %swap3A_459 = arith.index_cast %swap3A_458 : i32 to index
    %swap3A_460 = arith.constant 32 : index
    %swap3A_461 = tpu.vector_load %arg11[%swap3A_459, %swap3A_460] {strides = array<i32>} : memref<16x128xf32, #tpu.memory_space<vmem>>, vector<1x16xf32>,
    %swap3A_462 = vector.shape_cast %swap3A_461 : vector<1x16xf32> to vector<16xf32>
    %swap3A_463 = vector.shape_cast %broadcast_in_dim3A_14 : vector<16xf32> to vector<1x16xf32>
    tpu.vector_store %arg11[%swap3A_459, %swap3A_460], %swap3A_463 {strides = array<i32>} : memref<16x128xf32, #tpu.memory_space<vmem>>, vector<1x16xf32>,
    %swap3A_464 = arith.constant 9 : i32
    %swap3A_465 = arith.index_cast %swap3A_464 : i32 to index
    %swap3A_466 = arith.constant 48 : index
    %swap3A_467 = tpu.vector_load %arg11[%swap3A_465, %swap3A_466] {strides = array<i32>} : memref<16x128xf32, #tpu.memory_space<vmem>>, vector<1x16xf32>,
    %swap3A_468 = vector.shape_cast %swap3A_467 : vector<1x16xf32> to vector<16xf32>
    %swap3A_469 = vector.shape_cast %broadcast_in_dim3A_14 : vector<16xf32> to vector<1x16xf32>
    tpu.vector_store %arg11[%swap3A_465, %swap3A_466], %swap3A_469 {strides = array<i32>} : memref<16x128xf32, #tpu.memory_space<vmem>>, vector<1x16xf32>,
    %swap3A_470 = arith.constant 9 : i32
    %swap3A_471 = arith.index_cast %swap3A_470 : i32 to index
    %swap3A_472 = arith.constant 64 : index
    %swap3A_473 = tpu.vector_load %arg11[%swap3A_471, %swap3A_472] {strides = array<i32>} : memref<16x128xf32, #tpu.memory_space<vmem>>, vector<1x16xf32>,
    %swap3A_474 = vector.shape_cast %swap3A_473 : vector<1x16xf32> to vector<16xf32>
    %swap3A_475 = vector.shape_cast %broadcast_in_dim3A_14 : vector<16xf32> to vector<1x16xf32>
    tpu.vector_store %arg11[%swap3A_471, %swap3A_472], %swap3A_475 {strides = array<i32>} : memref<16x128xf32, #tpu.memory_space<vmem>>, vector<1x16xf32>,
    %swap3A_476 = arith.constant 9 : i32
    %swap3A_477 = arith.index_cast %swap3A_476 : i32 to index
    %swap3A_478 = arith.constant 80 : index
    %swap3A_479 = tpu.vector_load %arg11[%swap3A_477, %swap3A_478] {strides = array<i32>} : memref<16x128xf32, #tpu.memory_space<vmem>>, vector<1x16xf32>,
    %swap3A_480 = vector.shape_cast %swap3A_479 : vector<1x16xf32> to vector<16xf32>
    %swap3A_481 = vector.shape_cast %broadcast_in_dim3A_14 : vector<16xf32> to vector<1x16xf32>
    tpu.vector_store %arg11[%swap3A_477, %swap3A_478], %swap3A_481 {strides = array<i32>} : memref<16x128xf32, #tpu.memory_space<vmem>>, vector<1x16xf32>,
    %swap3A_482 = arith.constant 9 : i32
    %swap3A_483 = arith.index_cast %swap3A_482 : i32 to index
    %swap3A_484 = arith.constant 96 : index
    %swap3A_485 = tpu.vector_load %arg11[%swap3A_483, %swap3A_484] {strides = array<i32>} : memref<16x128xf32, #tpu.memory_space<vmem>>, vector<1x16xf32>,
    %swap3A_486 = vector.shape_cast %swap3A_485 : vector<1x16xf32> to vector<16xf32>
    %swap3A_487 = vector.shape_cast %broadcast_in_dim3A_14 : vector<16xf32> to vector<1x16xf32>
    tpu.vector_store %arg11[%swap3A_483, %swap3A_484], %swap3A_487 {strides = array<i32>} : memref<16x128xf32, #tpu.memory_space<vmem>>, vector<1x16xf32>,
    %swap3A_488 = arith.constant 9 : i32
    %swap3A_489 = arith.index_cast %swap3A_488 : i32 to index
    %swap3A_490 = arith.constant 112 : index
    %swap3A_491 = tpu.vector_load %arg11[%swap3A_489, %swap3A_490] {strides = array<i32>} : memref<16x128xf32, #tpu.memory_space<vmem>>, vector<1x16xf32>,
    %swap3A_492 = vector.shape_cast %swap3A_491 : vector<1x16xf32> to vector<16xf32>
    %swap3A_493 = vector.shape_cast %broadcast_in_dim3A_14 : vector<16xf32> to vector<1x16xf32>
    tpu.vector_store %arg11[%swap3A_489, %swap3A_490], %swap3A_493 {strides = array<i32>} : memref<16x128xf32, #tpu.memory_space<vmem>>, vector<1x16xf32>,
    %swap3A_494 = arith.constant 10 : i32
    %swap3A_495 = arith.index_cast %swap3A_494 : i32 to index
    %swap3A_496 = arith.constant 0 : index
    %swap3A_497 = tpu.vector_load %arg11[%swap3A_495, %swap3A_496] {strides = array<i32>} : memref<16x128xf32, #tpu.memory_space<vmem>>, vector<1x16xf32>,
    %swap3A_498 = vector.shape_cast %swap3A_497 : vector<1x16xf32> to vector<16xf32>
    %swap3A_499 = vector.shape_cast %broadcast_in_dim3A_14 : vector<16xf32> to vector<1x16xf32>
    tpu.vector_store %arg11[%swap3A_495, %swap3A_496], %swap3A_499 {strides = array<i32>} : memref<16x128xf32, #tpu.memory_space<vmem>>, vector<1x16xf32>,
    %swap3A_500 = arith.constant 10 : i32
    %swap3A_501 = arith.index_cast %swap3A_500 : i32 to index
    %swap3A_502 = arith.constant 16 : index
    %swap3A_503 = tpu.vector_load %arg11[%swap3A_501, %swap3A_502] {strides = array<i32>} : memref<16x128xf32, #tpu.memory_space<vmem>>, vector<1x16xf32>,
    %swap3A_504 = vector.shape_cast %swap3A_503 : vector<1x16xf32> to vector<16xf32>
    %swap3A_505 = vector.shape_cast %broadcast_in_dim3A_14 : vector<16xf32> to vector<1x16xf32>
    tpu.vector_store %arg11[%swap3A_501, %swap3A_502], %swap3A_505 {strides = array<i32>} : memref<16x128xf32, #tpu.memory_space<vmem>>, vector<1x16xf32>,
    %swap3A_506 = arith.constant 10 : i32
    %swap3A_507 = arith.index_cast %swap3A_506 : i32 to index
    %swap3A_508 = arith.constant 32 : index
    %swap3A_509 = tpu.vector_load %arg11[%swap3A_507, %swap3A_508] {strides = array<i32>} : memref<16x128xf32, #tpu.memory_space<vmem>>, vector<1x16xf32>,
    %swap3A_510 = vector.shape_cast %swap3A_509 : vector<1x16xf32> to vector<16xf32>
    %swap3A_511 = vector.shape_cast %broadcast_in_dim3A_14 : vector<16xf32> to vector<1x16xf32>
    tpu.vector_store %arg11[%swap3A_507, %swap3A_508], %swap3A_511 {strides = array<i32>} : memref<16x128xf32, #tpu.memory_space<vmem>>, vector<1x16xf32>,
    %swap3A_512 = arith.constant 10 : i32
    %swap3A_513 = arith.index_cast %swap3A_512 : i32 to index
    %swap3A_514 = arith.constant 48 : index
    %swap3A_515 = tpu.vector_load %arg11[%swap3A_513, %swap3A_514] {strides = array<i32>} : memref<16x128xf32, #tpu.memory_space<vmem>>, vector<1x16xf32>,
    %swap3A_516 = vector.shape_cast %swap3A_515 : vector<1x16xf32> to vector<16xf32>
    %swap3A_517 = vector.shape_cast %broadcast_in_dim3A_14 : vector<16xf32> to vector<1x16xf32>
    tpu.vector_store %arg11[%swap3A_513, %swap3A_514], %swap3A_517 {strides = array<i32>} : memref<16x128xf32, #tpu.memory_space<vmem>>, vector<1x16xf32>,
    %swap3A_518 = arith.constant 10 : i32
    %swap3A_519 = arith.index_cast %swap3A_518 : i32 to index
    %swap3A_520 = arith.constant 64 : index
    %swap3A_521 = tpu.vector_load %arg11[%swap3A_519, %swap3A_520] {strides = array<i32>} : memref<16x128xf32, #tpu.memory_space<vmem>>, vector<1x16xf32>,
    %swap3A_522 = vector.shape_cast %swap3A_521 : vector<1x16xf32> to vector<16xf32>
    %swap3A_523 = vector.shape_cast %broadcast_in_dim3A_14 : vector<16xf32> to vector<1x16xf32>
    tpu.vector_store %arg11[%swap3A_519, %swap3A_520], %swap3A_523 {strides = array<i32>} : memref<16x128xf32, #tpu.memory_space<vmem>>, vector<1x16xf32>,
    %swap3A_524 = arith.constant 10 : i32
    %swap3A_525 = arith.index_cast %swap3A_524 : i32 to index
    %swap3A_526 = arith.constant 80 : index
    %swap3A_527 = tpu.vector_load %arg11[%swap3A_525, %swap3A_526] {strides = array<i32>} : memref<16x128xf32, #tpu.memory_space<vmem>>, vector<1x16xf32>,
    %swap3A_528 = vector.shape_cast %swap3A_527 : vector<1x16xf32> to vector<16xf32>
    %swap3A_529 = vector.shape_cast %broadcast_in_dim3A_14 : vector<16xf32> to vector<1x16xf32>
    tpu.vector_store %arg11[%swap3A_525, %swap3A_526], %swap3A_529 {strides = array<i32>} : memref<16x128xf32, #tpu.memory_space<vmem>>, vector<1x16xf32>,
    %swap3A_530 = arith.constant 10 : i32
    %swap3A_531 = arith.index_cast %swap3A_530 : i32 to index
    %swap3A_532 = arith.constant 96 : index
    %swap3A_533 = tpu.vector_load %arg11[%swap3A_531, %swap3A_532] {strides = array<i32>} : memref<16x128xf32, #tpu.memory_space<vmem>>, vector<1x16xf32>,
    %swap3A_534 = vector.shape_cast %swap3A_533 : vector<1x16xf32> to vector<16xf32>
    %swap3A_535 = vector.shape_cast %broadcast_in_dim3A_14 : vector<16xf32> to vector<1x16xf32>
    tpu.vector_store %arg11[%swap3A_531, %swap3A_532], %swap3A_535 {strides = array<i32>} : memref<16x128xf32, #tpu.memory_space<vmem>>, vector<1x16xf32>,
    %swap3A_536 = arith.constant 10 : i32
    %swap3A_537 = arith.index_cast %swap3A_536 : i32 to index
    %swap3A_538 = arith.constant 112 : index
    %swap3A_539 = tpu.vector_load %arg11[%swap3A_537, %swap3A_538] {strides = array<i32>} : memref<16x128xf32, #tpu.memory_space<vmem>>, vector<1x16xf32>,
    %swap3A_540 = vector.shape_cast %swap3A_539 : vector<1x16xf32> to vector<16xf32>
    %swap3A_541 = vector.shape_cast %broadcast_in_dim3A_14 : vector<16xf32> to vector<1x16xf32>
    tpu.vector_store %arg11[%swap3A_537, %swap3A_538], %swap3A_541 {strides = array<i32>} : memref<16x128xf32, #tpu.memory_space<vmem>>, vector<1x16xf32>,
    %swap3A_542 = arith.constant 11 : i32
    %swap3A_543 = arith.index_cast %swap3A_542 : i32 to index
    %swap3A_544 = arith.constant 0 : index
    %swap3A_545 = tpu.vector_load %arg11[%swap3A_543, %swap3A_544] {strides = array<i32>} : memref<16x128xf32, #tpu.memory_space<vmem>>, vector<1x16xf32>,
    %swap3A_546 = vector.shape_cast %swap3A_545 : vector<1x16xf32> to vector<16xf32>
    %swap3A_547 = vector.shape_cast %broadcast_in_dim3A_14 : vector<16xf32> to vector<1x16xf32>
    tpu.vector_store %arg11[%swap3A_543, %swap3A_544], %swap3A_547 {strides = array<i32>} : memref<16x128xf32, #tpu.memory_space<vmem>>, vector<1x16xf32>,
    %swap3A_548 = arith.constant 11 : i32
    %swap3A_549 = arith.index_cast %swap3A_548 : i32 to index
    %swap3A_550 = arith.constant 16 : index
    %swap3A_551 = tpu.vector_load %arg11[%swap3A_549, %swap3A_550] {strides = array<i32>} : memref<16x128xf32, #tpu.memory_space<vmem>>, vector<1x16xf32>,
    %swap3A_552 = vector.shape_cast %swap3A_551 : vector<1x16xf32> to vector<16xf32>
    %swap3A_553 = vector.shape_cast %broadcast_in_dim3A_14 : vector<16xf32> to vector<1x16xf32>
    tpu.vector_store %arg11[%swap3A_549, %swap3A_550], %swap3A_553 {strides = array<i32>} : memref<16x128xf32, #tpu.memory_space<vmem>>, vector<1x16xf32>,
    %swap3A_554 = arith.constant 11 : i32
    %swap3A_555 = arith.index_cast %swap3A_554 : i32 to index
    %swap3A_556 = arith.constant 32 : index
    %swap3A_557 = tpu.vector_load %arg11[%swap3A_555, %swap3A_556] {strides = array<i32>} : memref<16x128xf32, #tpu.memory_space<vmem>>, vector<1x16xf32>,
    %swap3A_558 = vector.shape_cast %swap3A_557 : vector<1x16xf32> to vector<16xf32>
    %swap3A_559 = vector.shape_cast %broadcast_in_dim3A_14 : vector<16xf32> to vector<1x16xf32>
    tpu.vector_store %arg11[%swap3A_555, %swap3A_556], %swap3A_559 {strides = array<i32>} : memref<16x128xf32, #tpu.memory_space<vmem>>, vector<1x16xf32>,
    %swap3A_560 = arith.constant 11 : i32
    %swap3A_561 = arith.index_cast %swap3A_560 : i32 to index
    %swap3A_562 = arith.constant 48 : index
    %swap3A_563 = tpu.vector_load %arg11[%swap3A_561, %swap3A_562] {strides = array<i32>} : memref<16x128xf32, #tpu.memory_space<vmem>>, vector<1x16xf32>,
    %swap3A_564 = vector.shape_cast %swap3A_563 : vector<1x16xf32> to vector<16xf32>
    %swap3A_565 = vector.shape_cast %broadcast_in_dim3A_14 : vector<16xf32> to vector<1x16xf32>
    tpu.vector_store %arg11[%swap3A_561, %swap3A_562], %swap3A_565 {strides = array<i32>} : memref<16x128xf32, #tpu.memory_space<vmem>>, vector<1x16xf32>,
    %swap3A_566 = arith.constant 11 : i32
    %swap3A_567 = arith.index_cast %swap3A_566 : i32 to index
    %swap3A_568 = arith.constant 64 : index
    %swap3A_569 = tpu.vector_load %arg11[%swap3A_567, %swap3A_568] {strides = array<i32>} : memref<16x128xf32, #tpu.memory_space<vmem>>, vector<1x16xf32>,
    %swap3A_570 = vector.shape_cast %swap3A_569 : vector<1x16xf32> to vector<16xf32>
    %swap3A_571 = vector.shape_cast %broadcast_in_dim3A_14 : vector<16xf32> to vector<1x16xf32>
    tpu.vector_store %arg11[%swap3A_567, %swap3A_568], %swap3A_571 {strides = array<i32>} : memref<16x128xf32, #tpu.memory_space<vmem>>, vector<1x16xf32>,
    %swap3A_572 = arith.constant 11 : i32
    %swap3A_573 = arith.index_cast %swap3A_572 : i32 to index
    %swap3A_574 = arith.constant 80 : index
    %swap3A_575 = tpu.vector_load %arg11[%swap3A_573, %swap3A_574] {strides = array<i32>} : memref<16x128xf32, #tpu.memory_space<vmem>>, vector<1x16xf32>,
    %swap3A_576 = vector.shape_cast %swap3A_575 : vector<1x16xf32> to vector<16xf32>
    %swap3A_577 = vector.shape_cast %broadcast_in_dim3A_14 : vector<16xf32> to vector<1x16xf32>
    tpu.vector_store %arg11[%swap3A_573, %swap3A_574], %swap3A_577 {strides = array<i32>} : memref<16x128xf32, #tpu.memory_space<vmem>>, vector<1x16xf32>,
    %swap3A_578 = arith.constant 11 : i32
    %swap3A_579 = arith.index_cast %swap3A_578 : i32 to index
    %swap3A_580 = arith.constant 96 : index
    %swap3A_581 = tpu.vector_load %arg11[%swap3A_579, %swap3A_580] {strides = array<i32>} : memref<16x128xf32, #tpu.memory_space<vmem>>, vector<1x16xf32>,
    %swap3A_582 = vector.shape_cast %swap3A_581 : vector<1x16xf32> to vector<16xf32>
    %swap3A_583 = vector.shape_cast %broadcast_in_dim3A_14 : vector<16xf32> to vector<1x16xf32>
    tpu.vector_store %arg11[%swap3A_579, %swap3A_580], %swap3A_583 {strides = array<i32>} : memref<16x128xf32, #tpu.memory_space<vmem>>, vector<1x16xf32>,
    %swap3A_584 = arith.constant 11 : i32
    %swap3A_585 = arith.index_cast %swap3A_584 : i32 to index
    %swap3A_586 = arith.constant 112 : index
    %swap3A_587 = tpu.vector_load %arg11[%swap3A_585, %swap3A_586] {strides = array<i32>} : memref<16x128xf32, #tpu.memory_space<vmem>>, vector<1x16xf32>,
    %swap3A_588 = vector.shape_cast %swap3A_587 : vector<1x16xf32> to vector<16xf32>
    %swap3A_589 = vector.shape_cast %broadcast_in_dim3A_14 : vector<16xf32> to vector<1x16xf32>
    tpu.vector_store %arg11[%swap3A_585, %swap3A_586], %swap3A_589 {strides = array<i32>} : memref<16x128xf32, #tpu.memory_space<vmem>>, vector<1x16xf32>,
    %swap3A_590 = arith.constant 12 : i32
    %swap3A_591 = arith.index_cast %swap3A_590 : i32 to index
    %swap3A_592 = arith.constant 0 : index
    %swap3A_593 = tpu.vector_load %arg11[%swap3A_591, %swap3A_592] {strides = array<i32>} : memref<16x128xf32, #tpu.memory_space<vmem>>, vector<1x16xf32>,
    %swap3A_594 = vector.shape_cast %swap3A_593 : vector<1x16xf32> to vector<16xf32>
    %swap3A_595 = vector.shape_cast %broadcast_in_dim3A_14 : vector<16xf32> to vector<1x16xf32>
    tpu.vector_store %arg11[%swap3A_591, %swap3A_592], %swap3A_595 {strides = array<i32>} : memref<16x128xf32, #tpu.memory_space<vmem>>, vector<1x16xf32>,
    %swap3A_596 = arith.constant 12 : i32
    %swap3A_597 = arith.index_cast %swap3A_596 : i32 to index
    %swap3A_598 = arith.constant 16 : index
    %swap3A_599 = tpu.vector_load %arg11[%swap3A_597, %swap3A_598] {strides = array<i32>} : memref<16x128xf32, #tpu.memory_space<vmem>>, vector<1x16xf32>,
    %swap3A_600 = vector.shape_cast %swap3A_599 : vector<1x16xf32> to vector<16xf32>
    %swap3A_601 = vector.shape_cast %broadcast_in_dim3A_14 : vector<16xf32> to vector<1x16xf32>
    tpu.vector_store %arg11[%swap3A_597, %swap3A_598], %swap3A_601 {strides = array<i32>} : memref<16x128xf32, #tpu.memory_space<vmem>>, vector<1x16xf32>,
    %swap3A_602 = arith.constant 12 : i32
    %swap3A_603 = arith.index_cast %swap3A_602 : i32 to index
    %swap3A_604 = arith.constant 32 : index
    %swap3A_605 = tpu.vector_load %arg11[%swap3A_603, %swap3A_604] {strides = array<i32>} : memref<16x128xf32, #tpu.memory_space<vmem>>, vector<1x16xf32>,
    %swap3A_606 = vector.shape_cast %swap3A_605 : vector<1x16xf32> to vector<16xf32>
    %swap3A_607 = vector.shape_cast %broadcast_in_dim3A_14 : vector<16xf32> to vector<1x16xf32>
    tpu.vector_store %arg11[%swap3A_603, %swap3A_604], %swap3A_607 {strides = array<i32>} : memref<16x128xf32, #tpu.memory_space<vmem>>, vector<1x16xf32>,
    %swap3A_608 = arith.constant 12 : i32
    %swap3A_609 = arith.index_cast %swap3A_608 : i32 to index
    %swap3A_610 = arith.constant 48 : index
    %swap3A_611 = tpu.vector_load %arg11[%swap3A_609, %swap3A_610] {strides = array<i32>} : memref<16x128xf32, #tpu.memory_space<vmem>>, vector<1x16xf32>,
    %swap3A_612 = vector.shape_cast %swap3A_611 : vector<1x16xf32> to vector<16xf32>
    %swap3A_613 = vector.shape_cast %broadcast_in_dim3A_14 : vector<16xf32> to vector<1x16xf32>
    tpu.vector_store %arg11[%swap3A_609, %swap3A_610], %swap3A_613 {strides = array<i32>} : memref<16x128xf32, #tpu.memory_space<vmem>>, vector<1x16xf32>,
    %swap3A_614 = arith.constant 12 : i32
    %swap3A_615 = arith.index_cast %swap3A_614 : i32 to index
    %swap3A_616 = arith.constant 64 : index
    %swap3A_617 = tpu.vector_load %arg11[%swap3A_615, %swap3A_616] {strides = array<i32>} : memref<16x128xf32, #tpu.memory_space<vmem>>, vector<1x16xf32>,
    %swap3A_618 = vector.shape_cast %swap3A_617 : vector<1x16xf32> to vector<16xf32>
    %swap3A_619 = vector.shape_cast %broadcast_in_dim3A_14 : vector<16xf32> to vector<1x16xf32>
    tpu.vector_store %arg11[%swap3A_615, %swap3A_616], %swap3A_619 {strides = array<i32>} : memref<16x128xf32, #tpu.memory_space<vmem>>, vector<1x16xf32>,
    %swap3A_620 = arith.constant 12 : i32
    %swap3A_621 = arith.index_cast %swap3A_620 : i32 to index
    %swap3A_622 = arith.constant 80 : index
    %swap3A_623 = tpu.vector_load %arg11[%swap3A_621, %swap3A_622] {strides = array<i32>} : memref<16x128xf32, #tpu.memory_space<vmem>>, vector<1x16xf32>,
    %swap3A_624 = vector.shape_cast %swap3A_623 : vector<1x16xf32> to vector<16xf32>
    %swap3A_625 = vector.shape_cast %broadcast_in_dim3A_14 : vector<16xf32> to vector<1x16xf32>
    tpu.vector_store %arg11[%swap3A_621, %swap3A_622], %swap3A_625 {strides = array<i32>} : memref<16x128xf32, #tpu.memory_space<vmem>>, vector<1x16xf32>,
    %swap3A_626 = arith.constant 12 : i32
    %swap3A_627 = arith.index_cast %swap3A_626 : i32 to index
    %swap3A_628 = arith.constant 96 : index
    %swap3A_629 = tpu.vector_load %arg11[%swap3A_627, %swap3A_628] {strides = array<i32>} : memref<16x128xf32, #tpu.memory_space<vmem>>, vector<1x16xf32>,
    %swap3A_630 = vector.shape_cast %swap3A_629 : vector<1x16xf32> to vector<16xf32>
    %swap3A_631 = vector.shape_cast %broadcast_in_dim3A_14 : vector<16xf32> to vector<1x16xf32>
    tpu.vector_store %arg11[%swap3A_627, %swap3A_628], %swap3A_631 {strides = array<i32>} : memref<16x128xf32, #tpu.memory_space<vmem>>, vector<1x16xf32>,
    %swap3A_632 = arith.constant 12 : i32
    %swap3A_633 = arith.index_cast %swap3A_632 : i32 to index
    %swap3A_634 = arith.constant 112 : index
    %swap3A_635 = tpu.vector_load %arg11[%swap3A_633, %swap3A_634] {strides = array<i32>} : memref<16x128xf32, #tpu.memory_space<vmem>>, vector<1x16xf32>,
    %swap3A_636 = vector.shape_cast %swap3A_635 : vector<1x16xf32> to vector<16xf32>
    %swap3A_637 = vector.shape_cast %broadcast_in_dim3A_14 : vector<16xf32> to vector<1x16xf32>
    tpu.vector_store %arg11[%swap3A_633, %swap3A_634], %swap3A_637 {strides = array<i32>} : memref<16x128xf32, #tpu.memory_space<vmem>>, vector<1x16xf32>,
    %swap3A_638 = arith.constant 13 : i32
    %swap3A_639 = arith.index_cast %swap3A_638 : i32 to index
    %swap3A_640 = arith.constant 0 : index
    %swap3A_641 = tpu.vector_load %arg11[%swap3A_639, %swap3A_640] {strides = array<i32>} : memref<16x128xf32, #tpu.memory_space<vmem>>, vector<1x16xf32>,
    %swap3A_642 = vector.shape_cast %swap3A_641 : vector<1x16xf32> to vector<16xf32>
    %swap3A_643 = vector.shape_cast %broadcast_in_dim3A_14 : vector<16xf32> to vector<1x16xf32>
    tpu.vector_store %arg11[%swap3A_639, %swap3A_640], %swap3A_643 {strides = array<i32>} : memref<16x128xf32, #tpu.memory_space<vmem>>, vector<1x16xf32>,
    %swap3A_644 = arith.constant 13 : i32
    %swap3A_645 = arith.index_cast %swap3A_644 : i32 to index
    %swap3A_646 = arith.constant 16 : index
    %swap3A_647 = tpu.vector_load %arg11[%swap3A_645, %swap3A_646] {strides = array<i32>} : memref<16x128xf32, #tpu.memory_space<vmem>>, vector<1x16xf32>,
    %swap3A_648 = vector.shape_cast %swap3A_647 : vector<1x16xf32> to vector<16xf32>
    %swap3A_649 = vector.shape_cast %broadcast_in_dim3A_14 : vector<16xf32> to vector<1x16xf32>
    tpu.vector_store %arg11[%swap3A_645, %swap3A_646], %swap3A_649 {strides = array<i32>} : memref<16x128xf32, #tpu.memory_space<vmem>>, vector<1x16xf32>,
    %swap3A_650 = arith.constant 13 : i32
    %swap3A_651 = arith.index_cast %swap3A_650 : i32 to index
    %swap3A_652 = arith.constant 32 : index
    %swap3A_653 = tpu.vector_load %arg11[%swap3A_651, %swap3A_652] {strides = array<i32>} : memref<16x128xf32, #tpu.memory_space<vmem>>, vector<1x16xf32>,
    %swap3A_654 = vector.shape_cast %swap3A_653 : vector<1x16xf32> to vector<16xf32>
    %swap3A_655 = vector.shape_cast %broadcast_in_dim3A_14 : vector<16xf32> to vector<1x16xf32>
    tpu.vector_store %arg11[%swap3A_651, %swap3A_652], %swap3A_655 {strides = array<i32>} : memref<16x128xf32, #tpu.memory_space<vmem>>, vector<1x16xf32>,
    %swap3A_656 = arith.constant 13 : i32
    %swap3A_657 = arith.index_cast %swap3A_656 : i32 to index
    %swap3A_658 = arith.constant 48 : index
    %swap3A_659 = tpu.vector_load %arg11[%swap3A_657, %swap3A_658] {strides = array<i32>} : memref<16x128xf32, #tpu.memory_space<vmem>>, vector<1x16xf32>,
    %swap3A_660 = vector.shape_cast %swap3A_659 : vector<1x16xf32> to vector<16xf32>
    %swap3A_661 = vector.shape_cast %broadcast_in_dim3A_14 : vector<16xf32> to vector<1x16xf32>
    tpu.vector_store %arg11[%swap3A_657, %swap3A_658], %swap3A_661 {strides = array<i32>} : memref<16x128xf32, #tpu.memory_space<vmem>>, vector<1x16xf32>,
    %swap3A_662 = arith.constant 13 : i32
    %swap3A_663 = arith.index_cast %swap3A_662 : i32 to index
    %swap3A_664 = arith.constant 64 : index
    %swap3A_665 = tpu.vector_load %arg11[%swap3A_663, %swap3A_664] {strides = array<i32>} : memref<16x128xf32, #tpu.memory_space<vmem>>, vector<1x16xf32>,
    %swap3A_666 = vector.shape_cast %swap3A_665 : vector<1x16xf32> to vector<16xf32>
    %swap3A_667 = vector.shape_cast %broadcast_in_dim3A_14 : vector<16xf32> to vector<1x16xf32>
    tpu.vector_store %arg11[%swap3A_663, %swap3A_664], %swap3A_667 {strides = array<i32>} : memref<16x128xf32, #tpu.memory_space<vmem>>, vector<1x16xf32>,
    %swap3A_668 = arith.constant 13 : i32
    %swap3A_669 = arith.index_cast %swap3A_668 : i32 to index
    %swap3A_670 = arith.constant 80 : index
    %swap3A_671 = tpu.vector_load %arg11[%swap3A_669, %swap3A_670] {strides = array<i32>} : memref<16x128xf32, #tpu.memory_space<vmem>>, vector<1x16xf32>,
    %swap3A_672 = vector.shape_cast %swap3A_671 : vector<1x16xf32> to vector<16xf32>
    %swap3A_673 = vector.shape_cast %broadcast_in_dim3A_14 : vector<16xf32> to vector<1x16xf32>
    tpu.vector_store %arg11[%swap3A_669, %swap3A_670], %swap3A_673 {strides = array<i32>} : memref<16x128xf32, #tpu.memory_space<vmem>>, vector<1x16xf32>,
    %swap3A_674 = arith.constant 13 : i32
    %swap3A_675 = arith.index_cast %swap3A_674 : i32 to index
    %swap3A_676 = arith.constant 96 : index
    %swap3A_677 = tpu.vector_load %arg11[%swap3A_675, %swap3A_676] {strides = array<i32>} : memref<16x128xf32, #tpu.memory_space<vmem>>, vector<1x16xf32>,
    %swap3A_678 = vector.shape_cast %swap3A_677 : vector<1x16xf32> to vector<16xf32>
    %swap3A_679 = vector.shape_cast %broadcast_in_dim3A_14 : vector<16xf32> to vector<1x16xf32>
    tpu.vector_store %arg11[%swap3A_675, %swap3A_676], %swap3A_679 {strides = array<i32>} : memref<16x128xf32, #tpu.memory_space<vmem>>, vector<1x16xf32>,
    %swap3A_680 = arith.constant 13 : i32
    %swap3A_681 = arith.index_cast %swap3A_680 : i32 to index
    %swap3A_682 = arith.constant 112 : index
    %swap3A_683 = tpu.vector_load %arg11[%swap3A_681, %swap3A_682] {strides = array<i32>} : memref<16x128xf32, #tpu.memory_space<vmem>>, vector<1x16xf32>,
    %swap3A_684 = vector.shape_cast %swap3A_683 : vector<1x16xf32> to vector<16xf32>
    %swap3A_685 = vector.shape_cast %broadcast_in_dim3A_14 : vector<16xf32> to vector<1x16xf32>
    tpu.vector_store %arg11[%swap3A_681, %swap3A_682], %swap3A_685 {strides = array<i32>} : memref<16x128xf32, #tpu.memory_space<vmem>>, vector<1x16xf32>,
    %swap3A_686 = arith.constant 14 : i32
    %swap3A_687 = arith.index_cast %swap3A_686 : i32 to index
    %swap3A_688 = arith.constant 0 : index
    %swap3A_689 = tpu.vector_load %arg11[%swap3A_687, %swap3A_688] {strides = array<i32>} : memref<16x128xf32, #tpu.memory_space<vmem>>, vector<1x16xf32>,
    %swap3A_690 = vector.shape_cast %swap3A_689 : vector<1x16xf32> to vector<16xf32>
    %swap3A_691 = vector.shape_cast %broadcast_in_dim3A_14 : vector<16xf32> to vector<1x16xf32>
    tpu.vector_store %arg11[%swap3A_687, %swap3A_688], %swap3A_691 {strides = array<i32>} : memref<16x128xf32, #tpu.memory_space<vmem>>, vector<1x16xf32>,
    %swap3A_692 = arith.constant 14 : i32
    %swap3A_693 = arith.index_cast %swap3A_692 : i32 to index
    %swap3A_694 = arith.constant 16 : index
    %swap3A_695 = tpu.vector_load %arg11[%swap3A_693, %swap3A_694] {strides = array<i32>} : memref<16x128xf32, #tpu.memory_space<vmem>>, vector<1x16xf32>,
    %swap3A_696 = vector.shape_cast %swap3A_695 : vector<1x16xf32> to vector<16xf32>
    %swap3A_697 = vector.shape_cast %broadcast_in_dim3A_14 : vector<16xf32> to vector<1x16xf32>
    tpu.vector_store %arg11[%swap3A_693, %swap3A_694], %swap3A_697 {strides = array<i32>} : memref<16x128xf32, #tpu.memory_space<vmem>>, vector<1x16xf32>,
    %swap3A_698 = arith.constant 14 : i32
    %swap3A_699 = arith.index_cast %swap3A_698 : i32 to index
    %swap3A_700 = arith.constant 32 : index
    %swap3A_701 = tpu.vector_load %arg11[%swap3A_699, %swap3A_700] {strides = array<i32>} : memref<16x128xf32, #tpu.memory_space<vmem>>, vector<1x16xf32>,
    %swap3A_702 = vector.shape_cast %swap3A_701 : vector<1x16xf32> to vector<16xf32>
    %swap3A_703 = vector.shape_cast %broadcast_in_dim3A_14 : vector<16xf32> to vector<1x16xf32>
    tpu.vector_store %arg11[%swap3A_699, %swap3A_700], %swap3A_703 {strides = array<i32>} : memref<16x128xf32, #tpu.memory_space<vmem>>, vector<1x16xf32>,
    %swap3A_704 = arith.constant 14 : i32
    %swap3A_705 = arith.index_cast %swap3A_704 : i32 to index
    %swap3A_706 = arith.constant 48 : index
    %swap3A_707 = tpu.vector_load %arg11[%swap3A_705, %swap3A_706] {strides = array<i32>} : memref<16x128xf32, #tpu.memory_space<vmem>>, vector<1x16xf32>,
    %swap3A_708 = vector.shape_cast %swap3A_707 : vector<1x16xf32> to vector<16xf32>
    %swap3A_709 = vector.shape_cast %broadcast_in_dim3A_14 : vector<16xf32> to vector<1x16xf32>
    tpu.vector_store %arg11[%swap3A_705, %swap3A_706], %swap3A_709 {strides = array<i32>} : memref<16x128xf32, #tpu.memory_space<vmem>>, vector<1x16xf32>,
    %swap3A_710 = arith.constant 14 : i32
    %swap3A_711 = arith.index_cast %swap3A_710 : i32 to index
    %swap3A_712 = arith.constant 64 : index
    %swap3A_713 = tpu.vector_load %arg11[%swap3A_711, %swap3A_712] {strides = array<i32>} : memref<16x128xf32, #tpu.memory_space<vmem>>, vector<1x16xf32>,
    %swap3A_714 = vector.shape_cast %swap3A_713 : vector<1x16xf32> to vector<16xf32>
    %swap3A_715 = vector.shape_cast %broadcast_in_dim3A_14 : vector<16xf32> to vector<1x16xf32>
    tpu.vector_store %arg11[%swap3A_711, %swap3A_712], %swap3A_715 {strides = array<i32>} : memref<16x128xf32, #tpu.memory_space<vmem>>, vector<1x16xf32>,
    %swap3A_716 = arith.constant 14 : i32
    %swap3A_717 = arith.index_cast %swap3A_716 : i32 to index
    %swap3A_718 = arith.constant 80 : index
    %swap3A_719 = tpu.vector_load %arg11[%swap3A_717, %swap3A_718] {strides = array<i32>} : memref<16x128xf32, #tpu.memory_space<vmem>>, vector<1x16xf32>,
    %swap3A_720 = vector.shape_cast %swap3A_719 : vector<1x16xf32> to vector<16xf32>
    %swap3A_721 = vector.shape_cast %broadcast_in_dim3A_14 : vector<16xf32> to vector<1x16xf32>
    tpu.vector_store %arg11[%swap3A_717, %swap3A_718], %swap3A_721 {strides = array<i32>} : memref<16x128xf32, #tpu.memory_space<vmem>>, vector<1x16xf32>,
    %swap3A_722 = arith.constant 14 : i32
    %swap3A_723 = arith.index_cast %swap3A_722 : i32 to index
    %swap3A_724 = arith.constant 96 : index
    %swap3A_725 = tpu.vector_load %arg11[%swap3A_723, %swap3A_724] {strides = array<i32>} : memref<16x128xf32, #tpu.memory_space<vmem>>, vector<1x16xf32>,
    %swap3A_726 = vector.shape_cast %swap3A_725 : vector<1x16xf32> to vector<16xf32>
    %swap3A_727 = vector.shape_cast %broadcast_in_dim3A_14 : vector<16xf32> to vector<1x16xf32>
    tpu.vector_store %arg11[%swap3A_723, %swap3A_724], %swap3A_727 {strides = array<i32>} : memref<16x128xf32, #tpu.memory_space<vmem>>, vector<1x16xf32>,
    %swap3A_728 = arith.constant 14 : i32
    %swap3A_729 = arith.index_cast %swap3A_728 : i32 to index
    %swap3A_730 = arith.constant 112 : index
    %swap3A_731 = tpu.vector_load %arg11[%swap3A_729, %swap3A_730] {strides = array<i32>} : memref<16x128xf32, #tpu.memory_space<vmem>>, vector<1x16xf32>,
    %swap3A_732 = vector.shape_cast %swap3A_731 : vector<1x16xf32> to vector<16xf32>
    %swap3A_733 = vector.shape_cast %broadcast_in_dim3A_14 : vector<16xf32> to vector<1x16xf32>
    tpu.vector_store %arg11[%swap3A_729, %swap3A_730], %swap3A_733 {strides = array<i32>} : memref<16x128xf32, #tpu.memory_space<vmem>>, vector<1x16xf32>,
    %swap3A_734 = arith.constant 15 : i32
    %swap3A_735 = arith.index_cast %swap3A_734 : i32 to index
    %swap3A_736 = arith.constant 0 : index
    %swap3A_737 = tpu.vector_load %arg11[%swap3A_735, %swap3A_736] {strides = array<i32>} : memref<16x128xf32, #tpu.memory_space<vmem>>, vector<1x16xf32>,
    %swap3A_738 = vector.shape_cast %swap3A_737 : vector<1x16xf32> to vector<16xf32>
    %swap3A_739 = vector.shape_cast %broadcast_in_dim3A_14 : vector<16xf32> to vector<1x16xf32>
    tpu.vector_store %arg11[%swap3A_735, %swap3A_736], %swap3A_739 {strides = array<i32>} : memref<16x128xf32, #tpu.memory_space<vmem>>, vector<1x16xf32>,
    %swap3A_740 = arith.constant 15 : i32
    %swap3A_741 = arith.index_cast %swap3A_740 : i32 to index
    %swap3A_742 = arith.constant 16 : index
    %swap3A_743 = tpu.vector_load %arg11[%swap3A_741, %swap3A_742] {strides = array<i32>} : memref<16x128xf32, #tpu.memory_space<vmem>>, vector<1x16xf32>,
    %swap3A_744 = vector.shape_cast %swap3A_743 : vector<1x16xf32> to vector<16xf32>
    %swap3A_745 = vector.shape_cast %broadcast_in_dim3A_14 : vector<16xf32> to vector<1x16xf32>
    tpu.vector_store %arg11[%swap3A_741, %swap3A_742], %swap3A_745 {strides = array<i32>} : memref<16x128xf32, #tpu.memory_space<vmem>>, vector<1x16xf32>,
    %swap3A_746 = arith.constant 15 : i32
    %swap3A_747 = arith.index_cast %swap3A_746 : i32 to index
    %swap3A_748 = arith.constant 32 : index
    %swap3A_749 = tpu.vector_load %arg11[%swap3A_747, %swap3A_748] {strides = array<i32>} : memref<16x128xf32, #tpu.memory_space<vmem>>, vector<1x16xf32>,
    %swap3A_750 = vector.shape_cast %swap3A_749 : vector<1x16xf32> to vector<16xf32>
    %swap3A_751 = vector.shape_cast %broadcast_in_dim3A_14 : vector<16xf32> to vector<1x16xf32>
    tpu.vector_store %arg11[%swap3A_747, %swap3A_748], %swap3A_751 {strides = array<i32>} : memref<16x128xf32, #tpu.memory_space<vmem>>, vector<1x16xf32>,
    %swap3A_752 = arith.constant 15 : i32
    %swap3A_753 = arith.index_cast %swap3A_752 : i32 to index
    %swap3A_754 = arith.constant 48 : index
    %swap3A_755 = tpu.vector_load %arg11[%swap3A_753, %swap3A_754] {strides = array<i32>} : memref<16x128xf32, #tpu.memory_space<vmem>>, vector<1x16xf32>,
    %swap3A_756 = vector.shape_cast %swap3A_755 : vector<1x16xf32> to vector<16xf32>
    %swap3A_757 = vector.shape_cast %broadcast_in_dim3A_14 : vector<16xf32> to vector<1x16xf32>
    tpu.vector_store %arg11[%swap3A_753, %swap3A_754], %swap3A_757 {strides = array<i32>} : memref<16x128xf32, #tpu.memory_space<vmem>>, vector<1x16xf32>,
    %swap3A_758 = arith.constant 15 : i32
    %swap3A_759 = arith.index_cast %swap3A_758 : i32 to index
    %swap3A_760 = arith.constant 64 : index
    %swap3A_761 = tpu.vector_load %arg11[%swap3A_759, %swap3A_760] {strides = array<i32>} : memref<16x128xf32, #tpu.memory_space<vmem>>, vector<1x16xf32>,
    %swap3A_762 = vector.shape_cast %swap3A_761 : vector<1x16xf32> to vector<16xf32>
    %swap3A_763 = vector.shape_cast %broadcast_in_dim3A_14 : vector<16xf32> to vector<1x16xf32>
    tpu.vector_store %arg11[%swap3A_759, %swap3A_760], %swap3A_763 {strides = array<i32>} : memref<16x128xf32, #tpu.memory_space<vmem>>, vector<1x16xf32>,
    %swap3A_764 = arith.constant 15 : i32
    %swap3A_765 = arith.index_cast %swap3A_764 : i32 to index
    %swap3A_766 = arith.constant 80 : index
    %swap3A_767 = tpu.vector_load %arg11[%swap3A_765, %swap3A_766] {strides = array<i32>} : memref<16x128xf32, #tpu.memory_space<vmem>>, vector<1x16xf32>,
    %swap3A_768 = vector.shape_cast %swap3A_767 : vector<1x16xf32> to vector<16xf32>
    %swap3A_769 = vector.shape_cast %broadcast_in_dim3A_14 : vector<16xf32> to vector<1x16xf32>
    tpu.vector_store %arg11[%swap3A_765, %swap3A_766], %swap3A_769 {strides = array<i32>} : memref<16x128xf32, #tpu.memory_space<vmem>>, vector<1x16xf32>,
    %swap3A_770 = arith.constant 15 : i32
    %swap3A_771 = arith.index_cast %swap3A_770 : i32 to index
    %swap3A_772 = arith.constant 96 : index
    %swap3A_773 = tpu.vector_load %arg11[%swap3A_771, %swap3A_772] {strides = array<i32>} : memref<16x128xf32, #tpu.memory_space<vmem>>, vector<1x16xf32>,
    %swap3A_774 = vector.shape_cast %swap3A_773 : vector<1x16xf32> to vector<16xf32>
    %swap3A_775 = vector.shape_cast %broadcast_in_dim3A_14 : vector<16xf32> to vector<1x16xf32>
    tpu.vector_store %arg11[%swap3A_771, %swap3A_772], %swap3A_775 {strides = array<i32>} : memref<16x128xf32, #tpu.memory_space<vmem>>, vector<1x16xf32>,
    %swap3A_776 = arith.constant 15 : i32
    %swap3A_777 = arith.index_cast %swap3A_776 : i32 to index
    %swap3A_778 = arith.constant 112 : index
    %swap3A_779 = tpu.vector_load %arg11[%swap3A_777, %swap3A_778] {strides = array<i32>} : memref<16x128xf32, #tpu.memory_space<vmem>>, vector<1x16xf32>,
    %swap3A_780 = vector.shape_cast %swap3A_779 : vector<1x16xf32> to vector<16xf32>
    %swap3A_781 = vector.shape_cast %broadcast_in_dim3A_14 : vector<16xf32> to vector<1x16xf32>
    tpu.vector_store %arg11[%swap3A_777, %swap3A_778], %swap3A_781 {strides = array<i32>} : memref<16x128xf32, #tpu.memory_space<vmem>>, vector<1x16xf32>,
    %scan3A = arith.constant 0 : i32
    %scan3A_782 = arith.constant 0 : i32
    %scan3A_783 = arith.constant 39 : i32
    %scan3A_784 = arith.addi %scan3A_782, %scan3A_783 : i32
    %scan3A_785 = arith.constant 1 : i32
    scf.for %scan3A_1430 = %scan3A_782 to %scan3A_784 step %scan3A_785  : i32 {
      %mul3A_1431 = arith.constant 624 : i32
      %mul3A_1432 = arith.muli %arg1, %mul3A_1431 : i32
      %mul3A_1433 = arith.constant 16 : i32
      %mul3A_1434 = arith.muli %scan3A_1430, %mul3A_1433 : i32
      %add3A_1435 = arith.addi %mul3A_1432, %mul3A_1434 : i32
      "tpu.region"() ({
        %run_scoped3A_1436 = tpu.sem_alloc : memref<!tpu.dma_semaphore, #tpu.memory_space<semaphore_mem>>
        %dma_start3A_1437 = arith.constant 0 : i32
        %dma_start3A_1438 = tpu.memref_slice %arg12[%add3A_1435, %dma_start3A_1437] : memref<10000x128xf32, #tpu.memory_space<vmem_shared>> -> memref<16x128xf32, #tpu.memory_space<vmem_shared>>
        %dma_start3A_1439 = arith.constant 0 : i32
        %dma_start3A_1440 = tpu.memref_slice %arg12[%add3A_1435, %dma_start3A_1439] : memref<10000x128xf32, #tpu.memory_space<vmem_shared>> -> memref<16x128xf32, #tpu.memory_space<vmem_shared>>
        tpu.enqueue_dma source(%arg11 : memref<16x128xf32, #tpu.memory_space<vmem>>) target(%dma_start3A_1440 : memref<16x128xf32, #tpu.memory_space<vmem_shared>>) target_semaphore(%run_scoped3A_1436 : memref<!tpu.dma_semaphore, #tpu.memory_space<semaphore_mem>>)
        %dma_wait3A_1441 = arith.constant 0 : i32
        %dma_wait3A_1442 = tpu.memref_slice %arg12[%add3A_1435, %dma_wait3A_1441] : memref<10000x128xf32, #tpu.memory_space<vmem_shared>> -> memref<16x128xf32, #tpu.memory_space<vmem_shared>>
        %dma_wait3A_1443 = arith.constant 0 : i32
        %dma_wait3A_1444 = tpu.memref_slice %arg12[%add3A_1435, %dma_wait3A_1443] : memref<10000x128xf32, #tpu.memory_space<vmem_shared>> -> memref<16x128xf32, #tpu.memory_space<vmem_shared>>
        tpu.wait_dma2 semaphore(%run_scoped3A_1436 : memref<!tpu.dma_semaphore, #tpu.memory_space<semaphore_mem>>) src(%arg11 : memref<16x128xf32, #tpu.memory_space<vmem>>) dst(%dma_wait3A_1444 : memref<16x128xf32, #tpu.memory_space<vmem_shared>>)
        tpu.yield
      }) : () -> ()
    }
    %scan3A_786 = arith.constant 39 : i32
    %eq3A = arith.constant 15 : i32
    %eq3A_787 = arith.cmpi eq, %arg1, %eq3A : i32
    %convert_element_type3A = arith.extui %eq3A_787 : i1 to i32
    %cond3A = arith.constant 0 : i32
    %cond3A_788 = arith.cmpi ne, %convert_element_type3A, %cond3A : i32
    scf.if %cond3A_788 {
      "tpu.region"() ({
        %run_scoped3A_1430 = tpu.sem_alloc : memref<!tpu.dma_semaphore, #tpu.memory_space<semaphore_mem>>
        %dma_start3A_1431 = arith.constant 9984 : i32
        %dma_start3A_1432 = arith.constant 0 : i32
        %dma_start3A_1433 = tpu.memref_slice %arg12[%dma_start3A_1431, %dma_start3A_1432] : memref<10000x128xf32, #tpu.memory_space<vmem_shared>> -> memref<16x128xf32, #tpu.memory_space<vmem_shared>>
        %dma_start3A_1434 = arith.constant 9984 : i32
        %dma_start3A_1435 = arith.constant 0 : i32
        %dma_start3A_1436 = tpu.memref_slice %arg12[%dma_start3A_1434, %dma_start3A_1435] : memref<10000x128xf32, #tpu.memory_space<vmem_shared>> -> memref<16x128xf32, #tpu.memory_space<vmem_shared>>
        tpu.enqueue_dma source(%arg11 : memref<16x128xf32, #tpu.memory_space<vmem>>) target(%dma_start3A_1436 : memref<16x128xf32, #tpu.memory_space<vmem_shared>>) target_semaphore(%run_scoped3A_1430 : memref<!tpu.dma_semaphore, #tpu.memory_space<semaphore_mem>>)
        %dma_wait3A_1437 = arith.constant 9984 : i32
        %dma_wait3A_1438 = arith.constant 0 : i32
        %dma_wait3A_1439 = tpu.memref_slice %arg12[%dma_wait3A_1437, %dma_wait3A_1438] : memref<10000x128xf32, #tpu.memory_space<vmem_shared>> -> memref<16x128xf32, #tpu.memory_space<vmem_shared>>
        %dma_wait3A_1440 = arith.constant 9984 : i32
        %dma_wait3A_1441 = arith.constant 0 : i32
        %dma_wait3A_1442 = tpu.memref_slice %arg12[%dma_wait3A_1440, %dma_wait3A_1441] : memref<10000x128xf32, #tpu.memory_space<vmem_shared>> -> memref<16x128xf32, #tpu.memory_space<vmem_shared>>
        tpu.wait_dma2 semaphore(%run_scoped3A_1430 : memref<!tpu.dma_semaphore, #tpu.memory_space<semaphore_mem>>) src(%arg11 : memref<16x128xf32, #tpu.memory_space<vmem>>) dst(%dma_wait3A_1442 : memref<16x128xf32, #tpu.memory_space<vmem_shared>>)
        tpu.yield
      }) : () -> ()
    } else {
    }
    %dma_wait3A = arith.constant 0 : i32
    %dma_wait3A_789 = arith.constant 0 : i32
    %dma_wait3A_790 = tpu.memref_slice %arg3[%dma_wait3A, %dma_wait3A_789] : memref<2x320000xi32, #tpu.memory_space<hbm>> -> memref<2x768xi32, #tpu.memory_space<hbm>>
    %dma_wait3A_791 = arith.constant 0 : i32
    %dma_wait3A_792 = arith.constant 0 : i32
    %dma_wait3A_793 = tpu.memref_slice %arg3[%dma_wait3A_791, %dma_wait3A_792] : memref<2x320000xi32, #tpu.memory_space<hbm>> -> memref<2x768xi32, #tpu.memory_space<hbm>>
    tpu.wait_dma2 semaphore(%arg13 : memref<!tpu.dma_semaphore, #tpu.memory_space<semaphore_mem>>) src(%dma_wait3A_793 : memref<2x768xi32, #tpu.memory_space<hbm>>) dst(%arg5 : memref<2x768xi32, #tpu.memory_space<vmem>>)
    %dma_start3A_794 = arith.constant 0 : i32
    %dma_start3A_795 = arith.constant 0 : i32
    %dma_start3A_796 = tpu.memref_slice %arg5[%dma_start3A_794, %dma_start3A_795] : memref<2x768xi32, #tpu.memory_space<vmem>> -> memref<1x128xi32, #tpu.memory_space<vmem>>
    %dma_start3A_797 = tpu.memref_squeeze %dma_start3A_796 : memref<1x128xi32, #tpu.memory_space<vmem>> -> memref<128xi32, #tpu.memory_space<vmem>>
    %dma_start3A_798 = arith.constant 0 : i32
    %dma_start3A_799 = arith.constant 0 : i32
    %dma_start3A_800 = tpu.memref_slice %arg2[%dma_start3A_798, %dma_start3A_799] : memref<10000x128xf32, #tpu.memory_space<hbm>> -> memref<10000x128xf32, #tpu.memory_space<hbm>>
    tpu.enqueue_indirect_dma source(%dma_start3A_800 : memref<10000x128xf32, #tpu.memory_space<hbm>>) target(%arg9 : memref<128x128xf32, #tpu.memory_space<vmem>>) offsets(%dma_start3A_797 : memref<128xi32, #tpu.memory_space<vmem>>) semaphore(%arg15 : memref<!tpu.dma_semaphore, #tpu.memory_space<semaphore_mem>>)
    %barrier3A = arith.constant 0 : index
    tpu.barrier barrier_id(%barrier3A)
    %scan3A_801 = arith.constant 0 : i32
    %scan3A_802 = arith.constant 0 : i32
    %scan3A_803 = arith.constant 6 : i32
    %scan3A_804 = arith.addi %scan3A_802, %scan3A_803 : i32
    %scan3A_805 = arith.constant 1 : i32
    scf.for %scan3A_1430 = %scan3A_802 to %scan3A_804 step %scan3A_805  : i32 {
      %get3A_1431 = arith.constant 1 : i32
      %get3A_1432 = arith.index_cast %get3A_1431 : i32 to index
      %get3A_1433 = arith.constant 0 : index
      %get3A_1434 = tpu.vector_load %arg5[%get3A_1432, %get3A_1433] {strides = array<i32>} : memref<2x768xi32, #tpu.memory_space<vmem>>, vector<1x16xi32>,
      %get3A_1435 = vector.shape_cast %get3A_1434 : vector<1x16xi32> to vector<16xi32>
      %swap3A_1436 = arith.constant 0 : i32
      %swap3A_1437 = arith.index_cast %swap3A_1436 : i32 to index
      %swap3A_1438 = arith.constant 0 : index
      %swap3A_1439 = tpu.vector_load %arg7[%swap3A_1437, %swap3A_1438] {strides = array<i32>} : memref<8x128xi32, #tpu.memory_space<vmem>>, vector<1x16xi32>,
      %swap3A_1440 = vector.shape_cast %swap3A_1439 : vector<1x16xi32> to vector<16xi32>
      %swap3A_1441 = vector.shape_cast %get3A_1435 : vector<16xi32> to vector<1x16xi32>
      tpu.vector_store %arg7[%swap3A_1437, %swap3A_1438], %swap3A_1441 {strides = array<i32>} : memref<8x128xi32, #tpu.memory_space<vmem>>, vector<1x16xi32>,
      %get3A_1442 = arith.constant 1 : i32
      %get3A_1443 = arith.index_cast %get3A_1442 : i32 to index
      %get3A_1444 = arith.constant 16 : index
      %get3A_1445 = tpu.vector_load %arg5[%get3A_1443, %get3A_1444] {strides = array<i32>} : memref<2x768xi32, #tpu.memory_space<vmem>>, vector<1x16xi32>,
      %get3A_1446 = vector.shape_cast %get3A_1445 : vector<1x16xi32> to vector<16xi32>
      %swap3A_1447 = arith.constant 0 : i32
      %swap3A_1448 = arith.index_cast %swap3A_1447 : i32 to index
      %swap3A_1449 = arith.constant 16 : index
      %swap3A_1450 = tpu.vector_load %arg7[%swap3A_1448, %swap3A_1449] {strides = array<i32>} : memref<8x128xi32, #tpu.memory_space<vmem>>, vector<1x16xi32>,
      %swap3A_1451 = vector.shape_cast %swap3A_1450 : vector<1x16xi32> to vector<16xi32>
      %swap3A_1452 = vector.shape_cast %get3A_1446 : vector<16xi32> to vector<1x16xi32>
      tpu.vector_store %arg7[%swap3A_1448, %swap3A_1449], %swap3A_1452 {strides = array<i32>} : memref<8x128xi32, #tpu.memory_space<vmem>>, vector<1x16xi32>,
      %get3A_1453 = arith.constant 1 : i32
      %get3A_1454 = arith.index_cast %get3A_1453 : i32 to index
      %get3A_1455 = arith.constant 32 : index
      %get3A_1456 = tpu.vector_load %arg5[%get3A_1454, %get3A_1455] {strides = array<i32>} : memref<2x768xi32, #tpu.memory_space<vmem>>, vector<1x16xi32>,
      %get3A_1457 = vector.shape_cast %get3A_1456 : vector<1x16xi32> to vector<16xi32>
      %swap3A_1458 = arith.constant 0 : i32
      %swap3A_1459 = arith.index_cast %swap3A_1458 : i32 to index
      %swap3A_1460 = arith.constant 32 : index
      %swap3A_1461 = tpu.vector_load %arg7[%swap3A_1459, %swap3A_1460] {strides = array<i32>} : memref<8x128xi32, #tpu.memory_space<vmem>>, vector<1x16xi32>,
      %swap3A_1462 = vector.shape_cast %swap3A_1461 : vector<1x16xi32> to vector<16xi32>
      %swap3A_1463 = vector.shape_cast %get3A_1457 : vector<16xi32> to vector<1x16xi32>
      tpu.vector_store %arg7[%swap3A_1459, %swap3A_1460], %swap3A_1463 {strides = array<i32>} : memref<8x128xi32, #tpu.memory_space<vmem>>, vector<1x16xi32>,
      %get3A_1464 = arith.constant 1 : i32
      %get3A_1465 = arith.index_cast %get3A_1464 : i32 to index
      %get3A_1466 = arith.constant 48 : index
      %get3A_1467 = tpu.vector_load %arg5[%get3A_1465, %get3A_1466] {strides = array<i32>} : memref<2x768xi32, #tpu.memory_space<vmem>>, vector<1x16xi32>,
      %get3A_1468 = vector.shape_cast %get3A_1467 : vector<1x16xi32> to vector<16xi32>
      %swap3A_1469 = arith.constant 0 : i32
      %swap3A_1470 = arith.index_cast %swap3A_1469 : i32 to index
      %swap3A_1471 = arith.constant 48 : index
      %swap3A_1472 = tpu.vector_load %arg7[%swap3A_1470, %swap3A_1471] {strides = array<i32>} : memref<8x128xi32, #tpu.memory_space<vmem>>, vector<1x16xi32>,
      %swap3A_1473 = vector.shape_cast %swap3A_1472 : vector<1x16xi32> to vector<16xi32>
      %swap3A_1474 = vector.shape_cast %get3A_1468 : vector<16xi32> to vector<1x16xi32>
      tpu.vector_store %arg7[%swap3A_1470, %swap3A_1471], %swap3A_1474 {strides = array<i32>} : memref<8x128xi32, #tpu.memory_space<vmem>>, vector<1x16xi32>,
      %get3A_1475 = arith.constant 1 : i32
      %get3A_1476 = arith.index_cast %get3A_1475 : i32 to index
      %get3A_1477 = arith.constant 64 : index
      %get3A_1478 = tpu.vector_load %arg5[%get3A_1476, %get3A_1477] {strides = array<i32>} : memref<2x768xi32, #tpu.memory_space<vmem>>, vector<1x16xi32>,
      %get3A_1479 = vector.shape_cast %get3A_1478 : vector<1x16xi32> to vector<16xi32>
      %swap3A_1480 = arith.constant 0 : i32
      %swap3A_1481 = arith.index_cast %swap3A_1480 : i32 to index
      %swap3A_1482 = arith.constant 64 : index
      %swap3A_1483 = tpu.vector_load %arg7[%swap3A_1481, %swap3A_1482] {strides = array<i32>} : memref<8x128xi32, #tpu.memory_space<vmem>>, vector<1x16xi32>,
      %swap3A_1484 = vector.shape_cast %swap3A_1483 : vector<1x16xi32> to vector<16xi32>
      %swap3A_1485 = vector.shape_cast %get3A_1479 : vector<16xi32> to vector<1x16xi32>
      tpu.vector_store %arg7[%swap3A_1481, %swap3A_1482], %swap3A_1485 {strides = array<i32>} : memref<8x128xi32, #tpu.memory_space<vmem>>, vector<1x16xi32>,
      %get3A_1486 = arith.constant 1 : i32
      %get3A_1487 = arith.index_cast %get3A_1486 : i32 to index
      %get3A_1488 = arith.constant 80 : index
      %get3A_1489 = tpu.vector_load %arg5[%get3A_1487, %get3A_1488] {strides = array<i32>} : memref<2x768xi32, #tpu.memory_space<vmem>>, vector<1x16xi32>,
      %get3A_1490 = vector.shape_cast %get3A_1489 : vector<1x16xi32> to vector<16xi32>
      %swap3A_1491 = arith.constant 0 : i32
      %swap3A_1492 = arith.index_cast %swap3A_1491 : i32 to index
      %swap3A_1493 = arith.constant 80 : index
      %swap3A_1494 = tpu.vector_load %arg7[%swap3A_1492, %swap3A_1493] {strides = array<i32>} : memref<8x128xi32, #tpu.memory_space<vmem>>, vector<1x16xi32>,
      %swap3A_1495 = vector.shape_cast %swap3A_1494 : vector<1x16xi32> to vector<16xi32>
      %swap3A_1496 = vector.shape_cast %get3A_1490 : vector<16xi32> to vector<1x16xi32>
      tpu.vector_store %arg7[%swap3A_1492, %swap3A_1493], %swap3A_1496 {strides = array<i32>} : memref<8x128xi32, #tpu.memory_space<vmem>>, vector<1x16xi32>,
      %get3A_1497 = arith.constant 1 : i32
      %get3A_1498 = arith.index_cast %get3A_1497 : i32 to index
      %get3A_1499 = arith.constant 96 : index
      %get3A_1500 = tpu.vector_load %arg5[%get3A_1498, %get3A_1499] {strides = array<i32>} : memref<2x768xi32, #tpu.memory_space<vmem>>, vector<1x16xi32>,
      %get3A_1501 = vector.shape_cast %get3A_1500 : vector<1x16xi32> to vector<16xi32>
      %swap3A_1502 = arith.constant 0 : i32
      %swap3A_1503 = arith.index_cast %swap3A_1502 : i32 to index
      %swap3A_1504 = arith.constant 96 : index
      %swap3A_1505 = tpu.vector_load %arg7[%swap3A_1503, %swap3A_1504] {strides = array<i32>} : memref<8x128xi32, #tpu.memory_space<vmem>>, vector<1x16xi32>,
      %swap3A_1506 = vector.shape_cast %swap3A_1505 : vector<1x16xi32> to vector<16xi32>
      %swap3A_1507 = vector.shape_cast %get3A_1501 : vector<16xi32> to vector<1x16xi32>
      tpu.vector_store %arg7[%swap3A_1503, %swap3A_1504], %swap3A_1507 {strides = array<i32>} : memref<8x128xi32, #tpu.memory_space<vmem>>, vector<1x16xi32>,
      %get3A_1508 = arith.constant 1 : i32
      %get3A_1509 = arith.index_cast %get3A_1508 : i32 to index
      %get3A_1510 = arith.constant 112 : index
      %get3A_1511 = tpu.vector_load %arg5[%get3A_1509, %get3A_1510] {strides = array<i32>} : memref<2x768xi32, #tpu.memory_space<vmem>>, vector<1x16xi32>,
      %get3A_1512 = vector.shape_cast %get3A_1511 : vector<1x16xi32> to vector<16xi32>
      %swap3A_1513 = arith.constant 0 : i32
      %swap3A_1514 = arith.index_cast %swap3A_1513 : i32 to index
      %swap3A_1515 = arith.constant 112 : index
      %swap3A_1516 = tpu.vector_load %arg7[%swap3A_1514, %swap3A_1515] {strides = array<i32>} : memref<8x128xi32, #tpu.memory_space<vmem>>, vector<1x16xi32>,
      %swap3A_1517 = vector.shape_cast %swap3A_1516 : vector<1x16xi32> to vector<16xi32>
      %swap3A_1518 = vector.shape_cast %get3A_1512 : vector<16xi32> to vector<1x16xi32>
      tpu.vector_store %arg7[%swap3A_1514, %swap3A_1515], %swap3A_1518 {strides = array<i32>} : memref<8x128xi32, #tpu.memory_space<vmem>>, vector<1x16xi32>,
      %get3A_1519 = arith.constant 1 : i32
      %get3A_1520 = arith.index_cast %get3A_1519 : i32 to index
      %get3A_1521 = arith.constant 128 : index
      %get3A_1522 = tpu.vector_load %arg5[%get3A_1520, %get3A_1521] {strides = array<i32>} : memref<2x768xi32, #tpu.memory_space<vmem>>, vector<1x16xi32>,
      %get3A_1523 = vector.shape_cast %get3A_1522 : vector<1x16xi32> to vector<16xi32>
      %swap3A_1524 = arith.constant 1 : i32
      %swap3A_1525 = arith.index_cast %swap3A_1524 : i32 to index
      %swap3A_1526 = arith.constant 0 : index
      %swap3A_1527 = tpu.vector_load %arg7[%swap3A_1525, %swap3A_1526] {strides = array<i32>} : memref<8x128xi32, #tpu.memory_space<vmem>>, vector<1x16xi32>,
      %swap3A_1528 = vector.shape_cast %swap3A_1527 : vector<1x16xi32> to vector<16xi32>
      %swap3A_1529 = vector.shape_cast %get3A_1523 : vector<16xi32> to vector<1x16xi32>
      tpu.vector_store %arg7[%swap3A_1525, %swap3A_1526], %swap3A_1529 {strides = array<i32>} : memref<8x128xi32, #tpu.memory_space<vmem>>, vector<1x16xi32>,
      %get3A_1530 = arith.constant 1 : i32
      %get3A_1531 = arith.index_cast %get3A_1530 : i32 to index
      %get3A_1532 = arith.constant 144 : index
      %get3A_1533 = tpu.vector_load %arg5[%get3A_1531, %get3A_1532] {strides = array<i32>} : memref<2x768xi32, #tpu.memory_space<vmem>>, vector<1x16xi32>,
      %get3A_1534 = vector.shape_cast %get3A_1533 : vector<1x16xi32> to vector<16xi32>
      %swap3A_1535 = arith.constant 1 : i32
      %swap3A_1536 = arith.index_cast %swap3A_1535 : i32 to index
      %swap3A_1537 = arith.constant 16 : index
      %swap3A_1538 = tpu.vector_load %arg7[%swap3A_1536, %swap3A_1537] {strides = array<i32>} : memref<8x128xi32, #tpu.memory_space<vmem>>, vector<1x16xi32>,
      %swap3A_1539 = vector.shape_cast %swap3A_1538 : vector<1x16xi32> to vector<16xi32>
      %swap3A_1540 = vector.shape_cast %get3A_1534 : vector<16xi32> to vector<1x16xi32>
      tpu.vector_store %arg7[%swap3A_1536, %swap3A_1537], %swap3A_1540 {strides = array<i32>} : memref<8x128xi32, #tpu.memory_space<vmem>>, vector<1x16xi32>,
      %get3A_1541 = arith.constant 1 : i32
      %get3A_1542 = arith.index_cast %get3A_1541 : i32 to index
      %get3A_1543 = arith.constant 160 : index
      %get3A_1544 = tpu.vector_load %arg5[%get3A_1542, %get3A_1543] {strides = array<i32>} : memref<2x768xi32, #tpu.memory_space<vmem>>, vector<1x16xi32>,
      %get3A_1545 = vector.shape_cast %get3A_1544 : vector<1x16xi32> to vector<16xi32>
      %swap3A_1546 = arith.constant 1 : i32
      %swap3A_1547 = arith.index_cast %swap3A_1546 : i32 to index
      %swap3A_1548 = arith.constant 32 : index
      %swap3A_1549 = tpu.vector_load %arg7[%swap3A_1547, %swap3A_1548] {strides = array<i32>} : memref<8x128xi32, #tpu.memory_space<vmem>>, vector<1x16xi32>,
      %swap3A_1550 = vector.shape_cast %swap3A_1549 : vector<1x16xi32> to vector<16xi32>
      %swap3A_1551 = vector.shape_cast %get3A_1545 : vector<16xi32> to vector<1x16xi32>
      tpu.vector_store %arg7[%swap3A_1547, %swap3A_1548], %swap3A_1551 {strides = array<i32>} : memref<8x128xi32, #tpu.memory_space<vmem>>, vector<1x16xi32>,
      %get3A_1552 = arith.constant 1 : i32
      %get3A_1553 = arith.index_cast %get3A_1552 : i32 to index
      %get3A_1554 = arith.constant 176 : index
      %get3A_1555 = tpu.vector_load %arg5[%get3A_1553, %get3A_1554] {strides = array<i32>} : memref<2x768xi32, #tpu.memory_space<vmem>>, vector<1x16xi32>,
      %get3A_1556 = vector.shape_cast %get3A_1555 : vector<1x16xi32> to vector<16xi32>
      %swap3A_1557 = arith.constant 1 : i32
      %swap3A_1558 = arith.index_cast %swap3A_1557 : i32 to index
      %swap3A_1559 = arith.constant 48 : index
      %swap3A_1560 = tpu.vector_load %arg7[%swap3A_1558, %swap3A_1559] {strides = array<i32>} : memref<8x128xi32, #tpu.memory_space<vmem>>, vector<1x16xi32>,
      %swap3A_1561 = vector.shape_cast %swap3A_1560 : vector<1x16xi32> to vector<16xi32>
      %swap3A_1562 = vector.shape_cast %get3A_1556 : vector<16xi32> to vector<1x16xi32>
      tpu.vector_store %arg7[%swap3A_1558, %swap3A_1559], %swap3A_1562 {strides = array<i32>} : memref<8x128xi32, #tpu.memory_space<vmem>>, vector<1x16xi32>,
      %get3A_1563 = arith.constant 1 : i32
      %get3A_1564 = arith.index_cast %get3A_1563 : i32 to index
      %get3A_1565 = arith.constant 192 : index
      %get3A_1566 = tpu.vector_load %arg5[%get3A_1564, %get3A_1565] {strides = array<i32>} : memref<2x768xi32, #tpu.memory_space<vmem>>, vector<1x16xi32>,
      %get3A_1567 = vector.shape_cast %get3A_1566 : vector<1x16xi32> to vector<16xi32>
      %swap3A_1568 = arith.constant 1 : i32
      %swap3A_1569 = arith.index_cast %swap3A_1568 : i32 to index
      %swap3A_1570 = arith.constant 64 : index
      %swap3A_1571 = tpu.vector_load %arg7[%swap3A_1569, %swap3A_1570] {strides = array<i32>} : memref<8x128xi32, #tpu.memory_space<vmem>>, vector<1x16xi32>,
      %swap3A_1572 = vector.shape_cast %swap3A_1571 : vector<1x16xi32> to vector<16xi32>
      %swap3A_1573 = vector.shape_cast %get3A_1567 : vector<16xi32> to vector<1x16xi32>
      tpu.vector_store %arg7[%swap3A_1569, %swap3A_1570], %swap3A_1573 {strides = array<i32>} : memref<8x128xi32, #tpu.memory_space<vmem>>, vector<1x16xi32>,
      %get3A_1574 = arith.constant 1 : i32
      %get3A_1575 = arith.index_cast %get3A_1574 : i32 to index
      %get3A_1576 = arith.constant 208 : index
      %get3A_1577 = tpu.vector_load %arg5[%get3A_1575, %get3A_1576] {strides = array<i32>} : memref<2x768xi32, #tpu.memory_space<vmem>>, vector<1x16xi32>,
      %get3A_1578 = vector.shape_cast %get3A_1577 : vector<1x16xi32> to vector<16xi32>
      %swap3A_1579 = arith.constant 1 : i32
      %swap3A_1580 = arith.index_cast %swap3A_1579 : i32 to index
      %swap3A_1581 = arith.constant 80 : index
      %swap3A_1582 = tpu.vector_load %arg7[%swap3A_1580, %swap3A_1581] {strides = array<i32>} : memref<8x128xi32, #tpu.memory_space<vmem>>, vector<1x16xi32>,
      %swap3A_1583 = vector.shape_cast %swap3A_1582 : vector<1x16xi32> to vector<16xi32>
      %swap3A_1584 = vector.shape_cast %get3A_1578 : vector<16xi32> to vector<1x16xi32>
      tpu.vector_store %arg7[%swap3A_1580, %swap3A_1581], %swap3A_1584 {strides = array<i32>} : memref<8x128xi32, #tpu.memory_space<vmem>>, vector<1x16xi32>,
      %get3A_1585 = arith.constant 1 : i32
      %get3A_1586 = arith.index_cast %get3A_1585 : i32 to index
      %get3A_1587 = arith.constant 224 : index
      %get3A_1588 = tpu.vector_load %arg5[%get3A_1586, %get3A_1587] {strides = array<i32>} : memref<2x768xi32, #tpu.memory_space<vmem>>, vector<1x16xi32>,
      %get3A_1589 = vector.shape_cast %get3A_1588 : vector<1x16xi32> to vector<16xi32>
      %swap3A_1590 = arith.constant 1 : i32
      %swap3A_1591 = arith.index_cast %swap3A_1590 : i32 to index
      %swap3A_1592 = arith.constant 96 : index
      %swap3A_1593 = tpu.vector_load %arg7[%swap3A_1591, %swap3A_1592] {strides = array<i32>} : memref<8x128xi32, #tpu.memory_space<vmem>>, vector<1x16xi32>,
      %swap3A_1594 = vector.shape_cast %swap3A_1593 : vector<1x16xi32> to vector<16xi32>
      %swap3A_1595 = vector.shape_cast %get3A_1589 : vector<16xi32> to vector<1x16xi32>
      tpu.vector_store %arg7[%swap3A_1591, %swap3A_1592], %swap3A_1595 {strides = array<i32>} : memref<8x128xi32, #tpu.memory_space<vmem>>, vector<1x16xi32>,
      %get3A_1596 = arith.constant 1 : i32
      %get3A_1597 = arith.index_cast %get3A_1596 : i32 to index
      %get3A_1598 = arith.constant 240 : index
      %get3A_1599 = tpu.vector_load %arg5[%get3A_1597, %get3A_1598] {strides = array<i32>} : memref<2x768xi32, #tpu.memory_space<vmem>>, vector<1x16xi32>,
      %get3A_1600 = vector.shape_cast %get3A_1599 : vector<1x16xi32> to vector<16xi32>
      %swap3A_1601 = arith.constant 1 : i32
      %swap3A_1602 = arith.index_cast %swap3A_1601 : i32 to index
      %swap3A_1603 = arith.constant 112 : index
      %swap3A_1604 = tpu.vector_load %arg7[%swap3A_1602, %swap3A_1603] {strides = array<i32>} : memref<8x128xi32, #tpu.memory_space<vmem>>, vector<1x16xi32>,
      %swap3A_1605 = vector.shape_cast %swap3A_1604 : vector<1x16xi32> to vector<16xi32>
      %swap3A_1606 = vector.shape_cast %get3A_1600 : vector<16xi32> to vector<1x16xi32>
      tpu.vector_store %arg7[%swap3A_1602, %swap3A_1603], %swap3A_1606 {strides = array<i32>} : memref<8x128xi32, #tpu.memory_space<vmem>>, vector<1x16xi32>,
      %get3A_1607 = arith.constant 1 : i32
      %get3A_1608 = arith.index_cast %get3A_1607 : i32 to index
      %get3A_1609 = arith.constant 256 : index
      %get3A_1610 = tpu.vector_load %arg5[%get3A_1608, %get3A_1609] {strides = array<i32>} : memref<2x768xi32, #tpu.memory_space<vmem>>, vector<1x16xi32>,
      %get3A_1611 = vector.shape_cast %get3A_1610 : vector<1x16xi32> to vector<16xi32>
      %swap3A_1612 = arith.constant 2 : i32
      %swap3A_1613 = arith.index_cast %swap3A_1612 : i32 to index
      %swap3A_1614 = arith.constant 0 : index
      %swap3A_1615 = tpu.vector_load %arg7[%swap3A_1613, %swap3A_1614] {strides = array<i32>} : memref<8x128xi32, #tpu.memory_space<vmem>>, vector<1x16xi32>,
      %swap3A_1616 = vector.shape_cast %swap3A_1615 : vector<1x16xi32> to vector<16xi32>
      %swap3A_1617 = vector.shape_cast %get3A_1611 : vector<16xi32> to vector<1x16xi32>
      tpu.vector_store %arg7[%swap3A_1613, %swap3A_1614], %swap3A_1617 {strides = array<i32>} : memref<8x128xi32, #tpu.memory_space<vmem>>, vector<1x16xi32>,
      %get3A_1618 = arith.constant 1 : i32
      %get3A_1619 = arith.index_cast %get3A_1618 : i32 to index
      %get3A_1620 = arith.constant 272 : index
      %get3A_1621 = tpu.vector_load %arg5[%get3A_1619, %get3A_1620] {strides = array<i32>} : memref<2x768xi32, #tpu.memory_space<vmem>>, vector<1x16xi32>,
      %get3A_1622 = vector.shape_cast %get3A_1621 : vector<1x16xi32> to vector<16xi32>
      %swap3A_1623 = arith.constant 2 : i32
      %swap3A_1624 = arith.index_cast %swap3A_1623 : i32 to index
      %swap3A_1625 = arith.constant 16 : index
      %swap3A_1626 = tpu.vector_load %arg7[%swap3A_1624, %swap3A_1625] {strides = array<i32>} : memref<8x128xi32, #tpu.memory_space<vmem>>, vector<1x16xi32>,
      %swap3A_1627 = vector.shape_cast %swap3A_1626 : vector<1x16xi32> to vector<16xi32>
      %swap3A_1628 = vector.shape_cast %get3A_1622 : vector<16xi32> to vector<1x16xi32>
      tpu.vector_store %arg7[%swap3A_1624, %swap3A_1625], %swap3A_1628 {strides = array<i32>} : memref<8x128xi32, #tpu.memory_space<vmem>>, vector<1x16xi32>,
      %get3A_1629 = arith.constant 1 : i32
      %get3A_1630 = arith.index_cast %get3A_1629 : i32 to index
      %get3A_1631 = arith.constant 288 : index
      %get3A_1632 = tpu.vector_load %arg5[%get3A_1630, %get3A_1631] {strides = array<i32>} : memref<2x768xi32, #tpu.memory_space<vmem>>, vector<1x16xi32>,
      %get3A_1633 = vector.shape_cast %get3A_1632 : vector<1x16xi32> to vector<16xi32>
      %swap3A_1634 = arith.constant 2 : i32
      %swap3A_1635 = arith.index_cast %swap3A_1634 : i32 to index
      %swap3A_1636 = arith.constant 32 : index
      %swap3A_1637 = tpu.vector_load %arg7[%swap3A_1635, %swap3A_1636] {strides = array<i32>} : memref<8x128xi32, #tpu.memory_space<vmem>>, vector<1x16xi32>,
      %swap3A_1638 = vector.shape_cast %swap3A_1637 : vector<1x16xi32> to vector<16xi32>
      %swap3A_1639 = vector.shape_cast %get3A_1633 : vector<16xi32> to vector<1x16xi32>
      tpu.vector_store %arg7[%swap3A_1635, %swap3A_1636], %swap3A_1639 {strides = array<i32>} : memref<8x128xi32, #tpu.memory_space<vmem>>, vector<1x16xi32>,
      %get3A_1640 = arith.constant 1 : i32
      %get3A_1641 = arith.index_cast %get3A_1640 : i32 to index
      %get3A_1642 = arith.constant 304 : index
      %get3A_1643 = tpu.vector_load %arg5[%get3A_1641, %get3A_1642] {strides = array<i32>} : memref<2x768xi32, #tpu.memory_space<vmem>>, vector<1x16xi32>,
      %get3A_1644 = vector.shape_cast %get3A_1643 : vector<1x16xi32> to vector<16xi32>
      %swap3A_1645 = arith.constant 2 : i32
      %swap3A_1646 = arith.index_cast %swap3A_1645 : i32 to index
      %swap3A_1647 = arith.constant 48 : index
      %swap3A_1648 = tpu.vector_load %arg7[%swap3A_1646, %swap3A_1647] {strides = array<i32>} : memref<8x128xi32, #tpu.memory_space<vmem>>, vector<1x16xi32>,
      %swap3A_1649 = vector.shape_cast %swap3A_1648 : vector<1x16xi32> to vector<16xi32>
      %swap3A_1650 = vector.shape_cast %get3A_1644 : vector<16xi32> to vector<1x16xi32>
      tpu.vector_store %arg7[%swap3A_1646, %swap3A_1647], %swap3A_1650 {strides = array<i32>} : memref<8x128xi32, #tpu.memory_space<vmem>>, vector<1x16xi32>,
      %get3A_1651 = arith.constant 1 : i32
      %get3A_1652 = arith.index_cast %get3A_1651 : i32 to index
      %get3A_1653 = arith.constant 320 : index
      %get3A_1654 = tpu.vector_load %arg5[%get3A_1652, %get3A_1653] {strides = array<i32>} : memref<2x768xi32, #tpu.memory_space<vmem>>, vector<1x16xi32>,
      %get3A_1655 = vector.shape_cast %get3A_1654 : vector<1x16xi32> to vector<16xi32>
      %swap3A_1656 = arith.constant 2 : i32
      %swap3A_1657 = arith.index_cast %swap3A_1656 : i32 to index
      %swap3A_1658 = arith.constant 64 : index
      %swap3A_1659 = tpu.vector_load %arg7[%swap3A_1657, %swap3A_1658] {strides = array<i32>} : memref<8x128xi32, #tpu.memory_space<vmem>>, vector<1x16xi32>,
      %swap3A_1660 = vector.shape_cast %swap3A_1659 : vector<1x16xi32> to vector<16xi32>
      %swap3A_1661 = vector.shape_cast %get3A_1655 : vector<16xi32> to vector<1x16xi32>
      tpu.vector_store %arg7[%swap3A_1657, %swap3A_1658], %swap3A_1661 {strides = array<i32>} : memref<8x128xi32, #tpu.memory_space<vmem>>, vector<1x16xi32>,
      %get3A_1662 = arith.constant 1 : i32
      %get3A_1663 = arith.index_cast %get3A_1662 : i32 to index
      %get3A_1664 = arith.constant 336 : index
      %get3A_1665 = tpu.vector_load %arg5[%get3A_1663, %get3A_1664] {strides = array<i32>} : memref<2x768xi32, #tpu.memory_space<vmem>>, vector<1x16xi32>,
      %get3A_1666 = vector.shape_cast %get3A_1665 : vector<1x16xi32> to vector<16xi32>
      %swap3A_1667 = arith.constant 2 : i32
      %swap3A_1668 = arith.index_cast %swap3A_1667 : i32 to index
      %swap3A_1669 = arith.constant 80 : index
      %swap3A_1670 = tpu.vector_load %arg7[%swap3A_1668, %swap3A_1669] {strides = array<i32>} : memref<8x128xi32, #tpu.memory_space<vmem>>, vector<1x16xi32>,
      %swap3A_1671 = vector.shape_cast %swap3A_1670 : vector<1x16xi32> to vector<16xi32>
      %swap3A_1672 = vector.shape_cast %get3A_1666 : vector<16xi32> to vector<1x16xi32>
      tpu.vector_store %arg7[%swap3A_1668, %swap3A_1669], %swap3A_1672 {strides = array<i32>} : memref<8x128xi32, #tpu.memory_space<vmem>>, vector<1x16xi32>,
      %get3A_1673 = arith.constant 1 : i32
      %get3A_1674 = arith.index_cast %get3A_1673 : i32 to index
      %get3A_1675 = arith.constant 352 : index
      %get3A_1676 = tpu.vector_load %arg5[%get3A_1674, %get3A_1675] {strides = array<i32>} : memref<2x768xi32, #tpu.memory_space<vmem>>, vector<1x16xi32>,
      %get3A_1677 = vector.shape_cast %get3A_1676 : vector<1x16xi32> to vector<16xi32>
      %swap3A_1678 = arith.constant 2 : i32
      %swap3A_1679 = arith.index_cast %swap3A_1678 : i32 to index
      %swap3A_1680 = arith.constant 96 : index
      %swap3A_1681 = tpu.vector_load %arg7[%swap3A_1679, %swap3A_1680] {strides = array<i32>} : memref<8x128xi32, #tpu.memory_space<vmem>>, vector<1x16xi32>,
      %swap3A_1682 = vector.shape_cast %swap3A_1681 : vector<1x16xi32> to vector<16xi32>
      %swap3A_1683 = vector.shape_cast %get3A_1677 : vector<16xi32> to vector<1x16xi32>
      tpu.vector_store %arg7[%swap3A_1679, %swap3A_1680], %swap3A_1683 {strides = array<i32>} : memref<8x128xi32, #tpu.memory_space<vmem>>, vector<1x16xi32>,
      %get3A_1684 = arith.constant 1 : i32
      %get3A_1685 = arith.index_cast %get3A_1684 : i32 to index
      %get3A_1686 = arith.constant 368 : index
      %get3A_1687 = tpu.vector_load %arg5[%get3A_1685, %get3A_1686] {strides = array<i32>} : memref<2x768xi32, #tpu.memory_space<vmem>>, vector<1x16xi32>,
      %get3A_1688 = vector.shape_cast %get3A_1687 : vector<1x16xi32> to vector<16xi32>
      %swap3A_1689 = arith.constant 2 : i32
      %swap3A_1690 = arith.index_cast %swap3A_1689 : i32 to index
      %swap3A_1691 = arith.constant 112 : index
      %swap3A_1692 = tpu.vector_load %arg7[%swap3A_1690, %swap3A_1691] {strides = array<i32>} : memref<8x128xi32, #tpu.memory_space<vmem>>, vector<1x16xi32>,
      %swap3A_1693 = vector.shape_cast %swap3A_1692 : vector<1x16xi32> to vector<16xi32>
      %swap3A_1694 = vector.shape_cast %get3A_1688 : vector<16xi32> to vector<1x16xi32>
      tpu.vector_store %arg7[%swap3A_1690, %swap3A_1691], %swap3A_1694 {strides = array<i32>} : memref<8x128xi32, #tpu.memory_space<vmem>>, vector<1x16xi32>,
      %get3A_1695 = arith.constant 1 : i32
      %get3A_1696 = arith.index_cast %get3A_1695 : i32 to index
      %get3A_1697 = arith.constant 384 : index
      %get3A_1698 = tpu.vector_load %arg5[%get3A_1696, %get3A_1697] {strides = array<i32>} : memref<2x768xi32, #tpu.memory_space<vmem>>, vector<1x16xi32>,
      %get3A_1699 = vector.shape_cast %get3A_1698 : vector<1x16xi32> to vector<16xi32>
      %swap3A_1700 = arith.constant 3 : i32
      %swap3A_1701 = arith.index_cast %swap3A_1700 : i32 to index
      %swap3A_1702 = arith.constant 0 : index
      %swap3A_1703 = tpu.vector_load %arg7[%swap3A_1701, %swap3A_1702] {strides = array<i32>} : memref<8x128xi32, #tpu.memory_space<vmem>>, vector<1x16xi32>,
      %swap3A_1704 = vector.shape_cast %swap3A_1703 : vector<1x16xi32> to vector<16xi32>
      %swap3A_1705 = vector.shape_cast %get3A_1699 : vector<16xi32> to vector<1x16xi32>
      tpu.vector_store %arg7[%swap3A_1701, %swap3A_1702], %swap3A_1705 {strides = array<i32>} : memref<8x128xi32, #tpu.memory_space<vmem>>, vector<1x16xi32>,
      %get3A_1706 = arith.constant 1 : i32
      %get3A_1707 = arith.index_cast %get3A_1706 : i32 to index
      %get3A_1708 = arith.constant 400 : index
      %get3A_1709 = tpu.vector_load %arg5[%get3A_1707, %get3A_1708] {strides = array<i32>} : memref<2x768xi32, #tpu.memory_space<vmem>>, vector<1x16xi32>,
      %get3A_1710 = vector.shape_cast %get3A_1709 : vector<1x16xi32> to vector<16xi32>
      %swap3A_1711 = arith.constant 3 : i32
      %swap3A_1712 = arith.index_cast %swap3A_1711 : i32 to index
      %swap3A_1713 = arith.constant 16 : index
      %swap3A_1714 = tpu.vector_load %arg7[%swap3A_1712, %swap3A_1713] {strides = array<i32>} : memref<8x128xi32, #tpu.memory_space<vmem>>, vector<1x16xi32>,
      %swap3A_1715 = vector.shape_cast %swap3A_1714 : vector<1x16xi32> to vector<16xi32>
      %swap3A_1716 = vector.shape_cast %get3A_1710 : vector<16xi32> to vector<1x16xi32>
      tpu.vector_store %arg7[%swap3A_1712, %swap3A_1713], %swap3A_1716 {strides = array<i32>} : memref<8x128xi32, #tpu.memory_space<vmem>>, vector<1x16xi32>,
      %get3A_1717 = arith.constant 1 : i32
      %get3A_1718 = arith.index_cast %get3A_1717 : i32 to index
      %get3A_1719 = arith.constant 416 : index
      %get3A_1720 = tpu.vector_load %arg5[%get3A_1718, %get3A_1719] {strides = array<i32>} : memref<2x768xi32, #tpu.memory_space<vmem>>, vector<1x16xi32>,
      %get3A_1721 = vector.shape_cast %get3A_1720 : vector<1x16xi32> to vector<16xi32>
      %swap3A_1722 = arith.constant 3 : i32
      %swap3A_1723 = arith.index_cast %swap3A_1722 : i32 to index
      %swap3A_1724 = arith.constant 32 : index
      %swap3A_1725 = tpu.vector_load %arg7[%swap3A_1723, %swap3A_1724] {strides = array<i32>} : memref<8x128xi32, #tpu.memory_space<vmem>>, vector<1x16xi32>,
      %swap3A_1726 = vector.shape_cast %swap3A_1725 : vector<1x16xi32> to vector<16xi32>
      %swap3A_1727 = vector.shape_cast %get3A_1721 : vector<16xi32> to vector<1x16xi32>
      tpu.vector_store %arg7[%swap3A_1723, %swap3A_1724], %swap3A_1727 {strides = array<i32>} : memref<8x128xi32, #tpu.memory_space<vmem>>, vector<1x16xi32>,
      %get3A_1728 = arith.constant 1 : i32
      %get3A_1729 = arith.index_cast %get3A_1728 : i32 to index
      %get3A_1730 = arith.constant 432 : index
      %get3A_1731 = tpu.vector_load %arg5[%get3A_1729, %get3A_1730] {strides = array<i32>} : memref<2x768xi32, #tpu.memory_space<vmem>>, vector<1x16xi32>,
      %get3A_1732 = vector.shape_cast %get3A_1731 : vector<1x16xi32> to vector<16xi32>
      %swap3A_1733 = arith.constant 3 : i32
      %swap3A_1734 = arith.index_cast %swap3A_1733 : i32 to index
      %swap3A_1735 = arith.constant 48 : index
      %swap3A_1736 = tpu.vector_load %arg7[%swap3A_1734, %swap3A_1735] {strides = array<i32>} : memref<8x128xi32, #tpu.memory_space<vmem>>, vector<1x16xi32>,
      %swap3A_1737 = vector.shape_cast %swap3A_1736 : vector<1x16xi32> to vector<16xi32>
      %swap3A_1738 = vector.shape_cast %get3A_1732 : vector<16xi32> to vector<1x16xi32>
      tpu.vector_store %arg7[%swap3A_1734, %swap3A_1735], %swap3A_1738 {strides = array<i32>} : memref<8x128xi32, #tpu.memory_space<vmem>>, vector<1x16xi32>,
      %get3A_1739 = arith.constant 1 : i32
      %get3A_1740 = arith.index_cast %get3A_1739 : i32 to index
      %get3A_1741 = arith.constant 448 : index
      %get3A_1742 = tpu.vector_load %arg5[%get3A_1740, %get3A_1741] {strides = array<i32>} : memref<2x768xi32, #tpu.memory_space<vmem>>, vector<1x16xi32>,
      %get3A_1743 = vector.shape_cast %get3A_1742 : vector<1x16xi32> to vector<16xi32>
      %swap3A_1744 = arith.constant 3 : i32
      %swap3A_1745 = arith.index_cast %swap3A_1744 : i32 to index
      %swap3A_1746 = arith.constant 64 : index
      %swap3A_1747 = tpu.vector_load %arg7[%swap3A_1745, %swap3A_1746] {strides = array<i32>} : memref<8x128xi32, #tpu.memory_space<vmem>>, vector<1x16xi32>,
      %swap3A_1748 = vector.shape_cast %swap3A_1747 : vector<1x16xi32> to vector<16xi32>
      %swap3A_1749 = vector.shape_cast %get3A_1743 : vector<16xi32> to vector<1x16xi32>
      tpu.vector_store %arg7[%swap3A_1745, %swap3A_1746], %swap3A_1749 {strides = array<i32>} : memref<8x128xi32, #tpu.memory_space<vmem>>, vector<1x16xi32>,
      %get3A_1750 = arith.constant 1 : i32
      %get3A_1751 = arith.index_cast %get3A_1750 : i32 to index
      %get3A_1752 = arith.constant 464 : index
      %get3A_1753 = tpu.vector_load %arg5[%get3A_1751, %get3A_1752] {strides = array<i32>} : memref<2x768xi32, #tpu.memory_space<vmem>>, vector<1x16xi32>,
      %get3A_1754 = vector.shape_cast %get3A_1753 : vector<1x16xi32> to vector<16xi32>
      %swap3A_1755 = arith.constant 3 : i32
      %swap3A_1756 = arith.index_cast %swap3A_1755 : i32 to index
      %swap3A_1757 = arith.constant 80 : index
      %swap3A_1758 = tpu.vector_load %arg7[%swap3A_1756, %swap3A_1757] {strides = array<i32>} : memref<8x128xi32, #tpu.memory_space<vmem>>, vector<1x16xi32>,
      %swap3A_1759 = vector.shape_cast %swap3A_1758 : vector<1x16xi32> to vector<16xi32>
      %swap3A_1760 = vector.shape_cast %get3A_1754 : vector<16xi32> to vector<1x16xi32>
      tpu.vector_store %arg7[%swap3A_1756, %swap3A_1757], %swap3A_1760 {strides = array<i32>} : memref<8x128xi32, #tpu.memory_space<vmem>>, vector<1x16xi32>,
      %get3A_1761 = arith.constant 1 : i32
      %get3A_1762 = arith.index_cast %get3A_1761 : i32 to index
      %get3A_1763 = arith.constant 480 : index
      %get3A_1764 = tpu.vector_load %arg5[%get3A_1762, %get3A_1763] {strides = array<i32>} : memref<2x768xi32, #tpu.memory_space<vmem>>, vector<1x16xi32>,
      %get3A_1765 = vector.shape_cast %get3A_1764 : vector<1x16xi32> to vector<16xi32>
      %swap3A_1766 = arith.constant 3 : i32
      %swap3A_1767 = arith.index_cast %swap3A_1766 : i32 to index
      %swap3A_1768 = arith.constant 96 : index
      %swap3A_1769 = tpu.vector_load %arg7[%swap3A_1767, %swap3A_1768] {strides = array<i32>} : memref<8x128xi32, #tpu.memory_space<vmem>>, vector<1x16xi32>,
      %swap3A_1770 = vector.shape_cast %swap3A_1769 : vector<1x16xi32> to vector<16xi32>
      %swap3A_1771 = vector.shape_cast %get3A_1765 : vector<16xi32> to vector<1x16xi32>
      tpu.vector_store %arg7[%swap3A_1767, %swap3A_1768], %swap3A_1771 {strides = array<i32>} : memref<8x128xi32, #tpu.memory_space<vmem>>, vector<1x16xi32>,
      %get3A_1772 = arith.constant 1 : i32
      %get3A_1773 = arith.index_cast %get3A_1772 : i32 to index
      %get3A_1774 = arith.constant 496 : index
      %get3A_1775 = tpu.vector_load %arg5[%get3A_1773, %get3A_1774] {strides = array<i32>} : memref<2x768xi32, #tpu.memory_space<vmem>>, vector<1x16xi32>,
      %get3A_1776 = vector.shape_cast %get3A_1775 : vector<1x16xi32> to vector<16xi32>
      %swap3A_1777 = arith.constant 3 : i32
      %swap3A_1778 = arith.index_cast %swap3A_1777 : i32 to index
      %swap3A_1779 = arith.constant 112 : index
      %swap3A_1780 = tpu.vector_load %arg7[%swap3A_1778, %swap3A_1779] {strides = array<i32>} : memref<8x128xi32, #tpu.memory_space<vmem>>, vector<1x16xi32>,
      %swap3A_1781 = vector.shape_cast %swap3A_1780 : vector<1x16xi32> to vector<16xi32>
      %swap3A_1782 = vector.shape_cast %get3A_1776 : vector<16xi32> to vector<1x16xi32>
      tpu.vector_store %arg7[%swap3A_1778, %swap3A_1779], %swap3A_1782 {strides = array<i32>} : memref<8x128xi32, #tpu.memory_space<vmem>>, vector<1x16xi32>,
      %get3A_1783 = arith.constant 1 : i32
      %get3A_1784 = arith.index_cast %get3A_1783 : i32 to index
      %get3A_1785 = arith.constant 512 : index
      %get3A_1786 = tpu.vector_load %arg5[%get3A_1784, %get3A_1785] {strides = array<i32>} : memref<2x768xi32, #tpu.memory_space<vmem>>, vector<1x16xi32>,
      %get3A_1787 = vector.shape_cast %get3A_1786 : vector<1x16xi32> to vector<16xi32>
      %swap3A_1788 = arith.constant 4 : i32
      %swap3A_1789 = arith.index_cast %swap3A_1788 : i32 to index
      %swap3A_1790 = arith.constant 0 : index
      %swap3A_1791 = tpu.vector_load %arg7[%swap3A_1789, %swap3A_1790] {strides = array<i32>} : memref<8x128xi32, #tpu.memory_space<vmem>>, vector<1x16xi32>,
      %swap3A_1792 = vector.shape_cast %swap3A_1791 : vector<1x16xi32> to vector<16xi32>
      %swap3A_1793 = vector.shape_cast %get3A_1787 : vector<16xi32> to vector<1x16xi32>
      tpu.vector_store %arg7[%swap3A_1789, %swap3A_1790], %swap3A_1793 {strides = array<i32>} : memref<8x128xi32, #tpu.memory_space<vmem>>, vector<1x16xi32>,
      %get3A_1794 = arith.constant 1 : i32
      %get3A_1795 = arith.index_cast %get3A_1794 : i32 to index
      %get3A_1796 = arith.constant 528 : index
      %get3A_1797 = tpu.vector_load %arg5[%get3A_1795, %get3A_1796] {strides = array<i32>} : memref<2x768xi32, #tpu.memory_space<vmem>>, vector<1x16xi32>,
      %get3A_1798 = vector.shape_cast %get3A_1797 : vector<1x16xi32> to vector<16xi32>
      %swap3A_1799 = arith.constant 4 : i32
      %swap3A_1800 = arith.index_cast %swap3A_1799 : i32 to index
      %swap3A_1801 = arith.constant 16 : index
      %swap3A_1802 = tpu.vector_load %arg7[%swap3A_1800, %swap3A_1801] {strides = array<i32>} : memref<8x128xi32, #tpu.memory_space<vmem>>, vector<1x16xi32>,
      %swap3A_1803 = vector.shape_cast %swap3A_1802 : vector<1x16xi32> to vector<16xi32>
      %swap3A_1804 = vector.shape_cast %get3A_1798 : vector<16xi32> to vector<1x16xi32>
      tpu.vector_store %arg7[%swap3A_1800, %swap3A_1801], %swap3A_1804 {strides = array<i32>} : memref<8x128xi32, #tpu.memory_space<vmem>>, vector<1x16xi32>,
      %get3A_1805 = arith.constant 1 : i32
      %get3A_1806 = arith.index_cast %get3A_1805 : i32 to index
      %get3A_1807 = arith.constant 544 : index
      %get3A_1808 = tpu.vector_load %arg5[%get3A_1806, %get3A_1807] {strides = array<i32>} : memref<2x768xi32, #tpu.memory_space<vmem>>, vector<1x16xi32>,
      %get3A_1809 = vector.shape_cast %get3A_1808 : vector<1x16xi32> to vector<16xi32>
      %swap3A_1810 = arith.constant 4 : i32
      %swap3A_1811 = arith.index_cast %swap3A_1810 : i32 to index
      %swap3A_1812 = arith.constant 32 : index
      %swap3A_1813 = tpu.vector_load %arg7[%swap3A_1811, %swap3A_1812] {strides = array<i32>} : memref<8x128xi32, #tpu.memory_space<vmem>>, vector<1x16xi32>,
      %swap3A_1814 = vector.shape_cast %swap3A_1813 : vector<1x16xi32> to vector<16xi32>
      %swap3A_1815 = vector.shape_cast %get3A_1809 : vector<16xi32> to vector<1x16xi32>
      tpu.vector_store %arg7[%swap3A_1811, %swap3A_1812], %swap3A_1815 {strides = array<i32>} : memref<8x128xi32, #tpu.memory_space<vmem>>, vector<1x16xi32>,
      %get3A_1816 = arith.constant 1 : i32
      %get3A_1817 = arith.index_cast %get3A_1816 : i32 to index
      %get3A_1818 = arith.constant 560 : index
      %get3A_1819 = tpu.vector_load %arg5[%get3A_1817, %get3A_1818] {strides = array<i32>} : memref<2x768xi32, #tpu.memory_space<vmem>>, vector<1x16xi32>,
      %get3A_1820 = vector.shape_cast %get3A_1819 : vector<1x16xi32> to vector<16xi32>
      %swap3A_1821 = arith.constant 4 : i32
      %swap3A_1822 = arith.index_cast %swap3A_1821 : i32 to index
      %swap3A_1823 = arith.constant 48 : index
      %swap3A_1824 = tpu.vector_load %arg7[%swap3A_1822, %swap3A_1823] {strides = array<i32>} : memref<8x128xi32, #tpu.memory_space<vmem>>, vector<1x16xi32>,
      %swap3A_1825 = vector.shape_cast %swap3A_1824 : vector<1x16xi32> to vector<16xi32>
      %swap3A_1826 = vector.shape_cast %get3A_1820 : vector<16xi32> to vector<1x16xi32>
      tpu.vector_store %arg7[%swap3A_1822, %swap3A_1823], %swap3A_1826 {strides = array<i32>} : memref<8x128xi32, #tpu.memory_space<vmem>>, vector<1x16xi32>,
      %get3A_1827 = arith.constant 1 : i32
      %get3A_1828 = arith.index_cast %get3A_1827 : i32 to index
      %get3A_1829 = arith.constant 576 : index
      %get3A_1830 = tpu.vector_load %arg5[%get3A_1828, %get3A_1829] {strides = array<i32>} : memref<2x768xi32, #tpu.memory_space<vmem>>, vector<1x16xi32>,
      %get3A_1831 = vector.shape_cast %get3A_1830 : vector<1x16xi32> to vector<16xi32>
      %swap3A_1832 = arith.constant 4 : i32
      %swap3A_1833 = arith.index_cast %swap3A_1832 : i32 to index
      %swap3A_1834 = arith.constant 64 : index
      %swap3A_1835 = tpu.vector_load %arg7[%swap3A_1833, %swap3A_1834] {strides = array<i32>} : memref<8x128xi32, #tpu.memory_space<vmem>>, vector<1x16xi32>,
      %swap3A_1836 = vector.shape_cast %swap3A_1835 : vector<1x16xi32> to vector<16xi32>
      %swap3A_1837 = vector.shape_cast %get3A_1831 : vector<16xi32> to vector<1x16xi32>
      tpu.vector_store %arg7[%swap3A_1833, %swap3A_1834], %swap3A_1837 {strides = array<i32>} : memref<8x128xi32, #tpu.memory_space<vmem>>, vector<1x16xi32>,
      %get3A_1838 = arith.constant 1 : i32
      %get3A_1839 = arith.index_cast %get3A_1838 : i32 to index
      %get3A_1840 = arith.constant 592 : index
      %get3A_1841 = tpu.vector_load %arg5[%get3A_1839, %get3A_1840] {strides = array<i32>} : memref<2x768xi32, #tpu.memory_space<vmem>>, vector<1x16xi32>,
      %get3A_1842 = vector.shape_cast %get3A_1841 : vector<1x16xi32> to vector<16xi32>
      %swap3A_1843 = arith.constant 4 : i32
      %swap3A_1844 = arith.index_cast %swap3A_1843 : i32 to index
      %swap3A_1845 = arith.constant 80 : index
      %swap3A_1846 = tpu.vector_load %arg7[%swap3A_1844, %swap3A_1845] {strides = array<i32>} : memref<8x128xi32, #tpu.memory_space<vmem>>, vector<1x16xi32>,
      %swap3A_1847 = vector.shape_cast %swap3A_1846 : vector<1x16xi32> to vector<16xi32>
      %swap3A_1848 = vector.shape_cast %get3A_1842 : vector<16xi32> to vector<1x16xi32>
      tpu.vector_store %arg7[%swap3A_1844, %swap3A_1845], %swap3A_1848 {strides = array<i32>} : memref<8x128xi32, #tpu.memory_space<vmem>>, vector<1x16xi32>,
      %get3A_1849 = arith.constant 1 : i32
      %get3A_1850 = arith.index_cast %get3A_1849 : i32 to index
      %get3A_1851 = arith.constant 608 : index
      %get3A_1852 = tpu.vector_load %arg5[%get3A_1850, %get3A_1851] {strides = array<i32>} : memref<2x768xi32, #tpu.memory_space<vmem>>, vector<1x16xi32>,
      %get3A_1853 = vector.shape_cast %get3A_1852 : vector<1x16xi32> to vector<16xi32>
      %swap3A_1854 = arith.constant 4 : i32
      %swap3A_1855 = arith.index_cast %swap3A_1854 : i32 to index
      %swap3A_1856 = arith.constant 96 : index
      %swap3A_1857 = tpu.vector_load %arg7[%swap3A_1855, %swap3A_1856] {strides = array<i32>} : memref<8x128xi32, #tpu.memory_space<vmem>>, vector<1x16xi32>,
      %swap3A_1858 = vector.shape_cast %swap3A_1857 : vector<1x16xi32> to vector<16xi32>
      %swap3A_1859 = vector.shape_cast %get3A_1853 : vector<16xi32> to vector<1x16xi32>
      tpu.vector_store %arg7[%swap3A_1855, %swap3A_1856], %swap3A_1859 {strides = array<i32>} : memref<8x128xi32, #tpu.memory_space<vmem>>, vector<1x16xi32>,
      %get3A_1860 = arith.constant 1 : i32
      %get3A_1861 = arith.index_cast %get3A_1860 : i32 to index
      %get3A_1862 = arith.constant 624 : index
      %get3A_1863 = tpu.vector_load %arg5[%get3A_1861, %get3A_1862] {strides = array<i32>} : memref<2x768xi32, #tpu.memory_space<vmem>>, vector<1x16xi32>,
      %get3A_1864 = vector.shape_cast %get3A_1863 : vector<1x16xi32> to vector<16xi32>
      %swap3A_1865 = arith.constant 4 : i32
      %swap3A_1866 = arith.index_cast %swap3A_1865 : i32 to index
      %swap3A_1867 = arith.constant 112 : index
      %swap3A_1868 = tpu.vector_load %arg7[%swap3A_1866, %swap3A_1867] {strides = array<i32>} : memref<8x128xi32, #tpu.memory_space<vmem>>, vector<1x16xi32>,
      %swap3A_1869 = vector.shape_cast %swap3A_1868 : vector<1x16xi32> to vector<16xi32>
      %swap3A_1870 = vector.shape_cast %get3A_1864 : vector<16xi32> to vector<1x16xi32>
      tpu.vector_store %arg7[%swap3A_1866, %swap3A_1867], %swap3A_1870 {strides = array<i32>} : memref<8x128xi32, #tpu.memory_space<vmem>>, vector<1x16xi32>,
      %get3A_1871 = arith.constant 1 : i32
      %get3A_1872 = arith.index_cast %get3A_1871 : i32 to index
      %get3A_1873 = arith.constant 640 : index
      %get3A_1874 = tpu.vector_load %arg5[%get3A_1872, %get3A_1873] {strides = array<i32>} : memref<2x768xi32, #tpu.memory_space<vmem>>, vector<1x16xi32>,
      %get3A_1875 = vector.shape_cast %get3A_1874 : vector<1x16xi32> to vector<16xi32>
      %swap3A_1876 = arith.constant 5 : i32
      %swap3A_1877 = arith.index_cast %swap3A_1876 : i32 to index
      %swap3A_1878 = arith.constant 0 : index
      %swap3A_1879 = tpu.vector_load %arg7[%swap3A_1877, %swap3A_1878] {strides = array<i32>} : memref<8x128xi32, #tpu.memory_space<vmem>>, vector<1x16xi32>,
      %swap3A_1880 = vector.shape_cast %swap3A_1879 : vector<1x16xi32> to vector<16xi32>
      %swap3A_1881 = vector.shape_cast %get3A_1875 : vector<16xi32> to vector<1x16xi32>
      tpu.vector_store %arg7[%swap3A_1877, %swap3A_1878], %swap3A_1881 {strides = array<i32>} : memref<8x128xi32, #tpu.memory_space<vmem>>, vector<1x16xi32>,
      %get3A_1882 = arith.constant 1 : i32
      %get3A_1883 = arith.index_cast %get3A_1882 : i32 to index
      %get3A_1884 = arith.constant 656 : index
      %get3A_1885 = tpu.vector_load %arg5[%get3A_1883, %get3A_1884] {strides = array<i32>} : memref<2x768xi32, #tpu.memory_space<vmem>>, vector<1x16xi32>,
      %get3A_1886 = vector.shape_cast %get3A_1885 : vector<1x16xi32> to vector<16xi32>
      %swap3A_1887 = arith.constant 5 : i32
      %swap3A_1888 = arith.index_cast %swap3A_1887 : i32 to index
      %swap3A_1889 = arith.constant 16 : index
      %swap3A_1890 = tpu.vector_load %arg7[%swap3A_1888, %swap3A_1889] {strides = array<i32>} : memref<8x128xi32, #tpu.memory_space<vmem>>, vector<1x16xi32>,
      %swap3A_1891 = vector.shape_cast %swap3A_1890 : vector<1x16xi32> to vector<16xi32>
      %swap3A_1892 = vector.shape_cast %get3A_1886 : vector<16xi32> to vector<1x16xi32>
      tpu.vector_store %arg7[%swap3A_1888, %swap3A_1889], %swap3A_1892 {strides = array<i32>} : memref<8x128xi32, #tpu.memory_space<vmem>>, vector<1x16xi32>,
      %get3A_1893 = arith.constant 1 : i32
      %get3A_1894 = arith.index_cast %get3A_1893 : i32 to index
      %get3A_1895 = arith.constant 672 : index
      %get3A_1896 = tpu.vector_load %arg5[%get3A_1894, %get3A_1895] {strides = array<i32>} : memref<2x768xi32, #tpu.memory_space<vmem>>, vector<1x16xi32>,
      %get3A_1897 = vector.shape_cast %get3A_1896 : vector<1x16xi32> to vector<16xi32>
      %swap3A_1898 = arith.constant 5 : i32
      %swap3A_1899 = arith.index_cast %swap3A_1898 : i32 to index
      %swap3A_1900 = arith.constant 32 : index
      %swap3A_1901 = tpu.vector_load %arg7[%swap3A_1899, %swap3A_1900] {strides = array<i32>} : memref<8x128xi32, #tpu.memory_space<vmem>>, vector<1x16xi32>,
      %swap3A_1902 = vector.shape_cast %swap3A_1901 : vector<1x16xi32> to vector<16xi32>
      %swap3A_1903 = vector.shape_cast %get3A_1897 : vector<16xi32> to vector<1x16xi32>
      tpu.vector_store %arg7[%swap3A_1899, %swap3A_1900], %swap3A_1903 {strides = array<i32>} : memref<8x128xi32, #tpu.memory_space<vmem>>, vector<1x16xi32>,
      %get3A_1904 = arith.constant 1 : i32
      %get3A_1905 = arith.index_cast %get3A_1904 : i32 to index
      %get3A_1906 = arith.constant 688 : index
      %get3A_1907 = tpu.vector_load %arg5[%get3A_1905, %get3A_1906] {strides = array<i32>} : memref<2x768xi32, #tpu.memory_space<vmem>>, vector<1x16xi32>,
      %get3A_1908 = vector.shape_cast %get3A_1907 : vector<1x16xi32> to vector<16xi32>
      %swap3A_1909 = arith.constant 5 : i32
      %swap3A_1910 = arith.index_cast %swap3A_1909 : i32 to index
      %swap3A_1911 = arith.constant 48 : index
      %swap3A_1912 = tpu.vector_load %arg7[%swap3A_1910, %swap3A_1911] {strides = array<i32>} : memref<8x128xi32, #tpu.memory_space<vmem>>, vector<1x16xi32>,
      %swap3A_1913 = vector.shape_cast %swap3A_1912 : vector<1x16xi32> to vector<16xi32>
      %swap3A_1914 = vector.shape_cast %get3A_1908 : vector<16xi32> to vector<1x16xi32>
      tpu.vector_store %arg7[%swap3A_1910, %swap3A_1911], %swap3A_1914 {strides = array<i32>} : memref<8x128xi32, #tpu.memory_space<vmem>>, vector<1x16xi32>,
      %get3A_1915 = arith.constant 1 : i32
      %get3A_1916 = arith.index_cast %get3A_1915 : i32 to index
      %get3A_1917 = arith.constant 704 : index
      %get3A_1918 = tpu.vector_load %arg5[%get3A_1916, %get3A_1917] {strides = array<i32>} : memref<2x768xi32, #tpu.memory_space<vmem>>, vector<1x16xi32>,
      %get3A_1919 = vector.shape_cast %get3A_1918 : vector<1x16xi32> to vector<16xi32>
      %swap3A_1920 = arith.constant 5 : i32
      %swap3A_1921 = arith.index_cast %swap3A_1920 : i32 to index
      %swap3A_1922 = arith.constant 64 : index
      %swap3A_1923 = tpu.vector_load %arg7[%swap3A_1921, %swap3A_1922] {strides = array<i32>} : memref<8x128xi32, #tpu.memory_space<vmem>>, vector<1x16xi32>,
      %swap3A_1924 = vector.shape_cast %swap3A_1923 : vector<1x16xi32> to vector<16xi32>
      %swap3A_1925 = vector.shape_cast %get3A_1919 : vector<16xi32> to vector<1x16xi32>
      tpu.vector_store %arg7[%swap3A_1921, %swap3A_1922], %swap3A_1925 {strides = array<i32>} : memref<8x128xi32, #tpu.memory_space<vmem>>, vector<1x16xi32>,
      %get3A_1926 = arith.constant 1 : i32
      %get3A_1927 = arith.index_cast %get3A_1926 : i32 to index
      %get3A_1928 = arith.constant 720 : index
      %get3A_1929 = tpu.vector_load %arg5[%get3A_1927, %get3A_1928] {strides = array<i32>} : memref<2x768xi32, #tpu.memory_space<vmem>>, vector<1x16xi32>,
      %get3A_1930 = vector.shape_cast %get3A_1929 : vector<1x16xi32> to vector<16xi32>
      %swap3A_1931 = arith.constant 5 : i32
      %swap3A_1932 = arith.index_cast %swap3A_1931 : i32 to index
      %swap3A_1933 = arith.constant 80 : index
      %swap3A_1934 = tpu.vector_load %arg7[%swap3A_1932, %swap3A_1933] {strides = array<i32>} : memref<8x128xi32, #tpu.memory_space<vmem>>, vector<1x16xi32>,
      %swap3A_1935 = vector.shape_cast %swap3A_1934 : vector<1x16xi32> to vector<16xi32>
      %swap3A_1936 = vector.shape_cast %get3A_1930 : vector<16xi32> to vector<1x16xi32>
      tpu.vector_store %arg7[%swap3A_1932, %swap3A_1933], %swap3A_1936 {strides = array<i32>} : memref<8x128xi32, #tpu.memory_space<vmem>>, vector<1x16xi32>,
      %get3A_1937 = arith.constant 1 : i32
      %get3A_1938 = arith.index_cast %get3A_1937 : i32 to index
      %get3A_1939 = arith.constant 736 : index
      %get3A_1940 = tpu.vector_load %arg5[%get3A_1938, %get3A_1939] {strides = array<i32>} : memref<2x768xi32, #tpu.memory_space<vmem>>, vector<1x16xi32>,
      %get3A_1941 = vector.shape_cast %get3A_1940 : vector<1x16xi32> to vector<16xi32>
      %swap3A_1942 = arith.constant 5 : i32
      %swap3A_1943 = arith.index_cast %swap3A_1942 : i32 to index
      %swap3A_1944 = arith.constant 96 : index
      %swap3A_1945 = tpu.vector_load %arg7[%swap3A_1943, %swap3A_1944] {strides = array<i32>} : memref<8x128xi32, #tpu.memory_space<vmem>>, vector<1x16xi32>,
      %swap3A_1946 = vector.shape_cast %swap3A_1945 : vector<1x16xi32> to vector<16xi32>
      %swap3A_1947 = vector.shape_cast %get3A_1941 : vector<16xi32> to vector<1x16xi32>
      tpu.vector_store %arg7[%swap3A_1943, %swap3A_1944], %swap3A_1947 {strides = array<i32>} : memref<8x128xi32, #tpu.memory_space<vmem>>, vector<1x16xi32>,
      %get3A_1948 = arith.constant 1 : i32
      %get3A_1949 = arith.index_cast %get3A_1948 : i32 to index
      %get3A_1950 = arith.constant 752 : index
      %get3A_1951 = tpu.vector_load %arg5[%get3A_1949, %get3A_1950] {strides = array<i32>} : memref<2x768xi32, #tpu.memory_space<vmem>>, vector<1x16xi32>,
      %get3A_1952 = vector.shape_cast %get3A_1951 : vector<1x16xi32> to vector<16xi32>
      %swap3A_1953 = arith.constant 5 : i32
      %swap3A_1954 = arith.index_cast %swap3A_1953 : i32 to index
      %swap3A_1955 = arith.constant 112 : index
      %swap3A_1956 = tpu.vector_load %arg7[%swap3A_1954, %swap3A_1955] {strides = array<i32>} : memref<8x128xi32, #tpu.memory_space<vmem>>, vector<1x16xi32>,
      %swap3A_1957 = vector.shape_cast %swap3A_1956 : vector<1x16xi32> to vector<16xi32>
      %swap3A_1958 = vector.shape_cast %get3A_1952 : vector<16xi32> to vector<1x16xi32>
      tpu.vector_store %arg7[%swap3A_1954, %swap3A_1955], %swap3A_1958 {strides = array<i32>} : memref<8x128xi32, #tpu.memory_space<vmem>>, vector<1x16xi32>,
      %dma_start3A_1959 = arith.constant 0 : i32
      %dma_start3A_1960 = arith.constant 128 : i32
      %dma_start3A_1961 = tpu.memref_slice %arg5[%dma_start3A_1959, %dma_start3A_1960] : memref<2x768xi32, #tpu.memory_space<vmem>> -> memref<1x128xi32, #tpu.memory_space<vmem>>
      %dma_start3A_1962 = tpu.memref_squeeze %dma_start3A_1961 : memref<1x128xi32, #tpu.memory_space<vmem>> -> memref<128xi32, #tpu.memory_space<vmem>>
      %dma_start3A_1963 = arith.constant 0 : i32
      %dma_start3A_1964 = arith.constant 0 : i32
      %dma_start3A_1965 = tpu.memref_slice %arg2[%dma_start3A_1963, %dma_start3A_1964] : memref<10000x128xf32, #tpu.memory_space<hbm>> -> memref<10000x128xf32, #tpu.memory_space<hbm>>
      tpu.enqueue_indirect_dma source(%dma_start3A_1965 : memref<10000x128xf32, #tpu.memory_space<hbm>>) target(%arg10 : memref<128x128xf32, #tpu.memory_space<vmem>>) offsets(%dma_start3A_1962 : memref<128xi32, #tpu.memory_space<vmem>>) semaphore(%arg16 : memref<!tpu.dma_semaphore, #tpu.memory_space<semaphore_mem>>)
      %dma_wait3A_1966 = arith.constant 0 : i32
      %dma_wait3A_1967 = arith.constant 0 : i32
      %dma_wait3A_1968 = tpu.memref_slice %arg5[%dma_wait3A_1966, %dma_wait3A_1967] : memref<2x768xi32, #tpu.memory_space<vmem>> -> memref<1x128xi32, #tpu.memory_space<vmem>>
      %dma_wait3A_1969 = tpu.memref_squeeze %dma_wait3A_1968 : memref<1x128xi32, #tpu.memory_space<vmem>> -> memref<128xi32, #tpu.memory_space<vmem>>
      %dma_wait3A_1970 = arith.constant 0 : i32
      %dma_wait3A_1971 = arith.constant 0 : i32
      %dma_wait3A_1972 = tpu.memref_slice %arg2[%dma_wait3A_1970, %dma_wait3A_1971] : memref<10000x128xf32, #tpu.memory_space<hbm>> -> memref<10000x128xf32, #tpu.memory_space<hbm>>
      tpu.wait_indirect_dma semaphore(%arg15 : memref<!tpu.dma_semaphore, #tpu.memory_space<semaphore_mem>>) src(%dma_wait3A_1972 : memref<10000x128xf32, #tpu.memory_space<hbm>>) dst(%arg9 : memref<128x128xf32, #tpu.memory_space<vmem>>)
      %run_scoped3A_1973 = arith.constant 0 : i32
      "tpu.region"() ({
        %run_scoped3A_2694 = tpu.sem_alloc : memref<!tpu.dma_semaphore, #tpu.memory_space<semaphore_mem>>
        %dma_start3A_2695 = arith.constant 0 : i32
        %dma_start3A_2696 = tpu.memref_slice %arg7[%run_scoped3A_1973, %dma_start3A_2695] : memref<8x128xi32, #tpu.memory_space<vmem>> -> memref<1x128xi32, #tpu.memory_space<vmem>>
        %dma_start3A_2697 = tpu.memref_squeeze %dma_start3A_2696 : memref<1x128xi32, #tpu.memory_space<vmem>> -> memref<128xi32, #tpu.memory_space<vmem>>
        %dma_start3A_2698 = arith.constant 0 : i32
        %dma_start3A_2699 = arith.constant 0 : i32
        %dma_start3A_2700 = tpu.memref_slice %arg12[%dma_start3A_2698, %dma_start3A_2699] : memref<10000x128xf32, #tpu.memory_space<vmem_shared>> -> memref<10000x128xf32, #tpu.memory_space<vmem_shared>>
        tpu.enqueue_indirect_dma source(%arg9 : memref<128x128xf32, #tpu.memory_space<vmem>>) target(%dma_start3A_2700 : memref<10000x128xf32, #tpu.memory_space<vmem_shared>>) offsets(%dma_start3A_2697 : memref<128xi32, #tpu.memory_space<vmem>>) semaphore(%run_scoped3A_2694 : memref<!tpu.dma_semaphore, #tpu.memory_space<semaphore_mem>>) {add = true}
        %dma_wait3A_2701 = arith.constant 0 : i32
        %dma_wait3A_2702 = tpu.memref_slice %arg7[%run_scoped3A_1973, %dma_wait3A_2701] : memref<8x128xi32, #tpu.memory_space<vmem>> -> memref<1x128xi32, #tpu.memory_space<vmem>>
        %dma_wait3A_2703 = tpu.memref_squeeze %dma_wait3A_2702 : memref<1x128xi32, #tpu.memory_space<vmem>> -> memref<128xi32, #tpu.memory_space<vmem>>
        %dma_wait3A_2704 = arith.constant 0 : i32
        %dma_wait3A_2705 = arith.constant 0 : i32
        %dma_wait3A_2706 = tpu.memref_slice %arg12[%dma_wait3A_2704, %dma_wait3A_2705] : memref<10000x128xf32, #tpu.memory_space<vmem_shared>> -> memref<10000x128xf32, #tpu.memory_space<vmem_shared>>
        tpu.wait_indirect_dma semaphore(%run_scoped3A_2694 : memref<!tpu.dma_semaphore, #tpu.memory_space<semaphore_mem>>) src(%arg9 : memref<128x128xf32, #tpu.memory_space<vmem>>) dst(%dma_wait3A_2706 : memref<10000x128xf32, #tpu.memory_space<vmem_shared>>)
        tpu.yield
      }) : () -> ()
      %dma_start3A_1974 = arith.constant 0 : i32
      %dma_start3A_1975 = arith.constant 256 : i32
      %dma_start3A_1976 = tpu.memref_slice %arg5[%dma_start3A_1974, %dma_start3A_1975] : memref<2x768xi32, #tpu.memory_space<vmem>> -> memref<1x128xi32, #tpu.memory_space<vmem>>
      %dma_start3A_1977 = tpu.memref_squeeze %dma_start3A_1976 : memref<1x128xi32, #tpu.memory_space<vmem>> -> memref<128xi32, #tpu.memory_space<vmem>>
      %dma_start3A_1978 = arith.constant 0 : i32
      %dma_start3A_1979 = arith.constant 0 : i32
      %dma_start3A_1980 = tpu.memref_slice %arg2[%dma_start3A_1978, %dma_start3A_1979] : memref<10000x128xf32, #tpu.memory_space<hbm>> -> memref<10000x128xf32, #tpu.memory_space<hbm>>
      tpu.enqueue_indirect_dma source(%dma_start3A_1980 : memref<10000x128xf32, #tpu.memory_space<hbm>>) target(%arg9 : memref<128x128xf32, #tpu.memory_space<vmem>>) offsets(%dma_start3A_1977 : memref<128xi32, #tpu.memory_space<vmem>>) semaphore(%arg15 : memref<!tpu.dma_semaphore, #tpu.memory_space<semaphore_mem>>)
      %dma_wait3A_1981 = arith.constant 0 : i32
      %dma_wait3A_1982 = arith.constant 128 : i32
      %dma_wait3A_1983 = tpu.memref_slice %arg5[%dma_wait3A_1981, %dma_wait3A_1982] : memref<2x768xi32, #tpu.memory_space<vmem>> -> memref<1x128xi32, #tpu.memory_space<vmem>>
      %dma_wait3A_1984 = tpu.memref_squeeze %dma_wait3A_1983 : memref<1x128xi32, #tpu.memory_space<vmem>> -> memref<128xi32, #tpu.memory_space<vmem>>
      %dma_wait3A_1985 = arith.constant 0 : i32
      %dma_wait3A_1986 = arith.constant 0 : i32
      %dma_wait3A_1987 = tpu.memref_slice %arg2[%dma_wait3A_1985, %dma_wait3A_1986] : memref<10000x128xf32, #tpu.memory_space<hbm>> -> memref<10000x128xf32, #tpu.memory_space<hbm>>
      tpu.wait_indirect_dma semaphore(%arg16 : memref<!tpu.dma_semaphore, #tpu.memory_space<semaphore_mem>>) src(%dma_wait3A_1987 : memref<10000x128xf32, #tpu.memory_space<hbm>>) dst(%arg10 : memref<128x128xf32, #tpu.memory_space<vmem>>)
      %run_scoped3A_1988 = arith.constant 1 : i32
      "tpu.region"() ({
        %run_scoped3A_2694 = tpu.sem_alloc : memref<!tpu.dma_semaphore, #tpu.memory_space<semaphore_mem>>
        %dma_start3A_2695 = arith.constant 0 : i32
        %dma_start3A_2696 = tpu.memref_slice %arg7[%run_scoped3A_1988, %dma_start3A_2695] : memref<8x128xi32, #tpu.memory_space<vmem>> -> memref<1x128xi32, #tpu.memory_space<vmem>>
        %dma_start3A_2697 = tpu.memref_squeeze %dma_start3A_2696 : memref<1x128xi32, #tpu.memory_space<vmem>> -> memref<128xi32, #tpu.memory_space<vmem>>
        %dma_start3A_2698 = arith.constant 0 : i32
        %dma_start3A_2699 = arith.constant 0 : i32
        %dma_start3A_2700 = tpu.memref_slice %arg12[%dma_start3A_2698, %dma_start3A_2699] : memref<10000x128xf32, #tpu.memory_space<vmem_shared>> -> memref<10000x128xf32, #tpu.memory_space<vmem_shared>>
        tpu.enqueue_indirect_dma source(%arg10 : memref<128x128xf32, #tpu.memory_space<vmem>>) target(%dma_start3A_2700 : memref<10000x128xf32, #tpu.memory_space<vmem_shared>>) offsets(%dma_start3A_2697 : memref<128xi32, #tpu.memory_space<vmem>>) semaphore(%run_scoped3A_2694 : memref<!tpu.dma_semaphore, #tpu.memory_space<semaphore_mem>>) {add = true}
        %dma_wait3A_2701 = arith.constant 0 : i32
        %dma_wait3A_2702 = tpu.memref_slice %arg7[%run_scoped3A_1988, %dma_wait3A_2701] : memref<8x128xi32, #tpu.memory_space<vmem>> -> memref<1x128xi32, #tpu.memory_space<vmem>>
        %dma_wait3A_2703 = tpu.memref_squeeze %dma_wait3A_2702 : memref<1x128xi32, #tpu.memory_space<vmem>> -> memref<128xi32, #tpu.memory_space<vmem>>
        %dma_wait3A_2704 = arith.constant 0 : i32
        %dma_wait3A_2705 = arith.constant 0 : i32
        %dma_wait3A_2706 = tpu.memref_slice %arg12[%dma_wait3A_2704, %dma_wait3A_2705] : memref<10000x128xf32, #tpu.memory_space<vmem_shared>> -> memref<10000x128xf32, #tpu.memory_space<vmem_shared>>
        tpu.wait_indirect_dma semaphore(%run_scoped3A_2694 : memref<!tpu.dma_semaphore, #tpu.memory_space<semaphore_mem>>) src(%arg10 : memref<128x128xf32, #tpu.memory_space<vmem>>) dst(%dma_wait3A_2706 : memref<10000x128xf32, #tpu.memory_space<vmem_shared>>)
        tpu.yield
      }) : () -> ()
      %dma_start3A_1989 = arith.constant 0 : i32
      %dma_start3A_1990 = arith.constant 384 : i32
      %dma_start3A_1991 = tpu.memref_slice %arg5[%dma_start3A_1989, %dma_start3A_1990] : memref<2x768xi32, #tpu.memory_space<vmem>> -> memref<1x128xi32, #tpu.memory_space<vmem>>
      %dma_start3A_1992 = tpu.memref_squeeze %dma_start3A_1991 : memref<1x128xi32, #tpu.memory_space<vmem>> -> memref<128xi32, #tpu.memory_space<vmem>>
      %dma_start3A_1993 = arith.constant 0 : i32
      %dma_start3A_1994 = arith.constant 0 : i32
      %dma_start3A_1995 = tpu.memref_slice %arg2[%dma_start3A_1993, %dma_start3A_1994] : memref<10000x128xf32, #tpu.memory_space<hbm>> -> memref<10000x128xf32, #tpu.memory_space<hbm>>
      tpu.enqueue_indirect_dma source(%dma_start3A_1995 : memref<10000x128xf32, #tpu.memory_space<hbm>>) target(%arg10 : memref<128x128xf32, #tpu.memory_space<vmem>>) offsets(%dma_start3A_1992 : memref<128xi32, #tpu.memory_space<vmem>>) semaphore(%arg16 : memref<!tpu.dma_semaphore, #tpu.memory_space<semaphore_mem>>)
      %dma_wait3A_1996 = arith.constant 0 : i32
      %dma_wait3A_1997 = arith.constant 256 : i32
      %dma_wait3A_1998 = tpu.memref_slice %arg5[%dma_wait3A_1996, %dma_wait3A_1997] : memref<2x768xi32, #tpu.memory_space<vmem>> -> memref<1x128xi32, #tpu.memory_space<vmem>>
      %dma_wait3A_1999 = tpu.memref_squeeze %dma_wait3A_1998 : memref<1x128xi32, #tpu.memory_space<vmem>> -> memref<128xi32, #tpu.memory_space<vmem>>
      %dma_wait3A_2000 = arith.constant 0 : i32
      %dma_wait3A_2001 = arith.constant 0 : i32
      %dma_wait3A_2002 = tpu.memref_slice %arg2[%dma_wait3A_2000, %dma_wait3A_2001] : memref<10000x128xf32, #tpu.memory_space<hbm>> -> memref<10000x128xf32, #tpu.memory_space<hbm>>
      tpu.wait_indirect_dma semaphore(%arg15 : memref<!tpu.dma_semaphore, #tpu.memory_space<semaphore_mem>>) src(%dma_wait3A_2002 : memref<10000x128xf32, #tpu.memory_space<hbm>>) dst(%arg9 : memref<128x128xf32, #tpu.memory_space<vmem>>)
      %run_scoped3A_2003 = arith.constant 2 : i32
      "tpu.region"() ({
        %run_scoped3A_2694 = tpu.sem_alloc : memref<!tpu.dma_semaphore, #tpu.memory_space<semaphore_mem>>
        %dma_start3A_2695 = arith.constant 0 : i32
        %dma_start3A_2696 = tpu.memref_slice %arg7[%run_scoped3A_2003, %dma_start3A_2695] : memref<8x128xi32, #tpu.memory_space<vmem>> -> memref<1x128xi32, #tpu.memory_space<vmem>>
        %dma_start3A_2697 = tpu.memref_squeeze %dma_start3A_2696 : memref<1x128xi32, #tpu.memory_space<vmem>> -> memref<128xi32, #tpu.memory_space<vmem>>
        %dma_start3A_2698 = arith.constant 0 : i32
        %dma_start3A_2699 = arith.constant 0 : i32
        %dma_start3A_2700 = tpu.memref_slice %arg12[%dma_start3A_2698, %dma_start3A_2699] : memref<10000x128xf32, #tpu.memory_space<vmem_shared>> -> memref<10000x128xf32, #tpu.memory_space<vmem_shared>>
        tpu.enqueue_indirect_dma source(%arg9 : memref<128x128xf32, #tpu.memory_space<vmem>>) target(%dma_start3A_2700 : memref<10000x128xf32, #tpu.memory_space<vmem_shared>>) offsets(%dma_start3A_2697 : memref<128xi32, #tpu.memory_space<vmem>>) semaphore(%run_scoped3A_2694 : memref<!tpu.dma_semaphore, #tpu.memory_space<semaphore_mem>>) {add = true}
        %dma_wait3A_2701 = arith.constant 0 : i32
        %dma_wait3A_2702 = tpu.memref_slice %arg7[%run_scoped3A_2003, %dma_wait3A_2701] : memref<8x128xi32, #tpu.memory_space<vmem>> -> memref<1x128xi32, #tpu.memory_space<vmem>>
        %dma_wait3A_2703 = tpu.memref_squeeze %dma_wait3A_2702 : memref<1x128xi32, #tpu.memory_space<vmem>> -> memref<128xi32, #tpu.memory_space<vmem>>
        %dma_wait3A_2704 = arith.constant 0 : i32
        %dma_wait3A_2705 = arith.constant 0 : i32
        %dma_wait3A_2706 = tpu.memref_slice %arg12[%dma_wait3A_2704, %dma_wait3A_2705] : memref<10000x128xf32, #tpu.memory_space<vmem_shared>> -> memref<10000x128xf32, #tpu.memory_space<vmem_shared>>
        tpu.wait_indirect_dma semaphore(%run_scoped3A_2694 : memref<!tpu.dma_semaphore, #tpu.memory_space<semaphore_mem>>) src(%arg9 : memref<128x128xf32, #tpu.memory_space<vmem>>) dst(%dma_wait3A_2706 : memref<10000x128xf32, #tpu.memory_space<vmem_shared>>)
        tpu.yield
      }) : () -> ()
      %dma_start3A_2004 = arith.constant 0 : i32
      %dma_start3A_2005 = arith.constant 512 : i32
      %dma_start3A_2006 = tpu.memref_slice %arg5[%dma_start3A_2004, %dma_start3A_2005] : memref<2x768xi32, #tpu.memory_space<vmem>> -> memref<1x128xi32, #tpu.memory_space<vmem>>
      %dma_start3A_2007 = tpu.memref_squeeze %dma_start3A_2006 : memref<1x128xi32, #tpu.memory_space<vmem>> -> memref<128xi32, #tpu.memory_space<vmem>>
      %dma_start3A_2008 = arith.constant 0 : i32
      %dma_start3A_2009 = arith.constant 0 : i32
      %dma_start3A_2010 = tpu.memref_slice %arg2[%dma_start3A_2008, %dma_start3A_2009] : memref<10000x128xf32, #tpu.memory_space<hbm>> -> memref<10000x128xf32, #tpu.memory_space<hbm>>
      tpu.enqueue_indirect_dma source(%dma_start3A_2010 : memref<10000x128xf32, #tpu.memory_space<hbm>>) target(%arg9 : memref<128x128xf32, #tpu.memory_space<vmem>>) offsets(%dma_start3A_2007 : memref<128xi32, #tpu.memory_space<vmem>>) semaphore(%arg15 : memref<!tpu.dma_semaphore, #tpu.memory_space<semaphore_mem>>)
      %dma_wait3A_2011 = arith.constant 0 : i32
      %dma_wait3A_2012 = arith.constant 384 : i32
      %dma_wait3A_2013 = tpu.memref_slice %arg5[%dma_wait3A_2011, %dma_wait3A_2012] : memref<2x768xi32, #tpu.memory_space<vmem>> -> memref<1x128xi32, #tpu.memory_space<vmem>>
      %dma_wait3A_2014 = tpu.memref_squeeze %dma_wait3A_2013 : memref<1x128xi32, #tpu.memory_space<vmem>> -> memref<128xi32, #tpu.memory_space<vmem>>
      %dma_wait3A_2015 = arith.constant 0 : i32
      %dma_wait3A_2016 = arith.constant 0 : i32
      %dma_wait3A_2017 = tpu.memref_slice %arg2[%dma_wait3A_2015, %dma_wait3A_2016] : memref<10000x128xf32, #tpu.memory_space<hbm>> -> memref<10000x128xf32, #tpu.memory_space<hbm>>
      tpu.wait_indirect_dma semaphore(%arg16 : memref<!tpu.dma_semaphore, #tpu.memory_space<semaphore_mem>>) src(%dma_wait3A_2017 : memref<10000x128xf32, #tpu.memory_space<hbm>>) dst(%arg10 : memref<128x128xf32, #tpu.memory_space<vmem>>)
      %run_scoped3A_2018 = arith.constant 3 : i32
      "tpu.region"() ({
        %run_scoped3A_2694 = tpu.sem_alloc : memref<!tpu.dma_semaphore, #tpu.memory_space<semaphore_mem>>
        %dma_start3A_2695 = arith.constant 0 : i32
        %dma_start3A_2696 = tpu.memref_slice %arg7[%run_scoped3A_2018, %dma_start3A_2695] : memref<8x128xi32, #tpu.memory_space<vmem>> -> memref<1x128xi32, #tpu.memory_space<vmem>>
        %dma_start3A_2697 = tpu.memref_squeeze %dma_start3A_2696 : memref<1x128xi32, #tpu.memory_space<vmem>> -> memref<128xi32, #tpu.memory_space<vmem>>
        %dma_start3A_2698 = arith.constant 0 : i32
        %dma_start3A_2699 = arith.constant 0 : i32
        %dma_start3A_2700 = tpu.memref_slice %arg12[%dma_start3A_2698, %dma_start3A_2699] : memref<10000x128xf32, #tpu.memory_space<vmem_shared>> -> memref<10000x128xf32, #tpu.memory_space<vmem_shared>>
        tpu.enqueue_indirect_dma source(%arg10 : memref<128x128xf32, #tpu.memory_space<vmem>>) target(%dma_start3A_2700 : memref<10000x128xf32, #tpu.memory_space<vmem_shared>>) offsets(%dma_start3A_2697 : memref<128xi32, #tpu.memory_space<vmem>>) semaphore(%run_scoped3A_2694 : memref<!tpu.dma_semaphore, #tpu.memory_space<semaphore_mem>>) {add = true}
        %dma_wait3A_2701 = arith.constant 0 : i32
        %dma_wait3A_2702 = tpu.memref_slice %arg7[%run_scoped3A_2018, %dma_wait3A_2701] : memref<8x128xi32, #tpu.memory_space<vmem>> -> memref<1x128xi32, #tpu.memory_space<vmem>>
        %dma_wait3A_2703 = tpu.memref_squeeze %dma_wait3A_2702 : memref<1x128xi32, #tpu.memory_space<vmem>> -> memref<128xi32, #tpu.memory_space<vmem>>
        %dma_wait3A_2704 = arith.constant 0 : i32
        %dma_wait3A_2705 = arith.constant 0 : i32
        %dma_wait3A_2706 = tpu.memref_slice %arg12[%dma_wait3A_2704, %dma_wait3A_2705] : memref<10000x128xf32, #tpu.memory_space<vmem_shared>> -> memref<10000x128xf32, #tpu.memory_space<vmem_shared>>
        tpu.wait_indirect_dma semaphore(%run_scoped3A_2694 : memref<!tpu.dma_semaphore, #tpu.memory_space<semaphore_mem>>) src(%arg10 : memref<128x128xf32, #tpu.memory_space<vmem>>) dst(%dma_wait3A_2706 : memref<10000x128xf32, #tpu.memory_space<vmem_shared>>)
        tpu.yield
      }) : () -> ()
      %dma_start3A_2019 = arith.constant 0 : i32
      %dma_start3A_2020 = arith.constant 640 : i32
      %dma_start3A_2021 = tpu.memref_slice %arg5[%dma_start3A_2019, %dma_start3A_2020] : memref<2x768xi32, #tpu.memory_space<vmem>> -> memref<1x128xi32, #tpu.memory_space<vmem>>
      %dma_start3A_2022 = tpu.memref_squeeze %dma_start3A_2021 : memref<1x128xi32, #tpu.memory_space<vmem>> -> memref<128xi32, #tpu.memory_space<vmem>>
      %dma_start3A_2023 = arith.constant 0 : i32
      %dma_start3A_2024 = arith.constant 0 : i32
      %dma_start3A_2025 = tpu.memref_slice %arg2[%dma_start3A_2023, %dma_start3A_2024] : memref<10000x128xf32, #tpu.memory_space<hbm>> -> memref<10000x128xf32, #tpu.memory_space<hbm>>
      tpu.enqueue_indirect_dma source(%dma_start3A_2025 : memref<10000x128xf32, #tpu.memory_space<hbm>>) target(%arg10 : memref<128x128xf32, #tpu.memory_space<vmem>>) offsets(%dma_start3A_2022 : memref<128xi32, #tpu.memory_space<vmem>>) semaphore(%arg16 : memref<!tpu.dma_semaphore, #tpu.memory_space<semaphore_mem>>)
      %dma_wait3A_2026 = arith.constant 0 : i32
      %dma_wait3A_2027 = arith.constant 512 : i32
      %dma_wait3A_2028 = tpu.memref_slice %arg5[%dma_wait3A_2026, %dma_wait3A_2027] : memref<2x768xi32, #tpu.memory_space<vmem>> -> memref<1x128xi32, #tpu.memory_space<vmem>>
      %dma_wait3A_2029 = tpu.memref_squeeze %dma_wait3A_2028 : memref<1x128xi32, #tpu.memory_space<vmem>> -> memref<128xi32, #tpu.memory_space<vmem>>
      %dma_wait3A_2030 = arith.constant 0 : i32
      %dma_wait3A_2031 = arith.constant 0 : i32
      %dma_wait3A_2032 = tpu.memref_slice %arg2[%dma_wait3A_2030, %dma_wait3A_2031] : memref<10000x128xf32, #tpu.memory_space<hbm>> -> memref<10000x128xf32, #tpu.memory_space<hbm>>
      tpu.wait_indirect_dma semaphore(%arg15 : memref<!tpu.dma_semaphore, #tpu.memory_space<semaphore_mem>>) src(%dma_wait3A_2032 : memref<10000x128xf32, #tpu.memory_space<hbm>>) dst(%arg9 : memref<128x128xf32, #tpu.memory_space<vmem>>)
      %run_scoped3A_2033 = arith.constant 4 : i32
      "tpu.region"() ({
        %run_scoped3A_2694 = tpu.sem_alloc : memref<!tpu.dma_semaphore, #tpu.memory_space<semaphore_mem>>
        %dma_start3A_2695 = arith.constant 0 : i32
        %dma_start3A_2696 = tpu.memref_slice %arg7[%run_scoped3A_2033, %dma_start3A_2695] : memref<8x128xi32, #tpu.memory_space<vmem>> -> memref<1x128xi32, #tpu.memory_space<vmem>>
        %dma_start3A_2697 = tpu.memref_squeeze %dma_start3A_2696 : memref<1x128xi32, #tpu.memory_space<vmem>> -> memref<128xi32, #tpu.memory_space<vmem>>
        %dma_start3A_2698 = arith.constant 0 : i32
        %dma_start3A_2699 = arith.constant 0 : i32
        %dma_start3A_2700 = tpu.memref_slice %arg12[%dma_start3A_2698, %dma_start3A_2699] : memref<10000x128xf32, #tpu.memory_space<vmem_shared>> -> memref<10000x128xf32, #tpu.memory_space<vmem_shared>>
        tpu.enqueue_indirect_dma source(%arg9 : memref<128x128xf32, #tpu.memory_space<vmem>>) target(%dma_start3A_2700 : memref<10000x128xf32, #tpu.memory_space<vmem_shared>>) offsets(%dma_start3A_2697 : memref<128xi32, #tpu.memory_space<vmem>>) semaphore(%run_scoped3A_2694 : memref<!tpu.dma_semaphore, #tpu.memory_space<semaphore_mem>>) {add = true}
        %dma_wait3A_2701 = arith.constant 0 : i32
        %dma_wait3A_2702 = tpu.memref_slice %arg7[%run_scoped3A_2033, %dma_wait3A_2701] : memref<8x128xi32, #tpu.memory_space<vmem>> -> memref<1x128xi32, #tpu.memory_space<vmem>>
        %dma_wait3A_2703 = tpu.memref_squeeze %dma_wait3A_2702 : memref<1x128xi32, #tpu.memory_space<vmem>> -> memref<128xi32, #tpu.memory_space<vmem>>
        %dma_wait3A_2704 = arith.constant 0 : i32
        %dma_wait3A_2705 = arith.constant 0 : i32
        %dma_wait3A_2706 = tpu.memref_slice %arg12[%dma_wait3A_2704, %dma_wait3A_2705] : memref<10000x128xf32, #tpu.memory_space<vmem_shared>> -> memref<10000x128xf32, #tpu.memory_space<vmem_shared>>
        tpu.wait_indirect_dma semaphore(%run_scoped3A_2694 : memref<!tpu.dma_semaphore, #tpu.memory_space<semaphore_mem>>) src(%arg9 : memref<128x128xf32, #tpu.memory_space<vmem>>) dst(%dma_wait3A_2706 : memref<10000x128xf32, #tpu.memory_space<vmem_shared>>)
        tpu.yield
      }) : () -> ()
      %dma_wait3A_2034 = arith.constant 0 : i32
      %dma_wait3A_2035 = arith.constant 0 : i32
      %dma_wait3A_2036 = tpu.memref_slice %arg3[%dma_wait3A_2034, %dma_wait3A_2035] : memref<2x320000xi32, #tpu.memory_space<hbm>> -> memref<2x768xi32, #tpu.memory_space<hbm>>
      %dma_wait3A_2037 = arith.constant 0 : i32
      %dma_wait3A_2038 = arith.constant 0 : i32
      %dma_wait3A_2039 = tpu.memref_slice %arg3[%dma_wait3A_2037, %dma_wait3A_2038] : memref<2x320000xi32, #tpu.memory_space<hbm>> -> memref<2x768xi32, #tpu.memory_space<hbm>>
      tpu.wait_dma2 semaphore(%arg14 : memref<!tpu.dma_semaphore, #tpu.memory_space<semaphore_mem>>) src(%dma_wait3A_2039 : memref<2x768xi32, #tpu.memory_space<hbm>>) dst(%arg6 : memref<2x768xi32, #tpu.memory_space<vmem>>)
      %dma_start3A_2040 = arith.constant 0 : i32
      %dma_start3A_2041 = arith.constant 0 : i32
      %dma_start3A_2042 = tpu.memref_slice %arg6[%dma_start3A_2040, %dma_start3A_2041] : memref<2x768xi32, #tpu.memory_space<vmem>> -> memref<1x128xi32, #tpu.memory_space<vmem>>
      %dma_start3A_2043 = tpu.memref_squeeze %dma_start3A_2042 : memref<1x128xi32, #tpu.memory_space<vmem>> -> memref<128xi32, #tpu.memory_space<vmem>>
      %dma_start3A_2044 = arith.constant 0 : i32
      %dma_start3A_2045 = arith.constant 0 : i32
      %dma_start3A_2046 = tpu.memref_slice %arg2[%dma_start3A_2044, %dma_start3A_2045] : memref<10000x128xf32, #tpu.memory_space<hbm>> -> memref<10000x128xf32, #tpu.memory_space<hbm>>
      tpu.enqueue_indirect_dma source(%dma_start3A_2046 : memref<10000x128xf32, #tpu.memory_space<hbm>>) target(%arg9 : memref<128x128xf32, #tpu.memory_space<vmem>>) offsets(%dma_start3A_2043 : memref<128xi32, #tpu.memory_space<vmem>>) semaphore(%arg15 : memref<!tpu.dma_semaphore, #tpu.memory_space<semaphore_mem>>)
      %dma_wait3A_2047 = arith.constant 0 : i32
      %dma_wait3A_2048 = arith.constant 640 : i32
      %dma_wait3A_2049 = tpu.memref_slice %arg5[%dma_wait3A_2047, %dma_wait3A_2048] : memref<2x768xi32, #tpu.memory_space<vmem>> -> memref<1x128xi32, #tpu.memory_space<vmem>>
      %dma_wait3A_2050 = tpu.memref_squeeze %dma_wait3A_2049 : memref<1x128xi32, #tpu.memory_space<vmem>> -> memref<128xi32, #tpu.memory_space<vmem>>
      %dma_wait3A_2051 = arith.constant 0 : i32
      %dma_wait3A_2052 = arith.constant 0 : i32
      %dma_wait3A_2053 = tpu.memref_slice %arg2[%dma_wait3A_2051, %dma_wait3A_2052] : memref<10000x128xf32, #tpu.memory_space<hbm>> -> memref<10000x128xf32, #tpu.memory_space<hbm>>
      tpu.wait_indirect_dma semaphore(%arg16 : memref<!tpu.dma_semaphore, #tpu.memory_space<semaphore_mem>>) src(%dma_wait3A_2053 : memref<10000x128xf32, #tpu.memory_space<hbm>>) dst(%arg10 : memref<128x128xf32, #tpu.memory_space<vmem>>)
      %run_scoped3A_2054 = arith.constant 5 : i32
      "tpu.region"() ({
        %run_scoped3A_2694 = tpu.sem_alloc : memref<!tpu.dma_semaphore, #tpu.memory_space<semaphore_mem>>
        %dma_start3A_2695 = arith.constant 0 : i32
        %dma_start3A_2696 = tpu.memref_slice %arg7[%run_scoped3A_2054, %dma_start3A_2695] : memref<8x128xi32, #tpu.memory_space<vmem>> -> memref<1x128xi32, #tpu.memory_space<vmem>>
        %dma_start3A_2697 = tpu.memref_squeeze %dma_start3A_2696 : memref<1x128xi32, #tpu.memory_space<vmem>> -> memref<128xi32, #tpu.memory_space<vmem>>
        %dma_start3A_2698 = arith.constant 0 : i32
        %dma_start3A_2699 = arith.constant 0 : i32
        %dma_start3A_2700 = tpu.memref_slice %arg12[%dma_start3A_2698, %dma_start3A_2699] : memref<10000x128xf32, #tpu.memory_space<vmem_shared>> -> memref<10000x128xf32, #tpu.memory_space<vmem_shared>>
        tpu.enqueue_indirect_dma source(%arg10 : memref<128x128xf32, #tpu.memory_space<vmem>>) target(%dma_start3A_2700 : memref<10000x128xf32, #tpu.memory_space<vmem_shared>>) offsets(%dma_start3A_2697 : memref<128xi32, #tpu.memory_space<vmem>>) semaphore(%run_scoped3A_2694 : memref<!tpu.dma_semaphore, #tpu.memory_space<semaphore_mem>>) {add = true}
        %dma_wait3A_2701 = arith.constant 0 : i32
        %dma_wait3A_2702 = tpu.memref_slice %arg7[%run_scoped3A_2054, %dma_wait3A_2701] : memref<8x128xi32, #tpu.memory_space<vmem>> -> memref<1x128xi32, #tpu.memory_space<vmem>>
        %dma_wait3A_2703 = tpu.memref_squeeze %dma_wait3A_2702 : memref<1x128xi32, #tpu.memory_space<vmem>> -> memref<128xi32, #tpu.memory_space<vmem>>
        %dma_wait3A_2704 = arith.constant 0 : i32
        %dma_wait3A_2705 = arith.constant 0 : i32
        %dma_wait3A_2706 = tpu.memref_slice %arg12[%dma_wait3A_2704, %dma_wait3A_2705] : memref<10000x128xf32, #tpu.memory_space<vmem_shared>> -> memref<10000x128xf32, #tpu.memory_space<vmem_shared>>
        tpu.wait_indirect_dma semaphore(%run_scoped3A_2694 : memref<!tpu.dma_semaphore, #tpu.memory_space<semaphore_mem>>) src(%arg10 : memref<128x128xf32, #tpu.memory_space<vmem>>) dst(%dma_wait3A_2706 : memref<10000x128xf32, #tpu.memory_space<vmem_shared>>)
        tpu.yield
      }) : () -> ()
      %mul3A_2055 = arith.constant 2 : i32
      %mul3A_2056 = arith.muli %mul3A_2055, %scan3A_1430 : i32
      %add3A_2057 = arith.constant 2 : i32
      %add3A_2058 = arith.addi %mul3A_2056, %add3A_2057 : i32
      %mul3A_2059 = arith.constant 768 : i32
      %mul3A_2060 = arith.muli %add3A_2058, %mul3A_2059 : i32
      %add3A_2061 = arith.addi %mul3A_2, %mul3A_2060 : i32
      %dma_start3A_2062 = arith.constant 0 : i32
      %dma_start3A_2063 = tpu.memref_slice %arg3[%dma_start3A_2062, %add3A_2061] : memref<2x320000xi32, #tpu.memory_space<hbm>> -> memref<2x768xi32, #tpu.memory_space<hbm>>
      %dma_start3A_2064 = arith.constant 0 : i32
      %dma_start3A_2065 = tpu.memref_slice %arg3[%dma_start3A_2064, %add3A_2061] : memref<2x320000xi32, #tpu.memory_space<hbm>> -> memref<2x768xi32, #tpu.memory_space<hbm>>
      tpu.enqueue_dma source(%dma_start3A_2065 : memref<2x768xi32, #tpu.memory_space<hbm>>) target(%arg5 : memref<2x768xi32, #tpu.memory_space<vmem>>) target_semaphore(%arg13 : memref<!tpu.dma_semaphore, #tpu.memory_space<semaphore_mem>>)
      %get3A_2066 = arith.constant 1 : i32
      %get3A_2067 = arith.index_cast %get3A_2066 : i32 to index
      %get3A_2068 = arith.constant 0 : index
      %get3A_2069 = tpu.vector_load %arg6[%get3A_2067, %get3A_2068] {strides = array<i32>} : memref<2x768xi32, #tpu.memory_space<vmem>>, vector<1x16xi32>,
      %get3A_2070 = vector.shape_cast %get3A_2069 : vector<1x16xi32> to vector<16xi32>
      %swap3A_2071 = arith.constant 0 : i32
      %swap3A_2072 = arith.index_cast %swap3A_2071 : i32 to index
      %swap3A_2073 = arith.constant 0 : index
      %swap3A_2074 = tpu.vector_load %arg8[%swap3A_2072, %swap3A_2073] {strides = array<i32>} : memref<8x128xi32, #tpu.memory_space<vmem>>, vector<1x16xi32>,
      %swap3A_2075 = vector.shape_cast %swap3A_2074 : vector<1x16xi32> to vector<16xi32>
      %swap3A_2076 = vector.shape_cast %get3A_2070 : vector<16xi32> to vector<1x16xi32>
      tpu.vector_store %arg8[%swap3A_2072, %swap3A_2073], %swap3A_2076 {strides = array<i32>} : memref<8x128xi32, #tpu.memory_space<vmem>>, vector<1x16xi32>,
      %get3A_2077 = arith.constant 1 : i32
      %get3A_2078 = arith.index_cast %get3A_2077 : i32 to index
      %get3A_2079 = arith.constant 16 : index
      %get3A_2080 = tpu.vector_load %arg6[%get3A_2078, %get3A_2079] {strides = array<i32>} : memref<2x768xi32, #tpu.memory_space<vmem>>, vector<1x16xi32>,
      %get3A_2081 = vector.shape_cast %get3A_2080 : vector<1x16xi32> to vector<16xi32>
      %swap3A_2082 = arith.constant 0 : i32
      %swap3A_2083 = arith.index_cast %swap3A_2082 : i32 to index
      %swap3A_2084 = arith.constant 16 : index
      %swap3A_2085 = tpu.vector_load %arg8[%swap3A_2083, %swap3A_2084] {strides = array<i32>} : memref<8x128xi32, #tpu.memory_space<vmem>>, vector<1x16xi32>,
      %swap3A_2086 = vector.shape_cast %swap3A_2085 : vector<1x16xi32> to vector<16xi32>
      %swap3A_2087 = vector.shape_cast %get3A_2081 : vector<16xi32> to vector<1x16xi32>
      tpu.vector_store %arg8[%swap3A_2083, %swap3A_2084], %swap3A_2087 {strides = array<i32>} : memref<8x128xi32, #tpu.memory_space<vmem>>, vector<1x16xi32>,
      %get3A_2088 = arith.constant 1 : i32
      %get3A_2089 = arith.index_cast %get3A_2088 : i32 to index
      %get3A_2090 = arith.constant 32 : index
      %get3A_2091 = tpu.vector_load %arg6[%get3A_2089, %get3A_2090] {strides = array<i32>} : memref<2x768xi32, #tpu.memory_space<vmem>>, vector<1x16xi32>,
      %get3A_2092 = vector.shape_cast %get3A_2091 : vector<1x16xi32> to vector<16xi32>
      %swap3A_2093 = arith.constant 0 : i32
      %swap3A_2094 = arith.index_cast %swap3A_2093 : i32 to index
      %swap3A_2095 = arith.constant 32 : index
      %swap3A_2096 = tpu.vector_load %arg8[%swap3A_2094, %swap3A_2095] {strides = array<i32>} : memref<8x128xi32, #tpu.memory_space<vmem>>, vector<1x16xi32>,
      %swap3A_2097 = vector.shape_cast %swap3A_2096 : vector<1x16xi32> to vector<16xi32>
      %swap3A_2098 = vector.shape_cast %get3A_2092 : vector<16xi32> to vector<1x16xi32>
      tpu.vector_store %arg8[%swap3A_2094, %swap3A_2095], %swap3A_2098 {strides = array<i32>} : memref<8x128xi32, #tpu.memory_space<vmem>>, vector<1x16xi32>,
      %get3A_2099 = arith.constant 1 : i32
      %get3A_2100 = arith.index_cast %get3A_2099 : i32 to index
      %get3A_2101 = arith.constant 48 : index
      %get3A_2102 = tpu.vector_load %arg6[%get3A_2100, %get3A_2101] {strides = array<i32>} : memref<2x768xi32, #tpu.memory_space<vmem>>, vector<1x16xi32>,
      %get3A_2103 = vector.shape_cast %get3A_2102 : vector<1x16xi32> to vector<16xi32>
      %swap3A_2104 = arith.constant 0 : i32
      %swap3A_2105 = arith.index_cast %swap3A_2104 : i32 to index
      %swap3A_2106 = arith.constant 48 : index
      %swap3A_2107 = tpu.vector_load %arg8[%swap3A_2105, %swap3A_2106] {strides = array<i32>} : memref<8x128xi32, #tpu.memory_space<vmem>>, vector<1x16xi32>,
      %swap3A_2108 = vector.shape_cast %swap3A_2107 : vector<1x16xi32> to vector<16xi32>
      %swap3A_2109 = vector.shape_cast %get3A_2103 : vector<16xi32> to vector<1x16xi32>
      tpu.vector_store %arg8[%swap3A_2105, %swap3A_2106], %swap3A_2109 {strides = array<i32>} : memref<8x128xi32, #tpu.memory_space<vmem>>, vector<1x16xi32>,
      %get3A_2110 = arith.constant 1 : i32
      %get3A_2111 = arith.index_cast %get3A_2110 : i32 to index
      %get3A_2112 = arith.constant 64 : index
      %get3A_2113 = tpu.vector_load %arg6[%get3A_2111, %get3A_2112] {strides = array<i32>} : memref<2x768xi32, #tpu.memory_space<vmem>>, vector<1x16xi32>,
      %get3A_2114 = vector.shape_cast %get3A_2113 : vector<1x16xi32> to vector<16xi32>
      %swap3A_2115 = arith.constant 0 : i32
      %swap3A_2116 = arith.index_cast %swap3A_2115 : i32 to index
      %swap3A_2117 = arith.constant 64 : index
      %swap3A_2118 = tpu.vector_load %arg8[%swap3A_2116, %swap3A_2117] {strides = array<i32>} : memref<8x128xi32, #tpu.memory_space<vmem>>, vector<1x16xi32>,
      %swap3A_2119 = vector.shape_cast %swap3A_2118 : vector<1x16xi32> to vector<16xi32>
      %swap3A_2120 = vector.shape_cast %get3A_2114 : vector<16xi32> to vector<1x16xi32>
      tpu.vector_store %arg8[%swap3A_2116, %swap3A_2117], %swap3A_2120 {strides = array<i32>} : memref<8x128xi32, #tpu.memory_space<vmem>>, vector<1x16xi32>,
      %get3A_2121 = arith.constant 1 : i32
      %get3A_2122 = arith.index_cast %get3A_2121 : i32 to index
      %get3A_2123 = arith.constant 80 : index
      %get3A_2124 = tpu.vector_load %arg6[%get3A_2122, %get3A_2123] {strides = array<i32>} : memref<2x768xi32, #tpu.memory_space<vmem>>, vector<1x16xi32>,
      %get3A_2125 = vector.shape_cast %get3A_2124 : vector<1x16xi32> to vector<16xi32>
      %swap3A_2126 = arith.constant 0 : i32
      %swap3A_2127 = arith.index_cast %swap3A_2126 : i32 to index
      %swap3A_2128 = arith.constant 80 : index
      %swap3A_2129 = tpu.vector_load %arg8[%swap3A_2127, %swap3A_2128] {strides = array<i32>} : memref<8x128xi32, #tpu.memory_space<vmem>>, vector<1x16xi32>,
      %swap3A_2130 = vector.shape_cast %swap3A_2129 : vector<1x16xi32> to vector<16xi32>
      %swap3A_2131 = vector.shape_cast %get3A_2125 : vector<16xi32> to vector<1x16xi32>
      tpu.vector_store %arg8[%swap3A_2127, %swap3A_2128], %swap3A_2131 {strides = array<i32>} : memref<8x128xi32, #tpu.memory_space<vmem>>, vector<1x16xi32>,
      %get3A_2132 = arith.constant 1 : i32
      %get3A_2133 = arith.index_cast %get3A_2132 : i32 to index
      %get3A_2134 = arith.constant 96 : index
      %get3A_2135 = tpu.vector_load %arg6[%get3A_2133, %get3A_2134] {strides = array<i32>} : memref<2x768xi32, #tpu.memory_space<vmem>>, vector<1x16xi32>,
      %get3A_2136 = vector.shape_cast %get3A_2135 : vector<1x16xi32> to vector<16xi32>
      %swap3A_2137 = arith.constant 0 : i32
      %swap3A_2138 = arith.index_cast %swap3A_2137 : i32 to index
      %swap3A_2139 = arith.constant 96 : index
      %swap3A_2140 = tpu.vector_load %arg8[%swap3A_2138, %swap3A_2139] {strides = array<i32>} : memref<8x128xi32, #tpu.memory_space<vmem>>, vector<1x16xi32>,
      %swap3A_2141 = vector.shape_cast %swap3A_2140 : vector<1x16xi32> to vector<16xi32>
      %swap3A_2142 = vector.shape_cast %get3A_2136 : vector<16xi32> to vector<1x16xi32>
      tpu.vector_store %arg8[%swap3A_2138, %swap3A_2139], %swap3A_2142 {strides = array<i32>} : memref<8x128xi32, #tpu.memory_space<vmem>>, vector<1x16xi32>,
      %get3A_2143 = arith.constant 1 : i32
      %get3A_2144 = arith.index_cast %get3A_2143 : i32 to index
      %get3A_2145 = arith.constant 112 : index
      %get3A_2146 = tpu.vector_load %arg6[%get3A_2144, %get3A_2145] {strides = array<i32>} : memref<2x768xi32, #tpu.memory_space<vmem>>, vector<1x16xi32>,
      %get3A_2147 = vector.shape_cast %get3A_2146 : vector<1x16xi32> to vector<16xi32>
      %swap3A_2148 = arith.constant 0 : i32
      %swap3A_2149 = arith.index_cast %swap3A_2148 : i32 to index
      %swap3A_2150 = arith.constant 112 : index
      %swap3A_2151 = tpu.vector_load %arg8[%swap3A_2149, %swap3A_2150] {strides = array<i32>} : memref<8x128xi32, #tpu.memory_space<vmem>>, vector<1x16xi32>,
      %swap3A_2152 = vector.shape_cast %swap3A_2151 : vector<1x16xi32> to vector<16xi32>
      %swap3A_2153 = vector.shape_cast %get3A_2147 : vector<16xi32> to vector<1x16xi32>
      tpu.vector_store %arg8[%swap3A_2149, %swap3A_2150], %swap3A_2153 {strides = array<i32>} : memref<8x128xi32, #tpu.memory_space<vmem>>, vector<1x16xi32>,
      %get3A_2154 = arith.constant 1 : i32
      %get3A_2155 = arith.index_cast %get3A_2154 : i32 to index
      %get3A_2156 = arith.constant 128 : index
      %get3A_2157 = tpu.vector_load %arg6[%get3A_2155, %get3A_2156] {strides = array<i32>} : memref<2x768xi32, #tpu.memory_space<vmem>>, vector<1x16xi32>,
      %get3A_2158 = vector.shape_cast %get3A_2157 : vector<1x16xi32> to vector<16xi32>
      %swap3A_2159 = arith.constant 1 : i32
      %swap3A_2160 = arith.index_cast %swap3A_2159 : i32 to index
      %swap3A_2161 = arith.constant 0 : index
      %swap3A_2162 = tpu.vector_load %arg8[%swap3A_2160, %swap3A_2161] {strides = array<i32>} : memref<8x128xi32, #tpu.memory_space<vmem>>, vector<1x16xi32>,
      %swap3A_2163 = vector.shape_cast %swap3A_2162 : vector<1x16xi32> to vector<16xi32>
      %swap3A_2164 = vector.shape_cast %get3A_2158 : vector<16xi32> to vector<1x16xi32>
      tpu.vector_store %arg8[%swap3A_2160, %swap3A_2161], %swap3A_2164 {strides = array<i32>} : memref<8x128xi32, #tpu.memory_space<vmem>>, vector<1x16xi32>,
      %get3A_2165 = arith.constant 1 : i32
      %get3A_2166 = arith.index_cast %get3A_2165 : i32 to index
      %get3A_2167 = arith.constant 144 : index
      %get3A_2168 = tpu.vector_load %arg6[%get3A_2166, %get3A_2167] {strides = array<i32>} : memref<2x768xi32, #tpu.memory_space<vmem>>, vector<1x16xi32>,
      %get3A_2169 = vector.shape_cast %get3A_2168 : vector<1x16xi32> to vector<16xi32>
      %swap3A_2170 = arith.constant 1 : i32
      %swap3A_2171 = arith.index_cast %swap3A_2170 : i32 to index
      %swap3A_2172 = arith.constant 16 : index
      %swap3A_2173 = tpu.vector_load %arg8[%swap3A_2171, %swap3A_2172] {strides = array<i32>} : memref<8x128xi32, #tpu.memory_space<vmem>>, vector<1x16xi32>,
      %swap3A_2174 = vector.shape_cast %swap3A_2173 : vector<1x16xi32> to vector<16xi32>
      %swap3A_2175 = vector.shape_cast %get3A_2169 : vector<16xi32> to vector<1x16xi32>
      tpu.vector_store %arg8[%swap3A_2171, %swap3A_2172], %swap3A_2175 {strides = array<i32>} : memref<8x128xi32, #tpu.memory_space<vmem>>, vector<1x16xi32>,
      %get3A_2176 = arith.constant 1 : i32
      %get3A_2177 = arith.index_cast %get3A_2176 : i32 to index
      %get3A_2178 = arith.constant 160 : index
      %get3A_2179 = tpu.vector_load %arg6[%get3A_2177, %get3A_2178] {strides = array<i32>} : memref<2x768xi32, #tpu.memory_space<vmem>>, vector<1x16xi32>,
      %get3A_2180 = vector.shape_cast %get3A_2179 : vector<1x16xi32> to vector<16xi32>
      %swap3A_2181 = arith.constant 1 : i32
      %swap3A_2182 = arith.index_cast %swap3A_2181 : i32 to index
      %swap3A_2183 = arith.constant 32 : index
      %swap3A_2184 = tpu.vector_load %arg8[%swap3A_2182, %swap3A_2183] {strides = array<i32>} : memref<8x128xi32, #tpu.memory_space<vmem>>, vector<1x16xi32>,
      %swap3A_2185 = vector.shape_cast %swap3A_2184 : vector<1x16xi32> to vector<16xi32>
      %swap3A_2186 = vector.shape_cast %get3A_2180 : vector<16xi32> to vector<1x16xi32>
      tpu.vector_store %arg8[%swap3A_2182, %swap3A_2183], %swap3A_2186 {strides = array<i32>} : memref<8x128xi32, #tpu.memory_space<vmem>>, vector<1x16xi32>,
      %get3A_2187 = arith.constant 1 : i32
      %get3A_2188 = arith.index_cast %get3A_2187 : i32 to index
      %get3A_2189 = arith.constant 176 : index
      %get3A_2190 = tpu.vector_load %arg6[%get3A_2188, %get3A_2189] {strides = array<i32>} : memref<2x768xi32, #tpu.memory_space<vmem>>, vector<1x16xi32>,
      %get3A_2191 = vector.shape_cast %get3A_2190 : vector<1x16xi32> to vector<16xi32>
      %swap3A_2192 = arith.constant 1 : i32
      %swap3A_2193 = arith.index_cast %swap3A_2192 : i32 to index
      %swap3A_2194 = arith.constant 48 : index
      %swap3A_2195 = tpu.vector_load %arg8[%swap3A_2193, %swap3A_2194] {strides = array<i32>} : memref<8x128xi32, #tpu.memory_space<vmem>>, vector<1x16xi32>,
      %swap3A_2196 = vector.shape_cast %swap3A_2195 : vector<1x16xi32> to vector<16xi32>
      %swap3A_2197 = vector.shape_cast %get3A_2191 : vector<16xi32> to vector<1x16xi32>
      tpu.vector_store %arg8[%swap3A_2193, %swap3A_2194], %swap3A_2197 {strides = array<i32>} : memref<8x128xi32, #tpu.memory_space<vmem>>, vector<1x16xi32>,
      %get3A_2198 = arith.constant 1 : i32
      %get3A_2199 = arith.index_cast %get3A_2198 : i32 to index
      %get3A_2200 = arith.constant 192 : index
      %get3A_2201 = tpu.vector_load %arg6[%get3A_2199, %get3A_2200] {strides = array<i32>} : memref<2x768xi32, #tpu.memory_space<vmem>>, vector<1x16xi32>,
      %get3A_2202 = vector.shape_cast %get3A_2201 : vector<1x16xi32> to vector<16xi32>
      %swap3A_2203 = arith.constant 1 : i32
      %swap3A_2204 = arith.index_cast %swap3A_2203 : i32 to index
      %swap3A_2205 = arith.constant 64 : index
      %swap3A_2206 = tpu.vector_load %arg8[%swap3A_2204, %swap3A_2205] {strides = array<i32>} : memref<8x128xi32, #tpu.memory_space<vmem>>, vector<1x16xi32>,
      %swap3A_2207 = vector.shape_cast %swap3A_2206 : vector<1x16xi32> to vector<16xi32>
      %swap3A_2208 = vector.shape_cast %get3A_2202 : vector<16xi32> to vector<1x16xi32>
      tpu.vector_store %arg8[%swap3A_2204, %swap3A_2205], %swap3A_2208 {strides = array<i32>} : memref<8x128xi32, #tpu.memory_space<vmem>>, vector<1x16xi32>,
      %get3A_2209 = arith.constant 1 : i32
      %get3A_2210 = arith.index_cast %get3A_2209 : i32 to index
      %get3A_2211 = arith.constant 208 : index
      %get3A_2212 = tpu.vector_load %arg6[%get3A_2210, %get3A_2211] {strides = array<i32>} : memref<2x768xi32, #tpu.memory_space<vmem>>, vector<1x16xi32>,
      %get3A_2213 = vector.shape_cast %get3A_2212 : vector<1x16xi32> to vector<16xi32>
      %swap3A_2214 = arith.constant 1 : i32
      %swap3A_2215 = arith.index_cast %swap3A_2214 : i32 to index
      %swap3A_2216 = arith.constant 80 : index
      %swap3A_2217 = tpu.vector_load %arg8[%swap3A_2215, %swap3A_2216] {strides = array<i32>} : memref<8x128xi32, #tpu.memory_space<vmem>>, vector<1x16xi32>,
      %swap3A_2218 = vector.shape_cast %swap3A_2217 : vector<1x16xi32> to vector<16xi32>
      %swap3A_2219 = vector.shape_cast %get3A_2213 : vector<16xi32> to vector<1x16xi32>
      tpu.vector_store %arg8[%swap3A_2215, %swap3A_2216], %swap3A_2219 {strides = array<i32>} : memref<8x128xi32, #tpu.memory_space<vmem>>, vector<1x16xi32>,
      %get3A_2220 = arith.constant 1 : i32
      %get3A_2221 = arith.index_cast %get3A_2220 : i32 to index
      %get3A_2222 = arith.constant 224 : index
      %get3A_2223 = tpu.vector_load %arg6[%get3A_2221, %get3A_2222] {strides = array<i32>} : memref<2x768xi32, #tpu.memory_space<vmem>>, vector<1x16xi32>,
      %get3A_2224 = vector.shape_cast %get3A_2223 : vector<1x16xi32> to vector<16xi32>
      %swap3A_2225 = arith.constant 1 : i32
      %swap3A_2226 = arith.index_cast %swap3A_2225 : i32 to index
      %swap3A_2227 = arith.constant 96 : index
      %swap3A_2228 = tpu.vector_load %arg8[%swap3A_2226, %swap3A_2227] {strides = array<i32>} : memref<8x128xi32, #tpu.memory_space<vmem>>, vector<1x16xi32>,
      %swap3A_2229 = vector.shape_cast %swap3A_2228 : vector<1x16xi32> to vector<16xi32>
      %swap3A_2230 = vector.shape_cast %get3A_2224 : vector<16xi32> to vector<1x16xi32>
      tpu.vector_store %arg8[%swap3A_2226, %swap3A_2227], %swap3A_2230 {strides = array<i32>} : memref<8x128xi32, #tpu.memory_space<vmem>>, vector<1x16xi32>,
      %get3A_2231 = arith.constant 1 : i32
      %get3A_2232 = arith.index_cast %get3A_2231 : i32 to index
      %get3A_2233 = arith.constant 240 : index
      %get3A_2234 = tpu.vector_load %arg6[%get3A_2232, %get3A_2233] {strides = array<i32>} : memref<2x768xi32, #tpu.memory_space<vmem>>, vector<1x16xi32>,
      %get3A_2235 = vector.shape_cast %get3A_2234 : vector<1x16xi32> to vector<16xi32>
      %swap3A_2236 = arith.constant 1 : i32
      %swap3A_2237 = arith.index_cast %swap3A_2236 : i32 to index
      %swap3A_2238 = arith.constant 112 : index
      %swap3A_2239 = tpu.vector_load %arg8[%swap3A_2237, %swap3A_2238] {strides = array<i32>} : memref<8x128xi32, #tpu.memory_space<vmem>>, vector<1x16xi32>,
      %swap3A_2240 = vector.shape_cast %swap3A_2239 : vector<1x16xi32> to vector<16xi32>
      %swap3A_2241 = vector.shape_cast %get3A_2235 : vector<16xi32> to vector<1x16xi32>
      tpu.vector_store %arg8[%swap3A_2237, %swap3A_2238], %swap3A_2241 {strides = array<i32>} : memref<8x128xi32, #tpu.memory_space<vmem>>, vector<1x16xi32>,
      %get3A_2242 = arith.constant 1 : i32
      %get3A_2243 = arith.index_cast %get3A_2242 : i32 to index
      %get3A_2244 = arith.constant 256 : index
      %get3A_2245 = tpu.vector_load %arg6[%get3A_2243, %get3A_2244] {strides = array<i32>} : memref<2x768xi32, #tpu.memory_space<vmem>>, vector<1x16xi32>,
      %get3A_2246 = vector.shape_cast %get3A_2245 : vector<1x16xi32> to vector<16xi32>
      %swap3A_2247 = arith.constant 2 : i32
      %swap3A_2248 = arith.index_cast %swap3A_2247 : i32 to index
      %swap3A_2249 = arith.constant 0 : index
      %swap3A_2250 = tpu.vector_load %arg8[%swap3A_2248, %swap3A_2249] {strides = array<i32>} : memref<8x128xi32, #tpu.memory_space<vmem>>, vector<1x16xi32>,
      %swap3A_2251 = vector.shape_cast %swap3A_2250 : vector<1x16xi32> to vector<16xi32>
      %swap3A_2252 = vector.shape_cast %get3A_2246 : vector<16xi32> to vector<1x16xi32>
      tpu.vector_store %arg8[%swap3A_2248, %swap3A_2249], %swap3A_2252 {strides = array<i32>} : memref<8x128xi32, #tpu.memory_space<vmem>>, vector<1x16xi32>,
      %get3A_2253 = arith.constant 1 : i32
      %get3A_2254 = arith.index_cast %get3A_2253 : i32 to index
      %get3A_2255 = arith.constant 272 : index
      %get3A_2256 = tpu.vector_load %arg6[%get3A_2254, %get3A_2255] {strides = array<i32>} : memref<2x768xi32, #tpu.memory_space<vmem>>, vector<1x16xi32>,
      %get3A_2257 = vector.shape_cast %get3A_2256 : vector<1x16xi32> to vector<16xi32>
      %swap3A_2258 = arith.constant 2 : i32
      %swap3A_2259 = arith.index_cast %swap3A_2258 : i32 to index
      %swap3A_2260 = arith.constant 16 : index
      %swap3A_2261 = tpu.vector_load %arg8[%swap3A_2259, %swap3A_2260] {strides = array<i32>} : memref<8x128xi32, #tpu.memory_space<vmem>>, vector<1x16xi32>,
      %swap3A_2262 = vector.shape_cast %swap3A_2261 : vector<1x16xi32> to vector<16xi32>
      %swap3A_2263 = vector.shape_cast %get3A_2257 : vector<16xi32> to vector<1x16xi32>
      tpu.vector_store %arg8[%swap3A_2259, %swap3A_2260], %swap3A_2263 {strides = array<i32>} : memref<8x128xi32, #tpu.memory_space<vmem>>, vector<1x16xi32>,
      %get3A_2264 = arith.constant 1 : i32
      %get3A_2265 = arith.index_cast %get3A_2264 : i32 to index
      %get3A_2266 = arith.constant 288 : index
      %get3A_2267 = tpu.vector_load %arg6[%get3A_2265, %get3A_2266] {strides = array<i32>} : memref<2x768xi32, #tpu.memory_space<vmem>>, vector<1x16xi32>,
      %get3A_2268 = vector.shape_cast %get3A_2267 : vector<1x16xi32> to vector<16xi32>
      %swap3A_2269 = arith.constant 2 : i32
      %swap3A_2270 = arith.index_cast %swap3A_2269 : i32 to index
      %swap3A_2271 = arith.constant 32 : index
      %swap3A_2272 = tpu.vector_load %arg8[%swap3A_2270, %swap3A_2271] {strides = array<i32>} : memref<8x128xi32, #tpu.memory_space<vmem>>, vector<1x16xi32>,
      %swap3A_2273 = vector.shape_cast %swap3A_2272 : vector<1x16xi32> to vector<16xi32>
      %swap3A_2274 = vector.shape_cast %get3A_2268 : vector<16xi32> to vector<1x16xi32>
      tpu.vector_store %arg8[%swap3A_2270, %swap3A_2271], %swap3A_2274 {strides = array<i32>} : memref<8x128xi32, #tpu.memory_space<vmem>>, vector<1x16xi32>,
      %get3A_2275 = arith.constant 1 : i32
      %get3A_2276 = arith.index_cast %get3A_2275 : i32 to index
      %get3A_2277 = arith.constant 304 : index
      %get3A_2278 = tpu.vector_load %arg6[%get3A_2276, %get3A_2277] {strides = array<i32>} : memref<2x768xi32, #tpu.memory_space<vmem>>, vector<1x16xi32>,
      %get3A_2279 = vector.shape_cast %get3A_2278 : vector<1x16xi32> to vector<16xi32>
      %swap3A_2280 = arith.constant 2 : i32
      %swap3A_2281 = arith.index_cast %swap3A_2280 : i32 to index
      %swap3A_2282 = arith.constant 48 : index
      %swap3A_2283 = tpu.vector_load %arg8[%swap3A_2281, %swap3A_2282] {strides = array<i32>} : memref<8x128xi32, #tpu.memory_space<vmem>>, vector<1x16xi32>,
      %swap3A_2284 = vector.shape_cast %swap3A_2283 : vector<1x16xi32> to vector<16xi32>
      %swap3A_2285 = vector.shape_cast %get3A_2279 : vector<16xi32> to vector<1x16xi32>
      tpu.vector_store %arg8[%swap3A_2281, %swap3A_2282], %swap3A_2285 {strides = array<i32>} : memref<8x128xi32, #tpu.memory_space<vmem>>, vector<1x16xi32>,
      %get3A_2286 = arith.constant 1 : i32
      %get3A_2287 = arith.index_cast %get3A_2286 : i32 to index
      %get3A_2288 = arith.constant 320 : index
      %get3A_2289 = tpu.vector_load %arg6[%get3A_2287, %get3A_2288] {strides = array<i32>} : memref<2x768xi32, #tpu.memory_space<vmem>>, vector<1x16xi32>,
      %get3A_2290 = vector.shape_cast %get3A_2289 : vector<1x16xi32> to vector<16xi32>
      %swap3A_2291 = arith.constant 2 : i32
      %swap3A_2292 = arith.index_cast %swap3A_2291 : i32 to index
      %swap3A_2293 = arith.constant 64 : index
      %swap3A_2294 = tpu.vector_load %arg8[%swap3A_2292, %swap3A_2293] {strides = array<i32>} : memref<8x128xi32, #tpu.memory_space<vmem>>, vector<1x16xi32>,
      %swap3A_2295 = vector.shape_cast %swap3A_2294 : vector<1x16xi32> to vector<16xi32>
      %swap3A_2296 = vector.shape_cast %get3A_2290 : vector<16xi32> to vector<1x16xi32>
      tpu.vector_store %arg8[%swap3A_2292, %swap3A_2293], %swap3A_2296 {strides = array<i32>} : memref<8x128xi32, #tpu.memory_space<vmem>>, vector<1x16xi32>,
      %get3A_2297 = arith.constant 1 : i32
      %get3A_2298 = arith.index_cast %get3A_2297 : i32 to index
      %get3A_2299 = arith.constant 336 : index
      %get3A_2300 = tpu.vector_load %arg6[%get3A_2298, %get3A_2299] {strides = array<i32>} : memref<2x768xi32, #tpu.memory_space<vmem>>, vector<1x16xi32>,
      %get3A_2301 = vector.shape_cast %get3A_2300 : vector<1x16xi32> to vector<16xi32>
      %swap3A_2302 = arith.constant 2 : i32
      %swap3A_2303 = arith.index_cast %swap3A_2302 : i32 to index
      %swap3A_2304 = arith.constant 80 : index
      %swap3A_2305 = tpu.vector_load %arg8[%swap3A_2303, %swap3A_2304] {strides = array<i32>} : memref<8x128xi32, #tpu.memory_space<vmem>>, vector<1x16xi32>,
      %swap3A_2306 = vector.shape_cast %swap3A_2305 : vector<1x16xi32> to vector<16xi32>
      %swap3A_2307 = vector.shape_cast %get3A_2301 : vector<16xi32> to vector<1x16xi32>
      tpu.vector_store %arg8[%swap3A_2303, %swap3A_2304], %swap3A_2307 {strides = array<i32>} : memref<8x128xi32, #tpu.memory_space<vmem>>, vector<1x16xi32>,
      %get3A_2308 = arith.constant 1 : i32
      %get3A_2309 = arith.index_cast %get3A_2308 : i32 to index
      %get3A_2310 = arith.constant 352 : index
      %get3A_2311 = tpu.vector_load %arg6[%get3A_2309, %get3A_2310] {strides = array<i32>} : memref<2x768xi32, #tpu.memory_space<vmem>>, vector<1x16xi32>,
      %get3A_2312 = vector.shape_cast %get3A_2311 : vector<1x16xi32> to vector<16xi32>
      %swap3A_2313 = arith.constant 2 : i32
      %swap3A_2314 = arith.index_cast %swap3A_2313 : i32 to index
      %swap3A_2315 = arith.constant 96 : index
      %swap3A_2316 = tpu.vector_load %arg8[%swap3A_2314, %swap3A_2315] {strides = array<i32>} : memref<8x128xi32, #tpu.memory_space<vmem>>, vector<1x16xi32>,
      %swap3A_2317 = vector.shape_cast %swap3A_2316 : vector<1x16xi32> to vector<16xi32>
      %swap3A_2318 = vector.shape_cast %get3A_2312 : vector<16xi32> to vector<1x16xi32>
      tpu.vector_store %arg8[%swap3A_2314, %swap3A_2315], %swap3A_2318 {strides = array<i32>} : memref<8x128xi32, #tpu.memory_space<vmem>>, vector<1x16xi32>,
      %get3A_2319 = arith.constant 1 : i32
      %get3A_2320 = arith.index_cast %get3A_2319 : i32 to index
      %get3A_2321 = arith.constant 368 : index
      %get3A_2322 = tpu.vector_load %arg6[%get3A_2320, %get3A_2321] {strides = array<i32>} : memref<2x768xi32, #tpu.memory_space<vmem>>, vector<1x16xi32>,
      %get3A_2323 = vector.shape_cast %get3A_2322 : vector<1x16xi32> to vector<16xi32>
      %swap3A_2324 = arith.constant 2 : i32
      %swap3A_2325 = arith.index_cast %swap3A_2324 : i32 to index
      %swap3A_2326 = arith.constant 112 : index
      %swap3A_2327 = tpu.vector_load %arg8[%swap3A_2325, %swap3A_2326] {strides = array<i32>} : memref<8x128xi32, #tpu.memory_space<vmem>>, vector<1x16xi32>,
      %swap3A_2328 = vector.shape_cast %swap3A_2327 : vector<1x16xi32> to vector<16xi32>
      %swap3A_2329 = vector.shape_cast %get3A_2323 : vector<16xi32> to vector<1x16xi32>
      tpu.vector_store %arg8[%swap3A_2325, %swap3A_2326], %swap3A_2329 {strides = array<i32>} : memref<8x128xi32, #tpu.memory_space<vmem>>, vector<1x16xi32>,
      %get3A_2330 = arith.constant 1 : i32
      %get3A_2331 = arith.index_cast %get3A_2330 : i32 to index
      %get3A_2332 = arith.constant 384 : index
      %get3A_2333 = tpu.vector_load %arg6[%get3A_2331, %get3A_2332] {strides = array<i32>} : memref<2x768xi32, #tpu.memory_space<vmem>>, vector<1x16xi32>,
      %get3A_2334 = vector.shape_cast %get3A_2333 : vector<1x16xi32> to vector<16xi32>
      %swap3A_2335 = arith.constant 3 : i32
      %swap3A_2336 = arith.index_cast %swap3A_2335 : i32 to index
      %swap3A_2337 = arith.constant 0 : index
      %swap3A_2338 = tpu.vector_load %arg8[%swap3A_2336, %swap3A_2337] {strides = array<i32>} : memref<8x128xi32, #tpu.memory_space<vmem>>, vector<1x16xi32>,
      %swap3A_2339 = vector.shape_cast %swap3A_2338 : vector<1x16xi32> to vector<16xi32>
      %swap3A_2340 = vector.shape_cast %get3A_2334 : vector<16xi32> to vector<1x16xi32>
      tpu.vector_store %arg8[%swap3A_2336, %swap3A_2337], %swap3A_2340 {strides = array<i32>} : memref<8x128xi32, #tpu.memory_space<vmem>>, vector<1x16xi32>,
      %get3A_2341 = arith.constant 1 : i32
      %get3A_2342 = arith.index_cast %get3A_2341 : i32 to index
      %get3A_2343 = arith.constant 400 : index
      %get3A_2344 = tpu.vector_load %arg6[%get3A_2342, %get3A_2343] {strides = array<i32>} : memref<2x768xi32, #tpu.memory_space<vmem>>, vector<1x16xi32>,
      %get3A_2345 = vector.shape_cast %get3A_2344 : vector<1x16xi32> to vector<16xi32>
      %swap3A_2346 = arith.constant 3 : i32
      %swap3A_2347 = arith.index_cast %swap3A_2346 : i32 to index
      %swap3A_2348 = arith.constant 16 : index
      %swap3A_2349 = tpu.vector_load %arg8[%swap3A_2347, %swap3A_2348] {strides = array<i32>} : memref<8x128xi32, #tpu.memory_space<vmem>>, vector<1x16xi32>,
      %swap3A_2350 = vector.shape_cast %swap3A_2349 : vector<1x16xi32> to vector<16xi32>
      %swap3A_2351 = vector.shape_cast %get3A_2345 : vector<16xi32> to vector<1x16xi32>
      tpu.vector_store %arg8[%swap3A_2347, %swap3A_2348], %swap3A_2351 {strides = array<i32>} : memref<8x128xi32, #tpu.memory_space<vmem>>, vector<1x16xi32>,
      %get3A_2352 = arith.constant 1 : i32
      %get3A_2353 = arith.index_cast %get3A_2352 : i32 to index
      %get3A_2354 = arith.constant 416 : index
      %get3A_2355 = tpu.vector_load %arg6[%get3A_2353, %get3A_2354] {strides = array<i32>} : memref<2x768xi32, #tpu.memory_space<vmem>>, vector<1x16xi32>,
      %get3A_2356 = vector.shape_cast %get3A_2355 : vector<1x16xi32> to vector<16xi32>
      %swap3A_2357 = arith.constant 3 : i32
      %swap3A_2358 = arith.index_cast %swap3A_2357 : i32 to index
      %swap3A_2359 = arith.constant 32 : index
      %swap3A_2360 = tpu.vector_load %arg8[%swap3A_2358, %swap3A_2359] {strides = array<i32>} : memref<8x128xi32, #tpu.memory_space<vmem>>, vector<1x16xi32>,
      %swap3A_2361 = vector.shape_cast %swap3A_2360 : vector<1x16xi32> to vector<16xi32>
      %swap3A_2362 = vector.shape_cast %get3A_2356 : vector<16xi32> to vector<1x16xi32>
      tpu.vector_store %arg8[%swap3A_2358, %swap3A_2359], %swap3A_2362 {strides = array<i32>} : memref<8x128xi32, #tpu.memory_space<vmem>>, vector<1x16xi32>,
      %get3A_2363 = arith.constant 1 : i32
      %get3A_2364 = arith.index_cast %get3A_2363 : i32 to index
      %get3A_2365 = arith.constant 432 : index
      %get3A_2366 = tpu.vector_load %arg6[%get3A_2364, %get3A_2365] {strides = array<i32>} : memref<2x768xi32, #tpu.memory_space<vmem>>, vector<1x16xi32>,
      %get3A_2367 = vector.shape_cast %get3A_2366 : vector<1x16xi32> to vector<16xi32>
      %swap3A_2368 = arith.constant 3 : i32
      %swap3A_2369 = arith.index_cast %swap3A_2368 : i32 to index
      %swap3A_2370 = arith.constant 48 : index
      %swap3A_2371 = tpu.vector_load %arg8[%swap3A_2369, %swap3A_2370] {strides = array<i32>} : memref<8x128xi32, #tpu.memory_space<vmem>>, vector<1x16xi32>,
      %swap3A_2372 = vector.shape_cast %swap3A_2371 : vector<1x16xi32> to vector<16xi32>
      %swap3A_2373 = vector.shape_cast %get3A_2367 : vector<16xi32> to vector<1x16xi32>
      tpu.vector_store %arg8[%swap3A_2369, %swap3A_2370], %swap3A_2373 {strides = array<i32>} : memref<8x128xi32, #tpu.memory_space<vmem>>, vector<1x16xi32>,
      %get3A_2374 = arith.constant 1 : i32
      %get3A_2375 = arith.index_cast %get3A_2374 : i32 to index
      %get3A_2376 = arith.constant 448 : index
      %get3A_2377 = tpu.vector_load %arg6[%get3A_2375, %get3A_2376] {strides = array<i32>} : memref<2x768xi32, #tpu.memory_space<vmem>>, vector<1x16xi32>,
      %get3A_2378 = vector.shape_cast %get3A_2377 : vector<1x16xi32> to vector<16xi32>
      %swap3A_2379 = arith.constant 3 : i32
      %swap3A_2380 = arith.index_cast %swap3A_2379 : i32 to index
      %swap3A_2381 = arith.constant 64 : index
      %swap3A_2382 = tpu.vector_load %arg8[%swap3A_2380, %swap3A_2381] {strides = array<i32>} : memref<8x128xi32, #tpu.memory_space<vmem>>, vector<1x16xi32>,
      %swap3A_2383 = vector.shape_cast %swap3A_2382 : vector<1x16xi32> to vector<16xi32>
      %swap3A_2384 = vector.shape_cast %get3A_2378 : vector<16xi32> to vector<1x16xi32>
      tpu.vector_store %arg8[%swap3A_2380, %swap3A_2381], %swap3A_2384 {strides = array<i32>} : memref<8x128xi32, #tpu.memory_space<vmem>>, vector<1x16xi32>,
      %get3A_2385 = arith.constant 1 : i32
      %get3A_2386 = arith.index_cast %get3A_2385 : i32 to index
      %get3A_2387 = arith.constant 464 : index
      %get3A_2388 = tpu.vector_load %arg6[%get3A_2386, %get3A_2387] {strides = array<i32>} : memref<2x768xi32, #tpu.memory_space<vmem>>, vector<1x16xi32>,
      %get3A_2389 = vector.shape_cast %get3A_2388 : vector<1x16xi32> to vector<16xi32>
      %swap3A_2390 = arith.constant 3 : i32
      %swap3A_2391 = arith.index_cast %swap3A_2390 : i32 to index
      %swap3A_2392 = arith.constant 80 : index
      %swap3A_2393 = tpu.vector_load %arg8[%swap3A_2391, %swap3A_2392] {strides = array<i32>} : memref<8x128xi32, #tpu.memory_space<vmem>>, vector<1x16xi32>,
      %swap3A_2394 = vector.shape_cast %swap3A_2393 : vector<1x16xi32> to vector<16xi32>
      %swap3A_2395 = vector.shape_cast %get3A_2389 : vector<16xi32> to vector<1x16xi32>
      tpu.vector_store %arg8[%swap3A_2391, %swap3A_2392], %swap3A_2395 {strides = array<i32>} : memref<8x128xi32, #tpu.memory_space<vmem>>, vector<1x16xi32>,
      %get3A_2396 = arith.constant 1 : i32
      %get3A_2397 = arith.index_cast %get3A_2396 : i32 to index
      %get3A_2398 = arith.constant 480 : index
      %get3A_2399 = tpu.vector_load %arg6[%get3A_2397, %get3A_2398] {strides = array<i32>} : memref<2x768xi32, #tpu.memory_space<vmem>>, vector<1x16xi32>,
      %get3A_2400 = vector.shape_cast %get3A_2399 : vector<1x16xi32> to vector<16xi32>
      %swap3A_2401 = arith.constant 3 : i32
      %swap3A_2402 = arith.index_cast %swap3A_2401 : i32 to index
      %swap3A_2403 = arith.constant 96 : index
      %swap3A_2404 = tpu.vector_load %arg8[%swap3A_2402, %swap3A_2403] {strides = array<i32>} : memref<8x128xi32, #tpu.memory_space<vmem>>, vector<1x16xi32>,
      %swap3A_2405 = vector.shape_cast %swap3A_2404 : vector<1x16xi32> to vector<16xi32>
      %swap3A_2406 = vector.shape_cast %get3A_2400 : vector<16xi32> to vector<1x16xi32>
      tpu.vector_store %arg8[%swap3A_2402, %swap3A_2403], %swap3A_2406 {strides = array<i32>} : memref<8x128xi32, #tpu.memory_space<vmem>>, vector<1x16xi32>,
      %get3A_2407 = arith.constant 1 : i32
      %get3A_2408 = arith.index_cast %get3A_2407 : i32 to index
      %get3A_2409 = arith.constant 496 : index
      %get3A_2410 = tpu.vector_load %arg6[%get3A_2408, %get3A_2409] {strides = array<i32>} : memref<2x768xi32, #tpu.memory_space<vmem>>, vector<1x16xi32>,
      %get3A_2411 = vector.shape_cast %get3A_2410 : vector<1x16xi32> to vector<16xi32>
      %swap3A_2412 = arith.constant 3 : i32
      %swap3A_2413 = arith.index_cast %swap3A_2412 : i32 to index
      %swap3A_2414 = arith.constant 112 : index
      %swap3A_2415 = tpu.vector_load %arg8[%swap3A_2413, %swap3A_2414] {strides = array<i32>} : memref<8x128xi32, #tpu.memory_space<vmem>>, vector<1x16xi32>,
      %swap3A_2416 = vector.shape_cast %swap3A_2415 : vector<1x16xi32> to vector<16xi32>
      %swap3A_2417 = vector.shape_cast %get3A_2411 : vector<16xi32> to vector<1x16xi32>
      tpu.vector_store %arg8[%swap3A_2413, %swap3A_2414], %swap3A_2417 {strides = array<i32>} : memref<8x128xi32, #tpu.memory_space<vmem>>, vector<1x16xi32>,
      %get3A_2418 = arith.constant 1 : i32
      %get3A_2419 = arith.index_cast %get3A_2418 : i32 to index
      %get3A_2420 = arith.constant 512 : index
      %get3A_2421 = tpu.vector_load %arg6[%get3A_2419, %get3A_2420] {strides = array<i32>} : memref<2x768xi32, #tpu.memory_space<vmem>>, vector<1x16xi32>,
      %get3A_2422 = vector.shape_cast %get3A_2421 : vector<1x16xi32> to vector<16xi32>
      %swap3A_2423 = arith.constant 4 : i32
      %swap3A_2424 = arith.index_cast %swap3A_2423 : i32 to index
      %swap3A_2425 = arith.constant 0 : index
      %swap3A_2426 = tpu.vector_load %arg8[%swap3A_2424, %swap3A_2425] {strides = array<i32>} : memref<8x128xi32, #tpu.memory_space<vmem>>, vector<1x16xi32>,
      %swap3A_2427 = vector.shape_cast %swap3A_2426 : vector<1x16xi32> to vector<16xi32>
      %swap3A_2428 = vector.shape_cast %get3A_2422 : vector<16xi32> to vector<1x16xi32>
      tpu.vector_store %arg8[%swap3A_2424, %swap3A_2425], %swap3A_2428 {strides = array<i32>} : memref<8x128xi32, #tpu.memory_space<vmem>>, vector<1x16xi32>,
      %get3A_2429 = arith.constant 1 : i32
      %get3A_2430 = arith.index_cast %get3A_2429 : i32 to index
      %get3A_2431 = arith.constant 528 : index
      %get3A_2432 = tpu.vector_load %arg6[%get3A_2430, %get3A_2431] {strides = array<i32>} : memref<2x768xi32, #tpu.memory_space<vmem>>, vector<1x16xi32>,
      %get3A_2433 = vector.shape_cast %get3A_2432 : vector<1x16xi32> to vector<16xi32>
      %swap3A_2434 = arith.constant 4 : i32
      %swap3A_2435 = arith.index_cast %swap3A_2434 : i32 to index
      %swap3A_2436 = arith.constant 16 : index
      %swap3A_2437 = tpu.vector_load %arg8[%swap3A_2435, %swap3A_2436] {strides = array<i32>} : memref<8x128xi32, #tpu.memory_space<vmem>>, vector<1x16xi32>,
      %swap3A_2438 = vector.shape_cast %swap3A_2437 : vector<1x16xi32> to vector<16xi32>
      %swap3A_2439 = vector.shape_cast %get3A_2433 : vector<16xi32> to vector<1x16xi32>
      tpu.vector_store %arg8[%swap3A_2435, %swap3A_2436], %swap3A_2439 {strides = array<i32>} : memref<8x128xi32, #tpu.memory_space<vmem>>, vector<1x16xi32>,
      %get3A_2440 = arith.constant 1 : i32
      %get3A_2441 = arith.index_cast %get3A_2440 : i32 to index
      %get3A_2442 = arith.constant 544 : index
      %get3A_2443 = tpu.vector_load %arg6[%get3A_2441, %get3A_2442] {strides = array<i32>} : memref<2x768xi32, #tpu.memory_space<vmem>>, vector<1x16xi32>,
      %get3A_2444 = vector.shape_cast %get3A_2443 : vector<1x16xi32> to vector<16xi32>
      %swap3A_2445 = arith.constant 4 : i32
      %swap3A_2446 = arith.index_cast %swap3A_2445 : i32 to index
      %swap3A_2447 = arith.constant 32 : index
      %swap3A_2448 = tpu.vector_load %arg8[%swap3A_2446, %swap3A_2447] {strides = array<i32>} : memref<8x128xi32, #tpu.memory_space<vmem>>, vector<1x16xi32>,
      %swap3A_2449 = vector.shape_cast %swap3A_2448 : vector<1x16xi32> to vector<16xi32>
      %swap3A_2450 = vector.shape_cast %get3A_2444 : vector<16xi32> to vector<1x16xi32>
      tpu.vector_store %arg8[%swap3A_2446, %swap3A_2447], %swap3A_2450 {strides = array<i32>} : memref<8x128xi32, #tpu.memory_space<vmem>>, vector<1x16xi32>,
      %get3A_2451 = arith.constant 1 : i32
      %get3A_2452 = arith.index_cast %get3A_2451 : i32 to index
      %get3A_2453 = arith.constant 560 : index
      %get3A_2454 = tpu.vector_load %arg6[%get3A_2452, %get3A_2453] {strides = array<i32>} : memref<2x768xi32, #tpu.memory_space<vmem>>, vector<1x16xi32>,
      %get3A_2455 = vector.shape_cast %get3A_2454 : vector<1x16xi32> to vector<16xi32>
      %swap3A_2456 = arith.constant 4 : i32
      %swap3A_2457 = arith.index_cast %swap3A_2456 : i32 to index
      %swap3A_2458 = arith.constant 48 : index
      %swap3A_2459 = tpu.vector_load %arg8[%swap3A_2457, %swap3A_2458] {strides = array<i32>} : memref<8x128xi32, #tpu.memory_space<vmem>>, vector<1x16xi32>,
      %swap3A_2460 = vector.shape_cast %swap3A_2459 : vector<1x16xi32> to vector<16xi32>
      %swap3A_2461 = vector.shape_cast %get3A_2455 : vector<16xi32> to vector<1x16xi32>
      tpu.vector_store %arg8[%swap3A_2457, %swap3A_2458], %swap3A_2461 {strides = array<i32>} : memref<8x128xi32, #tpu.memory_space<vmem>>, vector<1x16xi32>,
      %get3A_2462 = arith.constant 1 : i32
      %get3A_2463 = arith.index_cast %get3A_2462 : i32 to index
      %get3A_2464 = arith.constant 576 : index
      %get3A_2465 = tpu.vector_load %arg6[%get3A_2463, %get3A_2464] {strides = array<i32>} : memref<2x768xi32, #tpu.memory_space<vmem>>, vector<1x16xi32>,
      %get3A_2466 = vector.shape_cast %get3A_2465 : vector<1x16xi32> to vector<16xi32>
      %swap3A_2467 = arith.constant 4 : i32
      %swap3A_2468 = arith.index_cast %swap3A_2467 : i32 to index
      %swap3A_2469 = arith.constant 64 : index
      %swap3A_2470 = tpu.vector_load %arg8[%swap3A_2468, %swap3A_2469] {strides = array<i32>} : memref<8x128xi32, #tpu.memory_space<vmem>>, vector<1x16xi32>,
      %swap3A_2471 = vector.shape_cast %swap3A_2470 : vector<1x16xi32> to vector<16xi32>
      %swap3A_2472 = vector.shape_cast %get3A_2466 : vector<16xi32> to vector<1x16xi32>
      tpu.vector_store %arg8[%swap3A_2468, %swap3A_2469], %swap3A_2472 {strides = array<i32>} : memref<8x128xi32, #tpu.memory_space<vmem>>, vector<1x16xi32>,
      %get3A_2473 = arith.constant 1 : i32
      %get3A_2474 = arith.index_cast %get3A_2473 : i32 to index
      %get3A_2475 = arith.constant 592 : index
      %get3A_2476 = tpu.vector_load %arg6[%get3A_2474, %get3A_2475] {strides = array<i32>} : memref<2x768xi32, #tpu.memory_space<vmem>>, vector<1x16xi32>,
      %get3A_2477 = vector.shape_cast %get3A_2476 : vector<1x16xi32> to vector<16xi32>
      %swap3A_2478 = arith.constant 4 : i32
      %swap3A_2479 = arith.index_cast %swap3A_2478 : i32 to index
      %swap3A_2480 = arith.constant 80 : index
      %swap3A_2481 = tpu.vector_load %arg8[%swap3A_2479, %swap3A_2480] {strides = array<i32>} : memref<8x128xi32, #tpu.memory_space<vmem>>, vector<1x16xi32>,
      %swap3A_2482 = vector.shape_cast %swap3A_2481 : vector<1x16xi32> to vector<16xi32>
      %swap3A_2483 = vector.shape_cast %get3A_2477 : vector<16xi32> to vector<1x16xi32>
      tpu.vector_store %arg8[%swap3A_2479, %swap3A_2480], %swap3A_2483 {strides = array<i32>} : memref<8x128xi32, #tpu.memory_space<vmem>>, vector<1x16xi32>,
      %get3A_2484 = arith.constant 1 : i32
      %get3A_2485 = arith.index_cast %get3A_2484 : i32 to index
      %get3A_2486 = arith.constant 608 : index
      %get3A_2487 = tpu.vector_load %arg6[%get3A_2485, %get3A_2486] {strides = array<i32>} : memref<2x768xi32, #tpu.memory_space<vmem>>, vector<1x16xi32>,
      %get3A_2488 = vector.shape_cast %get3A_2487 : vector<1x16xi32> to vector<16xi32>
      %swap3A_2489 = arith.constant 4 : i32
      %swap3A_2490 = arith.index_cast %swap3A_2489 : i32 to index
      %swap3A_2491 = arith.constant 96 : index
      %swap3A_2492 = tpu.vector_load %arg8[%swap3A_2490, %swap3A_2491] {strides = array<i32>} : memref<8x128xi32, #tpu.memory_space<vmem>>, vector<1x16xi32>,
      %swap3A_2493 = vector.shape_cast %swap3A_2492 : vector<1x16xi32> to vector<16xi32>
      %swap3A_2494 = vector.shape_cast %get3A_2488 : vector<16xi32> to vector<1x16xi32>
      tpu.vector_store %arg8[%swap3A_2490, %swap3A_2491], %swap3A_2494 {strides = array<i32>} : memref<8x128xi32, #tpu.memory_space<vmem>>, vector<1x16xi32>,
      %get3A_2495 = arith.constant 1 : i32
      %get3A_2496 = arith.index_cast %get3A_2495 : i32 to index
      %get3A_2497 = arith.constant 624 : index
      %get3A_2498 = tpu.vector_load %arg6[%get3A_2496, %get3A_2497] {strides = array<i32>} : memref<2x768xi32, #tpu.memory_space<vmem>>, vector<1x16xi32>,
      %get3A_2499 = vector.shape_cast %get3A_2498 : vector<1x16xi32> to vector<16xi32>
      %swap3A_2500 = arith.constant 4 : i32
      %swap3A_2501 = arith.index_cast %swap3A_2500 : i32 to index
      %swap3A_2502 = arith.constant 112 : index
      %swap3A_2503 = tpu.vector_load %arg8[%swap3A_2501, %swap3A_2502] {strides = array<i32>} : memref<8x128xi32, #tpu.memory_space<vmem>>, vector<1x16xi32>,
      %swap3A_2504 = vector.shape_cast %swap3A_2503 : vector<1x16xi32> to vector<16xi32>
      %swap3A_2505 = vector.shape_cast %get3A_2499 : vector<16xi32> to vector<1x16xi32>
      tpu.vector_store %arg8[%swap3A_2501, %swap3A_2502], %swap3A_2505 {strides = array<i32>} : memref<8x128xi32, #tpu.memory_space<vmem>>, vector<1x16xi32>,
      %get3A_2506 = arith.constant 1 : i32
      %get3A_2507 = arith.index_cast %get3A_2506 : i32 to index
      %get3A_2508 = arith.constant 640 : index
      %get3A_2509 = tpu.vector_load %arg6[%get3A_2507, %get3A_2508] {strides = array<i32>} : memref<2x768xi32, #tpu.memory_space<vmem>>, vector<1x16xi32>,
      %get3A_2510 = vector.shape_cast %get3A_2509 : vector<1x16xi32> to vector<16xi32>
      %swap3A_2511 = arith.constant 5 : i32
      %swap3A_2512 = arith.index_cast %swap3A_2511 : i32 to index
      %swap3A_2513 = arith.constant 0 : index
      %swap3A_2514 = tpu.vector_load %arg8[%swap3A_2512, %swap3A_2513] {strides = array<i32>} : memref<8x128xi32, #tpu.memory_space<vmem>>, vector<1x16xi32>,
      %swap3A_2515 = vector.shape_cast %swap3A_2514 : vector<1x16xi32> to vector<16xi32>
      %swap3A_2516 = vector.shape_cast %get3A_2510 : vector<16xi32> to vector<1x16xi32>
      tpu.vector_store %arg8[%swap3A_2512, %swap3A_2513], %swap3A_2516 {strides = array<i32>} : memref<8x128xi32, #tpu.memory_space<vmem>>, vector<1x16xi32>,
      %get3A_2517 = arith.constant 1 : i32
      %get3A_2518 = arith.index_cast %get3A_2517 : i32 to index
      %get3A_2519 = arith.constant 656 : index
      %get3A_2520 = tpu.vector_load %arg6[%get3A_2518, %get3A_2519] {strides = array<i32>} : memref<2x768xi32, #tpu.memory_space<vmem>>, vector<1x16xi32>,
      %get3A_2521 = vector.shape_cast %get3A_2520 : vector<1x16xi32> to vector<16xi32>
      %swap3A_2522 = arith.constant 5 : i32
      %swap3A_2523 = arith.index_cast %swap3A_2522 : i32 to index
      %swap3A_2524 = arith.constant 16 : index
      %swap3A_2525 = tpu.vector_load %arg8[%swap3A_2523, %swap3A_2524] {strides = array<i32>} : memref<8x128xi32, #tpu.memory_space<vmem>>, vector<1x16xi32>,
      %swap3A_2526 = vector.shape_cast %swap3A_2525 : vector<1x16xi32> to vector<16xi32>
      %swap3A_2527 = vector.shape_cast %get3A_2521 : vector<16xi32> to vector<1x16xi32>
      tpu.vector_store %arg8[%swap3A_2523, %swap3A_2524], %swap3A_2527 {strides = array<i32>} : memref<8x128xi32, #tpu.memory_space<vmem>>, vector<1x16xi32>,
      %get3A_2528 = arith.constant 1 : i32
      %get3A_2529 = arith.index_cast %get3A_2528 : i32 to index
      %get3A_2530 = arith.constant 672 : index
      %get3A_2531 = tpu.vector_load %arg6[%get3A_2529, %get3A_2530] {strides = array<i32>} : memref<2x768xi32, #tpu.memory_space<vmem>>, vector<1x16xi32>,
      %get3A_2532 = vector.shape_cast %get3A_2531 : vector<1x16xi32> to vector<16xi32>
      %swap3A_2533 = arith.constant 5 : i32
      %swap3A_2534 = arith.index_cast %swap3A_2533 : i32 to index
      %swap3A_2535 = arith.constant 32 : index
      %swap3A_2536 = tpu.vector_load %arg8[%swap3A_2534, %swap3A_2535] {strides = array<i32>} : memref<8x128xi32, #tpu.memory_space<vmem>>, vector<1x16xi32>,
      %swap3A_2537 = vector.shape_cast %swap3A_2536 : vector<1x16xi32> to vector<16xi32>
      %swap3A_2538 = vector.shape_cast %get3A_2532 : vector<16xi32> to vector<1x16xi32>
      tpu.vector_store %arg8[%swap3A_2534, %swap3A_2535], %swap3A_2538 {strides = array<i32>} : memref<8x128xi32, #tpu.memory_space<vmem>>, vector<1x16xi32>,
      %get3A_2539 = arith.constant 1 : i32
      %get3A_2540 = arith.index_cast %get3A_2539 : i32 to index
      %get3A_2541 = arith.constant 688 : index
      %get3A_2542 = tpu.vector_load %arg6[%get3A_2540, %get3A_2541] {strides = array<i32>} : memref<2x768xi32, #tpu.memory_space<vmem>>, vector<1x16xi32>,
      %get3A_2543 = vector.shape_cast %get3A_2542 : vector<1x16xi32> to vector<16xi32>
      %swap3A_2544 = arith.constant 5 : i32
      %swap3A_2545 = arith.index_cast %swap3A_2544 : i32 to index
      %swap3A_2546 = arith.constant 48 : index
      %swap3A_2547 = tpu.vector_load %arg8[%swap3A_2545, %swap3A_2546] {strides = array<i32>} : memref<8x128xi32, #tpu.memory_space<vmem>>, vector<1x16xi32>,
      %swap3A_2548 = vector.shape_cast %swap3A_2547 : vector<1x16xi32> to vector<16xi32>
      %swap3A_2549 = vector.shape_cast %get3A_2543 : vector<16xi32> to vector<1x16xi32>
      tpu.vector_store %arg8[%swap3A_2545, %swap3A_2546], %swap3A_2549 {strides = array<i32>} : memref<8x128xi32, #tpu.memory_space<vmem>>, vector<1x16xi32>,
      %get3A_2550 = arith.constant 1 : i32
      %get3A_2551 = arith.index_cast %get3A_2550 : i32 to index
      %get3A_2552 = arith.constant 704 : index
      %get3A_2553 = tpu.vector_load %arg6[%get3A_2551, %get3A_2552] {strides = array<i32>} : memref<2x768xi32, #tpu.memory_space<vmem>>, vector<1x16xi32>,
      %get3A_2554 = vector.shape_cast %get3A_2553 : vector<1x16xi32> to vector<16xi32>
      %swap3A_2555 = arith.constant 5 : i32
      %swap3A_2556 = arith.index_cast %swap3A_2555 : i32 to index
      %swap3A_2557 = arith.constant 64 : index
      %swap3A_2558 = tpu.vector_load %arg8[%swap3A_2556, %swap3A_2557] {strides = array<i32>} : memref<8x128xi32, #tpu.memory_space<vmem>>, vector<1x16xi32>,
      %swap3A_2559 = vector.shape_cast %swap3A_2558 : vector<1x16xi32> to vector<16xi32>
      %swap3A_2560 = vector.shape_cast %get3A_2554 : vector<16xi32> to vector<1x16xi32>
      tpu.vector_store %arg8[%swap3A_2556, %swap3A_2557], %swap3A_2560 {strides = array<i32>} : memref<8x128xi32, #tpu.memory_space<vmem>>, vector<1x16xi32>,
      %get3A_2561 = arith.constant 1 : i32
      %get3A_2562 = arith.index_cast %get3A_2561 : i32 to index
      %get3A_2563 = arith.constant 720 : index
      %get3A_2564 = tpu.vector_load %arg6[%get3A_2562, %get3A_2563] {strides = array<i32>} : memref<2x768xi32, #tpu.memory_space<vmem>>, vector<1x16xi32>,
      %get3A_2565 = vector.shape_cast %get3A_2564 : vector<1x16xi32> to vector<16xi32>
      %swap3A_2566 = arith.constant 5 : i32
      %swap3A_2567 = arith.index_cast %swap3A_2566 : i32 to index
      %swap3A_2568 = arith.constant 80 : index
      %swap3A_2569 = tpu.vector_load %arg8[%swap3A_2567, %swap3A_2568] {strides = array<i32>} : memref<8x128xi32, #tpu.memory_space<vmem>>, vector<1x16xi32>,
      %swap3A_2570 = vector.shape_cast %swap3A_2569 : vector<1x16xi32> to vector<16xi32>
      %swap3A_2571 = vector.shape_cast %get3A_2565 : vector<16xi32> to vector<1x16xi32>
      tpu.vector_store %arg8[%swap3A_2567, %swap3A_2568], %swap3A_2571 {strides = array<i32>} : memref<8x128xi32, #tpu.memory_space<vmem>>, vector<1x16xi32>,
      %get3A_2572 = arith.constant 1 : i32
      %get3A_2573 = arith.index_cast %get3A_2572 : i32 to index
      %get3A_2574 = arith.constant 736 : index
      %get3A_2575 = tpu.vector_load %arg6[%get3A_2573, %get3A_2574] {strides = array<i32>} : memref<2x768xi32, #tpu.memory_space<vmem>>, vector<1x16xi32>,
      %get3A_2576 = vector.shape_cast %get3A_2575 : vector<1x16xi32> to vector<16xi32>
      %swap3A_2577 = arith.constant 5 : i32
      %swap3A_2578 = arith.index_cast %swap3A_2577 : i32 to index
      %swap3A_2579 = arith.constant 96 : index
      %swap3A_2580 = tpu.vector_load %arg8[%swap3A_2578, %swap3A_2579] {strides = array<i32>} : memref<8x128xi32, #tpu.memory_space<vmem>>, vector<1x16xi32>,
      %swap3A_2581 = vector.shape_cast %swap3A_2580 : vector<1x16xi32> to vector<16xi32>
      %swap3A_2582 = vector.shape_cast %get3A_2576 : vector<16xi32> to vector<1x16xi32>
      tpu.vector_store %arg8[%swap3A_2578, %swap3A_2579], %swap3A_2582 {strides = array<i32>} : memref<8x128xi32, #tpu.memory_space<vmem>>, vector<1x16xi32>,
      %get3A_2583 = arith.constant 1 : i32
      %get3A_2584 = arith.index_cast %get3A_2583 : i32 to index
      %get3A_2585 = arith.constant 752 : index
      %get3A_2586 = tpu.vector_load %arg6[%get3A_2584, %get3A_2585] {strides = array<i32>} : memref<2x768xi32, #tpu.memory_space<vmem>>, vector<1x16xi32>,
      %get3A_2587 = vector.shape_cast %get3A_2586 : vector<1x16xi32> to vector<16xi32>
      %swap3A_2588 = arith.constant 5 : i32
      %swap3A_2589 = arith.index_cast %swap3A_2588 : i32 to index
      %swap3A_2590 = arith.constant 112 : index
      %swap3A_2591 = tpu.vector_load %arg8[%swap3A_2589, %swap3A_2590] {strides = array<i32>} : memref<8x128xi32, #tpu.memory_space<vmem>>, vector<1x16xi32>,
      %swap3A_2592 = vector.shape_cast %swap3A_2591 : vector<1x16xi32> to vector<16xi32>
      %swap3A_2593 = vector.shape_cast %get3A_2587 : vector<16xi32> to vector<1x16xi32>
      tpu.vector_store %arg8[%swap3A_2589, %swap3A_2590], %swap3A_2593 {strides = array<i32>} : memref<8x128xi32, #tpu.memory_space<vmem>>, vector<1x16xi32>,
      %dma_start3A_2594 = arith.constant 0 : i32
      %dma_start3A_2595 = arith.constant 128 : i32
      %dma_start3A_2596 = tpu.memref_slice %arg6[%dma_start3A_2594, %dma_start3A_2595] : memref<2x768xi32, #tpu.memory_space<vmem>> -> memref<1x128xi32, #tpu.memory_space<vmem>>
      %dma_start3A_2597 = tpu.memref_squeeze %dma_start3A_2596 : memref<1x128xi32, #tpu.memory_space<vmem>> -> memref<128xi32, #tpu.memory_space<vmem>>
      %dma_start3A_2598 = arith.constant 0 : i32
      %dma_start3A_2599 = arith.constant 0 : i32
      %dma_start3A_2600 = tpu.memref_slice %arg2[%dma_start3A_2598, %dma_start3A_2599] : memref<10000x128xf32, #tpu.memory_space<hbm>> -> memref<10000x128xf32, #tpu.memory_space<hbm>>
      tpu.enqueue_indirect_dma source(%dma_start3A_2600 : memref<10000x128xf32, #tpu.memory_space<hbm>>) target(%arg10 : memref<128x128xf32, #tpu.memory_space<vmem>>) offsets(%dma_start3A_2597 : memref<128xi32, #tpu.memory_space<vmem>>) semaphore(%arg16 : memref<!tpu.dma_semaphore, #tpu.memory_space<semaphore_mem>>)
      %dma_wait3A_2601 = arith.constant 0 : i32
      %dma_wait3A_2602 = arith.constant 0 : i32
      %dma_wait3A_2603 = tpu.memref_slice %arg6[%dma_wait3A_2601, %dma_wait3A_2602] : memref<2x768xi32, #tpu.memory_space<vmem>> -> memref<1x128xi32, #tpu.memory_space<vmem>>
      %dma_wait3A_2604 = tpu.memref_squeeze %dma_wait3A_2603 : memref<1x128xi32, #tpu.memory_space<vmem>> -> memref<128xi32, #tpu.memory_space<vmem>>
      %dma_wait3A_2605 = arith.constant 0 : i32
      %dma_wait3A_2606 = arith.constant 0 : i32
      %dma_wait3A_2607 = tpu.memref_slice %arg2[%dma_wait3A_2605, %dma_wait3A_2606] : memref<10000x128xf32, #tpu.memory_space<hbm>> -> memref<10000x128xf32, #tpu.memory_space<hbm>>
      tpu.wait_indirect_dma semaphore(%arg15 : memref<!tpu.dma_semaphore, #tpu.memory_space<semaphore_mem>>) src(%dma_wait3A_2607 : memref<10000x128xf32, #tpu.memory_space<hbm>>) dst(%arg9 : memref<128x128xf32, #tpu.memory_space<vmem>>)
      %run_scoped3A_2608 = arith.constant 0 : i32
      "tpu.region"() ({
        %run_scoped3A_2694 = tpu.sem_alloc : memref<!tpu.dma_semaphore, #tpu.memory_space<semaphore_mem>>
        %dma_start3A_2695 = arith.constant 0 : i32
        %dma_start3A_2696 = tpu.memref_slice %arg8[%run_scoped3A_2608, %dma_start3A_2695] : memref<8x128xi32, #tpu.memory_space<vmem>> -> memref<1x128xi32, #tpu.memory_space<vmem>>
        %dma_start3A_2697 = tpu.memref_squeeze %dma_start3A_2696 : memref<1x128xi32, #tpu.memory_space<vmem>> -> memref<128xi32, #tpu.memory_space<vmem>>
        %dma_start3A_2698 = arith.constant 0 : i32
        %dma_start3A_2699 = arith.constant 0 : i32
        %dma_start3A_2700 = tpu.memref_slice %arg12[%dma_start3A_2698, %dma_start3A_2699] : memref<10000x128xf32, #tpu.memory_space<vmem_shared>> -> memref<10000x128xf32, #tpu.memory_space<vmem_shared>>
        tpu.enqueue_indirect_dma source(%arg9 : memref<128x128xf32, #tpu.memory_space<vmem>>) target(%dma_start3A_2700 : memref<10000x128xf32, #tpu.memory_space<vmem_shared>>) offsets(%dma_start3A_2697 : memref<128xi32, #tpu.memory_space<vmem>>) semaphore(%run_scoped3A_2694 : memref<!tpu.dma_semaphore, #tpu.memory_space<semaphore_mem>>) {add = true}
        %dma_wait3A_2701 = arith.constant 0 : i32
        %dma_wait3A_2702 = tpu.memref_slice %arg8[%run_scoped3A_2608, %dma_wait3A_2701] : memref<8x128xi32, #tpu.memory_space<vmem>> -> memref<1x128xi32, #tpu.memory_space<vmem>>
        %dma_wait3A_2703 = tpu.memref_squeeze %dma_wait3A_2702 : memref<1x128xi32, #tpu.memory_space<vmem>> -> memref<128xi32, #tpu.memory_space<vmem>>
        %dma_wait3A_2704 = arith.constant 0 : i32
        %dma_wait3A_2705 = arith.constant 0 : i32
        %dma_wait3A_2706 = tpu.memref_slice %arg12[%dma_wait3A_2704, %dma_wait3A_2705] : memref<10000x128xf32, #tpu.memory_space<vmem_shared>> -> memref<10000x128xf32, #tpu.memory_space<vmem_shared>>
        tpu.wait_indirect_dma semaphore(%run_scoped3A_2694 : memref<!tpu.dma_semaphore, #tpu.memory_space<semaphore_mem>>) src(%arg9 : memref<128x128xf32, #tpu.memory_space<vmem>>) dst(%dma_wait3A_2706 : memref<10000x128xf32, #tpu.memory_space<vmem_shared>>)
        tpu.yield
      }) : () -> ()
      %dma_start3A_2609 = arith.constant 0 : i32
      %dma_start3A_2610 = arith.constant 256 : i32
      %dma_start3A_2611 = tpu.memref_slice %arg6[%dma_start3A_2609, %dma_start3A_2610] : memref<2x768xi32, #tpu.memory_space<vmem>> -> memref<1x128xi32, #tpu.memory_space<vmem>>
      %dma_start3A_2612 = tpu.memref_squeeze %dma_start3A_2611 : memref<1x128xi32, #tpu.memory_space<vmem>> -> memref<128xi32, #tpu.memory_space<vmem>>
      %dma_start3A_2613 = arith.constant 0 : i32
      %dma_start3A_2614 = arith.constant 0 : i32
      %dma_start3A_2615 = tpu.memref_slice %arg2[%dma_start3A_2613, %dma_start3A_2614] : memref<10000x128xf32, #tpu.memory_space<hbm>> -> memref<10000x128xf32, #tpu.memory_space<hbm>>
      tpu.enqueue_indirect_dma source(%dma_start3A_2615 : memref<10000x128xf32, #tpu.memory_space<hbm>>) target(%arg9 : memref<128x128xf32, #tpu.memory_space<vmem>>) offsets(%dma_start3A_2612 : memref<128xi32, #tpu.memory_space<vmem>>) semaphore(%arg15 : memref<!tpu.dma_semaphore, #tpu.memory_space<semaphore_mem>>)
      %dma_wait3A_2616 = arith.constant 0 : i32
      %dma_wait3A_2617 = arith.constant 128 : i32
      %dma_wait3A_2618 = tpu.memref_slice %arg6[%dma_wait3A_2616, %dma_wait3A_2617] : memref<2x768xi32, #tpu.memory_space<vmem>> -> memref<1x128xi32, #tpu.memory_space<vmem>>
      %dma_wait3A_2619 = tpu.memref_squeeze %dma_wait3A_2618 : memref<1x128xi32, #tpu.memory_space<vmem>> -> memref<128xi32, #tpu.memory_space<vmem>>
      %dma_wait3A_2620 = arith.constant 0 : i32
      %dma_wait3A_2621 = arith.constant 0 : i32
      %dma_wait3A_2622 = tpu.memref_slice %arg2[%dma_wait3A_2620, %dma_wait3A_2621] : memref<10000x128xf32, #tpu.memory_space<hbm>> -> memref<10000x128xf32, #tpu.memory_space<hbm>>
      tpu.wait_indirect_dma semaphore(%arg16 : memref<!tpu.dma_semaphore, #tpu.memory_space<semaphore_mem>>) src(%dma_wait3A_2622 : memref<10000x128xf32, #tpu.memory_space<hbm>>) dst(%arg10 : memref<128x128xf32, #tpu.memory_space<vmem>>)
      %run_scoped3A_2623 = arith.constant 1 : i32
      "tpu.region"() ({
        %run_scoped3A_2694 = tpu.sem_alloc : memref<!tpu.dma_semaphore, #tpu.memory_space<semaphore_mem>>
        %dma_start3A_2695 = arith.constant 0 : i32
        %dma_start3A_2696 = tpu.memref_slice %arg8[%run_scoped3A_2623, %dma_start3A_2695] : memref<8x128xi32, #tpu.memory_space<vmem>> -> memref<1x128xi32, #tpu.memory_space<vmem>>
        %dma_start3A_2697 = tpu.memref_squeeze %dma_start3A_2696 : memref<1x128xi32, #tpu.memory_space<vmem>> -> memref<128xi32, #tpu.memory_space<vmem>>
        %dma_start3A_2698 = arith.constant 0 : i32
        %dma_start3A_2699 = arith.constant 0 : i32
        %dma_start3A_2700 = tpu.memref_slice %arg12[%dma_start3A_2698, %dma_start3A_2699] : memref<10000x128xf32, #tpu.memory_space<vmem_shared>> -> memref<10000x128xf32, #tpu.memory_space<vmem_shared>>
        tpu.enqueue_indirect_dma source(%arg10 : memref<128x128xf32, #tpu.memory_space<vmem>>) target(%dma_start3A_2700 : memref<10000x128xf32, #tpu.memory_space<vmem_shared>>) offsets(%dma_start3A_2697 : memref<128xi32, #tpu.memory_space<vmem>>) semaphore(%run_scoped3A_2694 : memref<!tpu.dma_semaphore, #tpu.memory_space<semaphore_mem>>) {add = true}
        %dma_wait3A_2701 = arith.constant 0 : i32
        %dma_wait3A_2702 = tpu.memref_slice %arg8[%run_scoped3A_2623, %dma_wait3A_2701] : memref<8x128xi32, #tpu.memory_space<vmem>> -> memref<1x128xi32, #tpu.memory_space<vmem>>
        %dma_wait3A_2703 = tpu.memref_squeeze %dma_wait3A_2702 : memref<1x128xi32, #tpu.memory_space<vmem>> -> memref<128xi32, #tpu.memory_space<vmem>>
        %dma_wait3A_2704 = arith.constant 0 : i32
        %dma_wait3A_2705 = arith.constant 0 : i32
        %dma_wait3A_2706 = tpu.memref_slice %arg12[%dma_wait3A_2704, %dma_wait3A_2705] : memref<10000x128xf32, #tpu.memory_space<vmem_shared>> -> memref<10000x128xf32, #tpu.memory_space<vmem_shared>>
        tpu.wait_indirect_dma semaphore(%run_scoped3A_2694 : memref<!tpu.dma_semaphore, #tpu.memory_space<semaphore_mem>>) src(%arg10 : memref<128x128xf32, #tpu.memory_space<vmem>>) dst(%dma_wait3A_2706 : memref<10000x128xf32, #tpu.memory_space<vmem_shared>>)
        tpu.yield
      }) : () -> ()
      %dma_start3A_2624 = arith.constant 0 : i32
      %dma_start3A_2625 = arith.constant 384 : i32
      %dma_start3A_2626 = tpu.memref_slice %arg6[%dma_start3A_2624, %dma_start3A_2625] : memref<2x768xi32, #tpu.memory_space<vmem>> -> memref<1x128xi32, #tpu.memory_space<vmem>>
      %dma_start3A_2627 = tpu.memref_squeeze %dma_start3A_2626 : memref<1x128xi32, #tpu.memory_space<vmem>> -> memref<128xi32, #tpu.memory_space<vmem>>
      %dma_start3A_2628 = arith.constant 0 : i32
      %dma_start3A_2629 = arith.constant 0 : i32
      %dma_start3A_2630 = tpu.memref_slice %arg2[%dma_start3A_2628, %dma_start3A_2629] : memref<10000x128xf32, #tpu.memory_space<hbm>> -> memref<10000x128xf32, #tpu.memory_space<hbm>>
      tpu.enqueue_indirect_dma source(%dma_start3A_2630 : memref<10000x128xf32, #tpu.memory_space<hbm>>) target(%arg10 : memref<128x128xf32, #tpu.memory_space<vmem>>) offsets(%dma_start3A_2627 : memref<128xi32, #tpu.memory_space<vmem>>) semaphore(%arg16 : memref<!tpu.dma_semaphore, #tpu.memory_space<semaphore_mem>>)
      %dma_wait3A_2631 = arith.constant 0 : i32
      %dma_wait3A_2632 = arith.constant 256 : i32
      %dma_wait3A_2633 = tpu.memref_slice %arg6[%dma_wait3A_2631, %dma_wait3A_2632] : memref<2x768xi32, #tpu.memory_space<vmem>> -> memref<1x128xi32, #tpu.memory_space<vmem>>
      %dma_wait3A_2634 = tpu.memref_squeeze %dma_wait3A_2633 : memref<1x128xi32, #tpu.memory_space<vmem>> -> memref<128xi32, #tpu.memory_space<vmem>>
      %dma_wait3A_2635 = arith.constant 0 : i32
      %dma_wait3A_2636 = arith.constant 0 : i32
      %dma_wait3A_2637 = tpu.memref_slice %arg2[%dma_wait3A_2635, %dma_wait3A_2636] : memref<10000x128xf32, #tpu.memory_space<hbm>> -> memref<10000x128xf32, #tpu.memory_space<hbm>>
      tpu.wait_indirect_dma semaphore(%arg15 : memref<!tpu.dma_semaphore, #tpu.memory_space<semaphore_mem>>) src(%dma_wait3A_2637 : memref<10000x128xf32, #tpu.memory_space<hbm>>) dst(%arg9 : memref<128x128xf32, #tpu.memory_space<vmem>>)
      %run_scoped3A_2638 = arith.constant 2 : i32
      "tpu.region"() ({
        %run_scoped3A_2694 = tpu.sem_alloc : memref<!tpu.dma_semaphore, #tpu.memory_space<semaphore_mem>>
        %dma_start3A_2695 = arith.constant 0 : i32
        %dma_start3A_2696 = tpu.memref_slice %arg8[%run_scoped3A_2638, %dma_start3A_2695] : memref<8x128xi32, #tpu.memory_space<vmem>> -> memref<1x128xi32, #tpu.memory_space<vmem>>
        %dma_start3A_2697 = tpu.memref_squeeze %dma_start3A_2696 : memref<1x128xi32, #tpu.memory_space<vmem>> -> memref<128xi32, #tpu.memory_space<vmem>>
        %dma_start3A_2698 = arith.constant 0 : i32
        %dma_start3A_2699 = arith.constant 0 : i32
        %dma_start3A_2700 = tpu.memref_slice %arg12[%dma_start3A_2698, %dma_start3A_2699] : memref<10000x128xf32, #tpu.memory_space<vmem_shared>> -> memref<10000x128xf32, #tpu.memory_space<vmem_shared>>
        tpu.enqueue_indirect_dma source(%arg9 : memref<128x128xf32, #tpu.memory_space<vmem>>) target(%dma_start3A_2700 : memref<10000x128xf32, #tpu.memory_space<vmem_shared>>) offsets(%dma_start3A_2697 : memref<128xi32, #tpu.memory_space<vmem>>) semaphore(%run_scoped3A_2694 : memref<!tpu.dma_semaphore, #tpu.memory_space<semaphore_mem>>) {add = true}
        %dma_wait3A_2701 = arith.constant 0 : i32
        %dma_wait3A_2702 = tpu.memref_slice %arg8[%run_scoped3A_2638, %dma_wait3A_2701] : memref<8x128xi32, #tpu.memory_space<vmem>> -> memref<1x128xi32, #tpu.memory_space<vmem>>
        %dma_wait3A_2703 = tpu.memref_squeeze %dma_wait3A_2702 : memref<1x128xi32, #tpu.memory_space<vmem>> -> memref<128xi32, #tpu.memory_space<vmem>>
        %dma_wait3A_2704 = arith.constant 0 : i32
        %dma_wait3A_2705 = arith.constant 0 : i32
        %dma_wait3A_2706 = tpu.memref_slice %arg12[%dma_wait3A_2704, %dma_wait3A_2705] : memref<10000x128xf32, #tpu.memory_space<vmem_shared>> -> memref<10000x128xf32, #tpu.memory_space<vmem_shared>>
        tpu.wait_indirect_dma semaphore(%run_scoped3A_2694 : memref<!tpu.dma_semaphore, #tpu.memory_space<semaphore_mem>>) src(%arg9 : memref<128x128xf32, #tpu.memory_space<vmem>>) dst(%dma_wait3A_2706 : memref<10000x128xf32, #tpu.memory_space<vmem_shared>>)
        tpu.yield
      }) : () -> ()
      %dma_start3A_2639 = arith.constant 0 : i32
      %dma_start3A_2640 = arith.constant 512 : i32
      %dma_start3A_2641 = tpu.memref_slice %arg6[%dma_start3A_2639, %dma_start3A_2640] : memref<2x768xi32, #tpu.memory_space<vmem>> -> memref<1x128xi32, #tpu.memory_space<vmem>>
      %dma_start3A_2642 = tpu.memref_squeeze %dma_start3A_2641 : memref<1x128xi32, #tpu.memory_space<vmem>> -> memref<128xi32, #tpu.memory_space<vmem>>
      %dma_start3A_2643 = arith.constant 0 : i32
      %dma_start3A_2644 = arith.constant 0 : i32
      %dma_start3A_2645 = tpu.memref_slice %arg2[%dma_start3A_2643, %dma_start3A_2644] : memref<10000x128xf32, #tpu.memory_space<hbm>> -> memref<10000x128xf32, #tpu.memory_space<hbm>>
      tpu.enqueue_indirect_dma source(%dma_start3A_2645 : memref<10000x128xf32, #tpu.memory_space<hbm>>) target(%arg9 : memref<128x128xf32, #tpu.memory_space<vmem>>) offsets(%dma_start3A_2642 : memref<128xi32, #tpu.memory_space<vmem>>) semaphore(%arg15 : memref<!tpu.dma_semaphore, #tpu.memory_space<semaphore_mem>>)
      %dma_wait3A_2646 = arith.constant 0 : i32
      %dma_wait3A_2647 = arith.constant 384 : i32
      %dma_wait3A_2648 = tpu.memref_slice %arg6[%dma_wait3A_2646, %dma_wait3A_2647] : memref<2x768xi32, #tpu.memory_space<vmem>> -> memref<1x128xi32, #tpu.memory_space<vmem>>
      %dma_wait3A_2649 = tpu.memref_squeeze %dma_wait3A_2648 : memref<1x128xi32, #tpu.memory_space<vmem>> -> memref<128xi32, #tpu.memory_space<vmem>>
      %dma_wait3A_2650 = arith.constant 0 : i32
      %dma_wait3A_2651 = arith.constant 0 : i32
      %dma_wait3A_2652 = tpu.memref_slice %arg2[%dma_wait3A_2650, %dma_wait3A_2651] : memref<10000x128xf32, #tpu.memory_space<hbm>> -> memref<10000x128xf32, #tpu.memory_space<hbm>>
      tpu.wait_indirect_dma semaphore(%arg16 : memref<!tpu.dma_semaphore, #tpu.memory_space<semaphore_mem>>) src(%dma_wait3A_2652 : memref<10000x128xf32, #tpu.memory_space<hbm>>) dst(%arg10 : memref<128x128xf32, #tpu.memory_space<vmem>>)
      %run_scoped3A_2653 = arith.constant 3 : i32
      "tpu.region"() ({
        %run_scoped3A_2694 = tpu.sem_alloc : memref<!tpu.dma_semaphore, #tpu.memory_space<semaphore_mem>>
        %dma_start3A_2695 = arith.constant 0 : i32
        %dma_start3A_2696 = tpu.memref_slice %arg8[%run_scoped3A_2653, %dma_start3A_2695] : memref<8x128xi32, #tpu.memory_space<vmem>> -> memref<1x128xi32, #tpu.memory_space<vmem>>
        %dma_start3A_2697 = tpu.memref_squeeze %dma_start3A_2696 : memref<1x128xi32, #tpu.memory_space<vmem>> -> memref<128xi32, #tpu.memory_space<vmem>>
        %dma_start3A_2698 = arith.constant 0 : i32
        %dma_start3A_2699 = arith.constant 0 : i32
        %dma_start3A_2700 = tpu.memref_slice %arg12[%dma_start3A_2698, %dma_start3A_2699] : memref<10000x128xf32, #tpu.memory_space<vmem_shared>> -> memref<10000x128xf32, #tpu.memory_space<vmem_shared>>
        tpu.enqueue_indirect_dma source(%arg10 : memref<128x128xf32, #tpu.memory_space<vmem>>) target(%dma_start3A_2700 : memref<10000x128xf32, #tpu.memory_space<vmem_shared>>) offsets(%dma_start3A_2697 : memref<128xi32, #tpu.memory_space<vmem>>) semaphore(%run_scoped3A_2694 : memref<!tpu.dma_semaphore, #tpu.memory_space<semaphore_mem>>) {add = true}
        %dma_wait3A_2701 = arith.constant 0 : i32
        %dma_wait3A_2702 = tpu.memref_slice %arg8[%run_scoped3A_2653, %dma_wait3A_2701] : memref<8x128xi32, #tpu.memory_space<vmem>> -> memref<1x128xi32, #tpu.memory_space<vmem>>
        %dma_wait3A_2703 = tpu.memref_squeeze %dma_wait3A_2702 : memref<1x128xi32, #tpu.memory_space<vmem>> -> memref<128xi32, #tpu.memory_space<vmem>>
        %dma_wait3A_2704 = arith.constant 0 : i32
        %dma_wait3A_2705 = arith.constant 0 : i32
        %dma_wait3A_2706 = tpu.memref_slice %arg12[%dma_wait3A_2704, %dma_wait3A_2705] : memref<10000x128xf32, #tpu.memory_space<vmem_shared>> -> memref<10000x128xf32, #tpu.memory_space<vmem_shared>>
        tpu.wait_indirect_dma semaphore(%run_scoped3A_2694 : memref<!tpu.dma_semaphore, #tpu.memory_space<semaphore_mem>>) src(%arg10 : memref<128x128xf32, #tpu.memory_space<vmem>>) dst(%dma_wait3A_2706 : memref<10000x128xf32, #tpu.memory_space<vmem_shared>>)
        tpu.yield
      }) : () -> ()
      %dma_start3A_2654 = arith.constant 0 : i32
      %dma_start3A_2655 = arith.constant 640 : i32
      %dma_start3A_2656 = tpu.memref_slice %arg6[%dma_start3A_2654, %dma_start3A_2655] : memref<2x768xi32, #tpu.memory_space<vmem>> -> memref<1x128xi32, #tpu.memory_space<vmem>>
      %dma_start3A_2657 = tpu.memref_squeeze %dma_start3A_2656 : memref<1x128xi32, #tpu.memory_space<vmem>> -> memref<128xi32, #tpu.memory_space<vmem>>
      %dma_start3A_2658 = arith.constant 0 : i32
      %dma_start3A_2659 = arith.constant 0 : i32
      %dma_start3A_2660 = tpu.memref_slice %arg2[%dma_start3A_2658, %dma_start3A_2659] : memref<10000x128xf32, #tpu.memory_space<hbm>> -> memref<10000x128xf32, #tpu.memory_space<hbm>>
      tpu.enqueue_indirect_dma source(%dma_start3A_2660 : memref<10000x128xf32, #tpu.memory_space<hbm>>) target(%arg10 : memref<128x128xf32, #tpu.memory_space<vmem>>) offsets(%dma_start3A_2657 : memref<128xi32, #tpu.memory_space<vmem>>) semaphore(%arg16 : memref<!tpu.dma_semaphore, #tpu.memory_space<semaphore_mem>>)
      %dma_wait3A_2661 = arith.constant 0 : i32
      %dma_wait3A_2662 = arith.constant 512 : i32
      %dma_wait3A_2663 = tpu.memref_slice %arg6[%dma_wait3A_2661, %dma_wait3A_2662] : memref<2x768xi32, #tpu.memory_space<vmem>> -> memref<1x128xi32, #tpu.memory_space<vmem>>
      %dma_wait3A_2664 = tpu.memref_squeeze %dma_wait3A_2663 : memref<1x128xi32, #tpu.memory_space<vmem>> -> memref<128xi32, #tpu.memory_space<vmem>>
      %dma_wait3A_2665 = arith.constant 0 : i32
      %dma_wait3A_2666 = arith.constant 0 : i32
      %dma_wait3A_2667 = tpu.memref_slice %arg2[%dma_wait3A_2665, %dma_wait3A_2666] : memref<10000x128xf32, #tpu.memory_space<hbm>> -> memref<10000x128xf32, #tpu.memory_space<hbm>>
      tpu.wait_indirect_dma semaphore(%arg15 : memref<!tpu.dma_semaphore, #tpu.memory_space<semaphore_mem>>) src(%dma_wait3A_2667 : memref<10000x128xf32, #tpu.memory_space<hbm>>) dst(%arg9 : memref<128x128xf32, #tpu.memory_space<vmem>>)
      %run_scoped3A_2668 = arith.constant 4 : i32
      "tpu.region"() ({
        %run_scoped3A_2694 = tpu.sem_alloc : memref<!tpu.dma_semaphore, #tpu.memory_space<semaphore_mem>>
        %dma_start3A_2695 = arith.constant 0 : i32
        %dma_start3A_2696 = tpu.memref_slice %arg8[%run_scoped3A_2668, %dma_start3A_2695] : memref<8x128xi32, #tpu.memory_space<vmem>> -> memref<1x128xi32, #tpu.memory_space<vmem>>
        %dma_start3A_2697 = tpu.memref_squeeze %dma_start3A_2696 : memref<1x128xi32, #tpu.memory_space<vmem>> -> memref<128xi32, #tpu.memory_space<vmem>>
        %dma_start3A_2698 = arith.constant 0 : i32
        %dma_start3A_2699 = arith.constant 0 : i32
        %dma_start3A_2700 = tpu.memref_slice %arg12[%dma_start3A_2698, %dma_start3A_2699] : memref<10000x128xf32, #tpu.memory_space<vmem_shared>> -> memref<10000x128xf32, #tpu.memory_space<vmem_shared>>
        tpu.enqueue_indirect_dma source(%arg9 : memref<128x128xf32, #tpu.memory_space<vmem>>) target(%dma_start3A_2700 : memref<10000x128xf32, #tpu.memory_space<vmem_shared>>) offsets(%dma_start3A_2697 : memref<128xi32, #tpu.memory_space<vmem>>) semaphore(%run_scoped3A_2694 : memref<!tpu.dma_semaphore, #tpu.memory_space<semaphore_mem>>) {add = true}
        %dma_wait3A_2701 = arith.constant 0 : i32
        %dma_wait3A_2702 = tpu.memref_slice %arg8[%run_scoped3A_2668, %dma_wait3A_2701] : memref<8x128xi32, #tpu.memory_space<vmem>> -> memref<1x128xi32, #tpu.memory_space<vmem>>
        %dma_wait3A_2703 = tpu.memref_squeeze %dma_wait3A_2702 : memref<1x128xi32, #tpu.memory_space<vmem>> -> memref<128xi32, #tpu.memory_space<vmem>>
        %dma_wait3A_2704 = arith.constant 0 : i32
        %dma_wait3A_2705 = arith.constant 0 : i32
        %dma_wait3A_2706 = tpu.memref_slice %arg12[%dma_wait3A_2704, %dma_wait3A_2705] : memref<10000x128xf32, #tpu.memory_space<vmem_shared>> -> memref<10000x128xf32, #tpu.memory_space<vmem_shared>>
        tpu.wait_indirect_dma semaphore(%run_scoped3A_2694 : memref<!tpu.dma_semaphore, #tpu.memory_space<semaphore_mem>>) src(%arg9 : memref<128x128xf32, #tpu.memory_space<vmem>>) dst(%dma_wait3A_2706 : memref<10000x128xf32, #tpu.memory_space<vmem_shared>>)
        tpu.yield
      }) : () -> ()
      %dma_wait3A_2669 = arith.constant 0 : i32
      %dma_wait3A_2670 = arith.constant 0 : i32
      %dma_wait3A_2671 = tpu.memref_slice %arg3[%dma_wait3A_2669, %dma_wait3A_2670] : memref<2x320000xi32, #tpu.memory_space<hbm>> -> memref<2x768xi32, #tpu.memory_space<hbm>>
      %dma_wait3A_2672 = arith.constant 0 : i32
      %dma_wait3A_2673 = arith.constant 0 : i32
      %dma_wait3A_2674 = tpu.memref_slice %arg3[%dma_wait3A_2672, %dma_wait3A_2673] : memref<2x320000xi32, #tpu.memory_space<hbm>> -> memref<2x768xi32, #tpu.memory_space<hbm>>
      tpu.wait_dma2 semaphore(%arg13 : memref<!tpu.dma_semaphore, #tpu.memory_space<semaphore_mem>>) src(%dma_wait3A_2674 : memref<2x768xi32, #tpu.memory_space<hbm>>) dst(%arg5 : memref<2x768xi32, #tpu.memory_space<vmem>>)
      %dma_start3A_2675 = arith.constant 0 : i32
      %dma_start3A_2676 = arith.constant 0 : i32
      %dma_start3A_2677 = tpu.memref_slice %arg5[%dma_start3A_2675, %dma_start3A_2676] : memref<2x768xi32, #tpu.memory_space<vmem>> -> memref<1x128xi32, #tpu.memory_space<vmem>>
      %dma_start3A_2678 = tpu.memref_squeeze %dma_start3A_2677 : memref<1x128xi32, #tpu.memory_space<vmem>> -> memref<128xi32, #tpu.memory_space<vmem>>
      %dma_start3A_2679 = arith.constant 0 : i32
      %dma_start3A_2680 = arith.constant 0 : i32
      %dma_start3A_2681 = tpu.memref_slice %arg2[%dma_start3A_2679, %dma_start3A_2680] : memref<10000x128xf32, #tpu.memory_space<hbm>> -> memref<10000x128xf32, #tpu.memory_space<hbm>>
      tpu.enqueue_indirect_dma source(%dma_start3A_2681 : memref<10000x128xf32, #tpu.memory_space<hbm>>) target(%arg9 : memref<128x128xf32, #tpu.memory_space<vmem>>) offsets(%dma_start3A_2678 : memref<128xi32, #tpu.memory_space<vmem>>) semaphore(%arg15 : memref<!tpu.dma_semaphore, #tpu.memory_space<semaphore_mem>>)
      %dma_wait3A_2682 = arith.constant 0 : i32
      %dma_wait3A_2683 = arith.constant 640 : i32
      %dma_wait3A_2684 = tpu.memref_slice %arg6[%dma_wait3A_2682, %dma_wait3A_2683] : memref<2x768xi32, #tpu.memory_space<vmem>> -> memref<1x128xi32, #tpu.memory_space<vmem>>
      %dma_wait3A_2685 = tpu.memref_squeeze %dma_wait3A_2684 : memref<1x128xi32, #tpu.memory_space<vmem>> -> memref<128xi32, #tpu.memory_space<vmem>>
      %dma_wait3A_2686 = arith.constant 0 : i32
      %dma_wait3A_2687 = arith.constant 0 : i32
      %dma_wait3A_2688 = tpu.memref_slice %arg2[%dma_wait3A_2686, %dma_wait3A_2687] : memref<10000x128xf32, #tpu.memory_space<hbm>> -> memref<10000x128xf32, #tpu.memory_space<hbm>>
      tpu.wait_indirect_dma semaphore(%arg16 : memref<!tpu.dma_semaphore, #tpu.memory_space<semaphore_mem>>) src(%dma_wait3A_2688 : memref<10000x128xf32, #tpu.memory_space<hbm>>) dst(%arg10 : memref<128x128xf32, #tpu.memory_space<vmem>>)
      %run_scoped3A_2689 = arith.constant 5 : i32
      "tpu.region"() ({
        %run_scoped3A_2694 = tpu.sem_alloc : memref<!tpu.dma_semaphore, #tpu.memory_space<semaphore_mem>>
        %dma_start3A_2695 = arith.constant 0 : i32
        %dma_start3A_2696 = tpu.memref_slice %arg8[%run_scoped3A_2689, %dma_start3A_2695] : memref<8x128xi32, #tpu.memory_space<vmem>> -> memref<1x128xi32, #tpu.memory_space<vmem>>
        %dma_start3A_2697 = tpu.memref_squeeze %dma_start3A_2696 : memref<1x128xi32, #tpu.memory_space<vmem>> -> memref<128xi32, #tpu.memory_space<vmem>>
        %dma_start3A_2698 = arith.constant 0 : i32
        %dma_start3A_2699 = arith.constant 0 : i32
        %dma_start3A_2700 = tpu.memref_slice %arg12[%dma_start3A_2698, %dma_start3A_2699] : memref<10000x128xf32, #tpu.memory_space<vmem_shared>> -> memref<10000x128xf32, #tpu.memory_space<vmem_shared>>
        tpu.enqueue_indirect_dma source(%arg10 : memref<128x128xf32, #tpu.memory_space<vmem>>) target(%dma_start3A_2700 : memref<10000x128xf32, #tpu.memory_space<vmem_shared>>) offsets(%dma_start3A_2697 : memref<128xi32, #tpu.memory_space<vmem>>) semaphore(%run_scoped3A_2694 : memref<!tpu.dma_semaphore, #tpu.memory_space<semaphore_mem>>) {add = true}
        %dma_wait3A_2701 = arith.constant 0 : i32
        %dma_wait3A_2702 = tpu.memref_slice %arg8[%run_scoped3A_2689, %dma_wait3A_2701] : memref<8x128xi32, #tpu.memory_space<vmem>> -> memref<1x128xi32, #tpu.memory_space<vmem>>
        %dma_wait3A_2703 = tpu.memref_squeeze %dma_wait3A_2702 : memref<1x128xi32, #tpu.memory_space<vmem>> -> memref<128xi32, #tpu.memory_space<vmem>>
        %dma_wait3A_2704 = arith.constant 0 : i32
        %dma_wait3A_2705 = arith.constant 0 : i32
        %dma_wait3A_2706 = tpu.memref_slice %arg12[%dma_wait3A_2704, %dma_wait3A_2705] : memref<10000x128xf32, #tpu.memory_space<vmem_shared>> -> memref<10000x128xf32, #tpu.memory_space<vmem_shared>>
        tpu.wait_indirect_dma semaphore(%run_scoped3A_2694 : memref<!tpu.dma_semaphore, #tpu.memory_space<semaphore_mem>>) src(%arg10 : memref<128x128xf32, #tpu.memory_space<vmem>>) dst(%dma_wait3A_2706 : memref<10000x128xf32, #tpu.memory_space<vmem_shared>>)
        tpu.yield
      }) : () -> ()
      %lt3A = arith.constant 5 : i32
      %lt3A_2690 = arith.cmpi slt, %scan3A_1430, %lt3A : i32
      %convert_element_type3A_2691 = arith.extui %lt3A_2690 : i1 to i32
      %cond3A_2692 = arith.constant 0 : i32
      %cond3A_2693 = arith.cmpi ne, %convert_element_type3A_2691, %cond3A_2692 : i32
      scf.if %cond3A_2693 {
        %mul3A_2694 = arith.constant 2 : i32
        %mul3A_2695 = arith.muli %mul3A_2694, %scan3A_1430 : i32
        %add3A_2696 = arith.constant 3 : i32
        %add3A_2697 = arith.addi %mul3A_2695, %add3A_2696 : i32
        %mul3A_2698 = arith.constant 768 : i32
        %mul3A_2699 = arith.muli %add3A_2697, %mul3A_2698 : i32
        %add3A_2700 = arith.addi %mul3A_2, %mul3A_2699 : i32
        %dma_start3A_2701 = arith.constant 0 : i32
        %dma_start3A_2702 = tpu.memref_slice %arg3[%dma_start3A_2701, %add3A_2700] : memref<2x320000xi32, #tpu.memory_space<hbm>> -> memref<2x768xi32, #tpu.memory_space<hbm>>
        %dma_start3A_2703 = arith.constant 0 : i32
        %dma_start3A_2704 = tpu.memref_slice %arg3[%dma_start3A_2703, %add3A_2700] : memref<2x320000xi32, #tpu.memory_space<hbm>> -> memref<2x768xi32, #tpu.memory_space<hbm>>
        tpu.enqueue_dma source(%dma_start3A_2704 : memref<2x768xi32, #tpu.memory_space<hbm>>) target(%arg6 : memref<2x768xi32, #tpu.memory_space<vmem>>) target_semaphore(%arg14 : memref<!tpu.dma_semaphore, #tpu.memory_space<semaphore_mem>>)
      } else {
      }
    }
    %scan3A_806 = arith.constant 6 : i32
    %get3A = arith.constant 1 : i32
    %get3A_807 = arith.index_cast %get3A : i32 to index
    %get3A_808 = arith.constant 0 : index
    %get3A_809 = tpu.vector_load %arg5[%get3A_807, %get3A_808] {strides = array<i32>} : memref<2x768xi32, #tpu.memory_space<vmem>>, vector<1x16xi32>,
    %get3A_810 = vector.shape_cast %get3A_809 : vector<1x16xi32> to vector<16xi32>
    %swap3A_811 = arith.constant 0 : i32
    %swap3A_812 = arith.index_cast %swap3A_811 : i32 to index
    %swap3A_813 = arith.constant 0 : index
    %swap3A_814 = tpu.vector_load %arg7[%swap3A_812, %swap3A_813] {strides = array<i32>} : memref<8x128xi32, #tpu.memory_space<vmem>>, vector<1x16xi32>,
    %swap3A_815 = vector.shape_cast %swap3A_814 : vector<1x16xi32> to vector<16xi32>
    %swap3A_816 = vector.shape_cast %get3A_810 : vector<16xi32> to vector<1x16xi32>
    tpu.vector_store %arg7[%swap3A_812, %swap3A_813], %swap3A_816 {strides = array<i32>} : memref<8x128xi32, #tpu.memory_space<vmem>>, vector<1x16xi32>,
    %get3A_817 = arith.constant 1 : i32
    %get3A_818 = arith.index_cast %get3A_817 : i32 to index
    %get3A_819 = arith.constant 16 : index
    %get3A_820 = tpu.vector_load %arg5[%get3A_818, %get3A_819] {strides = array<i32>} : memref<2x768xi32, #tpu.memory_space<vmem>>, vector<1x16xi32>,
    %get3A_821 = vector.shape_cast %get3A_820 : vector<1x16xi32> to vector<16xi32>
    %swap3A_822 = arith.constant 0 : i32
    %swap3A_823 = arith.index_cast %swap3A_822 : i32 to index
    %swap3A_824 = arith.constant 16 : index
    %swap3A_825 = tpu.vector_load %arg7[%swap3A_823, %swap3A_824] {strides = array<i32>} : memref<8x128xi32, #tpu.memory_space<vmem>>, vector<1x16xi32>,
    %swap3A_826 = vector.shape_cast %swap3A_825 : vector<1x16xi32> to vector<16xi32>
    %swap3A_827 = vector.shape_cast %get3A_821 : vector<16xi32> to vector<1x16xi32>
    tpu.vector_store %arg7[%swap3A_823, %swap3A_824], %swap3A_827 {strides = array<i32>} : memref<8x128xi32, #tpu.memory_space<vmem>>, vector<1x16xi32>,
    %get3A_828 = arith.constant 1 : i32
    %get3A_829 = arith.index_cast %get3A_828 : i32 to index
    %get3A_830 = arith.constant 32 : index
    %get3A_831 = tpu.vector_load %arg5[%get3A_829, %get3A_830] {strides = array<i32>} : memref<2x768xi32, #tpu.memory_space<vmem>>, vector<1x16xi32>,
    %get3A_832 = vector.shape_cast %get3A_831 : vector<1x16xi32> to vector<16xi32>
    %swap3A_833 = arith.constant 0 : i32
    %swap3A_834 = arith.index_cast %swap3A_833 : i32 to index
    %swap3A_835 = arith.constant 32 : index
    %swap3A_836 = tpu.vector_load %arg7[%swap3A_834, %swap3A_835] {strides = array<i32>} : memref<8x128xi32, #tpu.memory_space<vmem>>, vector<1x16xi32>,
    %swap3A_837 = vector.shape_cast %swap3A_836 : vector<1x16xi32> to vector<16xi32>
    %swap3A_838 = vector.shape_cast %get3A_832 : vector<16xi32> to vector<1x16xi32>
    tpu.vector_store %arg7[%swap3A_834, %swap3A_835], %swap3A_838 {strides = array<i32>} : memref<8x128xi32, #tpu.memory_space<vmem>>, vector<1x16xi32>,
    %get3A_839 = arith.constant 1 : i32
    %get3A_840 = arith.index_cast %get3A_839 : i32 to index
    %get3A_841 = arith.constant 48 : index
    %get3A_842 = tpu.vector_load %arg5[%get3A_840, %get3A_841] {strides = array<i32>} : memref<2x768xi32, #tpu.memory_space<vmem>>, vector<1x16xi32>,
    %get3A_843 = vector.shape_cast %get3A_842 : vector<1x16xi32> to vector<16xi32>
    %swap3A_844 = arith.constant 0 : i32
    %swap3A_845 = arith.index_cast %swap3A_844 : i32 to index
    %swap3A_846 = arith.constant 48 : index
    %swap3A_847 = tpu.vector_load %arg7[%swap3A_845, %swap3A_846] {strides = array<i32>} : memref<8x128xi32, #tpu.memory_space<vmem>>, vector<1x16xi32>,
    %swap3A_848 = vector.shape_cast %swap3A_847 : vector<1x16xi32> to vector<16xi32>
    %swap3A_849 = vector.shape_cast %get3A_843 : vector<16xi32> to vector<1x16xi32>
    tpu.vector_store %arg7[%swap3A_845, %swap3A_846], %swap3A_849 {strides = array<i32>} : memref<8x128xi32, #tpu.memory_space<vmem>>, vector<1x16xi32>,
    %get3A_850 = arith.constant 1 : i32
    %get3A_851 = arith.index_cast %get3A_850 : i32 to index
    %get3A_852 = arith.constant 64 : index
    %get3A_853 = tpu.vector_load %arg5[%get3A_851, %get3A_852] {strides = array<i32>} : memref<2x768xi32, #tpu.memory_space<vmem>>, vector<1x16xi32>,
    %get3A_854 = vector.shape_cast %get3A_853 : vector<1x16xi32> to vector<16xi32>
    %swap3A_855 = arith.constant 0 : i32
    %swap3A_856 = arith.index_cast %swap3A_855 : i32 to index
    %swap3A_857 = arith.constant 64 : index
    %swap3A_858 = tpu.vector_load %arg7[%swap3A_856, %swap3A_857] {strides = array<i32>} : memref<8x128xi32, #tpu.memory_space<vmem>>, vector<1x16xi32>,
    %swap3A_859 = vector.shape_cast %swap3A_858 : vector<1x16xi32> to vector<16xi32>
    %swap3A_860 = vector.shape_cast %get3A_854 : vector<16xi32> to vector<1x16xi32>
    tpu.vector_store %arg7[%swap3A_856, %swap3A_857], %swap3A_860 {strides = array<i32>} : memref<8x128xi32, #tpu.memory_space<vmem>>, vector<1x16xi32>,
    %get3A_861 = arith.constant 1 : i32
    %get3A_862 = arith.index_cast %get3A_861 : i32 to index
    %get3A_863 = arith.constant 80 : index
    %get3A_864 = tpu.vector_load %arg5[%get3A_862, %get3A_863] {strides = array<i32>} : memref<2x768xi32, #tpu.memory_space<vmem>>, vector<1x16xi32>,
    %get3A_865 = vector.shape_cast %get3A_864 : vector<1x16xi32> to vector<16xi32>
    %swap3A_866 = arith.constant 0 : i32
    %swap3A_867 = arith.index_cast %swap3A_866 : i32 to index
    %swap3A_868 = arith.constant 80 : index
    %swap3A_869 = tpu.vector_load %arg7[%swap3A_867, %swap3A_868] {strides = array<i32>} : memref<8x128xi32, #tpu.memory_space<vmem>>, vector<1x16xi32>,
    %swap3A_870 = vector.shape_cast %swap3A_869 : vector<1x16xi32> to vector<16xi32>
    %swap3A_871 = vector.shape_cast %get3A_865 : vector<16xi32> to vector<1x16xi32>
    tpu.vector_store %arg7[%swap3A_867, %swap3A_868], %swap3A_871 {strides = array<i32>} : memref<8x128xi32, #tpu.memory_space<vmem>>, vector<1x16xi32>,
    %get3A_872 = arith.constant 1 : i32
    %get3A_873 = arith.index_cast %get3A_872 : i32 to index
    %get3A_874 = arith.constant 96 : index
    %get3A_875 = tpu.vector_load %arg5[%get3A_873, %get3A_874] {strides = array<i32>} : memref<2x768xi32, #tpu.memory_space<vmem>>, vector<1x16xi32>,
    %get3A_876 = vector.shape_cast %get3A_875 : vector<1x16xi32> to vector<16xi32>
    %swap3A_877 = arith.constant 0 : i32
    %swap3A_878 = arith.index_cast %swap3A_877 : i32 to index
    %swap3A_879 = arith.constant 96 : index
    %swap3A_880 = tpu.vector_load %arg7[%swap3A_878, %swap3A_879] {strides = array<i32>} : memref<8x128xi32, #tpu.memory_space<vmem>>, vector<1x16xi32>,
    %swap3A_881 = vector.shape_cast %swap3A_880 : vector<1x16xi32> to vector<16xi32>
    %swap3A_882 = vector.shape_cast %get3A_876 : vector<16xi32> to vector<1x16xi32>
    tpu.vector_store %arg7[%swap3A_878, %swap3A_879], %swap3A_882 {strides = array<i32>} : memref<8x128xi32, #tpu.memory_space<vmem>>, vector<1x16xi32>,
    %get3A_883 = arith.constant 1 : i32
    %get3A_884 = arith.index_cast %get3A_883 : i32 to index
    %get3A_885 = arith.constant 112 : index
    %get3A_886 = tpu.vector_load %arg5[%get3A_884, %get3A_885] {strides = array<i32>} : memref<2x768xi32, #tpu.memory_space<vmem>>, vector<1x16xi32>,
    %get3A_887 = vector.shape_cast %get3A_886 : vector<1x16xi32> to vector<16xi32>
    %swap3A_888 = arith.constant 0 : i32
    %swap3A_889 = arith.index_cast %swap3A_888 : i32 to index
    %swap3A_890 = arith.constant 112 : index
    %swap3A_891 = tpu.vector_load %arg7[%swap3A_889, %swap3A_890] {strides = array<i32>} : memref<8x128xi32, #tpu.memory_space<vmem>>, vector<1x16xi32>,
    %swap3A_892 = vector.shape_cast %swap3A_891 : vector<1x16xi32> to vector<16xi32>
    %swap3A_893 = vector.shape_cast %get3A_887 : vector<16xi32> to vector<1x16xi32>
    tpu.vector_store %arg7[%swap3A_889, %swap3A_890], %swap3A_893 {strides = array<i32>} : memref<8x128xi32, #tpu.memory_space<vmem>>, vector<1x16xi32>,
    %get3A_894 = arith.constant 1 : i32
    %get3A_895 = arith.index_cast %get3A_894 : i32 to index
    %get3A_896 = arith.constant 128 : index
    %get3A_897 = tpu.vector_load %arg5[%get3A_895, %get3A_896] {strides = array<i32>} : memref<2x768xi32, #tpu.memory_space<vmem>>, vector<1x16xi32>,
    %get3A_898 = vector.shape_cast %get3A_897 : vector<1x16xi32> to vector<16xi32>
    %swap3A_899 = arith.constant 1 : i32
    %swap3A_900 = arith.index_cast %swap3A_899 : i32 to index
    %swap3A_901 = arith.constant 0 : index
    %swap3A_902 = tpu.vector_load %arg7[%swap3A_900, %swap3A_901] {strides = array<i32>} : memref<8x128xi32, #tpu.memory_space<vmem>>, vector<1x16xi32>,
    %swap3A_903 = vector.shape_cast %swap3A_902 : vector<1x16xi32> to vector<16xi32>
    %swap3A_904 = vector.shape_cast %get3A_898 : vector<16xi32> to vector<1x16xi32>
    tpu.vector_store %arg7[%swap3A_900, %swap3A_901], %swap3A_904 {strides = array<i32>} : memref<8x128xi32, #tpu.memory_space<vmem>>, vector<1x16xi32>,
    %get3A_905 = arith.constant 1 : i32
    %get3A_906 = arith.index_cast %get3A_905 : i32 to index
    %get3A_907 = arith.constant 144 : index
    %get3A_908 = tpu.vector_load %arg5[%get3A_906, %get3A_907] {strides = array<i32>} : memref<2x768xi32, #tpu.memory_space<vmem>>, vector<1x16xi32>,
    %get3A_909 = vector.shape_cast %get3A_908 : vector<1x16xi32> to vector<16xi32>
    %swap3A_910 = arith.constant 1 : i32
    %swap3A_911 = arith.index_cast %swap3A_910 : i32 to index
    %swap3A_912 = arith.constant 16 : index
    %swap3A_913 = tpu.vector_load %arg7[%swap3A_911, %swap3A_912] {strides = array<i32>} : memref<8x128xi32, #tpu.memory_space<vmem>>, vector<1x16xi32>,
    %swap3A_914 = vector.shape_cast %swap3A_913 : vector<1x16xi32> to vector<16xi32>
    %swap3A_915 = vector.shape_cast %get3A_909 : vector<16xi32> to vector<1x16xi32>
    tpu.vector_store %arg7[%swap3A_911, %swap3A_912], %swap3A_915 {strides = array<i32>} : memref<8x128xi32, #tpu.memory_space<vmem>>, vector<1x16xi32>,
    %get3A_916 = arith.constant 1 : i32
    %get3A_917 = arith.index_cast %get3A_916 : i32 to index
    %get3A_918 = arith.constant 160 : index
    %get3A_919 = tpu.vector_load %arg5[%get3A_917, %get3A_918] {strides = array<i32>} : memref<2x768xi32, #tpu.memory_space<vmem>>, vector<1x16xi32>,
    %get3A_920 = vector.shape_cast %get3A_919 : vector<1x16xi32> to vector<16xi32>
    %swap3A_921 = arith.constant 1 : i32
    %swap3A_922 = arith.index_cast %swap3A_921 : i32 to index
    %swap3A_923 = arith.constant 32 : index
    %swap3A_924 = tpu.vector_load %arg7[%swap3A_922, %swap3A_923] {strides = array<i32>} : memref<8x128xi32, #tpu.memory_space<vmem>>, vector<1x16xi32>,
    %swap3A_925 = vector.shape_cast %swap3A_924 : vector<1x16xi32> to vector<16xi32>
    %swap3A_926 = vector.shape_cast %get3A_920 : vector<16xi32> to vector<1x16xi32>
    tpu.vector_store %arg7[%swap3A_922, %swap3A_923], %swap3A_926 {strides = array<i32>} : memref<8x128xi32, #tpu.memory_space<vmem>>, vector<1x16xi32>,
    %get3A_927 = arith.constant 1 : i32
    %get3A_928 = arith.index_cast %get3A_927 : i32 to index
    %get3A_929 = arith.constant 176 : index
    %get3A_930 = tpu.vector_load %arg5[%get3A_928, %get3A_929] {strides = array<i32>} : memref<2x768xi32, #tpu.memory_space<vmem>>, vector<1x16xi32>,
    %get3A_931 = vector.shape_cast %get3A_930 : vector<1x16xi32> to vector<16xi32>
    %swap3A_932 = arith.constant 1 : i32
    %swap3A_933 = arith.index_cast %swap3A_932 : i32 to index
    %swap3A_934 = arith.constant 48 : index
    %swap3A_935 = tpu.vector_load %arg7[%swap3A_933, %swap3A_934] {strides = array<i32>} : memref<8x128xi32, #tpu.memory_space<vmem>>, vector<1x16xi32>,
    %swap3A_936 = vector.shape_cast %swap3A_935 : vector<1x16xi32> to vector<16xi32>
    %swap3A_937 = vector.shape_cast %get3A_931 : vector<16xi32> to vector<1x16xi32>
    tpu.vector_store %arg7[%swap3A_933, %swap3A_934], %swap3A_937 {strides = array<i32>} : memref<8x128xi32, #tpu.memory_space<vmem>>, vector<1x16xi32>,
    %get3A_938 = arith.constant 1 : i32
    %get3A_939 = arith.index_cast %get3A_938 : i32 to index
    %get3A_940 = arith.constant 192 : index
    %get3A_941 = tpu.vector_load %arg5[%get3A_939, %get3A_940] {strides = array<i32>} : memref<2x768xi32, #tpu.memory_space<vmem>>, vector<1x16xi32>,
    %get3A_942 = vector.shape_cast %get3A_941 : vector<1x16xi32> to vector<16xi32>
    %swap3A_943 = arith.constant 1 : i32
    %swap3A_944 = arith.index_cast %swap3A_943 : i32 to index
    %swap3A_945 = arith.constant 64 : index
    %swap3A_946 = tpu.vector_load %arg7[%swap3A_944, %swap3A_945] {strides = array<i32>} : memref<8x128xi32, #tpu.memory_space<vmem>>, vector<1x16xi32>,
    %swap3A_947 = vector.shape_cast %swap3A_946 : vector<1x16xi32> to vector<16xi32>
    %swap3A_948 = vector.shape_cast %get3A_942 : vector<16xi32> to vector<1x16xi32>
    tpu.vector_store %arg7[%swap3A_944, %swap3A_945], %swap3A_948 {strides = array<i32>} : memref<8x128xi32, #tpu.memory_space<vmem>>, vector<1x16xi32>,
    %get3A_949 = arith.constant 1 : i32
    %get3A_950 = arith.index_cast %get3A_949 : i32 to index
    %get3A_951 = arith.constant 208 : index
    %get3A_952 = tpu.vector_load %arg5[%get3A_950, %get3A_951] {strides = array<i32>} : memref<2x768xi32, #tpu.memory_space<vmem>>, vector<1x16xi32>,
    %get3A_953 = vector.shape_cast %get3A_952 : vector<1x16xi32> to vector<16xi32>
    %swap3A_954 = arith.constant 1 : i32
    %swap3A_955 = arith.index_cast %swap3A_954 : i32 to index
    %swap3A_956 = arith.constant 80 : index
    %swap3A_957 = tpu.vector_load %arg7[%swap3A_955, %swap3A_956] {strides = array<i32>} : memref<8x128xi32, #tpu.memory_space<vmem>>, vector<1x16xi32>,
    %swap3A_958 = vector.shape_cast %swap3A_957 : vector<1x16xi32> to vector<16xi32>
    %swap3A_959 = vector.shape_cast %get3A_953 : vector<16xi32> to vector<1x16xi32>
    tpu.vector_store %arg7[%swap3A_955, %swap3A_956], %swap3A_959 {strides = array<i32>} : memref<8x128xi32, #tpu.memory_space<vmem>>, vector<1x16xi32>,
    %get3A_960 = arith.constant 1 : i32
    %get3A_961 = arith.index_cast %get3A_960 : i32 to index
    %get3A_962 = arith.constant 224 : index
    %get3A_963 = tpu.vector_load %arg5[%get3A_961, %get3A_962] {strides = array<i32>} : memref<2x768xi32, #tpu.memory_space<vmem>>, vector<1x16xi32>,
    %get3A_964 = vector.shape_cast %get3A_963 : vector<1x16xi32> to vector<16xi32>
    %swap3A_965 = arith.constant 1 : i32
    %swap3A_966 = arith.index_cast %swap3A_965 : i32 to index
    %swap3A_967 = arith.constant 96 : index
    %swap3A_968 = tpu.vector_load %arg7[%swap3A_966, %swap3A_967] {strides = array<i32>} : memref<8x128xi32, #tpu.memory_space<vmem>>, vector<1x16xi32>,
    %swap3A_969 = vector.shape_cast %swap3A_968 : vector<1x16xi32> to vector<16xi32>
    %swap3A_970 = vector.shape_cast %get3A_964 : vector<16xi32> to vector<1x16xi32>
    tpu.vector_store %arg7[%swap3A_966, %swap3A_967], %swap3A_970 {strides = array<i32>} : memref<8x128xi32, #tpu.memory_space<vmem>>, vector<1x16xi32>,
    %get3A_971 = arith.constant 1 : i32
    %get3A_972 = arith.index_cast %get3A_971 : i32 to index
    %get3A_973 = arith.constant 240 : index
    %get3A_974 = tpu.vector_load %arg5[%get3A_972, %get3A_973] {strides = array<i32>} : memref<2x768xi32, #tpu.memory_space<vmem>>, vector<1x16xi32>,
    %get3A_975 = vector.shape_cast %get3A_974 : vector<1x16xi32> to vector<16xi32>
    %swap3A_976 = arith.constant 1 : i32
    %swap3A_977 = arith.index_cast %swap3A_976 : i32 to index
    %swap3A_978 = arith.constant 112 : index
    %swap3A_979 = tpu.vector_load %arg7[%swap3A_977, %swap3A_978] {strides = array<i32>} : memref<8x128xi32, #tpu.memory_space<vmem>>, vector<1x16xi32>,
    %swap3A_980 = vector.shape_cast %swap3A_979 : vector<1x16xi32> to vector<16xi32>
    %swap3A_981 = vector.shape_cast %get3A_975 : vector<16xi32> to vector<1x16xi32>
    tpu.vector_store %arg7[%swap3A_977, %swap3A_978], %swap3A_981 {strides = array<i32>} : memref<8x128xi32, #tpu.memory_space<vmem>>, vector<1x16xi32>,
    %get3A_982 = arith.constant 1 : i32
    %get3A_983 = arith.index_cast %get3A_982 : i32 to index
    %get3A_984 = arith.constant 256 : index
    %get3A_985 = tpu.vector_load %arg5[%get3A_983, %get3A_984] {strides = array<i32>} : memref<2x768xi32, #tpu.memory_space<vmem>>, vector<1x16xi32>,
    %get3A_986 = vector.shape_cast %get3A_985 : vector<1x16xi32> to vector<16xi32>
    %swap3A_987 = arith.constant 2 : i32
    %swap3A_988 = arith.index_cast %swap3A_987 : i32 to index
    %swap3A_989 = arith.constant 0 : index
    %swap3A_990 = tpu.vector_load %arg7[%swap3A_988, %swap3A_989] {strides = array<i32>} : memref<8x128xi32, #tpu.memory_space<vmem>>, vector<1x16xi32>,
    %swap3A_991 = vector.shape_cast %swap3A_990 : vector<1x16xi32> to vector<16xi32>
    %swap3A_992 = vector.shape_cast %get3A_986 : vector<16xi32> to vector<1x16xi32>
    tpu.vector_store %arg7[%swap3A_988, %swap3A_989], %swap3A_992 {strides = array<i32>} : memref<8x128xi32, #tpu.memory_space<vmem>>, vector<1x16xi32>,
    %get3A_993 = arith.constant 1 : i32
    %get3A_994 = arith.index_cast %get3A_993 : i32 to index
    %get3A_995 = arith.constant 272 : index
    %get3A_996 = tpu.vector_load %arg5[%get3A_994, %get3A_995] {strides = array<i32>} : memref<2x768xi32, #tpu.memory_space<vmem>>, vector<1x16xi32>,
    %get3A_997 = vector.shape_cast %get3A_996 : vector<1x16xi32> to vector<16xi32>
    %swap3A_998 = arith.constant 2 : i32
    %swap3A_999 = arith.index_cast %swap3A_998 : i32 to index
    %swap3A_1000 = arith.constant 16 : index
    %swap3A_1001 = tpu.vector_load %arg7[%swap3A_999, %swap3A_1000] {strides = array<i32>} : memref<8x128xi32, #tpu.memory_space<vmem>>, vector<1x16xi32>,
    %swap3A_1002 = vector.shape_cast %swap3A_1001 : vector<1x16xi32> to vector<16xi32>
    %swap3A_1003 = vector.shape_cast %get3A_997 : vector<16xi32> to vector<1x16xi32>
    tpu.vector_store %arg7[%swap3A_999, %swap3A_1000], %swap3A_1003 {strides = array<i32>} : memref<8x128xi32, #tpu.memory_space<vmem>>, vector<1x16xi32>,
    %get3A_1004 = arith.constant 1 : i32
    %get3A_1005 = arith.index_cast %get3A_1004 : i32 to index
    %get3A_1006 = arith.constant 288 : index
    %get3A_1007 = tpu.vector_load %arg5[%get3A_1005, %get3A_1006] {strides = array<i32>} : memref<2x768xi32, #tpu.memory_space<vmem>>, vector<1x16xi32>,
    %get3A_1008 = vector.shape_cast %get3A_1007 : vector<1x16xi32> to vector<16xi32>
    %swap3A_1009 = arith.constant 2 : i32
    %swap3A_1010 = arith.index_cast %swap3A_1009 : i32 to index
    %swap3A_1011 = arith.constant 32 : index
    %swap3A_1012 = tpu.vector_load %arg7[%swap3A_1010, %swap3A_1011] {strides = array<i32>} : memref<8x128xi32, #tpu.memory_space<vmem>>, vector<1x16xi32>,
    %swap3A_1013 = vector.shape_cast %swap3A_1012 : vector<1x16xi32> to vector<16xi32>
    %swap3A_1014 = vector.shape_cast %get3A_1008 : vector<16xi32> to vector<1x16xi32>
    tpu.vector_store %arg7[%swap3A_1010, %swap3A_1011], %swap3A_1014 {strides = array<i32>} : memref<8x128xi32, #tpu.memory_space<vmem>>, vector<1x16xi32>,
    %get3A_1015 = arith.constant 1 : i32
    %get3A_1016 = arith.index_cast %get3A_1015 : i32 to index
    %get3A_1017 = arith.constant 304 : index
    %get3A_1018 = tpu.vector_load %arg5[%get3A_1016, %get3A_1017] {strides = array<i32>} : memref<2x768xi32, #tpu.memory_space<vmem>>, vector<1x16xi32>,
    %get3A_1019 = vector.shape_cast %get3A_1018 : vector<1x16xi32> to vector<16xi32>
    %swap3A_1020 = arith.constant 2 : i32
    %swap3A_1021 = arith.index_cast %swap3A_1020 : i32 to index
    %swap3A_1022 = arith.constant 48 : index
    %swap3A_1023 = tpu.vector_load %arg7[%swap3A_1021, %swap3A_1022] {strides = array<i32>} : memref<8x128xi32, #tpu.memory_space<vmem>>, vector<1x16xi32>,
    %swap3A_1024 = vector.shape_cast %swap3A_1023 : vector<1x16xi32> to vector<16xi32>
    %swap3A_1025 = vector.shape_cast %get3A_1019 : vector<16xi32> to vector<1x16xi32>
    tpu.vector_store %arg7[%swap3A_1021, %swap3A_1022], %swap3A_1025 {strides = array<i32>} : memref<8x128xi32, #tpu.memory_space<vmem>>, vector<1x16xi32>,
    %get3A_1026 = arith.constant 1 : i32
    %get3A_1027 = arith.index_cast %get3A_1026 : i32 to index
    %get3A_1028 = arith.constant 320 : index
    %get3A_1029 = tpu.vector_load %arg5[%get3A_1027, %get3A_1028] {strides = array<i32>} : memref<2x768xi32, #tpu.memory_space<vmem>>, vector<1x16xi32>,
    %get3A_1030 = vector.shape_cast %get3A_1029 : vector<1x16xi32> to vector<16xi32>
    %swap3A_1031 = arith.constant 2 : i32
    %swap3A_1032 = arith.index_cast %swap3A_1031 : i32 to index
    %swap3A_1033 = arith.constant 64 : index
    %swap3A_1034 = tpu.vector_load %arg7[%swap3A_1032, %swap3A_1033] {strides = array<i32>} : memref<8x128xi32, #tpu.memory_space<vmem>>, vector<1x16xi32>,
    %swap3A_1035 = vector.shape_cast %swap3A_1034 : vector<1x16xi32> to vector<16xi32>
    %swap3A_1036 = vector.shape_cast %get3A_1030 : vector<16xi32> to vector<1x16xi32>
    tpu.vector_store %arg7[%swap3A_1032, %swap3A_1033], %swap3A_1036 {strides = array<i32>} : memref<8x128xi32, #tpu.memory_space<vmem>>, vector<1x16xi32>,
    %get3A_1037 = arith.constant 1 : i32
    %get3A_1038 = arith.index_cast %get3A_1037 : i32 to index
    %get3A_1039 = arith.constant 336 : index
    %get3A_1040 = tpu.vector_load %arg5[%get3A_1038, %get3A_1039] {strides = array<i32>} : memref<2x768xi32, #tpu.memory_space<vmem>>, vector<1x16xi32>,
    %get3A_1041 = vector.shape_cast %get3A_1040 : vector<1x16xi32> to vector<16xi32>
    %swap3A_1042 = arith.constant 2 : i32
    %swap3A_1043 = arith.index_cast %swap3A_1042 : i32 to index
    %swap3A_1044 = arith.constant 80 : index
    %swap3A_1045 = tpu.vector_load %arg7[%swap3A_1043, %swap3A_1044] {strides = array<i32>} : memref<8x128xi32, #tpu.memory_space<vmem>>, vector<1x16xi32>,
    %swap3A_1046 = vector.shape_cast %swap3A_1045 : vector<1x16xi32> to vector<16xi32>
    %swap3A_1047 = vector.shape_cast %get3A_1041 : vector<16xi32> to vector<1x16xi32>
    tpu.vector_store %arg7[%swap3A_1043, %swap3A_1044], %swap3A_1047 {strides = array<i32>} : memref<8x128xi32, #tpu.memory_space<vmem>>, vector<1x16xi32>,
    %get3A_1048 = arith.constant 1 : i32
    %get3A_1049 = arith.index_cast %get3A_1048 : i32 to index
    %get3A_1050 = arith.constant 352 : index
    %get3A_1051 = tpu.vector_load %arg5[%get3A_1049, %get3A_1050] {strides = array<i32>} : memref<2x768xi32, #tpu.memory_space<vmem>>, vector<1x16xi32>,
    %get3A_1052 = vector.shape_cast %get3A_1051 : vector<1x16xi32> to vector<16xi32>
    %swap3A_1053 = arith.constant 2 : i32
    %swap3A_1054 = arith.index_cast %swap3A_1053 : i32 to index
    %swap3A_1055 = arith.constant 96 : index
    %swap3A_1056 = tpu.vector_load %arg7[%swap3A_1054, %swap3A_1055] {strides = array<i32>} : memref<8x128xi32, #tpu.memory_space<vmem>>, vector<1x16xi32>,
    %swap3A_1057 = vector.shape_cast %swap3A_1056 : vector<1x16xi32> to vector<16xi32>
    %swap3A_1058 = vector.shape_cast %get3A_1052 : vector<16xi32> to vector<1x16xi32>
    tpu.vector_store %arg7[%swap3A_1054, %swap3A_1055], %swap3A_1058 {strides = array<i32>} : memref<8x128xi32, #tpu.memory_space<vmem>>, vector<1x16xi32>,
    %get3A_1059 = arith.constant 1 : i32
    %get3A_1060 = arith.index_cast %get3A_1059 : i32 to index
    %get3A_1061 = arith.constant 368 : index
    %get3A_1062 = tpu.vector_load %arg5[%get3A_1060, %get3A_1061] {strides = array<i32>} : memref<2x768xi32, #tpu.memory_space<vmem>>, vector<1x16xi32>,
    %get3A_1063 = vector.shape_cast %get3A_1062 : vector<1x16xi32> to vector<16xi32>
    %swap3A_1064 = arith.constant 2 : i32
    %swap3A_1065 = arith.index_cast %swap3A_1064 : i32 to index
    %swap3A_1066 = arith.constant 112 : index
    %swap3A_1067 = tpu.vector_load %arg7[%swap3A_1065, %swap3A_1066] {strides = array<i32>} : memref<8x128xi32, #tpu.memory_space<vmem>>, vector<1x16xi32>,
    %swap3A_1068 = vector.shape_cast %swap3A_1067 : vector<1x16xi32> to vector<16xi32>
    %swap3A_1069 = vector.shape_cast %get3A_1063 : vector<16xi32> to vector<1x16xi32>
    tpu.vector_store %arg7[%swap3A_1065, %swap3A_1066], %swap3A_1069 {strides = array<i32>} : memref<8x128xi32, #tpu.memory_space<vmem>>, vector<1x16xi32>,
    %get3A_1070 = arith.constant 1 : i32
    %get3A_1071 = arith.index_cast %get3A_1070 : i32 to index
    %get3A_1072 = arith.constant 384 : index
    %get3A_1073 = tpu.vector_load %arg5[%get3A_1071, %get3A_1072] {strides = array<i32>} : memref<2x768xi32, #tpu.memory_space<vmem>>, vector<1x16xi32>,
    %get3A_1074 = vector.shape_cast %get3A_1073 : vector<1x16xi32> to vector<16xi32>
    %swap3A_1075 = arith.constant 3 : i32
    %swap3A_1076 = arith.index_cast %swap3A_1075 : i32 to index
    %swap3A_1077 = arith.constant 0 : index
    %swap3A_1078 = tpu.vector_load %arg7[%swap3A_1076, %swap3A_1077] {strides = array<i32>} : memref<8x128xi32, #tpu.memory_space<vmem>>, vector<1x16xi32>,
    %swap3A_1079 = vector.shape_cast %swap3A_1078 : vector<1x16xi32> to vector<16xi32>
    %swap3A_1080 = vector.shape_cast %get3A_1074 : vector<16xi32> to vector<1x16xi32>
    tpu.vector_store %arg7[%swap3A_1076, %swap3A_1077], %swap3A_1080 {strides = array<i32>} : memref<8x128xi32, #tpu.memory_space<vmem>>, vector<1x16xi32>,
    %get3A_1081 = arith.constant 1 : i32
    %get3A_1082 = arith.index_cast %get3A_1081 : i32 to index
    %get3A_1083 = arith.constant 400 : index
    %get3A_1084 = tpu.vector_load %arg5[%get3A_1082, %get3A_1083] {strides = array<i32>} : memref<2x768xi32, #tpu.memory_space<vmem>>, vector<1x16xi32>,
    %get3A_1085 = vector.shape_cast %get3A_1084 : vector<1x16xi32> to vector<16xi32>
    %swap3A_1086 = arith.constant 3 : i32
    %swap3A_1087 = arith.index_cast %swap3A_1086 : i32 to index
    %swap3A_1088 = arith.constant 16 : index
    %swap3A_1089 = tpu.vector_load %arg7[%swap3A_1087, %swap3A_1088] {strides = array<i32>} : memref<8x128xi32, #tpu.memory_space<vmem>>, vector<1x16xi32>,
    %swap3A_1090 = vector.shape_cast %swap3A_1089 : vector<1x16xi32> to vector<16xi32>
    %swap3A_1091 = vector.shape_cast %get3A_1085 : vector<16xi32> to vector<1x16xi32>
    tpu.vector_store %arg7[%swap3A_1087, %swap3A_1088], %swap3A_1091 {strides = array<i32>} : memref<8x128xi32, #tpu.memory_space<vmem>>, vector<1x16xi32>,
    %get3A_1092 = arith.constant 1 : i32
    %get3A_1093 = arith.index_cast %get3A_1092 : i32 to index
    %get3A_1094 = arith.constant 416 : index
    %get3A_1095 = tpu.vector_load %arg5[%get3A_1093, %get3A_1094] {strides = array<i32>} : memref<2x768xi32, #tpu.memory_space<vmem>>, vector<1x16xi32>,
    %get3A_1096 = vector.shape_cast %get3A_1095 : vector<1x16xi32> to vector<16xi32>
    %swap3A_1097 = arith.constant 3 : i32
    %swap3A_1098 = arith.index_cast %swap3A_1097 : i32 to index
    %swap3A_1099 = arith.constant 32 : index
    %swap3A_1100 = tpu.vector_load %arg7[%swap3A_1098, %swap3A_1099] {strides = array<i32>} : memref<8x128xi32, #tpu.memory_space<vmem>>, vector<1x16xi32>,
    %swap3A_1101 = vector.shape_cast %swap3A_1100 : vector<1x16xi32> to vector<16xi32>
    %swap3A_1102 = vector.shape_cast %get3A_1096 : vector<16xi32> to vector<1x16xi32>
    tpu.vector_store %arg7[%swap3A_1098, %swap3A_1099], %swap3A_1102 {strides = array<i32>} : memref<8x128xi32, #tpu.memory_space<vmem>>, vector<1x16xi32>,
    %get3A_1103 = arith.constant 1 : i32
    %get3A_1104 = arith.index_cast %get3A_1103 : i32 to index
    %get3A_1105 = arith.constant 432 : index
    %get3A_1106 = tpu.vector_load %arg5[%get3A_1104, %get3A_1105] {strides = array<i32>} : memref<2x768xi32, #tpu.memory_space<vmem>>, vector<1x16xi32>,
    %get3A_1107 = vector.shape_cast %get3A_1106 : vector<1x16xi32> to vector<16xi32>
    %swap3A_1108 = arith.constant 3 : i32
    %swap3A_1109 = arith.index_cast %swap3A_1108 : i32 to index
    %swap3A_1110 = arith.constant 48 : index
    %swap3A_1111 = tpu.vector_load %arg7[%swap3A_1109, %swap3A_1110] {strides = array<i32>} : memref<8x128xi32, #tpu.memory_space<vmem>>, vector<1x16xi32>,
    %swap3A_1112 = vector.shape_cast %swap3A_1111 : vector<1x16xi32> to vector<16xi32>
    %swap3A_1113 = vector.shape_cast %get3A_1107 : vector<16xi32> to vector<1x16xi32>
    tpu.vector_store %arg7[%swap3A_1109, %swap3A_1110], %swap3A_1113 {strides = array<i32>} : memref<8x128xi32, #tpu.memory_space<vmem>>, vector<1x16xi32>,
    %get3A_1114 = arith.constant 1 : i32
    %get3A_1115 = arith.index_cast %get3A_1114 : i32 to index
    %get3A_1116 = arith.constant 448 : index
    %get3A_1117 = tpu.vector_load %arg5[%get3A_1115, %get3A_1116] {strides = array<i32>} : memref<2x768xi32, #tpu.memory_space<vmem>>, vector<1x16xi32>,
    %get3A_1118 = vector.shape_cast %get3A_1117 : vector<1x16xi32> to vector<16xi32>
    %swap3A_1119 = arith.constant 3 : i32
    %swap3A_1120 = arith.index_cast %swap3A_1119 : i32 to index
    %swap3A_1121 = arith.constant 64 : index
    %swap3A_1122 = tpu.vector_load %arg7[%swap3A_1120, %swap3A_1121] {strides = array<i32>} : memref<8x128xi32, #tpu.memory_space<vmem>>, vector<1x16xi32>,
    %swap3A_1123 = vector.shape_cast %swap3A_1122 : vector<1x16xi32> to vector<16xi32>
    %swap3A_1124 = vector.shape_cast %get3A_1118 : vector<16xi32> to vector<1x16xi32>
    tpu.vector_store %arg7[%swap3A_1120, %swap3A_1121], %swap3A_1124 {strides = array<i32>} : memref<8x128xi32, #tpu.memory_space<vmem>>, vector<1x16xi32>,
    %get3A_1125 = arith.constant 1 : i32
    %get3A_1126 = arith.index_cast %get3A_1125 : i32 to index
    %get3A_1127 = arith.constant 464 : index
    %get3A_1128 = tpu.vector_load %arg5[%get3A_1126, %get3A_1127] {strides = array<i32>} : memref<2x768xi32, #tpu.memory_space<vmem>>, vector<1x16xi32>,
    %get3A_1129 = vector.shape_cast %get3A_1128 : vector<1x16xi32> to vector<16xi32>
    %swap3A_1130 = arith.constant 3 : i32
    %swap3A_1131 = arith.index_cast %swap3A_1130 : i32 to index
    %swap3A_1132 = arith.constant 80 : index
    %swap3A_1133 = tpu.vector_load %arg7[%swap3A_1131, %swap3A_1132] {strides = array<i32>} : memref<8x128xi32, #tpu.memory_space<vmem>>, vector<1x16xi32>,
    %swap3A_1134 = vector.shape_cast %swap3A_1133 : vector<1x16xi32> to vector<16xi32>
    %swap3A_1135 = vector.shape_cast %get3A_1129 : vector<16xi32> to vector<1x16xi32>
    tpu.vector_store %arg7[%swap3A_1131, %swap3A_1132], %swap3A_1135 {strides = array<i32>} : memref<8x128xi32, #tpu.memory_space<vmem>>, vector<1x16xi32>,
    %get3A_1136 = arith.constant 1 : i32
    %get3A_1137 = arith.index_cast %get3A_1136 : i32 to index
    %get3A_1138 = arith.constant 480 : index
    %get3A_1139 = tpu.vector_load %arg5[%get3A_1137, %get3A_1138] {strides = array<i32>} : memref<2x768xi32, #tpu.memory_space<vmem>>, vector<1x16xi32>,
    %get3A_1140 = vector.shape_cast %get3A_1139 : vector<1x16xi32> to vector<16xi32>
    %swap3A_1141 = arith.constant 3 : i32
    %swap3A_1142 = arith.index_cast %swap3A_1141 : i32 to index
    %swap3A_1143 = arith.constant 96 : index
    %swap3A_1144 = tpu.vector_load %arg7[%swap3A_1142, %swap3A_1143] {strides = array<i32>} : memref<8x128xi32, #tpu.memory_space<vmem>>, vector<1x16xi32>,
    %swap3A_1145 = vector.shape_cast %swap3A_1144 : vector<1x16xi32> to vector<16xi32>
    %swap3A_1146 = vector.shape_cast %get3A_1140 : vector<16xi32> to vector<1x16xi32>
    tpu.vector_store %arg7[%swap3A_1142, %swap3A_1143], %swap3A_1146 {strides = array<i32>} : memref<8x128xi32, #tpu.memory_space<vmem>>, vector<1x16xi32>,
    %get3A_1147 = arith.constant 1 : i32
    %get3A_1148 = arith.index_cast %get3A_1147 : i32 to index
    %get3A_1149 = arith.constant 496 : index
    %get3A_1150 = tpu.vector_load %arg5[%get3A_1148, %get3A_1149] {strides = array<i32>} : memref<2x768xi32, #tpu.memory_space<vmem>>, vector<1x16xi32>,
    %get3A_1151 = vector.shape_cast %get3A_1150 : vector<1x16xi32> to vector<16xi32>
    %swap3A_1152 = arith.constant 3 : i32
    %swap3A_1153 = arith.index_cast %swap3A_1152 : i32 to index
    %swap3A_1154 = arith.constant 112 : index
    %swap3A_1155 = tpu.vector_load %arg7[%swap3A_1153, %swap3A_1154] {strides = array<i32>} : memref<8x128xi32, #tpu.memory_space<vmem>>, vector<1x16xi32>,
    %swap3A_1156 = vector.shape_cast %swap3A_1155 : vector<1x16xi32> to vector<16xi32>
    %swap3A_1157 = vector.shape_cast %get3A_1151 : vector<16xi32> to vector<1x16xi32>
    tpu.vector_store %arg7[%swap3A_1153, %swap3A_1154], %swap3A_1157 {strides = array<i32>} : memref<8x128xi32, #tpu.memory_space<vmem>>, vector<1x16xi32>,
    %get3A_1158 = arith.constant 1 : i32
    %get3A_1159 = arith.index_cast %get3A_1158 : i32 to index
    %get3A_1160 = arith.constant 512 : index
    %get3A_1161 = tpu.vector_load %arg5[%get3A_1159, %get3A_1160] {strides = array<i32>} : memref<2x768xi32, #tpu.memory_space<vmem>>, vector<1x16xi32>,
    %get3A_1162 = vector.shape_cast %get3A_1161 : vector<1x16xi32> to vector<16xi32>
    %swap3A_1163 = arith.constant 4 : i32
    %swap3A_1164 = arith.index_cast %swap3A_1163 : i32 to index
    %swap3A_1165 = arith.constant 0 : index
    %swap3A_1166 = tpu.vector_load %arg7[%swap3A_1164, %swap3A_1165] {strides = array<i32>} : memref<8x128xi32, #tpu.memory_space<vmem>>, vector<1x16xi32>,
    %swap3A_1167 = vector.shape_cast %swap3A_1166 : vector<1x16xi32> to vector<16xi32>
    %swap3A_1168 = vector.shape_cast %get3A_1162 : vector<16xi32> to vector<1x16xi32>
    tpu.vector_store %arg7[%swap3A_1164, %swap3A_1165], %swap3A_1168 {strides = array<i32>} : memref<8x128xi32, #tpu.memory_space<vmem>>, vector<1x16xi32>,
    %get3A_1169 = arith.constant 1 : i32
    %get3A_1170 = arith.index_cast %get3A_1169 : i32 to index
    %get3A_1171 = arith.constant 528 : index
    %get3A_1172 = tpu.vector_load %arg5[%get3A_1170, %get3A_1171] {strides = array<i32>} : memref<2x768xi32, #tpu.memory_space<vmem>>, vector<1x16xi32>,
    %get3A_1173 = vector.shape_cast %get3A_1172 : vector<1x16xi32> to vector<16xi32>
    %swap3A_1174 = arith.constant 4 : i32
    %swap3A_1175 = arith.index_cast %swap3A_1174 : i32 to index
    %swap3A_1176 = arith.constant 16 : index
    %swap3A_1177 = tpu.vector_load %arg7[%swap3A_1175, %swap3A_1176] {strides = array<i32>} : memref<8x128xi32, #tpu.memory_space<vmem>>, vector<1x16xi32>,
    %swap3A_1178 = vector.shape_cast %swap3A_1177 : vector<1x16xi32> to vector<16xi32>
    %swap3A_1179 = vector.shape_cast %get3A_1173 : vector<16xi32> to vector<1x16xi32>
    tpu.vector_store %arg7[%swap3A_1175, %swap3A_1176], %swap3A_1179 {strides = array<i32>} : memref<8x128xi32, #tpu.memory_space<vmem>>, vector<1x16xi32>,
    %get3A_1180 = arith.constant 1 : i32
    %get3A_1181 = arith.index_cast %get3A_1180 : i32 to index
    %get3A_1182 = arith.constant 544 : index
    %get3A_1183 = tpu.vector_load %arg5[%get3A_1181, %get3A_1182] {strides = array<i32>} : memref<2x768xi32, #tpu.memory_space<vmem>>, vector<1x16xi32>,
    %get3A_1184 = vector.shape_cast %get3A_1183 : vector<1x16xi32> to vector<16xi32>
    %swap3A_1185 = arith.constant 4 : i32
    %swap3A_1186 = arith.index_cast %swap3A_1185 : i32 to index
    %swap3A_1187 = arith.constant 32 : index
    %swap3A_1188 = tpu.vector_load %arg7[%swap3A_1186, %swap3A_1187] {strides = array<i32>} : memref<8x128xi32, #tpu.memory_space<vmem>>, vector<1x16xi32>,
    %swap3A_1189 = vector.shape_cast %swap3A_1188 : vector<1x16xi32> to vector<16xi32>
    %swap3A_1190 = vector.shape_cast %get3A_1184 : vector<16xi32> to vector<1x16xi32>
    tpu.vector_store %arg7[%swap3A_1186, %swap3A_1187], %swap3A_1190 {strides = array<i32>} : memref<8x128xi32, #tpu.memory_space<vmem>>, vector<1x16xi32>,
    %get3A_1191 = arith.constant 1 : i32
    %get3A_1192 = arith.index_cast %get3A_1191 : i32 to index
    %get3A_1193 = arith.constant 560 : index
    %get3A_1194 = tpu.vector_load %arg5[%get3A_1192, %get3A_1193] {strides = array<i32>} : memref<2x768xi32, #tpu.memory_space<vmem>>, vector<1x16xi32>,
    %get3A_1195 = vector.shape_cast %get3A_1194 : vector<1x16xi32> to vector<16xi32>
    %swap3A_1196 = arith.constant 4 : i32
    %swap3A_1197 = arith.index_cast %swap3A_1196 : i32 to index
    %swap3A_1198 = arith.constant 48 : index
    %swap3A_1199 = tpu.vector_load %arg7[%swap3A_1197, %swap3A_1198] {strides = array<i32>} : memref<8x128xi32, #tpu.memory_space<vmem>>, vector<1x16xi32>,
    %swap3A_1200 = vector.shape_cast %swap3A_1199 : vector<1x16xi32> to vector<16xi32>
    %swap3A_1201 = vector.shape_cast %get3A_1195 : vector<16xi32> to vector<1x16xi32>
    tpu.vector_store %arg7[%swap3A_1197, %swap3A_1198], %swap3A_1201 {strides = array<i32>} : memref<8x128xi32, #tpu.memory_space<vmem>>, vector<1x16xi32>,
    %get3A_1202 = arith.constant 1 : i32
    %get3A_1203 = arith.index_cast %get3A_1202 : i32 to index
    %get3A_1204 = arith.constant 576 : index
    %get3A_1205 = tpu.vector_load %arg5[%get3A_1203, %get3A_1204] {strides = array<i32>} : memref<2x768xi32, #tpu.memory_space<vmem>>, vector<1x16xi32>,
    %get3A_1206 = vector.shape_cast %get3A_1205 : vector<1x16xi32> to vector<16xi32>
    %swap3A_1207 = arith.constant 4 : i32
    %swap3A_1208 = arith.index_cast %swap3A_1207 : i32 to index
    %swap3A_1209 = arith.constant 64 : index
    %swap3A_1210 = tpu.vector_load %arg7[%swap3A_1208, %swap3A_1209] {strides = array<i32>} : memref<8x128xi32, #tpu.memory_space<vmem>>, vector<1x16xi32>,
    %swap3A_1211 = vector.shape_cast %swap3A_1210 : vector<1x16xi32> to vector<16xi32>
    %swap3A_1212 = vector.shape_cast %get3A_1206 : vector<16xi32> to vector<1x16xi32>
    tpu.vector_store %arg7[%swap3A_1208, %swap3A_1209], %swap3A_1212 {strides = array<i32>} : memref<8x128xi32, #tpu.memory_space<vmem>>, vector<1x16xi32>,
    %get3A_1213 = arith.constant 1 : i32
    %get3A_1214 = arith.index_cast %get3A_1213 : i32 to index
    %get3A_1215 = arith.constant 592 : index
    %get3A_1216 = tpu.vector_load %arg5[%get3A_1214, %get3A_1215] {strides = array<i32>} : memref<2x768xi32, #tpu.memory_space<vmem>>, vector<1x16xi32>,
    %get3A_1217 = vector.shape_cast %get3A_1216 : vector<1x16xi32> to vector<16xi32>
    %swap3A_1218 = arith.constant 4 : i32
    %swap3A_1219 = arith.index_cast %swap3A_1218 : i32 to index
    %swap3A_1220 = arith.constant 80 : index
    %swap3A_1221 = tpu.vector_load %arg7[%swap3A_1219, %swap3A_1220] {strides = array<i32>} : memref<8x128xi32, #tpu.memory_space<vmem>>, vector<1x16xi32>,
    %swap3A_1222 = vector.shape_cast %swap3A_1221 : vector<1x16xi32> to vector<16xi32>
    %swap3A_1223 = vector.shape_cast %get3A_1217 : vector<16xi32> to vector<1x16xi32>
    tpu.vector_store %arg7[%swap3A_1219, %swap3A_1220], %swap3A_1223 {strides = array<i32>} : memref<8x128xi32, #tpu.memory_space<vmem>>, vector<1x16xi32>,
    %get3A_1224 = arith.constant 1 : i32
    %get3A_1225 = arith.index_cast %get3A_1224 : i32 to index
    %get3A_1226 = arith.constant 608 : index
    %get3A_1227 = tpu.vector_load %arg5[%get3A_1225, %get3A_1226] {strides = array<i32>} : memref<2x768xi32, #tpu.memory_space<vmem>>, vector<1x16xi32>,
    %get3A_1228 = vector.shape_cast %get3A_1227 : vector<1x16xi32> to vector<16xi32>
    %swap3A_1229 = arith.constant 4 : i32
    %swap3A_1230 = arith.index_cast %swap3A_1229 : i32 to index
    %swap3A_1231 = arith.constant 96 : index
    %swap3A_1232 = tpu.vector_load %arg7[%swap3A_1230, %swap3A_1231] {strides = array<i32>} : memref<8x128xi32, #tpu.memory_space<vmem>>, vector<1x16xi32>,
    %swap3A_1233 = vector.shape_cast %swap3A_1232 : vector<1x16xi32> to vector<16xi32>
    %swap3A_1234 = vector.shape_cast %get3A_1228 : vector<16xi32> to vector<1x16xi32>
    tpu.vector_store %arg7[%swap3A_1230, %swap3A_1231], %swap3A_1234 {strides = array<i32>} : memref<8x128xi32, #tpu.memory_space<vmem>>, vector<1x16xi32>,
    %get3A_1235 = arith.constant 1 : i32
    %get3A_1236 = arith.index_cast %get3A_1235 : i32 to index
    %get3A_1237 = arith.constant 624 : index
    %get3A_1238 = tpu.vector_load %arg5[%get3A_1236, %get3A_1237] {strides = array<i32>} : memref<2x768xi32, #tpu.memory_space<vmem>>, vector<1x16xi32>,
    %get3A_1239 = vector.shape_cast %get3A_1238 : vector<1x16xi32> to vector<16xi32>
    %swap3A_1240 = arith.constant 4 : i32
    %swap3A_1241 = arith.index_cast %swap3A_1240 : i32 to index
    %swap3A_1242 = arith.constant 112 : index
    %swap3A_1243 = tpu.vector_load %arg7[%swap3A_1241, %swap3A_1242] {strides = array<i32>} : memref<8x128xi32, #tpu.memory_space<vmem>>, vector<1x16xi32>,
    %swap3A_1244 = vector.shape_cast %swap3A_1243 : vector<1x16xi32> to vector<16xi32>
    %swap3A_1245 = vector.shape_cast %get3A_1239 : vector<16xi32> to vector<1x16xi32>
    tpu.vector_store %arg7[%swap3A_1241, %swap3A_1242], %swap3A_1245 {strides = array<i32>} : memref<8x128xi32, #tpu.memory_space<vmem>>, vector<1x16xi32>,
    %get3A_1246 = arith.constant 1 : i32
    %get3A_1247 = arith.index_cast %get3A_1246 : i32 to index
    %get3A_1248 = arith.constant 640 : index
    %get3A_1249 = tpu.vector_load %arg5[%get3A_1247, %get3A_1248] {strides = array<i32>} : memref<2x768xi32, #tpu.memory_space<vmem>>, vector<1x16xi32>,
    %get3A_1250 = vector.shape_cast %get3A_1249 : vector<1x16xi32> to vector<16xi32>
    %swap3A_1251 = arith.constant 5 : i32
    %swap3A_1252 = arith.index_cast %swap3A_1251 : i32 to index
    %swap3A_1253 = arith.constant 0 : index
    %swap3A_1254 = tpu.vector_load %arg7[%swap3A_1252, %swap3A_1253] {strides = array<i32>} : memref<8x128xi32, #tpu.memory_space<vmem>>, vector<1x16xi32>,
    %swap3A_1255 = vector.shape_cast %swap3A_1254 : vector<1x16xi32> to vector<16xi32>
    %swap3A_1256 = vector.shape_cast %get3A_1250 : vector<16xi32> to vector<1x16xi32>
    tpu.vector_store %arg7[%swap3A_1252, %swap3A_1253], %swap3A_1256 {strides = array<i32>} : memref<8x128xi32, #tpu.memory_space<vmem>>, vector<1x16xi32>,
    %get3A_1257 = arith.constant 1 : i32
    %get3A_1258 = arith.index_cast %get3A_1257 : i32 to index
    %get3A_1259 = arith.constant 656 : index
    %get3A_1260 = tpu.vector_load %arg5[%get3A_1258, %get3A_1259] {strides = array<i32>} : memref<2x768xi32, #tpu.memory_space<vmem>>, vector<1x16xi32>,
    %get3A_1261 = vector.shape_cast %get3A_1260 : vector<1x16xi32> to vector<16xi32>
    %swap3A_1262 = arith.constant 5 : i32
    %swap3A_1263 = arith.index_cast %swap3A_1262 : i32 to index
    %swap3A_1264 = arith.constant 16 : index
    %swap3A_1265 = tpu.vector_load %arg7[%swap3A_1263, %swap3A_1264] {strides = array<i32>} : memref<8x128xi32, #tpu.memory_space<vmem>>, vector<1x16xi32>,
    %swap3A_1266 = vector.shape_cast %swap3A_1265 : vector<1x16xi32> to vector<16xi32>
    %swap3A_1267 = vector.shape_cast %get3A_1261 : vector<16xi32> to vector<1x16xi32>
    tpu.vector_store %arg7[%swap3A_1263, %swap3A_1264], %swap3A_1267 {strides = array<i32>} : memref<8x128xi32, #tpu.memory_space<vmem>>, vector<1x16xi32>,
    %get3A_1268 = arith.constant 1 : i32
    %get3A_1269 = arith.index_cast %get3A_1268 : i32 to index
    %get3A_1270 = arith.constant 672 : index
    %get3A_1271 = tpu.vector_load %arg5[%get3A_1269, %get3A_1270] {strides = array<i32>} : memref<2x768xi32, #tpu.memory_space<vmem>>, vector<1x16xi32>,
    %get3A_1272 = vector.shape_cast %get3A_1271 : vector<1x16xi32> to vector<16xi32>
    %swap3A_1273 = arith.constant 5 : i32
    %swap3A_1274 = arith.index_cast %swap3A_1273 : i32 to index
    %swap3A_1275 = arith.constant 32 : index
    %swap3A_1276 = tpu.vector_load %arg7[%swap3A_1274, %swap3A_1275] {strides = array<i32>} : memref<8x128xi32, #tpu.memory_space<vmem>>, vector<1x16xi32>,
    %swap3A_1277 = vector.shape_cast %swap3A_1276 : vector<1x16xi32> to vector<16xi32>
    %swap3A_1278 = vector.shape_cast %get3A_1272 : vector<16xi32> to vector<1x16xi32>
    tpu.vector_store %arg7[%swap3A_1274, %swap3A_1275], %swap3A_1278 {strides = array<i32>} : memref<8x128xi32, #tpu.memory_space<vmem>>, vector<1x16xi32>,
    %get3A_1279 = arith.constant 1 : i32
    %get3A_1280 = arith.index_cast %get3A_1279 : i32 to index
    %get3A_1281 = arith.constant 688 : index
    %get3A_1282 = tpu.vector_load %arg5[%get3A_1280, %get3A_1281] {strides = array<i32>} : memref<2x768xi32, #tpu.memory_space<vmem>>, vector<1x16xi32>,
    %get3A_1283 = vector.shape_cast %get3A_1282 : vector<1x16xi32> to vector<16xi32>
    %swap3A_1284 = arith.constant 5 : i32
    %swap3A_1285 = arith.index_cast %swap3A_1284 : i32 to index
    %swap3A_1286 = arith.constant 48 : index
    %swap3A_1287 = tpu.vector_load %arg7[%swap3A_1285, %swap3A_1286] {strides = array<i32>} : memref<8x128xi32, #tpu.memory_space<vmem>>, vector<1x16xi32>,
    %swap3A_1288 = vector.shape_cast %swap3A_1287 : vector<1x16xi32> to vector<16xi32>
    %swap3A_1289 = vector.shape_cast %get3A_1283 : vector<16xi32> to vector<1x16xi32>
    tpu.vector_store %arg7[%swap3A_1285, %swap3A_1286], %swap3A_1289 {strides = array<i32>} : memref<8x128xi32, #tpu.memory_space<vmem>>, vector<1x16xi32>,
    %get3A_1290 = arith.constant 1 : i32
    %get3A_1291 = arith.index_cast %get3A_1290 : i32 to index
    %get3A_1292 = arith.constant 704 : index
    %get3A_1293 = tpu.vector_load %arg5[%get3A_1291, %get3A_1292] {strides = array<i32>} : memref<2x768xi32, #tpu.memory_space<vmem>>, vector<1x16xi32>,
    %get3A_1294 = vector.shape_cast %get3A_1293 : vector<1x16xi32> to vector<16xi32>
    %swap3A_1295 = arith.constant 5 : i32
    %swap3A_1296 = arith.index_cast %swap3A_1295 : i32 to index
    %swap3A_1297 = arith.constant 64 : index
    %swap3A_1298 = tpu.vector_load %arg7[%swap3A_1296, %swap3A_1297] {strides = array<i32>} : memref<8x128xi32, #tpu.memory_space<vmem>>, vector<1x16xi32>,
    %swap3A_1299 = vector.shape_cast %swap3A_1298 : vector<1x16xi32> to vector<16xi32>
    %swap3A_1300 = vector.shape_cast %get3A_1294 : vector<16xi32> to vector<1x16xi32>
    tpu.vector_store %arg7[%swap3A_1296, %swap3A_1297], %swap3A_1300 {strides = array<i32>} : memref<8x128xi32, #tpu.memory_space<vmem>>, vector<1x16xi32>,
    %get3A_1301 = arith.constant 1 : i32
    %get3A_1302 = arith.index_cast %get3A_1301 : i32 to index
    %get3A_1303 = arith.constant 720 : index
    %get3A_1304 = tpu.vector_load %arg5[%get3A_1302, %get3A_1303] {strides = array<i32>} : memref<2x768xi32, #tpu.memory_space<vmem>>, vector<1x16xi32>,
    %get3A_1305 = vector.shape_cast %get3A_1304 : vector<1x16xi32> to vector<16xi32>
    %swap3A_1306 = arith.constant 5 : i32
    %swap3A_1307 = arith.index_cast %swap3A_1306 : i32 to index
    %swap3A_1308 = arith.constant 80 : index
    %swap3A_1309 = tpu.vector_load %arg7[%swap3A_1307, %swap3A_1308] {strides = array<i32>} : memref<8x128xi32, #tpu.memory_space<vmem>>, vector<1x16xi32>,
    %swap3A_1310 = vector.shape_cast %swap3A_1309 : vector<1x16xi32> to vector<16xi32>
    %swap3A_1311 = vector.shape_cast %get3A_1305 : vector<16xi32> to vector<1x16xi32>
    tpu.vector_store %arg7[%swap3A_1307, %swap3A_1308], %swap3A_1311 {strides = array<i32>} : memref<8x128xi32, #tpu.memory_space<vmem>>, vector<1x16xi32>,
    %get3A_1312 = arith.constant 1 : i32
    %get3A_1313 = arith.index_cast %get3A_1312 : i32 to index
    %get3A_1314 = arith.constant 736 : index
    %get3A_1315 = tpu.vector_load %arg5[%get3A_1313, %get3A_1314] {strides = array<i32>} : memref<2x768xi32, #tpu.memory_space<vmem>>, vector<1x16xi32>,
    %get3A_1316 = vector.shape_cast %get3A_1315 : vector<1x16xi32> to vector<16xi32>
    %swap3A_1317 = arith.constant 5 : i32
    %swap3A_1318 = arith.index_cast %swap3A_1317 : i32 to index
    %swap3A_1319 = arith.constant 96 : index
    %swap3A_1320 = tpu.vector_load %arg7[%swap3A_1318, %swap3A_1319] {strides = array<i32>} : memref<8x128xi32, #tpu.memory_space<vmem>>, vector<1x16xi32>,
    %swap3A_1321 = vector.shape_cast %swap3A_1320 : vector<1x16xi32> to vector<16xi32>
    %swap3A_1322 = vector.shape_cast %get3A_1316 : vector<16xi32> to vector<1x16xi32>
    tpu.vector_store %arg7[%swap3A_1318, %swap3A_1319], %swap3A_1322 {strides = array<i32>} : memref<8x128xi32, #tpu.memory_space<vmem>>, vector<1x16xi32>,
    %get3A_1323 = arith.constant 1 : i32
    %get3A_1324 = arith.index_cast %get3A_1323 : i32 to index
    %get3A_1325 = arith.constant 752 : index
    %get3A_1326 = tpu.vector_load %arg5[%get3A_1324, %get3A_1325] {strides = array<i32>} : memref<2x768xi32, #tpu.memory_space<vmem>>, vector<1x16xi32>,
    %get3A_1327 = vector.shape_cast %get3A_1326 : vector<1x16xi32> to vector<16xi32>
    %swap3A_1328 = arith.constant 5 : i32
    %swap3A_1329 = arith.index_cast %swap3A_1328 : i32 to index
    %swap3A_1330 = arith.constant 112 : index
    %swap3A_1331 = tpu.vector_load %arg7[%swap3A_1329, %swap3A_1330] {strides = array<i32>} : memref<8x128xi32, #tpu.memory_space<vmem>>, vector<1x16xi32>,
    %swap3A_1332 = vector.shape_cast %swap3A_1331 : vector<1x16xi32> to vector<16xi32>
    %swap3A_1333 = vector.shape_cast %get3A_1327 : vector<16xi32> to vector<1x16xi32>
    tpu.vector_store %arg7[%swap3A_1329, %swap3A_1330], %swap3A_1333 {strides = array<i32>} : memref<8x128xi32, #tpu.memory_space<vmem>>, vector<1x16xi32>,
    %dma_start3A_1334 = arith.constant 0 : i32
    %dma_start3A_1335 = arith.constant 128 : i32
    %dma_start3A_1336 = tpu.memref_slice %arg5[%dma_start3A_1334, %dma_start3A_1335] : memref<2x768xi32, #tpu.memory_space<vmem>> -> memref<1x128xi32, #tpu.memory_space<vmem>>
    %dma_start3A_1337 = tpu.memref_squeeze %dma_start3A_1336 : memref<1x128xi32, #tpu.memory_space<vmem>> -> memref<128xi32, #tpu.memory_space<vmem>>
    %dma_start3A_1338 = arith.constant 0 : i32
    %dma_start3A_1339 = arith.constant 0 : i32
    %dma_start3A_1340 = tpu.memref_slice %arg2[%dma_start3A_1338, %dma_start3A_1339] : memref<10000x128xf32, #tpu.memory_space<hbm>> -> memref<10000x128xf32, #tpu.memory_space<hbm>>
    tpu.enqueue_indirect_dma source(%dma_start3A_1340 : memref<10000x128xf32, #tpu.memory_space<hbm>>) target(%arg10 : memref<128x128xf32, #tpu.memory_space<vmem>>) offsets(%dma_start3A_1337 : memref<128xi32, #tpu.memory_space<vmem>>) semaphore(%arg16 : memref<!tpu.dma_semaphore, #tpu.memory_space<semaphore_mem>>)
    %dma_wait3A_1341 = arith.constant 0 : i32
    %dma_wait3A_1342 = arith.constant 0 : i32
    %dma_wait3A_1343 = tpu.memref_slice %arg5[%dma_wait3A_1341, %dma_wait3A_1342] : memref<2x768xi32, #tpu.memory_space<vmem>> -> memref<1x128xi32, #tpu.memory_space<vmem>>
    %dma_wait3A_1344 = tpu.memref_squeeze %dma_wait3A_1343 : memref<1x128xi32, #tpu.memory_space<vmem>> -> memref<128xi32, #tpu.memory_space<vmem>>
    %dma_wait3A_1345 = arith.constant 0 : i32
    %dma_wait3A_1346 = arith.constant 0 : i32
    %dma_wait3A_1347 = tpu.memref_slice %arg2[%dma_wait3A_1345, %dma_wait3A_1346] : memref<10000x128xf32, #tpu.memory_space<hbm>> -> memref<10000x128xf32, #tpu.memory_space<hbm>>
    tpu.wait_indirect_dma semaphore(%arg15 : memref<!tpu.dma_semaphore, #tpu.memory_space<semaphore_mem>>) src(%dma_wait3A_1347 : memref<10000x128xf32, #tpu.memory_space<hbm>>) dst(%arg9 : memref<128x128xf32, #tpu.memory_space<vmem>>)
    %run_scoped3A = arith.constant 0 : i32
    "tpu.region"() ({
      %run_scoped3A_1430 = tpu.sem_alloc : memref<!tpu.dma_semaphore, #tpu.memory_space<semaphore_mem>>
      %dma_start3A_1431 = arith.constant 0 : i32
      %dma_start3A_1432 = tpu.memref_slice %arg7[%run_scoped3A, %dma_start3A_1431] : memref<8x128xi32, #tpu.memory_space<vmem>> -> memref<1x128xi32, #tpu.memory_space<vmem>>
      %dma_start3A_1433 = tpu.memref_squeeze %dma_start3A_1432 : memref<1x128xi32, #tpu.memory_space<vmem>> -> memref<128xi32, #tpu.memory_space<vmem>>
      %dma_start3A_1434 = arith.constant 0 : i32
      %dma_start3A_1435 = arith.constant 0 : i32
      %dma_start3A_1436 = tpu.memref_slice %arg12[%dma_start3A_1434, %dma_start3A_1435] : memref<10000x128xf32, #tpu.memory_space<vmem_shared>> -> memref<10000x128xf32, #tpu.memory_space<vmem_shared>>
      tpu.enqueue_indirect_dma source(%arg9 : memref<128x128xf32, #tpu.memory_space<vmem>>) target(%dma_start3A_1436 : memref<10000x128xf32, #tpu.memory_space<vmem_shared>>) offsets(%dma_start3A_1433 : memref<128xi32, #tpu.memory_space<vmem>>) semaphore(%run_scoped3A_1430 : memref<!tpu.dma_semaphore, #tpu.memory_space<semaphore_mem>>) {add = true}
      %dma_wait3A_1437 = arith.constant 0 : i32
      %dma_wait3A_1438 = tpu.memref_slice %arg7[%run_scoped3A, %dma_wait3A_1437] : memref<8x128xi32, #tpu.memory_space<vmem>> -> memref<1x128xi32, #tpu.memory_space<vmem>>
      %dma_wait3A_1439 = tpu.memref_squeeze %dma_wait3A_1438 : memref<1x128xi32, #tpu.memory_space<vmem>> -> memref<128xi32, #tpu.memory_space<vmem>>
      %dma_wait3A_1440 = arith.constant 0 : i32
      %dma_wait3A_1441 = arith.constant 0 : i32
      %dma_wait3A_1442 = tpu.memref_slice %arg12[%dma_wait3A_1440, %dma_wait3A_1441] : memref<10000x128xf32, #tpu.memory_space<vmem_shared>> -> memref<10000x128xf32, #tpu.memory_space<vmem_shared>>
      tpu.wait_indirect_dma semaphore(%run_scoped3A_1430 : memref<!tpu.dma_semaphore, #tpu.memory_space<semaphore_mem>>) src(%arg9 : memref<128x128xf32, #tpu.memory_space<vmem>>) dst(%dma_wait3A_1442 : memref<10000x128xf32, #tpu.memory_space<vmem_shared>>)
      tpu.yield
    }) : () -> ()
    %dma_start3A_1348 = arith.constant 0 : i32
    %dma_start3A_1349 = arith.constant 256 : i32
    %dma_start3A_1350 = tpu.memref_slice %arg5[%dma_start3A_1348, %dma_start3A_1349] : memref<2x768xi32, #tpu.memory_space<vmem>> -> memref<1x128xi32, #tpu.memory_space<vmem>>
    %dma_start3A_1351 = tpu.memref_squeeze %dma_start3A_1350 : memref<1x128xi32, #tpu.memory_space<vmem>> -> memref<128xi32, #tpu.memory_space<vmem>>
    %dma_start3A_1352 = arith.constant 0 : i32
    %dma_start3A_1353 = arith.constant 0 : i32
    %dma_start3A_1354 = tpu.memref_slice %arg2[%dma_start3A_1352, %dma_start3A_1353] : memref<10000x128xf32, #tpu.memory_space<hbm>> -> memref<10000x128xf32, #tpu.memory_space<hbm>>
    tpu.enqueue_indirect_dma source(%dma_start3A_1354 : memref<10000x128xf32, #tpu.memory_space<hbm>>) target(%arg9 : memref<128x128xf32, #tpu.memory_space<vmem>>) offsets(%dma_start3A_1351 : memref<128xi32, #tpu.memory_space<vmem>>) semaphore(%arg15 : memref<!tpu.dma_semaphore, #tpu.memory_space<semaphore_mem>>)
    %dma_wait3A_1355 = arith.constant 0 : i32
    %dma_wait3A_1356 = arith.constant 128 : i32
    %dma_wait3A_1357 = tpu.memref_slice %arg5[%dma_wait3A_1355, %dma_wait3A_1356] : memref<2x768xi32, #tpu.memory_space<vmem>> -> memref<1x128xi32, #tpu.memory_space<vmem>>
    %dma_wait3A_1358 = tpu.memref_squeeze %dma_wait3A_1357 : memref<1x128xi32, #tpu.memory_space<vmem>> -> memref<128xi32, #tpu.memory_space<vmem>>
    %dma_wait3A_1359 = arith.constant 0 : i32
    %dma_wait3A_1360 = arith.constant 0 : i32
    %dma_wait3A_1361 = tpu.memref_slice %arg2[%dma_wait3A_1359, %dma_wait3A_1360] : memref<10000x128xf32, #tpu.memory_space<hbm>> -> memref<10000x128xf32, #tpu.memory_space<hbm>>
    tpu.wait_indirect_dma semaphore(%arg16 : memref<!tpu.dma_semaphore, #tpu.memory_space<semaphore_mem>>) src(%dma_wait3A_1361 : memref<10000x128xf32, #tpu.memory_space<hbm>>) dst(%arg10 : memref<128x128xf32, #tpu.memory_space<vmem>>)
    %run_scoped3A_1362 = arith.constant 1 : i32
    "tpu.region"() ({
      %run_scoped3A_1430 = tpu.sem_alloc : memref<!tpu.dma_semaphore, #tpu.memory_space<semaphore_mem>>
      %dma_start3A_1431 = arith.constant 0 : i32
      %dma_start3A_1432 = tpu.memref_slice %arg7[%run_scoped3A_1362, %dma_start3A_1431] : memref<8x128xi32, #tpu.memory_space<vmem>> -> memref<1x128xi32, #tpu.memory_space<vmem>>
      %dma_start3A_1433 = tpu.memref_squeeze %dma_start3A_1432 : memref<1x128xi32, #tpu.memory_space<vmem>> -> memref<128xi32, #tpu.memory_space<vmem>>
      %dma_start3A_1434 = arith.constant 0 : i32
      %dma_start3A_1435 = arith.constant 0 : i32
      %dma_start3A_1436 = tpu.memref_slice %arg12[%dma_start3A_1434, %dma_start3A_1435] : memref<10000x128xf32, #tpu.memory_space<vmem_shared>> -> memref<10000x128xf32, #tpu.memory_space<vmem_shared>>
      tpu.enqueue_indirect_dma source(%arg10 : memref<128x128xf32, #tpu.memory_space<vmem>>) target(%dma_start3A_1436 : memref<10000x128xf32, #tpu.memory_space<vmem_shared>>) offsets(%dma_start3A_1433 : memref<128xi32, #tpu.memory_space<vmem>>) semaphore(%run_scoped3A_1430 : memref<!tpu.dma_semaphore, #tpu.memory_space<semaphore_mem>>) {add = true}
      %dma_wait3A_1437 = arith.constant 0 : i32
      %dma_wait3A_1438 = tpu.memref_slice %arg7[%run_scoped3A_1362, %dma_wait3A_1437] : memref<8x128xi32, #tpu.memory_space<vmem>> -> memref<1x128xi32, #tpu.memory_space<vmem>>
      %dma_wait3A_1439 = tpu.memref_squeeze %dma_wait3A_1438 : memref<1x128xi32, #tpu.memory_space<vmem>> -> memref<128xi32, #tpu.memory_space<vmem>>
      %dma_wait3A_1440 = arith.constant 0 : i32
      %dma_wait3A_1441 = arith.constant 0 : i32
      %dma_wait3A_1442 = tpu.memref_slice %arg12[%dma_wait3A_1440, %dma_wait3A_1441] : memref<10000x128xf32, #tpu.memory_space<vmem_shared>> -> memref<10000x128xf32, #tpu.memory_space<vmem_shared>>
      tpu.wait_indirect_dma semaphore(%run_scoped3A_1430 : memref<!tpu.dma_semaphore, #tpu.memory_space<semaphore_mem>>) src(%arg10 : memref<128x128xf32, #tpu.memory_space<vmem>>) dst(%dma_wait3A_1442 : memref<10000x128xf32, #tpu.memory_space<vmem_shared>>)
      tpu.yield
    }) : () -> ()
    %dma_start3A_1363 = arith.constant 0 : i32
    %dma_start3A_1364 = arith.constant 384 : i32
    %dma_start3A_1365 = tpu.memref_slice %arg5[%dma_start3A_1363, %dma_start3A_1364] : memref<2x768xi32, #tpu.memory_space<vmem>> -> memref<1x128xi32, #tpu.memory_space<vmem>>
    %dma_start3A_1366 = tpu.memref_squeeze %dma_start3A_1365 : memref<1x128xi32, #tpu.memory_space<vmem>> -> memref<128xi32, #tpu.memory_space<vmem>>
    %dma_start3A_1367 = arith.constant 0 : i32
    %dma_start3A_1368 = arith.constant 0 : i32
    %dma_start3A_1369 = tpu.memref_slice %arg2[%dma_start3A_1367, %dma_start3A_1368] : memref<10000x128xf32, #tpu.memory_space<hbm>> -> memref<10000x128xf32, #tpu.memory_space<hbm>>
    tpu.enqueue_indirect_dma source(%dma_start3A_1369 : memref<10000x128xf32, #tpu.memory_space<hbm>>) target(%arg10 : memref<128x128xf32, #tpu.memory_space<vmem>>) offsets(%dma_start3A_1366 : memref<128xi32, #tpu.memory_space<vmem>>) semaphore(%arg16 : memref<!tpu.dma_semaphore, #tpu.memory_space<semaphore_mem>>)
    %dma_wait3A_1370 = arith.constant 0 : i32
    %dma_wait3A_1371 = arith.constant 256 : i32
    %dma_wait3A_1372 = tpu.memref_slice %arg5[%dma_wait3A_1370, %dma_wait3A_1371] : memref<2x768xi32, #tpu.memory_space<vmem>> -> memref<1x128xi32, #tpu.memory_space<vmem>>
    %dma_wait3A_1373 = tpu.memref_squeeze %dma_wait3A_1372 : memref<1x128xi32, #tpu.memory_space<vmem>> -> memref<128xi32, #tpu.memory_space<vmem>>
    %dma_wait3A_1374 = arith.constant 0 : i32
    %dma_wait3A_1375 = arith.constant 0 : i32
    %dma_wait3A_1376 = tpu.memref_slice %arg2[%dma_wait3A_1374, %dma_wait3A_1375] : memref<10000x128xf32, #tpu.memory_space<hbm>> -> memref<10000x128xf32, #tpu.memory_space<hbm>>
    tpu.wait_indirect_dma semaphore(%arg15 : memref<!tpu.dma_semaphore, #tpu.memory_space<semaphore_mem>>) src(%dma_wait3A_1376 : memref<10000x128xf32, #tpu.memory_space<hbm>>) dst(%arg9 : memref<128x128xf32, #tpu.memory_space<vmem>>)
    %run_scoped3A_1377 = arith.constant 2 : i32
    "tpu.region"() ({
      %run_scoped3A_1430 = tpu.sem_alloc : memref<!tpu.dma_semaphore, #tpu.memory_space<semaphore_mem>>
      %dma_start3A_1431 = arith.constant 0 : i32
      %dma_start3A_1432 = tpu.memref_slice %arg7[%run_scoped3A_1377, %dma_start3A_1431] : memref<8x128xi32, #tpu.memory_space<vmem>> -> memref<1x128xi32, #tpu.memory_space<vmem>>
      %dma_start3A_1433 = tpu.memref_squeeze %dma_start3A_1432 : memref<1x128xi32, #tpu.memory_space<vmem>> -> memref<128xi32, #tpu.memory_space<vmem>>
      %dma_start3A_1434 = arith.constant 0 : i32
      %dma_start3A_1435 = arith.constant 0 : i32
      %dma_start3A_1436 = tpu.memref_slice %arg12[%dma_start3A_1434, %dma_start3A_1435] : memref<10000x128xf32, #tpu.memory_space<vmem_shared>> -> memref<10000x128xf32, #tpu.memory_space<vmem_shared>>
      tpu.enqueue_indirect_dma source(%arg9 : memref<128x128xf32, #tpu.memory_space<vmem>>) target(%dma_start3A_1436 : memref<10000x128xf32, #tpu.memory_space<vmem_shared>>) offsets(%dma_start3A_1433 : memref<128xi32, #tpu.memory_space<vmem>>) semaphore(%run_scoped3A_1430 : memref<!tpu.dma_semaphore, #tpu.memory_space<semaphore_mem>>) {add = true}
      %dma_wait3A_1437 = arith.constant 0 : i32
      %dma_wait3A_1438 = tpu.memref_slice %arg7[%run_scoped3A_1377, %dma_wait3A_1437] : memref<8x128xi32, #tpu.memory_space<vmem>> -> memref<1x128xi32, #tpu.memory_space<vmem>>
      %dma_wait3A_1439 = tpu.memref_squeeze %dma_wait3A_1438 : memref<1x128xi32, #tpu.memory_space<vmem>> -> memref<128xi32, #tpu.memory_space<vmem>>
      %dma_wait3A_1440 = arith.constant 0 : i32
      %dma_wait3A_1441 = arith.constant 0 : i32
      %dma_wait3A_1442 = tpu.memref_slice %arg12[%dma_wait3A_1440, %dma_wait3A_1441] : memref<10000x128xf32, #tpu.memory_space<vmem_shared>> -> memref<10000x128xf32, #tpu.memory_space<vmem_shared>>
      tpu.wait_indirect_dma semaphore(%run_scoped3A_1430 : memref<!tpu.dma_semaphore, #tpu.memory_space<semaphore_mem>>) src(%arg9 : memref<128x128xf32, #tpu.memory_space<vmem>>) dst(%dma_wait3A_1442 : memref<10000x128xf32, #tpu.memory_space<vmem_shared>>)
      tpu.yield
    }) : () -> ()
    %dma_start3A_1378 = arith.constant 0 : i32
    %dma_start3A_1379 = arith.constant 512 : i32
    %dma_start3A_1380 = tpu.memref_slice %arg5[%dma_start3A_1378, %dma_start3A_1379] : memref<2x768xi32, #tpu.memory_space<vmem>> -> memref<1x128xi32, #tpu.memory_space<vmem>>
    %dma_start3A_1381 = tpu.memref_squeeze %dma_start3A_1380 : memref<1x128xi32, #tpu.memory_space<vmem>> -> memref<128xi32, #tpu.memory_space<vmem>>
    %dma_start3A_1382 = arith.constant 0 : i32
    %dma_start3A_1383 = arith.constant 0 : i32
    %dma_start3A_1384 = tpu.memref_slice %arg2[%dma_start3A_1382, %dma_start3A_1383] : memref<10000x128xf32, #tpu.memory_space<hbm>> -> memref<10000x128xf32, #tpu.memory_space<hbm>>
    tpu.enqueue_indirect_dma source(%dma_start3A_1384 : memref<10000x128xf32, #tpu.memory_space<hbm>>) target(%arg9 : memref<128x128xf32, #tpu.memory_space<vmem>>) offsets(%dma_start3A_1381 : memref<128xi32, #tpu.memory_space<vmem>>) semaphore(%arg15 : memref<!tpu.dma_semaphore, #tpu.memory_space<semaphore_mem>>)
    %dma_wait3A_1385 = arith.constant 0 : i32
    %dma_wait3A_1386 = arith.constant 384 : i32
    %dma_wait3A_1387 = tpu.memref_slice %arg5[%dma_wait3A_1385, %dma_wait3A_1386] : memref<2x768xi32, #tpu.memory_space<vmem>> -> memref<1x128xi32, #tpu.memory_space<vmem>>
    %dma_wait3A_1388 = tpu.memref_squeeze %dma_wait3A_1387 : memref<1x128xi32, #tpu.memory_space<vmem>> -> memref<128xi32, #tpu.memory_space<vmem>>
    %dma_wait3A_1389 = arith.constant 0 : i32
    %dma_wait3A_1390 = arith.constant 0 : i32
    %dma_wait3A_1391 = tpu.memref_slice %arg2[%dma_wait3A_1389, %dma_wait3A_1390] : memref<10000x128xf32, #tpu.memory_space<hbm>> -> memref<10000x128xf32, #tpu.memory_space<hbm>>
    tpu.wait_indirect_dma semaphore(%arg16 : memref<!tpu.dma_semaphore, #tpu.memory_space<semaphore_mem>>) src(%dma_wait3A_1391 : memref<10000x128xf32, #tpu.memory_space<hbm>>) dst(%arg10 : memref<128x128xf32, #tpu.memory_space<vmem>>)
    %run_scoped3A_1392 = arith.constant 3 : i32
    "tpu.region"() ({
      %run_scoped3A_1430 = tpu.sem_alloc : memref<!tpu.dma_semaphore, #tpu.memory_space<semaphore_mem>>
      %dma_start3A_1431 = arith.constant 0 : i32
      %dma_start3A_1432 = tpu.memref_slice %arg7[%run_scoped3A_1392, %dma_start3A_1431] : memref<8x128xi32, #tpu.memory_space<vmem>> -> memref<1x128xi32, #tpu.memory_space<vmem>>
      %dma_start3A_1433 = tpu.memref_squeeze %dma_start3A_1432 : memref<1x128xi32, #tpu.memory_space<vmem>> -> memref<128xi32, #tpu.memory_space<vmem>>
      %dma_start3A_1434 = arith.constant 0 : i32
      %dma_start3A_1435 = arith.constant 0 : i32
      %dma_start3A_1436 = tpu.memref_slice %arg12[%dma_start3A_1434, %dma_start3A_1435] : memref<10000x128xf32, #tpu.memory_space<vmem_shared>> -> memref<10000x128xf32, #tpu.memory_space<vmem_shared>>
      tpu.enqueue_indirect_dma source(%arg10 : memref<128x128xf32, #tpu.memory_space<vmem>>) target(%dma_start3A_1436 : memref<10000x128xf32, #tpu.memory_space<vmem_shared>>) offsets(%dma_start3A_1433 : memref<128xi32, #tpu.memory_space<vmem>>) semaphore(%run_scoped3A_1430 : memref<!tpu.dma_semaphore, #tpu.memory_space<semaphore_mem>>) {add = true}
      %dma_wait3A_1437 = arith.constant 0 : i32
      %dma_wait3A_1438 = tpu.memref_slice %arg7[%run_scoped3A_1392, %dma_wait3A_1437] : memref<8x128xi32, #tpu.memory_space<vmem>> -> memref<1x128xi32, #tpu.memory_space<vmem>>
      %dma_wait3A_1439 = tpu.memref_squeeze %dma_wait3A_1438 : memref<1x128xi32, #tpu.memory_space<vmem>> -> memref<128xi32, #tpu.memory_space<vmem>>
      %dma_wait3A_1440 = arith.constant 0 : i32
      %dma_wait3A_1441 = arith.constant 0 : i32
      %dma_wait3A_1442 = tpu.memref_slice %arg12[%dma_wait3A_1440, %dma_wait3A_1441] : memref<10000x128xf32, #tpu.memory_space<vmem_shared>> -> memref<10000x128xf32, #tpu.memory_space<vmem_shared>>
      tpu.wait_indirect_dma semaphore(%run_scoped3A_1430 : memref<!tpu.dma_semaphore, #tpu.memory_space<semaphore_mem>>) src(%arg10 : memref<128x128xf32, #tpu.memory_space<vmem>>) dst(%dma_wait3A_1442 : memref<10000x128xf32, #tpu.memory_space<vmem_shared>>)
      tpu.yield
    }) : () -> ()
    %dma_start3A_1393 = arith.constant 0 : i32
    %dma_start3A_1394 = arith.constant 640 : i32
    %dma_start3A_1395 = tpu.memref_slice %arg5[%dma_start3A_1393, %dma_start3A_1394] : memref<2x768xi32, #tpu.memory_space<vmem>> -> memref<1x128xi32, #tpu.memory_space<vmem>>
    %dma_start3A_1396 = tpu.memref_squeeze %dma_start3A_1395 : memref<1x128xi32, #tpu.memory_space<vmem>> -> memref<128xi32, #tpu.memory_space<vmem>>
    %dma_start3A_1397 = arith.constant 0 : i32
    %dma_start3A_1398 = arith.constant 0 : i32
    %dma_start3A_1399 = tpu.memref_slice %arg2[%dma_start3A_1397, %dma_start3A_1398] : memref<10000x128xf32, #tpu.memory_space<hbm>> -> memref<10000x128xf32, #tpu.memory_space<hbm>>
    tpu.enqueue_indirect_dma source(%dma_start3A_1399 : memref<10000x128xf32, #tpu.memory_space<hbm>>) target(%arg10 : memref<128x128xf32, #tpu.memory_space<vmem>>) offsets(%dma_start3A_1396 : memref<128xi32, #tpu.memory_space<vmem>>) semaphore(%arg16 : memref<!tpu.dma_semaphore, #tpu.memory_space<semaphore_mem>>)
    %dma_wait3A_1400 = arith.constant 0 : i32
    %dma_wait3A_1401 = arith.constant 512 : i32
    %dma_wait3A_1402 = tpu.memref_slice %arg5[%dma_wait3A_1400, %dma_wait3A_1401] : memref<2x768xi32, #tpu.memory_space<vmem>> -> memref<1x128xi32, #tpu.memory_space<vmem>>
    %dma_wait3A_1403 = tpu.memref_squeeze %dma_wait3A_1402 : memref<1x128xi32, #tpu.memory_space<vmem>> -> memref<128xi32, #tpu.memory_space<vmem>>
    %dma_wait3A_1404 = arith.constant 0 : i32
    %dma_wait3A_1405 = arith.constant 0 : i32
    %dma_wait3A_1406 = tpu.memref_slice %arg2[%dma_wait3A_1404, %dma_wait3A_1405] : memref<10000x128xf32, #tpu.memory_space<hbm>> -> memref<10000x128xf32, #tpu.memory_space<hbm>>
    tpu.wait_indirect_dma semaphore(%arg15 : memref<!tpu.dma_semaphore, #tpu.memory_space<semaphore_mem>>) src(%dma_wait3A_1406 : memref<10000x128xf32, #tpu.memory_space<hbm>>) dst(%arg9 : memref<128x128xf32, #tpu.memory_space<vmem>>)
    %run_scoped3A_1407 = arith.constant 4 : i32
    "tpu.region"() ({
      %run_scoped3A_1430 = tpu.sem_alloc : memref<!tpu.dma_semaphore, #tpu.memory_space<semaphore_mem>>
      %dma_start3A_1431 = arith.constant 0 : i32
      %dma_start3A_1432 = tpu.memref_slice %arg7[%run_scoped3A_1407, %dma_start3A_1431] : memref<8x128xi32, #tpu.memory_space<vmem>> -> memref<1x128xi32, #tpu.memory_space<vmem>>
      %dma_start3A_1433 = tpu.memref_squeeze %dma_start3A_1432 : memref<1x128xi32, #tpu.memory_space<vmem>> -> memref<128xi32, #tpu.memory_space<vmem>>
      %dma_start3A_1434 = arith.constant 0 : i32
      %dma_start3A_1435 = arith.constant 0 : i32
      %dma_start3A_1436 = tpu.memref_slice %arg12[%dma_start3A_1434, %dma_start3A_1435] : memref<10000x128xf32, #tpu.memory_space<vmem_shared>> -> memref<10000x128xf32, #tpu.memory_space<vmem_shared>>
      tpu.enqueue_indirect_dma source(%arg9 : memref<128x128xf32, #tpu.memory_space<vmem>>) target(%dma_start3A_1436 : memref<10000x128xf32, #tpu.memory_space<vmem_shared>>) offsets(%dma_start3A_1433 : memref<128xi32, #tpu.memory_space<vmem>>) semaphore(%run_scoped3A_1430 : memref<!tpu.dma_semaphore, #tpu.memory_space<semaphore_mem>>) {add = true}
      %dma_wait3A_1437 = arith.constant 0 : i32
      %dma_wait3A_1438 = tpu.memref_slice %arg7[%run_scoped3A_1407, %dma_wait3A_1437] : memref<8x128xi32, #tpu.memory_space<vmem>> -> memref<1x128xi32, #tpu.memory_space<vmem>>
      %dma_wait3A_1439 = tpu.memref_squeeze %dma_wait3A_1438 : memref<1x128xi32, #tpu.memory_space<vmem>> -> memref<128xi32, #tpu.memory_space<vmem>>
      %dma_wait3A_1440 = arith.constant 0 : i32
      %dma_wait3A_1441 = arith.constant 0 : i32
      %dma_wait3A_1442 = tpu.memref_slice %arg12[%dma_wait3A_1440, %dma_wait3A_1441] : memref<10000x128xf32, #tpu.memory_space<vmem_shared>> -> memref<10000x128xf32, #tpu.memory_space<vmem_shared>>
      tpu.wait_indirect_dma semaphore(%run_scoped3A_1430 : memref<!tpu.dma_semaphore, #tpu.memory_space<semaphore_mem>>) src(%arg9 : memref<128x128xf32, #tpu.memory_space<vmem>>) dst(%dma_wait3A_1442 : memref<10000x128xf32, #tpu.memory_space<vmem_shared>>)
      tpu.yield
    }) : () -> ()
    %dma_wait3A_1408 = arith.constant 0 : i32
    %dma_wait3A_1409 = arith.constant 640 : i32
    %dma_wait3A_1410 = tpu.memref_slice %arg5[%dma_wait3A_1408, %dma_wait3A_1409] : memref<2x768xi32, #tpu.memory_space<vmem>> -> memref<1x128xi32, #tpu.memory_space<vmem>>
    %dma_wait3A_1411 = tpu.memref_squeeze %dma_wait3A_1410 : memref<1x128xi32, #tpu.memory_space<vmem>> -> memref<128xi32, #tpu.memory_space<vmem>>
    %dma_wait3A_1412 = arith.constant 0 : i32
    %dma_wait3A_1413 = arith.constant 0 : i32
    %dma_wait3A_1414 = tpu.memref_slice %arg2[%dma_wait3A_1412, %dma_wait3A_1413] : memref<10000x128xf32, #tpu.memory_space<hbm>> -> memref<10000x128xf32, #tpu.memory_space<hbm>>
    tpu.wait_indirect_dma semaphore(%arg16 : memref<!tpu.dma_semaphore, #tpu.memory_space<semaphore_mem>>) src(%dma_wait3A_1414 : memref<10000x128xf32, #tpu.memory_space<hbm>>) dst(%arg10 : memref<128x128xf32, #tpu.memory_space<vmem>>)
    %run_scoped3A_1415 = arith.constant 5 : i32
    "tpu.region"() ({
      %run_scoped3A_1430 = tpu.sem_alloc : memref<!tpu.dma_semaphore, #tpu.memory_space<semaphore_mem>>
      %dma_start3A_1431 = arith.constant 0 : i32
      %dma_start3A_1432 = tpu.memref_slice %arg7[%run_scoped3A_1415, %dma_start3A_1431] : memref<8x128xi32, #tpu.memory_space<vmem>> -> memref<1x128xi32, #tpu.memory_space<vmem>>
      %dma_start3A_1433 = tpu.memref_squeeze %dma_start3A_1432 : memref<1x128xi32, #tpu.memory_space<vmem>> -> memref<128xi32, #tpu.memory_space<vmem>>
      %dma_start3A_1434 = arith.constant 0 : i32
      %dma_start3A_1435 = arith.constant 0 : i32
      %dma_start3A_1436 = tpu.memref_slice %arg12[%dma_start3A_1434, %dma_start3A_1435] : memref<10000x128xf32, #tpu.memory_space<vmem_shared>> -> memref<10000x128xf32, #tpu.memory_space<vmem_shared>>
      tpu.enqueue_indirect_dma source(%arg10 : memref<128x128xf32, #tpu.memory_space<vmem>>) target(%dma_start3A_1436 : memref<10000x128xf32, #tpu.memory_space<vmem_shared>>) offsets(%dma_start3A_1433 : memref<128xi32, #tpu.memory_space<vmem>>) semaphore(%run_scoped3A_1430 : memref<!tpu.dma_semaphore, #tpu.memory_space<semaphore_mem>>) {add = true}
      %dma_wait3A_1437 = arith.constant 0 : i32
      %dma_wait3A_1438 = tpu.memref_slice %arg7[%run_scoped3A_1415, %dma_wait3A_1437] : memref<8x128xi32, #tpu.memory_space<vmem>> -> memref<1x128xi32, #tpu.memory_space<vmem>>
      %dma_wait3A_1439 = tpu.memref_squeeze %dma_wait3A_1438 : memref<1x128xi32, #tpu.memory_space<vmem>> -> memref<128xi32, #tpu.memory_space<vmem>>
      %dma_wait3A_1440 = arith.constant 0 : i32
      %dma_wait3A_1441 = arith.constant 0 : i32
      %dma_wait3A_1442 = tpu.memref_slice %arg12[%dma_wait3A_1440, %dma_wait3A_1441] : memref<10000x128xf32, #tpu.memory_space<vmem_shared>> -> memref<10000x128xf32, #tpu.memory_space<vmem_shared>>
      tpu.wait_indirect_dma semaphore(%run_scoped3A_1430 : memref<!tpu.dma_semaphore, #tpu.memory_space<semaphore_mem>>) src(%arg10 : memref<128x128xf32, #tpu.memory_space<vmem>>) dst(%dma_wait3A_1442 : memref<10000x128xf32, #tpu.memory_space<vmem_shared>>)
      tpu.yield
    }) : () -> ()
    %ge3A = arith.constant 28 : i32
    %ge3A_1416 = arith.cmpi sge, %add3A, %ge3A : i32
    %convert_element_type3A_1417 = arith.extui %ge3A_1416 : i1 to i32
    %cond3A_1418 = arith.constant 0 : i32
    %cond3A_1419 = arith.cmpi ne, %convert_element_type3A_1417, %cond3A_1418 : i32
    scf.if %cond3A_1419 {
      %add3A_1430 = arith.constant 2496 : i32
      %add3A_1431 = arith.addi %add3A_1430, %add3A : i32
      %sub3A = arith.constant 28 : i32
      %sub3A_1432 = arith.subi %add3A_1431, %sub3A : i32
      %mul3A_1433 = arith.constant 128 : i32
      %mul3A_1434 = arith.muli %sub3A_1432, %mul3A_1433 : i32
      "tpu.region"() ({
        %run_scoped3A_1538 = tpu.sem_alloc : memref<!tpu.dma_semaphore, #tpu.memory_space<semaphore_mem>>
        %dma_start3A_1539 = arith.constant 0 : i32
        %dma_start3A_1540 = arith.constant 0 : i32
        %dma_start3A_1541 = tpu.memref_slice %arg5[%dma_start3A_1539, %dma_start3A_1540] : memref<2x768xi32, #tpu.memory_space<vmem>> -> memref<2x128xi32, #tpu.memory_space<vmem>>
        %dma_start3A_1542 = arith.constant 0 : i32
        %dma_start3A_1543 = tpu.memref_slice %arg3[%dma_start3A_1542, %mul3A_1434] : memref<2x320000xi32, #tpu.memory_space<hbm>> -> memref<2x128xi32, #tpu.memory_space<hbm>>
        %dma_start3A_1544 = arith.constant 0 : i32
        %dma_start3A_1545 = arith.constant 0 : i32
        %dma_start3A_1546 = tpu.memref_slice %arg5[%dma_start3A_1544, %dma_start3A_1545] : memref<2x768xi32, #tpu.memory_space<vmem>> -> memref<2x128xi32, #tpu.memory_space<vmem>>
        %dma_start3A_1547 = arith.constant 0 : i32
        %dma_start3A_1548 = tpu.memref_slice %arg3[%dma_start3A_1547, %mul3A_1434] : memref<2x320000xi32, #tpu.memory_space<hbm>> -> memref<2x128xi32, #tpu.memory_space<hbm>>
        tpu.enqueue_dma source(%dma_start3A_1548 : memref<2x128xi32, #tpu.memory_space<hbm>>) target(%dma_start3A_1546 : memref<2x128xi32, #tpu.memory_space<vmem>>) target_semaphore(%run_scoped3A_1538 : memref<!tpu.dma_semaphore, #tpu.memory_space<semaphore_mem>>)
        %dma_wait3A_1549 = arith.constant 0 : i32
        %dma_wait3A_1550 = arith.constant 0 : i32
        %dma_wait3A_1551 = tpu.memref_slice %arg5[%dma_wait3A_1549, %dma_wait3A_1550] : memref<2x768xi32, #tpu.memory_space<vmem>> -> memref<2x128xi32, #tpu.memory_space<vmem>>
        %dma_wait3A_1552 = arith.constant 0 : i32
        %dma_wait3A_1553 = tpu.memref_slice %arg3[%dma_wait3A_1552, %mul3A_1434] : memref<2x320000xi32, #tpu.memory_space<hbm>> -> memref<2x128xi32, #tpu.memory_space<hbm>>
        %dma_wait3A_1554 = arith.constant 0 : i32
        %dma_wait3A_1555 = arith.constant 0 : i32
        %dma_wait3A_1556 = tpu.memref_slice %arg5[%dma_wait3A_1554, %dma_wait3A_1555] : memref<2x768xi32, #tpu.memory_space<vmem>> -> memref<2x128xi32, #tpu.memory_space<vmem>>
        %dma_wait3A_1557 = arith.constant 0 : i32
        %dma_wait3A_1558 = tpu.memref_slice %arg3[%dma_wait3A_1557, %mul3A_1434] : memref<2x320000xi32, #tpu.memory_space<hbm>> -> memref<2x128xi32, #tpu.memory_space<hbm>>
        tpu.wait_dma2 semaphore(%run_scoped3A_1538 : memref<!tpu.dma_semaphore, #tpu.memory_space<semaphore_mem>>) src(%dma_wait3A_1558 : memref<2x128xi32, #tpu.memory_space<hbm>>) dst(%dma_wait3A_1556 : memref<2x128xi32, #tpu.memory_space<vmem>>)
        tpu.yield
      }) : () -> ()
      %get3A_1435 = arith.constant 1 : i32
      %get3A_1436 = arith.index_cast %get3A_1435 : i32 to index
      %get3A_1437 = arith.constant 0 : index
      %get3A_1438 = tpu.vector_load %arg5[%get3A_1436, %get3A_1437] {strides = array<i32>} : memref<2x768xi32, #tpu.memory_space<vmem>>, vector<1x16xi32>,
      %get3A_1439 = vector.shape_cast %get3A_1438 : vector<1x16xi32> to vector<16xi32>
      %swap3A_1440 = arith.constant 0 : i32
      %swap3A_1441 = arith.index_cast %swap3A_1440 : i32 to index
      %swap3A_1442 = arith.constant 0 : index
      %swap3A_1443 = tpu.vector_load %arg7[%swap3A_1441, %swap3A_1442] {strides = array<i32>} : memref<8x128xi32, #tpu.memory_space<vmem>>, vector<1x16xi32>,
      %swap3A_1444 = vector.shape_cast %swap3A_1443 : vector<1x16xi32> to vector<16xi32>
      %swap3A_1445 = vector.shape_cast %get3A_1439 : vector<16xi32> to vector<1x16xi32>
      tpu.vector_store %arg7[%swap3A_1441, %swap3A_1442], %swap3A_1445 {strides = array<i32>} : memref<8x128xi32, #tpu.memory_space<vmem>>, vector<1x16xi32>,
      %get3A_1446 = arith.constant 1 : i32
      %get3A_1447 = arith.index_cast %get3A_1446 : i32 to index
      %get3A_1448 = arith.constant 16 : index
      %get3A_1449 = tpu.vector_load %arg5[%get3A_1447, %get3A_1448] {strides = array<i32>} : memref<2x768xi32, #tpu.memory_space<vmem>>, vector<1x16xi32>,
      %get3A_1450 = vector.shape_cast %get3A_1449 : vector<1x16xi32> to vector<16xi32>
      %swap3A_1451 = arith.constant 0 : i32
      %swap3A_1452 = arith.index_cast %swap3A_1451 : i32 to index
      %swap3A_1453 = arith.constant 16 : index
      %swap3A_1454 = tpu.vector_load %arg7[%swap3A_1452, %swap3A_1453] {strides = array<i32>} : memref<8x128xi32, #tpu.memory_space<vmem>>, vector<1x16xi32>,
      %swap3A_1455 = vector.shape_cast %swap3A_1454 : vector<1x16xi32> to vector<16xi32>
      %swap3A_1456 = vector.shape_cast %get3A_1450 : vector<16xi32> to vector<1x16xi32>
      tpu.vector_store %arg7[%swap3A_1452, %swap3A_1453], %swap3A_1456 {strides = array<i32>} : memref<8x128xi32, #tpu.memory_space<vmem>>, vector<1x16xi32>,
      %get3A_1457 = arith.constant 1 : i32
      %get3A_1458 = arith.index_cast %get3A_1457 : i32 to index
      %get3A_1459 = arith.constant 32 : index
      %get3A_1460 = tpu.vector_load %arg5[%get3A_1458, %get3A_1459] {strides = array<i32>} : memref<2x768xi32, #tpu.memory_space<vmem>>, vector<1x16xi32>,
      %get3A_1461 = vector.shape_cast %get3A_1460 : vector<1x16xi32> to vector<16xi32>
      %swap3A_1462 = arith.constant 0 : i32
      %swap3A_1463 = arith.index_cast %swap3A_1462 : i32 to index
      %swap3A_1464 = arith.constant 32 : index
      %swap3A_1465 = tpu.vector_load %arg7[%swap3A_1463, %swap3A_1464] {strides = array<i32>} : memref<8x128xi32, #tpu.memory_space<vmem>>, vector<1x16xi32>,
      %swap3A_1466 = vector.shape_cast %swap3A_1465 : vector<1x16xi32> to vector<16xi32>
      %swap3A_1467 = vector.shape_cast %get3A_1461 : vector<16xi32> to vector<1x16xi32>
      tpu.vector_store %arg7[%swap3A_1463, %swap3A_1464], %swap3A_1467 {strides = array<i32>} : memref<8x128xi32, #tpu.memory_space<vmem>>, vector<1x16xi32>,
      %get3A_1468 = arith.constant 1 : i32
      %get3A_1469 = arith.index_cast %get3A_1468 : i32 to index
      %get3A_1470 = arith.constant 48 : index
      %get3A_1471 = tpu.vector_load %arg5[%get3A_1469, %get3A_1470] {strides = array<i32>} : memref<2x768xi32, #tpu.memory_space<vmem>>, vector<1x16xi32>,
      %get3A_1472 = vector.shape_cast %get3A_1471 : vector<1x16xi32> to vector<16xi32>
      %swap3A_1473 = arith.constant 0 : i32
      %swap3A_1474 = arith.index_cast %swap3A_1473 : i32 to index
      %swap3A_1475 = arith.constant 48 : index
      %swap3A_1476 = tpu.vector_load %arg7[%swap3A_1474, %swap3A_1475] {strides = array<i32>} : memref<8x128xi32, #tpu.memory_space<vmem>>, vector<1x16xi32>,
      %swap3A_1477 = vector.shape_cast %swap3A_1476 : vector<1x16xi32> to vector<16xi32>
      %swap3A_1478 = vector.shape_cast %get3A_1472 : vector<16xi32> to vector<1x16xi32>
      tpu.vector_store %arg7[%swap3A_1474, %swap3A_1475], %swap3A_1478 {strides = array<i32>} : memref<8x128xi32, #tpu.memory_space<vmem>>, vector<1x16xi32>,
      %get3A_1479 = arith.constant 1 : i32
      %get3A_1480 = arith.index_cast %get3A_1479 : i32 to index
      %get3A_1481 = arith.constant 64 : index
      %get3A_1482 = tpu.vector_load %arg5[%get3A_1480, %get3A_1481] {strides = array<i32>} : memref<2x768xi32, #tpu.memory_space<vmem>>, vector<1x16xi32>,
      %get3A_1483 = vector.shape_cast %get3A_1482 : vector<1x16xi32> to vector<16xi32>
      %swap3A_1484 = arith.constant 0 : i32
      %swap3A_1485 = arith.index_cast %swap3A_1484 : i32 to index
      %swap3A_1486 = arith.constant 64 : index
      %swap3A_1487 = tpu.vector_load %arg7[%swap3A_1485, %swap3A_1486] {strides = array<i32>} : memref<8x128xi32, #tpu.memory_space<vmem>>, vector<1x16xi32>,
      %swap3A_1488 = vector.shape_cast %swap3A_1487 : vector<1x16xi32> to vector<16xi32>
      %swap3A_1489 = vector.shape_cast %get3A_1483 : vector<16xi32> to vector<1x16xi32>
      tpu.vector_store %arg7[%swap3A_1485, %swap3A_1486], %swap3A_1489 {strides = array<i32>} : memref<8x128xi32, #tpu.memory_space<vmem>>, vector<1x16xi32>,
      %get3A_1490 = arith.constant 1 : i32
      %get3A_1491 = arith.index_cast %get3A_1490 : i32 to index
      %get3A_1492 = arith.constant 80 : index
      %get3A_1493 = tpu.vector_load %arg5[%get3A_1491, %get3A_1492] {strides = array<i32>} : memref<2x768xi32, #tpu.memory_space<vmem>>, vector<1x16xi32>,
      %get3A_1494 = vector.shape_cast %get3A_1493 : vector<1x16xi32> to vector<16xi32>
      %swap3A_1495 = arith.constant 0 : i32
      %swap3A_1496 = arith.index_cast %swap3A_1495 : i32 to index
      %swap3A_1497 = arith.constant 80 : index
      %swap3A_1498 = tpu.vector_load %arg7[%swap3A_1496, %swap3A_1497] {strides = array<i32>} : memref<8x128xi32, #tpu.memory_space<vmem>>, vector<1x16xi32>,
      %swap3A_1499 = vector.shape_cast %swap3A_1498 : vector<1x16xi32> to vector<16xi32>
      %swap3A_1500 = vector.shape_cast %get3A_1494 : vector<16xi32> to vector<1x16xi32>
      tpu.vector_store %arg7[%swap3A_1496, %swap3A_1497], %swap3A_1500 {strides = array<i32>} : memref<8x128xi32, #tpu.memory_space<vmem>>, vector<1x16xi32>,
      %get3A_1501 = arith.constant 1 : i32
      %get3A_1502 = arith.index_cast %get3A_1501 : i32 to index
      %get3A_1503 = arith.constant 96 : index
      %get3A_1504 = tpu.vector_load %arg5[%get3A_1502, %get3A_1503] {strides = array<i32>} : memref<2x768xi32, #tpu.memory_space<vmem>>, vector<1x16xi32>,
      %get3A_1505 = vector.shape_cast %get3A_1504 : vector<1x16xi32> to vector<16xi32>
      %swap3A_1506 = arith.constant 0 : i32
      %swap3A_1507 = arith.index_cast %swap3A_1506 : i32 to index
      %swap3A_1508 = arith.constant 96 : index
      %swap3A_1509 = tpu.vector_load %arg7[%swap3A_1507, %swap3A_1508] {strides = array<i32>} : memref<8x128xi32, #tpu.memory_space<vmem>>, vector<1x16xi32>,
      %swap3A_1510 = vector.shape_cast %swap3A_1509 : vector<1x16xi32> to vector<16xi32>
      %swap3A_1511 = vector.shape_cast %get3A_1505 : vector<16xi32> to vector<1x16xi32>
      tpu.vector_store %arg7[%swap3A_1507, %swap3A_1508], %swap3A_1511 {strides = array<i32>} : memref<8x128xi32, #tpu.memory_space<vmem>>, vector<1x16xi32>,
      %get3A_1512 = arith.constant 1 : i32
      %get3A_1513 = arith.index_cast %get3A_1512 : i32 to index
      %get3A_1514 = arith.constant 112 : index
      %get3A_1515 = tpu.vector_load %arg5[%get3A_1513, %get3A_1514] {strides = array<i32>} : memref<2x768xi32, #tpu.memory_space<vmem>>, vector<1x16xi32>,
      %get3A_1516 = vector.shape_cast %get3A_1515 : vector<1x16xi32> to vector<16xi32>
      %swap3A_1517 = arith.constant 0 : i32
      %swap3A_1518 = arith.index_cast %swap3A_1517 : i32 to index
      %swap3A_1519 = arith.constant 112 : index
      %swap3A_1520 = tpu.vector_load %arg7[%swap3A_1518, %swap3A_1519] {strides = array<i32>} : memref<8x128xi32, #tpu.memory_space<vmem>>, vector<1x16xi32>,
      %swap3A_1521 = vector.shape_cast %swap3A_1520 : vector<1x16xi32> to vector<16xi32>
      %swap3A_1522 = vector.shape_cast %get3A_1516 : vector<16xi32> to vector<1x16xi32>
      tpu.vector_store %arg7[%swap3A_1518, %swap3A_1519], %swap3A_1522 {strides = array<i32>} : memref<8x128xi32, #tpu.memory_space<vmem>>, vector<1x16xi32>,
      %dma_start3A_1523 = arith.constant 0 : i32
      %dma_start3A_1524 = arith.constant 0 : i32
      %dma_start3A_1525 = tpu.memref_slice %arg5[%dma_start3A_1523, %dma_start3A_1524] : memref<2x768xi32, #tpu.memory_space<vmem>> -> memref<1x128xi32, #tpu.memory_space<vmem>>
      %dma_start3A_1526 = tpu.memref_squeeze %dma_start3A_1525 : memref<1x128xi32, #tpu.memory_space<vmem>> -> memref<128xi32, #tpu.memory_space<vmem>>
      %dma_start3A_1527 = arith.constant 0 : i32
      %dma_start3A_1528 = arith.constant 0 : i32
      %dma_start3A_1529 = tpu.memref_slice %arg2[%dma_start3A_1527, %dma_start3A_1528] : memref<10000x128xf32, #tpu.memory_space<hbm>> -> memref<10000x128xf32, #tpu.memory_space<hbm>>
      tpu.enqueue_indirect_dma source(%dma_start3A_1529 : memref<10000x128xf32, #tpu.memory_space<hbm>>) target(%arg9 : memref<128x128xf32, #tpu.memory_space<vmem>>) offsets(%dma_start3A_1526 : memref<128xi32, #tpu.memory_space<vmem>>) semaphore(%arg15 : memref<!tpu.dma_semaphore, #tpu.memory_space<semaphore_mem>>)
      %dma_wait3A_1530 = arith.constant 0 : i32
      %dma_wait3A_1531 = arith.constant 0 : i32
      %dma_wait3A_1532 = tpu.memref_slice %arg5[%dma_wait3A_1530, %dma_wait3A_1531] : memref<2x768xi32, #tpu.memory_space<vmem>> -> memref<1x128xi32, #tpu.memory_space<vmem>>
      %dma_wait3A_1533 = tpu.memref_squeeze %dma_wait3A_1532 : memref<1x128xi32, #tpu.memory_space<vmem>> -> memref<128xi32, #tpu.memory_space<vmem>>
      %dma_wait3A_1534 = arith.constant 0 : i32
      %dma_wait3A_1535 = arith.constant 0 : i32
      %dma_wait3A_1536 = tpu.memref_slice %arg2[%dma_wait3A_1534, %dma_wait3A_1535] : memref<10000x128xf32, #tpu.memory_space<hbm>> -> memref<10000x128xf32, #tpu.memory_space<hbm>>
      tpu.wait_indirect_dma semaphore(%arg15 : memref<!tpu.dma_semaphore, #tpu.memory_space<semaphore_mem>>) src(%dma_wait3A_1536 : memref<10000x128xf32, #tpu.memory_space<hbm>>) dst(%arg9 : memref<128x128xf32, #tpu.memory_space<vmem>>)
      %run_scoped3A_1537 = arith.constant 0 : i32
      "tpu.region"() ({
        %run_scoped3A_1538 = tpu.sem_alloc : memref<!tpu.dma_semaphore, #tpu.memory_space<semaphore_mem>>
        %dma_start3A_1539 = arith.constant 0 : i32
        %dma_start3A_1540 = tpu.memref_slice %arg7[%run_scoped3A_1537, %dma_start3A_1539] : memref<8x128xi32, #tpu.memory_space<vmem>> -> memref<1x128xi32, #tpu.memory_space<vmem>>
        %dma_start3A_1541 = tpu.memref_squeeze %dma_start3A_1540 : memref<1x128xi32, #tpu.memory_space<vmem>> -> memref<128xi32, #tpu.memory_space<vmem>>
        %dma_start3A_1542 = arith.constant 0 : i32
        %dma_start3A_1543 = arith.constant 0 : i32
        %dma_start3A_1544 = tpu.memref_slice %arg12[%dma_start3A_1542, %dma_start3A_1543] : memref<10000x128xf32, #tpu.memory_space<vmem_shared>> -> memref<10000x128xf32, #tpu.memory_space<vmem_shared>>
        tpu.enqueue_indirect_dma source(%arg9 : memref<128x128xf32, #tpu.memory_space<vmem>>) target(%dma_start3A_1544 : memref<10000x128xf32, #tpu.memory_space<vmem_shared>>) offsets(%dma_start3A_1541 : memref<128xi32, #tpu.memory_space<vmem>>) semaphore(%run_scoped3A_1538 : memref<!tpu.dma_semaphore, #tpu.memory_space<semaphore_mem>>) {add = true}
        %dma_wait3A_1545 = arith.constant 0 : i32
        %dma_wait3A_1546 = tpu.memref_slice %arg7[%run_scoped3A_1537, %dma_wait3A_1545] : memref<8x128xi32, #tpu.memory_space<vmem>> -> memref<1x128xi32, #tpu.memory_space<vmem>>
        %dma_wait3A_1547 = tpu.memref_squeeze %dma_wait3A_1546 : memref<1x128xi32, #tpu.memory_space<vmem>> -> memref<128xi32, #tpu.memory_space<vmem>>
        %dma_wait3A_1548 = arith.constant 0 : i32
        %dma_wait3A_1549 = arith.constant 0 : i32
        %dma_wait3A_1550 = tpu.memref_slice %arg12[%dma_wait3A_1548, %dma_wait3A_1549] : memref<10000x128xf32, #tpu.memory_space<vmem_shared>> -> memref<10000x128xf32, #tpu.memory_space<vmem_shared>>
        tpu.wait_indirect_dma semaphore(%run_scoped3A_1538 : memref<!tpu.dma_semaphore, #tpu.memory_space<semaphore_mem>>) src(%arg9 : memref<128x128xf32, #tpu.memory_space<vmem>>) dst(%dma_wait3A_1550 : memref<10000x128xf32, #tpu.memory_space<vmem_shared>>)
        tpu.yield
      }) : () -> ()
    } else {
    }
    %barrier3A_1420 = arith.constant 0 : index
    tpu.barrier barrier_id(%barrier3A_1420)
    %mul3A_1421 = arith.constant 624 : i32
    %mul3A_1422 = arith.muli %arg1, %mul3A_1421 : i32
    %mul3A_1423 = arith.constant 624 : i32
    %mul3A_1424 = arith.muli %arg1, %mul3A_1423 : i32
    "tpu.region"() ({
      %run_scoped3A_1430 = tpu.sem_alloc : memref<!tpu.dma_semaphore, #tpu.memory_space<semaphore_mem>>
      %dma_start3A_1431 = arith.constant 0 : i32
      %dma_start3A_1432 = tpu.memref_slice %arg4[%arg0, %mul3A_1424, %dma_start3A_1431] : memref<2x10000x128xf32, #tpu.memory_space<hbm>> -> memref<1x624x128xf32, #tpu.memory_space<hbm>>
      %dma_start3A_1433 = tpu.memref_squeeze %dma_start3A_1432 : memref<1x624x128xf32, #tpu.memory_space<hbm>> -> memref<624x128xf32, #tpu.memory_space<hbm>>
      %dma_start3A_1434 = arith.constant 0 : i32
      %dma_start3A_1435 = tpu.memref_slice %arg12[%mul3A_1422, %dma_start3A_1434] : memref<10000x128xf32, #tpu.memory_space<vmem_shared>> -> memref<624x128xf32, #tpu.memory_space<vmem_shared>>
      tpu.enqueue_dma source(%dma_start3A_1435 : memref<624x128xf32, #tpu.memory_space<vmem_shared>>) target(%dma_start3A_1433 : memref<624x128xf32, #tpu.memory_space<hbm>>) target_semaphore(%run_scoped3A_1430 : memref<!tpu.dma_semaphore, #tpu.memory_space<semaphore_mem>>)
      %dma_wait3A_1436 = arith.constant 0 : i32
      %dma_wait3A_1437 = tpu.memref_slice %arg4[%arg0, %mul3A_1424, %dma_wait3A_1436] : memref<2x10000x128xf32, #tpu.memory_space<hbm>> -> memref<1x624x128xf32, #tpu.memory_space<hbm>>
      %dma_wait3A_1438 = tpu.memref_squeeze %dma_wait3A_1437 : memref<1x624x128xf32, #tpu.memory_space<hbm>> -> memref<624x128xf32, #tpu.memory_space<hbm>>
      %dma_wait3A_1439 = arith.constant 0 : i32
      %dma_wait3A_1440 = tpu.memref_slice %arg12[%mul3A_1422, %dma_wait3A_1439] : memref<10000x128xf32, #tpu.memory_space<vmem_shared>> -> memref<624x128xf32, #tpu.memory_space<vmem_shared>>
      tpu.wait_dma2 semaphore(%run_scoped3A_1430 : memref<!tpu.dma_semaphore, #tpu.memory_space<semaphore_mem>>) src(%dma_wait3A_1440 : memref<624x128xf32, #tpu.memory_space<vmem_shared>>) dst(%dma_wait3A_1438 : memref<624x128xf32, #tpu.memory_space<hbm>>)
      tpu.yield
    }) : () -> ()
    %eq3A_1425 = arith.constant 15 : i32
    %eq3A_1426 = arith.cmpi eq, %arg1, %eq3A_1425 : i32
    %convert_element_type3A_1427 = arith.extui %eq3A_1426 : i1 to i32
    %cond3A_1428 = arith.constant 0 : i32
    %cond3A_1429 = arith.cmpi ne, %convert_element_type3A_1427, %cond3A_1428 : i32
    scf.if %cond3A_1429 {
      "tpu.region"() ({
        %run_scoped3A_1430 = tpu.sem_alloc : memref<!tpu.dma_semaphore, #tpu.memory_space<semaphore_mem>>
        %dma_start3A_1431 = arith.constant 9984 : i32
        %dma_start3A_1432 = arith.constant 0 : i32
        %dma_start3A_1433 = tpu.memref_slice %arg4[%arg0, %dma_start3A_1431, %dma_start3A_1432] : memref<2x10000x128xf32, #tpu.memory_space<hbm>> -> memref<1x16x128xf32, #tpu.memory_space<hbm>>
        %dma_start3A_1434 = tpu.memref_squeeze %dma_start3A_1433 : memref<1x16x128xf32, #tpu.memory_space<hbm>> -> memref<16x128xf32, #tpu.memory_space<hbm>>
        %dma_start3A_1435 = arith.constant 9984 : i32
        %dma_start3A_1436 = arith.constant 0 : i32
        %dma_start3A_1437 = tpu.memref_slice %arg12[%dma_start3A_1435, %dma_start3A_1436] : memref<10000x128xf32, #tpu.memory_space<vmem_shared>> -> memref<16x128xf32, #tpu.memory_space<vmem_shared>>
        tpu.enqueue_dma source(%dma_start3A_1437 : memref<16x128xf32, #tpu.memory_space<vmem_shared>>) target(%dma_start3A_1434 : memref<16x128xf32, #tpu.memory_space<hbm>>) target_semaphore(%run_scoped3A_1430 : memref<!tpu.dma_semaphore, #tpu.memory_space<semaphore_mem>>)
        %dma_wait3A_1438 = arith.constant 9984 : i32
        %dma_wait3A_1439 = arith.constant 0 : i32
        %dma_wait3A_1440 = tpu.memref_slice %arg4[%arg0, %dma_wait3A_1438, %dma_wait3A_1439] : memref<2x10000x128xf32, #tpu.memory_space<hbm>> -> memref<1x16x128xf32, #tpu.memory_space<hbm>>
        %dma_wait3A_1441 = tpu.memref_squeeze %dma_wait3A_1440 : memref<1x16x128xf32, #tpu.memory_space<hbm>> -> memref<16x128xf32, #tpu.memory_space<hbm>>
        %dma_wait3A_1442 = arith.constant 9984 : i32
        %dma_wait3A_1443 = arith.constant 0 : i32
        %dma_wait3A_1444 = tpu.memref_slice %arg12[%dma_wait3A_1442, %dma_wait3A_1443] : memref<10000x128xf32, #tpu.memory_space<vmem_shared>> -> memref<16x128xf32, #tpu.memory_space<vmem_shared>>
        tpu.wait_dma2 semaphore(%run_scoped3A_1430 : memref<!tpu.dma_semaphore, #tpu.memory_space<semaphore_mem>>) src(%dma_wait3A_1444 : memref<16x128xf32, #tpu.memory_space<vmem_shared>>) dst(%dma_wait3A_1441 : memref<16x128xf32, #tpu.memory_space<hbm>>)
        tpu.yield
      }) : () -> ()
    } else {
    }
    return
  }
}

module attributes {stable_mosaic.version = 14 : i64} {
  func.func @_mlp2_body(%arg0: i32, %arg1: memref<2000x128xf32, #tpu.memory_space<vmem>>, %arg2: memref<1x2000x128xf32, #tpu.memory_space<vmem>>, %arg3: memref<1x2000x128xf32, #tpu.memory_space<vmem>>, %arg4: memref<128x128xf32, #tpu.memory_space<vmem>>, %arg5: memref<1x128xf32, #tpu.memory_space<vmem>>, %arg6: memref<1x1xf32, #tpu.memory_space<vmem>>, %arg7: memref<2000x128xf32, #tpu.memory_space<vmem>>) attributes {dimension_semantics = [#tpu.dimension_semantics<arbitrary>], iteration_bounds = array<i64: 5>, scalar_prefetch = 0 : i64, scratch_operands = 0 : i64, tpu.core_type = #tpu.core_type<tc>, window_params = [{transform_indices = @transform_0, window_bounds = array<i64: 2000, 128>}, {transform_indices = @transform_1, window_bounds = array<i64: 1, 2000, 128>}, {transform_indices = @transform_2, window_bounds = array<i64: 1, 2000, 128>}, {pipeline_mode = #tpu.pipeline_mode<synchronous>, transform_indices = @transform_3, window_bounds = array<i64: 128, 128>}, {pipeline_mode = #tpu.pipeline_mode<synchronous>, transform_indices = @transform_4, window_bounds = array<i64: 1, 128>}, {pipeline_mode = #tpu.pipeline_mode<synchronous>, transform_indices = @transform_5, window_bounds = array<i64: 1, 1>}, {transform_indices = @transform_6, window_bounds = array<i64: 2000, 128>}]} {
    %get3A = arith.constant 0 : index
    %get3A_0 = arith.constant 0 : index
    %get3A_1 = vector.load %arg6[%get3A, %get3A_0] : memref<1x1xf32, #tpu.memory_space<vmem>>, vector<1x1xf32>
    %get3A_2 = vector.extract %get3A_1[0, 0] : f32 from vector<1x1xf32>
    %get3A_3 = arith.constant 0 : index
    %get3A_4 = arith.constant 0 : index
    %get3A_5 = vector.load %arg1[%get3A_3, %get3A_4] : memref<2000x128xf32, #tpu.memory_space<vmem>>, vector<2000x128xf32>
    %mul3A = vector.broadcast %get3A_2 : f32 to vector<2000x128xf32>
    %mul3A_6 = arith.mulf %mul3A, %get3A_5 : vector<2000x128xf32>
    %add3A = arith.constant 1.000000e+00 : f32
    %add3A_7 = vector.broadcast %add3A : f32 to vector<2000x128xf32>
    %add3A_8 = arith.addf %add3A_7, %mul3A_6 : vector<2000x128xf32>
    %get3A_9 = arith.constant 0 : index
    %get3A_10 = arith.constant 0 : index
    %get3A_11 = arith.constant 0 : index
    %get3A_12 = vector.load %arg2[%get3A_9, %get3A_10, %get3A_11] : memref<1x2000x128xf32, #tpu.memory_space<vmem>>, vector<1x2000x128xf32>
    %get3A_13 = vector.shape_cast %get3A_12 : vector<1x2000x128xf32> to vector<2000x128xf32>
    %add3A_14 = arith.addf %add3A_8, %get3A_13 : vector<2000x128xf32>
    %get3A_15 = arith.constant 0 : index
    %get3A_16 = arith.constant 0 : index
    %get3A_17 = arith.constant 0 : index
    %get3A_18 = vector.load %arg3[%get3A_15, %get3A_16, %get3A_17] : memref<1x2000x128xf32, #tpu.memory_space<vmem>>, vector<1x2000x128xf32>
    %get3A_19 = vector.shape_cast %get3A_18 : vector<1x2000x128xf32> to vector<2000x128xf32>
    %add3A_20 = arith.addf %add3A_14, %get3A_19 : vector<2000x128xf32>
    %get3A_21 = arith.constant 0 : index
    %get3A_22 = arith.constant 0 : index
    %get3A_23 = vector.load %arg4[%get3A_21, %get3A_22] : memref<128x128xf32, #tpu.memory_space<vmem>>, vector<128x128xf32>
    %dot_general3A = arith.constant dense<0.000000e+00> : vector<2000x128xf32>
    %dot_general3A_24 = tpu.matmul %add3A_20, %get3A_23, %dot_general3A {dimension_numbers = #tpu.dot_dimension_numbers<[1], [1], [0], [0], [0, 0, 1, 0], [], []>, transpose_lhs_hint = false} : vector<2000x128xf32>, vector<128x128xf32>, vector<2000x128xf32> -> vector<2000x128xf32>
    %get3A_25 = arith.constant 0 : index
    %get3A_26 = arith.constant 0 : index
    %get3A_27 = vector.load %arg5[%get3A_25, %get3A_26] : memref<1x128xf32, #tpu.memory_space<vmem>>, vector<1x128xf32>
    %add3A_28 = vector.broadcast %get3A_27 : vector<1x128xf32> to vector<2000x128xf32>
    %add3A_29 = arith.addf %dot_general3A_24, %add3A_28 : vector<2000x128xf32>
    %max3A = arith.constant 0.000000e+00 : f32
    %max3A_30 = vector.broadcast %max3A : f32 to vector<2000x128xf32>
    %max3A_31 = arith.maximumf %add3A_29, %max3A_30 : vector<2000x128xf32>
    %swap3A = arith.constant 0 : index
    %swap3A_32 = arith.constant 0 : index
    %swap3A_33 = vector.load %arg7[%swap3A, %swap3A_32] : memref<2000x128xf32, #tpu.memory_space<vmem>>, vector<2000x128xf32>
    tpu.vector_store %arg7[%swap3A, %swap3A_32], %max3A_31 {strides = array<i32>} : memref<2000x128xf32, #tpu.memory_space<vmem>>, vector<2000x128xf32>,
    return
  }
  func.func @transform_0(%arg0: i32) -> (i32, i32) {
    %c0_i32 = arith.constant 0 : i32
    %c0_i32_0 = arith.constant 0 : i32
    return %arg0, %c0_i32 : i32, i32
  }
  func.func @transform_1(%arg0: i32) -> (i32, i32, i32) {
    %c0_i32 = arith.constant 0 : i32
    %c0_i32_0 = arith.constant 0 : i32
    %c0_i32_1 = arith.constant 0 : i32
    return %c0_i32, %arg0, %c0_i32_0 : i32, i32, i32
  }
  func.func @transform_2(%arg0: i32) -> (i32, i32, i32) {
    %c1_i32 = arith.constant 1 : i32
    %c0_i32 = arith.constant 0 : i32
    %c0_i32_0 = arith.constant 0 : i32
    return %c1_i32, %arg0, %c0_i32 : i32, i32, i32
  }
  func.func @transform_3(%arg0: i32) -> (i32, i32) {
    %c0_i32 = arith.constant 0 : i32
    %c0_i32_0 = arith.constant 0 : i32
    %c0_i32_1 = arith.constant 0 : i32
    return %c0_i32, %c0_i32_0 : i32, i32
  }
  func.func @transform_4(%arg0: i32) -> (i32, i32) {
    %c0_i32 = arith.constant 0 : i32
    %c0_i32_0 = arith.constant 0 : i32
    %c0_i32_1 = arith.constant 0 : i32
    return %c0_i32, %c0_i32_0 : i32, i32
  }
  func.func @transform_5(%arg0: i32) -> (i32, i32) {
    %c0_i32 = arith.constant 0 : i32
    %c0_i32_0 = arith.constant 0 : i32
    %c0_i32_1 = arith.constant 0 : i32
    return %c0_i32, %c0_i32_0 : i32, i32
  }
  func.func @transform_6(%arg0: i32) -> (i32, i32) {
    %c0_i32 = arith.constant 0 : i32
    %c0_i32_0 = arith.constant 0 : i32
    return %arg0, %c0_i32 : i32, i32
  }
}

module attributes {stable_mosaic.version = 14 : i64} {
  func.func @_mlp1_body(%arg0: i32, %arg1: memref<2000x128xf32, #tpu.memory_space<vmem>>, %arg2: memref<128x128xf32, #tpu.memory_space<vmem>>, %arg3: memref<1x128xf32, #tpu.memory_space<vmem>>, %arg4: memref<2000x128xf32, #tpu.memory_space<vmem>>) attributes {dimension_semantics = [#tpu.dimension_semantics<arbitrary>], iteration_bounds = array<i64: 5>, scalar_prefetch = 0 : i64, scratch_operands = 0 : i64, tpu.core_type = #tpu.core_type<tc>, window_params = [{transform_indices = @transform_0, window_bounds = array<i64: 2000, 128>}, {pipeline_mode = #tpu.pipeline_mode<synchronous>, transform_indices = @transform_1, window_bounds = array<i64: 128, 128>}, {pipeline_mode = #tpu.pipeline_mode<synchronous>, transform_indices = @transform_2, window_bounds = array<i64: 1, 128>}, {transform_indices = @transform_3, window_bounds = array<i64: 2000, 128>}]} {
    %get3A = arith.constant 0 : index
    %get3A_0 = arith.constant 0 : index
    %get3A_1 = vector.load %arg1[%get3A, %get3A_0] : memref<2000x128xf32, #tpu.memory_space<vmem>>, vector<2000x128xf32>
    %get3A_2 = arith.constant 0 : index
    %get3A_3 = arith.constant 0 : index
    %get3A_4 = vector.load %arg2[%get3A_2, %get3A_3] : memref<128x128xf32, #tpu.memory_space<vmem>>, vector<128x128xf32>
    %dot_general3A = arith.constant dense<0.000000e+00> : vector<2000x128xf32>
    %dot_general3A_5 = tpu.matmul %get3A_1, %get3A_4, %dot_general3A {dimension_numbers = #tpu.dot_dimension_numbers<[1], [1], [0], [0], [0, 0, 1, 0], [], []>, transpose_lhs_hint = false} : vector<2000x128xf32>, vector<128x128xf32>, vector<2000x128xf32> -> vector<2000x128xf32>
    %get3A_6 = arith.constant 0 : index
    %get3A_7 = arith.constant 0 : index
    %get3A_8 = vector.load %arg3[%get3A_6, %get3A_7] : memref<1x128xf32, #tpu.memory_space<vmem>>, vector<1x128xf32>
    %add3A = vector.broadcast %get3A_8 : vector<1x128xf32> to vector<2000x128xf32>
    %add3A_9 = arith.addf %dot_general3A_5, %add3A : vector<2000x128xf32>
    %max3A = arith.constant 0.000000e+00 : f32
    %max3A_10 = vector.broadcast %max3A : f32 to vector<2000x128xf32>
    %max3A_11 = arith.maximumf %add3A_9, %max3A_10 : vector<2000x128xf32>
    %swap3A = arith.constant 0 : index
    %swap3A_12 = arith.constant 0 : index
    %swap3A_13 = vector.load %arg4[%swap3A, %swap3A_12] : memref<2000x128xf32, #tpu.memory_space<vmem>>, vector<2000x128xf32>
    tpu.vector_store %arg4[%swap3A, %swap3A_12], %max3A_11 {strides = array<i32>} : memref<2000x128xf32, #tpu.memory_space<vmem>>, vector<2000x128xf32>,
    return
  }
  func.func @transform_0(%arg0: i32) -> (i32, i32) {
    %c0_i32 = arith.constant 0 : i32
    %c0_i32_0 = arith.constant 0 : i32
    return %arg0, %c0_i32 : i32, i32
  }
  func.func @transform_1(%arg0: i32) -> (i32, i32) {
    %c0_i32 = arith.constant 0 : i32
    %c0_i32_0 = arith.constant 0 : i32
    %c0_i32_1 = arith.constant 0 : i32
    return %c0_i32, %c0_i32_0 : i32, i32
  }
  func.func @transform_2(%arg0: i32) -> (i32, i32) {
    %c0_i32 = arith.constant 0 : i32
    %c0_i32_0 = arith.constant 0 : i32
    %c0_i32_1 = arith.constant 0 : i32
    return %c0_i32, %c0_i32_0 : i32, i32
  }
  func.func @transform_3(%arg0: i32) -> (i32, i32) {
    %c0_i32 = arith.constant 0 : i32
    %c0_i32_0 = arith.constant 0 : i32
    return %arg0, %c0_i32 : i32, i32
  }
}

</mosaic_0001>

<sc_bundles>
// kernel: kernel.5.cloned.1.call-start
scs
__scs_entry_jumppad:
0x0: {  	(pc) =	sbr.rel $0x88, $3  }
0x1: {  	(tag) =	ssettag $0x0;
	lr =	simm.s32 $0x1  }
0x2: {  	[smem:$0x3F9A] =	sst lr;
	_ =	strace $0xD0000000  }
0x3: {  	_ = 	snop  }
0x4: {  	_ = 	snop  }
0x5: {  	_ = 	snop  }
0x6: {  	_ = 	snop  }
0x7: {  	_ = 	snop  }
__scs_overlays_trampoline_lowered:
0x8: {  	[smem:$0x3FA9] =	sst s0  }
0x9: {  	[smem:$0x3FAA] =	sst s1  }
0xa: {  	[smem:$0x3FAB] =	sst s2  }
0xb: {  	[smem:$0x3FAC] =	sst s3  }
0xc: {  	[smem:$0x3FAD] =	sst s4  }
0xd: {  	[smem:$0x3FAE] =	sst s5  }
0xe: {  	[smem:$0x3FAF] =	sst s6  }
0xf: {  	[smem:$0x3FB0] =	sst s7  }
0x10: {  	[smem:$0x3FB1] =	sst s8  }
0x11: {  	[smem:$0x3FB2] =	sst s9;
	s0 =	simm.s32 @!p0 $0x0  }
0x12: {  	s1 =	sld [smem:$0x3F98];
	s0 =	simm.s32 @p0 $0x1  }
0x13: {  	[smem:$0x3FB3] =	sst s0;
	s0 =	simm.s32 @!p1 $0x0  }
0x14: {  	s2 =	sld [smem:$0x3F97];
	s0 =	simm.s32 @p1 $0x1  }
0x15: {  	[smem:$0x3FB4] =	sst s0;
	s0 =	simm.s32 @!p2 $0x0  }
0x16: {  	s3 =	sld [smem:$0x3FDB];
	s0 =	simm.s32 @p2 $0x1  }
0x17: {  	s4 =	simm.s32 $0x1BF5;
	[smem:$0x3FB6] =	sst s0  }
0x18: {  	s0 =	sld [smem:$0x3F99];
	_ =	swait.ge [sflag:s4], $0x0  }
0x19: {  	s7 =	sld [smem:$0x3F9A]  }
0x1a: {  	s8 =	sadd.s32 $0xFFFFE003, lr  }
0x1b: {  	s9 =	sadd.s32 $0xFFFFFEF7, lr;
	s5 =	simm.s32 $0xFFFFFFFF;
	p2 =	slt.u32 s8, $0xFFFFF086  }
0x1c: {  	p1 =	slt.u32 s9, $0xF7A;
	s5 =	simm.s32 @!p2 $0x0  }
0x1d: {  	s5 =	simm.s32 @p1 $0x1;
	p0 =	seq.s32 s7, s2  }
0x1e: {  	s7 =	smul.u32 @!p0 $0xF7A, s2;
	p2 =	seq.s32 @!p0 s5, $0x0  }
0x1f: {  	s9 =	smul.u32 $0xF7A, s1;
	s8 =	simm.s32 @!p0 $0x1BF5;
	p2 =	por !p2, p0  }
0x20: {  	[sflag:s8] =	ssyncset.s32 @!p0 $0xFFFFF086;
	s6 =	sadd.s32 @!p0 s3, s7;
	s7 =	simm.s32 @!p0 $0x108  }
0x21: {  	s3 =	sadd.s32 s3, s9;
	s6 =	sadd.s32 @!p0 $0x88, s6;
	s7 =	simm.s32 @p2 $0x1082  }
0x22: {  	[simem:s7], [sflag:s8] =	dma.local @!p0 [hbm:s6], $0xF7A  }
0x23: {  	s9 =	sor.u32 $0xD0000000, s2;
	s6 =	simm.s32 $0x108;
	_ =	swait.ge @!p0 [sflag:s8], $0x0  }
0x24: {  	s3 =	sadd.s32 $0x88, s3;
	s6 =	simm.s32 @!p1 $0x1082;
	[sflag:s4] =	ssyncset.s32 $0xFFFFF086  }
0x25: {  	[simem:s6], [sflag:s4] =	dma.local [hbm:s3], $0xF7A  }
0x26: {  	[smem:$0x3F9A] =	sst s1;
	(tag) =	ssettag s2;
	_ =	strace s9  }
0x27: {  	s1 =	sld [smem:$0x3FAA]  }
0x28: {  	s2 =	sld [smem:$0x3FAB]  }
0x29: {  	s4 =	sld [smem:$0x3FAD]  }
0x2a: {  	p0 =	seq.s32 s5, $0x0;
	s5 =	sld [smem:$0x3FAE]  }
0x2b: {  	s6 =	sld [smem:$0x3FAF]  }
0x2c: {  	s7 =	sld [smem:$0x3FB0]  }
0x2d: {  	s3 =	simm.s32 $0x108;
	s8 =	sld [smem:$0x3FB1]  }
0x2e: {  	s3 =	simm.s32 @!p0 $0x1082;
	s9 =	sld [smem:$0x3FB2]  }
0x2f: {  	lr =	sadd.s32 s0, s3;
	s0 =	sld [smem:$0x3FA9]  }
0x30: {  	s3 =	sld [smem:$0x3FAC]  }
0x31: {  	[smem:$0x3FB5] =	sst s10  }
0x32: {  	s10 =	sld [smem:$0x3FB3];
	_ =	sdelay $0x3  }
0x33: {  	p0 =	seq.s32 s10, $0x1;
	s10 =	sld [smem:$0x3FB5];
	_ =	sdelay $0x3  }
0x34: {  	[smem:$0x3FB5] =	sst s10  }
0x35: {  	s10 =	sld [smem:$0x3FB4];
	_ =	sdelay $0x3  }
0x36: {  	p1 =	seq.s32 s10, $0x1;
	s10 =	sld [smem:$0x3FB5];
	_ =	sdelay $0x3  }
0x37: {  	[smem:$0x3FB5] =	sst s10  }
0x38: {  	s10 =	sld [smem:$0x3FB6]  }
0x39: {  	_ = 	snop;
	(pc) =	sbr.ind lr, $3  }
0x3a: {  	_ = 	snop  }
0x3b: {  	_ = 	snop  }
0x3c: {  	p2 =	seq.s32 s10, $0x1;
	s10 =	sld [smem:$0x3FB5]  }
0x3d: {  	_ =	shalt  }
0x3e: {  	_ =	shalt  }
0x3f: {  	_ =	shalt  }
0x40: {  	_ =	shalt  }
0x41: {  	_ =	shalt  }
0x42: {  	_ =	shalt  }
0x43: {  	_ =	shalt  }
0x44: {  	_ =	shalt  }
0x45: {  	_ =	shalt  }
0x46: {  	_ =	shalt  }
0x47: {  	_ =	shalt  }
0x48: {  	_ =	shalt  }
0x49: {  	_ =	shalt  }
0x4a: {  	_ =	shalt  }
0x4b: {  	_ =	shalt  }
0x4c: {  	_ =	shalt  }
0x4d: {  	_ =	shalt  }
0x4e: {  	_ =	shalt  }
0x4f: {  	_ =	shalt  }
0x50: {  	_ =	shalt  }
0x51: {  	_ =	shalt  }
0x52: {  	_ =	shalt  }
0x53: {  	_ =	shalt  }
0x54: {  	_ =	shalt  }
0x55: {  	_ =	shalt  }
0x56: {  	_ =	shalt  }
0x57: {  	_ =	shalt  }
0x58: {  	_ =	shalt  }
0x59: {  	_ =	shalt  }
0x5a: {  	_ =	shalt  }
0x5b: {  	_ =	shalt  }
0x5c: {  	_ =	shalt  }
0x5d: {  	_ =	shalt  }
0x5e: {  	_ =	shalt  }
0x5f: {  	_ =	shalt  }
0x60: {  	_ =	shalt  }
0x61: {  	_ =	shalt  }
0x62: {  	_ =	shalt  }
0x63: {  	_ =	shalt  }
0x64: {  	_ =	shalt  }
0x65: {  	_ =	shalt  }
0x66: {  	_ =	shalt  }
0x67: {  	_ =	shalt  }
0x68: {  	_ =	shalt  }
0x69: {  	_ =	shalt  }
0x6a: {  	_ =	shalt  }
0x6b: {  	_ =	shalt  }
0x6c: {  	_ =	shalt  }
0x6d: {  	_ =	shalt  }
0x6e: {  	_ =	shalt  }
0x6f: {  	_ =	shalt  }
0x70: {  	_ =	shalt  }
0x71: {  	_ =	shalt  }
0x72: {  	_ =	shalt  }
0x73: {  	_ =	shalt  }
0x74: {  	_ =	shalt  }
0x75: {  	_ =	shalt  }
0x76: {  	_ =	shalt  }
0x77: {  	_ =	shalt  }
0x78: {  	_ =	shalt  }
0x79: {  	_ =	shalt  }
0x7a: {  	_ =	shalt  }
0x7b: {  	_ =	shalt  }
0x7c: {  	_ =	shalt  }
0x7d: {  	_ =	shalt  }
0x7e: {  	_ =	shalt  }
0x7f: {  	_ =	shalt  }
0x80: {  	_ =	shalt  }
0x81: {  	_ =	shalt  }
0x82: {  	_ =	shalt  }
0x83: {  	_ =	shalt  }
0x84: {  	_ =	shalt  }
0x85: {  	_ =	shalt  }
0x86: {  	_ =	shalt  }
0x87: {  	_ =	shalt  }
.Lfunc_end0:
.L_simem_size_0:
called_computation_lowered:
.L_overlay_start_0:
0x88: {  	s2 =	sld [smem:$0x3FD9]  }
0x89: {  	s3 =	sld [smem:$0x3FFE];
	_ =	sdelay $0x1  }
0x8a: {  	s1 =	srdreg.scid  }
0x8b: {  	s0 =	sand.u32 $0x1, s1  }
0x8c: {  	s17 =	sshll.u32 s0, $0xA;
	s2 =	sadd.s32 s3, s2  }
0x8d: {  	s2 =	sadd.s32 s2, s17  }
0x8e: {  	[smem:$0x3FC1] =	sst s2  }
0x8f: {  	_ = 	snop  }
0x90: {  	s2 =	sld [smem:$0x3FC8]  }
0x91: {  	s18 =	sld [smem:$0x3FD0];
	(tm) =	ssettm $0x1  }
0x92: {  	s4 =	sld [smem:$0x3FFB];
	_ =	sdelay $0x3  }
0x93: {  	_ =	strace s4  }
0x94: {  	s4 =	sld [smem:$0x3FFC];
	_ =	sdelay $0x3  }
0x95: {  	_ =	strace s4  }
0x96: {  	s4 =	sld [smem:$0x3FFD];
	_ =	sdelay $0x3  }
0x97: {  	_ =	strace s4  }
0x98: {  	_ =	strace $0x8FFFFFFF  }
0x99: {  	s19 =	sld [smem:$0x3FDB];
	_ =	sdelay $0x1  }
0x9a: {  	s5 =	simm.s32 $_scs_section_size  }
0x9b: {  	s6 =	simm.s32 $_size__tile_overlayer_lowered;
	s7 =	simm.s32 $_tile_overlayer_lowered  }
0x9c: {  	s22 =	simm.s32 $0x1BFF;
	s21 =	sshll.u32 s7, $0x1;
	s4 =	sadd.s32 s5, s19  }
0x9d: {  	s8 =	simm.s32 $0x0;
	s20 =	sshll.u32 s6, $0x1;
	s6 =	sadd.s32 s21, s4  }
0x9e: {  	[timem:s8], [sflag:s22] =	dma.local [hbm:s6], s20  }
0x9f: {  	_ =	swait.ge [sflag:s22], s20  }
0xa0: {  	s5 =	ssub.s32 $0x0, s20;
	[sflag:s22] =	ssyncset.done $0x0  }
0xa1: {  	[sflag:s22] =	ssyncadd.s32 s5;
	_ =	sdelay $0x1  }
0xa2: {  	s23 =	simm.s32 $0x1B8B  }
0xa3: {  	_ =	swait.ge [sflag:s23], $0x1  }
0xa4: {  	[sflag:s23] =	ssyncset.done $0x0  }
0xa5: {  	s25 =	simm.s32 $0x1B8E;
	s24 =	sld [smem:$0x3FFE];
	[sflag:s23] =	ssyncadd.s32 $0xFFFFFFFF  }
0xa6: {  	s26 =	simm.s32 $execute0_lowered;
	[smem:$0x3FD2] =	sst s25  }
0xa7: {  	s6 =	sshll.u32 s26, $0x1;
	_ =	strace $0x80000046;
	[dreg:$0x1] =	wrdreg $0xFFFFFFFF  }
0xa8: {  	s28 =	simm.s32 $_size_execute0_lowered;
	s4 =	sadd.s32 s4, s6;
	[dreg:$0x0] =	wrdreg $0x0  }
0xa9: {  	s6 =	sshll.u32 s28, $0x1;
	[dreg:$0x2] =	wrdreg s4  }
0xaa: {  	[dreg:$0x3] =	wrdreg s6  }
0xab: {  	[dreg:$0x4] =	wrdreg $0xC0  }
0xac: {  	_ =	task [dreg:s8], $0x5FFFF  }
0xad: {  	[dreg:$0x1] =	wrdreg $0xFFFFFFFF  }
0xae: {  	[dreg:$0x0] =	wrdreg $0x60  }
0xaf: {  	[dreg:$0x2] =	wrdreg s18  }
0xb0: {  	[dreg:$0x3] =	wrdreg s2  }
0xb1: {  	[dreg:$0x4] =	wrdreg s24  }
0xb2: {  	[dreg:$0x5] =	wrdreg $0x9C000  }
0xb3: {  	[dreg:$0x6] =	wrdreg $0x9  }
0xb4: {  	_ =	task.clear_ibuf [dreg:s8], $0x7FFFF;
	_ =	strace $0x90000046  }
0xb5: {  	s29 =	simm.s32 $0x9;
	_ =	strace $0x80000048  }
0xb6: {  	_ =	swait.ge [sflag:s29], $0x1  }
0xb7: {  	[sflag:s29] =	ssyncadd.s32 $0xFFFFFFFF  }
0xb8: {  	_ =	strace $0x90000048  }
0xb9: {  	_ =	sfence  }
0xba: {  	s30 =	sld [smem:$0x0];
	_ =	sdelay $0x2  }
0xbb: {  	s31 =	sshll.u32 s1, $0xD;
	s1 =	sshrl.u32 s1, $0x2  }
0xbc: {  	s3 =	sand.u32 $0x4000, s31;
	s1 =	sadd.s32 s1, s30  }
0xbd: {  	s0 =	sor.u32 s3, s0;
	s1 =	sshll.u32 s1, $0x11  }
0xbe: {  	s0 =	sor.u32 s1, s0  }
0xbf: {  	s0 =	sadd.s32 $0x8F2B, s0  }
0xc0: {  	[sflag:s0] =	ssyncadd.remote.s32 $0x1  }
0xc1: {  	_ =	sfence.sel $0xFFFF  }
0xc2: {  	[dreg:$0x0] =	wrdreg $0xFFFFFFFF;
	(pc) =	sbr.abs _section_cstart, $3  }
0xc3: {  	[dreg:$0x1] =	wrdreg $0xFFFFFFFF  }
0xc4: {  	_ =	task.clear_ibuf [dreg:s8], $0x2FFFF;
	_ =	strace $0x9FFFFFFF  }
0xc5: {  	(tm) =	ssettm $0x7FFFFFFF  }
tec
execute0_lowered:
.L_overlay_start_1:
0x0: {  	(tag) =	ssettag $0x1  }
0x1: {  	s1 =	rddreg [dreg:$0x0]  }
0x2: {  	s14 =	rddreg [dreg:$0x1]  }
0x3: {  	s0 =	rddreg [dreg:$0x2];
	s2 =	srdreg.scid  }
0x4: {  	s13 =	stileid.u32;
	s4 =	rddreg [dreg:$0x3];
	s5 =	simm.s32 $0x0  }
0x5: {  	s16 =	simm.s32 $0x600;
	s17 =	simm.s32 $0x9400;
	s28 =	simm.s32 $0x4  }
0x6: {  	s29 =	simm.s32 $0xC80;
	s30 =	simm.s32 $0x300;
	s9 =	smul.u32 $0x4E000, s13  }
0x7: {  	s31 =	simm.s32 $0xD00;
	s2 =	sand.u32 $0x1, s2;
	s12 =	smul.u32 $0x13800, s13  }
0x8: {  	s3 =	sshll.u32 s13, $0x1;
	[smem:$0x7FF] =	sst s5;
	s19 =	smul.u32 $0x4E00, s13  }
0x9: {  	s0 =	sadd.s32 $0x1400, s0;
	s15 =	sadd.s32 $0x138000, s4;
	s11 =	smul.u32 $0x138800, s2  }
0xa: {  	s3 =	sor.u32 s2, s3;
	s8 =	ssub.s32 $0x2, s2;
	s2 =	smul.u32 $0x2700, s2  }
0xb: {  	p0 =	sne.s32 s13, $0xF;
	p1 =	slt.u32 s13, $0xE;
	s6 =	smul.u32 $0x9C0, s3  }
0xc: {  	_ =	strace $0x80000047;
	[dreg:$0x7] =	wrdreg s15;
	s7 =	smul.u32 $0x4E00, s3  }
0xd: {  	s10 =	sshrl.u32 s8, $0x1;
	s20 =	sshrl.u32 s9, $0x2;
	s9 =	smov.u32 s14  }
0xe: {  	s3 =	sshll.u32 s3, $0x5;
	s10 =	ssub.s32 s8, s10;
	s8 =	sadd.s32 s20, s4  }
0xf: {  	s3 =	sadd.s32 s3, s14;
	s21 =	sadd.s32 s12, s11;
	s2 =	sadd.s32 s2, s19  }
0x10: {  	s22 =	sshrl.u32 s11, $0x3;
	s19 =	simm.s32 $0x1;
	s20 =	simm.s32 $0x80  }
0x11: {  	s11 =	simm.s32 $0xE80;
	s12 =	simm.s32 $0x1280;
	s7 =	sshrl.u32 s7, $0x3  }
0x12: {  	s6 =	sadd.s32 s14, s6;
	s3 =	sadd.s32 $0x13480, s3;
	s23 =	sadd.s32 $0x900, s2  }
0x13: {  	s25 =	smax.u32 s10, $0x1;
	s26 =	sadd.s32 $0x600, s2;
	[dreg:$0x5] =	wrdreg s6  }
0x14: {  	s10 =	simm.s32 $0x2;
	s2 =	simm.s32 $0x1200;
	[dreg:$0x8] =	wrdreg s3  }
0x15: {  	s7 =	sadd.s32 s14, s7;
	s3 =	sshrl.u32 s21, $0x3;
	[dreg:$0xb] =	wrdreg s25  }
0x16: {  	s24 =	sshrl.u32 s23, $0x2;
	[dreg:$0xc] =	wrdreg s26;
	s21 =	simm.s32 $0x1400  }
0x17: {  	s23 =	simm.s32 $0x5400;
	s26 =	simm.s32 $0x200;
	s6 =	simm.s32 $0x500  }
.Ltmp0:
0x18: {  	s18 =	sadd.s32 $0xC0, s7;
	s3 =	sadd.s32 s0, s3;
	(pc) =	sbr.rel .LBB2_1-.Ltmp0, $4  }
0x19: {  	s0 =	sadd.s32 s0, s22;
	s14 =	sadd.s32 s24, s14;
	s24 =	simm.s32 $0x3  }
0x1a: {  	s7 =	simm.s32 $0xE00;
	s22 =	simm.s32 $0x0;
	[dreg:$0x6] =	wrdreg s18  }
0x1b: {  	[dreg:$0x9] =	wrdreg s3;
	s0 =	sadd.s32 $0x27000, s0;
	s18 =	simm.s32 $0x5  }
0x1c: {  	v0 =	vimm.f32 $0.0e+00;
	s3 =	simm.s32 $0x400;
	[dreg:$0xa] =	wrdreg s0;
	s0 =	simm.s32 $0xD80  }
.LBB2_6:
0x1d: {  	v1 =	vld [tilespmem:$0x80]  }
0x1e: {  	v2 =	vld [tilespmem:$0x90]  }
0x1f: {  	v3 =	vld [tilespmem:$0xA0]  }
0x20: {  	v4 =	vld [tilespmem:$0xB0]  }
0x21: {  	v5 =	vld [tilespmem:$0xC0]  }
0x22: {  	[tilespmem:$0xC00] =	vst v1;
	v1 =	vld [tilespmem:$0xD0]  }
0x23: {  	[tilespmem:$0xC10] =	vst v2;
	v2 =	vld [tilespmem:$0xE0]  }
0x24: {  	[tilespmem:$0xC20] =	vst v3;
	v3 =	vld [tilespmem:$0xF0]  }
0x25: {  	v48 =	vld [tilespmem:$0x180];
	[tilespmem:$0xC30] =	vst v4  }
0x26: {  	v49 =	vld [tilespmem:$0x190];
	[tilespmem:$0xC40] =	vst v5  }
0x27: {  	[tilespmem:$0xC50] =	vst v1;
	v1 =	vld [tilespmem:$0x1A0]  }
0x28: {  	[tilespmem:$0xC60] =	vst v2;
	v2 =	vld [tilespmem:$0x1B0]  }
0x29: {  	[tilespmem:$0xC70] =	vst v3;
	v3 =	vld [tilespmem:$0x1C0]  }
0x2a: {  	v50 =	vld [tilespmem:$0x1D0];
	[tilespmem:$0xC80] =	vst v48  }
0x2b: {  	v51 =	vld [tilespmem:$0x1E0];
	[tilespmem:$0xC90] =	vst v49  }
0x2c: {  	[tilespmem:$0xCA0] =	vst v1;
	v1 =	vld [tilespmem:$0x1F0]  }
0x2d: {  	[tilespmem:$0xCB0] =	vst v2;
	v2 =	vld [tilespmem:$0x280]  }
0x2e: {  	[tilespmem:$0xCC0] =	vst v3;
	v3 =	vld [tilespmem:$0x290]  }
0x2f: {  	v52 =	vld [tilespmem:$0x2A0];
	[tilespmem:$0xCD0] =	vst v50  }
0x30: {  	v53 =	vld [tilespmem:$0x2B0];
	[tilespmem:$0xCE0] =	vst v51  }
0x31: {  	[tilespmem:$0xCF0] =	vst v1;
	v1 =	vld [tilespmem:$0x2C0]  }
0x32: {  	[tilespmem:$0xD00] =	vst v2;
	v2 =	vld [tilespmem:$0x2D0]  }
0x33: {  	[tilespmem:$0xD10] =	vst v3;
	v3 =	vld [tilespmem:$0x2E0]  }
0x34: {  	v54 =	vld [tilespmem:$0x2F0];
	[tilespmem:$0xD20] =	vst v52  }
0x35: {  	v55 =	vld [tilespmem:$0x380];
	[tilespmem:$0xD30] =	vst v53  }
0x36: {  	[tilespmem:$0xD40] =	vst v1;
	v1 =	vld [tilespmem:$0x390]  }
0x37: {  	[tilespmem:$0xD50] =	vst v2;
	v2 =	vld [tilespmem:$0x3A0]  }
0x38: {  	[tilespmem:$0xD60] =	vst v3;
	v3 =	vld [tilespmem:$0x3B0]  }
0x39: {  	v56 =	vld [tilespmem:$0x3C0];
	[tilespmem:$0xD70] =	vst v54  }
0x3a: {  	v57 =	vld [tilespmem:$0x3D0];
	[tilespmem:$0xD80] =	vst v55  }
0x3b: {  	[tilespmem:$0xD90] =	vst v1;
	v1 =	vld [tilespmem:$0x3E0]  }
0x3c: {  	[tilespmem:$0xDA0] =	vst v2;
	v2 =	vld [tilespmem:$0x3F0]  }
0x3d: {  	[tilespmem:$0xDB0] =	vst v3;
	v3 =	vld [tilespmem:$0x480]  }
0x3e: {  	v58 =	vld [tilespmem:$0x490];
	[tilespmem:$0xDC0] =	vst v56  }
0x3f: {  	v59 =	vld [tilespmem:$0x4A0];
	[tilespmem:$0xDD0] =	vst v57  }
0x40: {  	[tilespmem:$0xDE0] =	vst v1;
	v1 =	vld [tilespmem:$0x4B0]  }
0x41: {  	[tilespmem:$0xDF0] =	vst v2;
	v2 =	vld [tilespmem:$0x4C0]  }
0x42: {  	[tilespmem:$0xE00] =	vst v3;
	v3 =	vld [tilespmem:$0x4D0]  }
0x43: {  	v60 =	vld [tilespmem:$0x4E0];
	[tilespmem:$0xE10] =	vst v58  }
0x44: {  	v61 =	vld [tilespmem:$0x4F0];
	[tilespmem:$0xE20] =	vst v59  }
0x45: {  	[tilespmem:$0xE30] =	vst v1;
	v1 =	vld [tilespmem:$0x580]  }
0x46: {  	[tilespmem:$0xE40] =	vst v2;
	v2 =	vld [tilespmem:$0x590]  }
0x47: {  	[tilespmem:$0xE50] =	vst v3;
	v3 =	vld [tilespmem:$0x5A0]  }
0x48: {  	v62 =	vld [tilespmem:$0x5B0];
	[tilespmem:$0xE60] =	vst v60  }
0x49: {  	v63 =	vld [tilespmem:$0x5C0];
	[tilespmem:$0xE70] =	vst v61  }
0x4a: {  	[tilespmem:$0xE80] =	vst v1;
	v1 =	vld [tilespmem:$0x5D0]  }
0x4b: {  	[tilespmem:$0xE90] =	vst v2;
	v2 =	vld [tilespmem:$0x5E0]  }
0x4c: {  	[tilespmem:$0xEA0] =	vst v3;
	v3 =	vld [tilespmem:$0x5F0]  }
0x4d: {  	[tilespmem:$0xEB0] =	vst v62  }
0x4e: {  	[tilespmem:$0xEC0] =	vst v63  }
0x4f: {  	[tilespmem:$0xED0] =	vst v1  }
0x50: {  	[tilespmem:$0xEE0] =	vst v2  }
0x51: {  	[tilespmem:$0xEF0] =	vst v3  }
0x52: {  	[tilespmem:s23], [sflag:$0x4] =	stream.indirect.gather [hbm4b:s1+s20], $0x80, s25, s20, $0xb8;
	[tilespmem:$0x1D480] =	vst v63  }
0x53: {  	_ =	swait.ge [sflag:s24], $0x4000  }
0x54: {  	[sflag:s24] =	ssyncset.done $0x0  }
0x55: {  	s13 =	simm.s32 $0xC00;
	[sflag:s24] =	ssyncadd.s32 $0xFFFFC000  }
0x56: {  	[spmem:s4] =	stream.indirect.scatter.add.f32 [tilespmem:s21], [sflag:$0x5], $0x80, s13, s20, $0xb8;
	[tilespmem:$0x1D480] =	vst v63  }
0x57: {  	_ =	swait.ge [sflag:s18], $0x4000  }
0x58: {  	[sflag:s18] =	ssyncset.done $0x0  }
0x59: {  	[sflag:s18] =	ssyncadd.s32 $0xFFFFC000  }
0x5a: {  	[tilespmem:s21], [sflag:$0x3] =	stream.indirect.gather [hbm4b:s1+s20], $0x80, s26, s20, $0xb8;
	[tilespmem:$0x1D480] =	vst v63  }
0x5b: {  	_ =	swait.ge [sflag:s28], $0x4000  }
0x5c: {  	[sflag:s28] =	ssyncset.done $0x0  }
0x5d: {  	[sflag:s28] =	ssyncadd.s32 $0xFFFFC000  }
0x5e: {  	[spmem:s4] =	stream.indirect.scatter.add.f32 [tilespmem:s23], [sflag:$0x5], $0x80, s29, s20, $0xb8;
	[tilespmem:$0x1D480] =	vst v63  }
0x5f: {  	_ =	swait.ge [sflag:s18], $0x4000  }
0x60: {  	[sflag:s18] =	ssyncset.done $0x0  }
0x61: {  	[sflag:s18] =	ssyncadd.s32 $0xFFFFC000  }
0x62: {  	[tilespmem:s23], [sflag:$0x4] =	stream.indirect.gather [hbm4b:s1+s20], $0x80, s30, s20, $0xb8;
	[tilespmem:$0x1D480] =	vst v63  }
0x63: {  	_ =	swait.ge [sflag:s24], $0x4000  }
0x64: {  	[sflag:s24] =	ssyncset.done $0x0  }
0x65: {  	[sflag:s24] =	ssyncadd.s32 $0xFFFFC000  }
0x66: {  	[spmem:s4] =	stream.indirect.scatter.add.f32 [tilespmem:s21], [sflag:$0x5], $0x80, s31, s20, $0xb8;
	[tilespmem:$0x1D480] =	vst v63  }
0x67: {  	_ =	swait.ge [sflag:s18], $0x4000  }
0x68: {  	[sflag:s18] =	ssyncset.done $0x0  }
0x69: {  	[sflag:s18] =	ssyncadd.s32 $0xFFFFC000  }
0x6a: {  	[tilespmem:s21], [sflag:$0x3] =	stream.indirect.gather [hbm4b:s1+s20], $0x80, s3, s20, $0xb8;
	[tilespmem:$0x1D480] =	vst v63  }
0x6b: {  	_ =	swait.ge [sflag:s28], $0x4000  }
0x6c: {  	[sflag:s28] =	ssyncset.done $0x0  }
0x6d: {  	[sflag:s28] =	ssyncadd.s32 $0xFFFFC000  }
0x6e: {  	[spmem:s4] =	stream.indirect.scatter.add.f32 [tilespmem:s23], [sflag:$0x5], $0x80, s0, s20, $0xb8;
	[tilespmem:$0x1D480] =	vst v63  }
0x6f: {  	_ =	swait.ge [sflag:s18], $0x4000  }
0x70: {  	[sflag:s18] =	ssyncset.done $0x0  }
0x71: {  	[sflag:s18] =	ssyncadd.s32 $0xFFFFC000  }
0x72: {  	[tilespmem:s23], [sflag:$0x4] =	stream.indirect.gather [hbm4b:s1+s20], $0x80, s6, s20, $0xb8;
	[tilespmem:$0x1D480] =	vst v63  }
0x73: {  	_ =	swait.ge [sflag:s24], $0x4000  }
0x74: {  	[sflag:s24] =	ssyncset.done $0x0  }
0x75: {  	[sflag:s24] =	ssyncadd.s32 $0xFFFFC000  }
0x76: {  	[spmem:s4] =	stream.indirect.scatter.add.f32 [tilespmem:s21], [sflag:$0x5], $0x80, s7, s20, $0xb8;
	[tilespmem:$0x1D480] =	vst v63  }
0x77: {  	_ =	swait.ge [sflag:s18], $0x4000  }
0x78: {  	[sflag:s18] =	ssyncset.done $0x0  }
0x79: {  	[sflag:s18] =	ssyncadd.s32 $0xFFFFC000  }
0x7a: {  	_ =	swait.ge [sflag:s28], $0x4000  }
0x7b: {  	[sflag:s28] =	ssyncset.done $0x0  }
0x7c: {  	[sflag:s28] =	ssyncadd.s32 $0xFFFFC000  }
0x7d: {  	[spmem:s4] =	stream.indirect.scatter.add.f32 [tilespmem:s23], [sflag:$0x5], $0x80, s11, s20, $0xb8;
	[tilespmem:$0x1D480] =	vst v63  }
0x7e: {  	_ =	swait.ge [sflag:s18], $0x4000  }
0x7f: {  	[sflag:s18] =	ssyncset.done $0x0  }
0x80: {  	s13 =	simm.s32 @!p1 $0x0;
	s15 =	rddreg [dreg:$0x8];
	[sflag:s18] =	ssyncadd.s32 $0xFFFFC000  }
0x81: {  	[tilespmem:s13], [sflag:$0x5] =	stream.linear.gather @!p1 [hbm4b:s15+s13], $0x100, $0x38;
	[tilespmem:$0x1D480] =	vst v63  }
0x82: {  	s15 =	simm.s32 @!p1 $0x5  }
0x83: {  	_ =	swait.ge @!p1 [sflag:s15], $0x100  }
0x84: {  	[sflag:s15] =	ssyncset.done @!p1 $0x0  }
0x85: {  	[sflag:s15] =	ssyncadd.s32 @!p1 $0xFFFFFF00  }
0x86: {  	v1 =	vld @!p1 [tilespmem:$0x80]  }
0x87: {  	v2 =	vld @!p1 [tilespmem:$0x90]  }
0x88: {  	v3 =	vld @!p1 [tilespmem:$0xA0]  }
0x89: {  	v4 =	vld @!p1 [tilespmem:$0xB0]  }
0x8a: {  	v5 =	vld @!p1 [tilespmem:$0xC0]  }
0x8b: {  	[tilespmem:$0xC00] =	vst @!p1 v1;
	v1 =	vld @!p1 [tilespmem:$0xD0]  }
0x8c: {  	[tilespmem:$0xC10] =	vst @!p1 v2;
	v2 =	vld @!p1 [tilespmem:$0xE0]  }
0x8d: {  	[tilespmem:$0xC20] =	vst @!p1 v3;
	v3 =	vld @!p1 [tilespmem:$0xF0]  }
0x8e: {  	[tilespmem:$0xC30] =	vst @!p1 v4  }
0x8f: {  	[tilespmem:$0xC40] =	vst @!p1 v5  }
0x90: {  	[tilespmem:$0xC50] =	vst @!p1 v1  }
0x91: {  	[tilespmem:$0xC60] =	vst @!p1 v2  }
0x92: {  	s22 =	simm.s32 @!p1 $0x80;
	s25 =	smov.u32 s9;
	s9 =	simm.s32 @!p1 $0x1400;
	[tilespmem:$0xC70] =	vst @!p1 v3  }
0x93: {  	[tilespmem:s9], [sflag:$0x3] =	stream.indirect.gather @!p1 [hbm4b:s1+s22], $0x80, s13, s22, $0xb8;
	[tilespmem:$0x1D480] =	vst v63  }
0x94: {  	s13 =	simm.s32 @!p1 $0x3  }
0x95: {  	_ =	swait.ge @!p1 [sflag:s13], $0x4000  }
0x96: {  	[sflag:s13] =	ssyncset.done @!p1 $0x0  }
0x97: {  	[sflag:s13] =	ssyncadd.s32 @!p1 $0xFFFFC000;
	s13 =	simm.s32 @!p1 $0xC00  }
0x98: {  	[spmem:s4] =	stream.indirect.scatter.add.f32 @!p1 [tilespmem:s9], [sflag:$0x5], $0x80, s13, s22, $0xb8;
	[tilespmem:$0x1D480] =	vst v63  }
0x99: {  	_ =	swait.ge @!p1 [sflag:s15], $0x4000  }
0x9a: {  	[sflag:s15] =	ssyncset.done @!p1 $0x0  }
0x9b: {  	s13 =	stileid.u32;
	[sflag:s15] =	ssyncadd.s32 @!p1 $0xFFFFC000  }
0x9c: {  	s9 =	sshll.u32 s13, $0x6;
	[bflag:$0x0] =	sbarrier.arrive $0xFFFF  }
0x9d: {  	s9 =	sor.u32 $0x1C05, s9;
	s15 =	sshrl.u32 s8, $0x3;
	s22 =	rddreg [dreg:$0x9]  }
0x9e: {  	[hbm:s22], [sflag:s9] =	dma.local [spmem:s15], $0x2700  }
0x9f: {  	_ =	swait.ge [sflag:s18], $0x2700  }
0xa0: {  	[sflag:s18] =	ssyncset.done $0x0;
	s15 =	rddreg [dreg:$0x7]  }
0xa1: {  	s22 =	rddreg [dreg:$0xa];
	[sflag:s18] =	ssyncadd.s32 $0xFFFFD900;
	s13 =	sshrl.u32 @!p0 s15, $0x3  }
0xa2: {  	[hbm:s22], [sflag:s9] =	dma.local @!p0 [spmem:s13], $0x100  }
0xa3: {  	s9 =	simm.s32 @!p0 $0x5  }
0xa4: {  	_ =	swait.ge @!p0 [sflag:s9], $0x100  }
0xa5: {  	s13 =	rddreg [dreg:$0xd]  }
0xa6: {  	s22 =	sadd.s32 $0x1, s13;
	s13 =	rddreg [dreg:$0xb]  }
0xa7: {  	p2 =	sne.s32 s22, s13  }
.Ltmp1:
0xa8: {  	_ = 	snop;
	(pc) =	sbr.rel @!p2 .LBB2_7-.Ltmp1, $3  }
0xa9: {  	_ =	sdelay $0x1  }
0xaa: {  	[sflag:s9] =	ssyncset.done @!p0 $0x0  }
0xab: {  	[sflag:s9] =	ssyncadd.s32 @!p0 $0xFFFFFF00;
	s9 =	smov.u32 s25  }
.LBB2_1:
0xac: {  	[dreg:$0xd] =	wrdreg s22  }
0xad: {  	s13 =	rddreg [dreg:$0x5]  }
0xae: {  	[tilespmem:s5], [sflag:$0x1] =	stream.linear.gather [hbm4b:s13+s5], $0x600, $0x38;
	[tilespmem:$0x1D480] =	vst v63  }
0xaf: {  	s22 =	rddreg [dreg:$0x6]  }
0xb0: {  	[tilespmem:s16], [sflag:$0x2] =	stream.linear.gather [hbm4b:s22+s5], $0x600, $0x38;
	[tilespmem:$0x1D480] =	vst v63  }
0xb1: {  	[tilespmem:$0x9400] =	vst v0  }
0xb2: {  	[tilespmem:$0x9410] =	vst v0  }
0xb3: {  	[tilespmem:$0x9420] =	vst v0  }
0xb4: {  	[tilespmem:$0x9430] =	vst v0  }
0xb5: {  	[tilespmem:$0x9440] =	vst v0  }
0xb6: {  	[tilespmem:$0x9450] =	vst v0  }
0xb7: {  	[tilespmem:$0x9460] =	vst v0  }
0xb8: {  	[tilespmem:$0x9470] =	vst v0  }
0xb9: {  	[tilespmem:$0x9480] =	vst v0  }
0xba: {  	[tilespmem:$0x9490] =	vst v0  }
0xbb: {  	[tilespmem:$0x94A0] =	vst v0  }
0xbc: {  	[tilespmem:$0x94B0] =	vst v0  }
0xbd: {  	[tilespmem:$0x94C0] =	vst v0  }
0xbe: {  	[tilespmem:$0x94D0] =	vst v0  }
0xbf: {  	[tilespmem:$0x94E0] =	vst v0  }
0xc0: {  	[tilespmem:$0x94F0] =	vst v0  }
0xc1: {  	[tilespmem:$0x9500] =	vst v0  }
0xc2: {  	[tilespmem:$0x9510] =	vst v0  }
0xc3: {  	[tilespmem:$0x9520] =	vst v0  }
0xc4: {  	[tilespmem:$0x9530] =	vst v0  }
0xc5: {  	[tilespmem:$0x9540] =	vst v0  }
0xc6: {  	[tilespmem:$0x9550] =	vst v0  }
0xc7: {  	[tilespmem:$0x9560] =	vst v0  }
0xc8: {  	[tilespmem:$0x9570] =	vst v0  }
0xc9: {  	[tilespmem:$0x9580] =	vst v0  }
0xca: {  	[tilespmem:$0x9590] =	vst v0  }
0xcb: {  	[tilespmem:$0x95A0] =	vst v0  }
0xcc: {  	[tilespmem:$0x95B0] =	vst v0  }
0xcd: {  	[tilespmem:$0x95C0] =	vst v0  }
0xce: {  	[tilespmem:$0x95D0] =	vst v0  }
0xcf: {  	[tilespmem:$0x95E0] =	vst v0  }
0xd0: {  	[tilespmem:$0x95F0] =	vst v0  }
0xd1: {  	[tilespmem:$0x9600] =	vst v0  }
0xd2: {  	[tilespmem:$0x9610] =	vst v0  }
0xd3: {  	[tilespmem:$0x9620] =	vst v0  }
0xd4: {  	[tilespmem:$0x9630] =	vst v0  }
0xd5: {  	[tilespmem:$0x9640] =	vst v0  }
0xd6: {  	[tilespmem:$0x9650] =	vst v0  }
0xd7: {  	[tilespmem:$0x9660] =	vst v0  }
0xd8: {  	[tilespmem:$0x9670] =	vst v0  }
0xd9: {  	[tilespmem:$0x9680] =	vst v0  }
0xda: {  	[tilespmem:$0x9690] =	vst v0  }
0xdb: {  	[tilespmem:$0x96A0] =	vst v0  }
0xdc: {  	[tilespmem:$0x96B0] =	vst v0  }
0xdd: {  	[tilespmem:$0x96C0] =	vst v0  }
0xde: {  	[tilespmem:$0x96D0] =	vst v0  }
0xdf: {  	[tilespmem:$0x96E0] =	vst v0  }
0xe0: {  	[tilespmem:$0x96F0] =	vst v0  }
0xe1: {  	[tilespmem:$0x9700] =	vst v0  }
0xe2: {  	[tilespmem:$0x9710] =	vst v0  }
0xe3: {  	[tilespmem:$0x9720] =	vst v0  }
0xe4: {  	[tilespmem:$0x9730] =	vst v0  }
0xe5: {  	[tilespmem:$0x9740] =	vst v0  }
0xe6: {  	[tilespmem:$0x9750] =	vst v0  }
0xe7: {  	[tilespmem:$0x9760] =	vst v0  }
0xe8: {  	[tilespmem:$0x9770] =	vst v0  }
0xe9: {  	[tilespmem:$0x9780] =	vst v0  }
0xea: {  	[tilespmem:$0x9790] =	vst v0  }
0xeb: {  	[tilespmem:$0x97A0] =	vst v0  }
0xec: {  	[tilespmem:$0x97B0] =	vst v0  }
0xed: {  	[tilespmem:$0x97C0] =	vst v0  }
0xee: {  	[tilespmem:$0x97D0] =	vst v0  }
0xef: {  	[tilespmem:$0x97E0] =	vst v0  }
0xf0: {  	[tilespmem:$0x97F0] =	vst v0  }
0xf1: {  	[tilespmem:$0x9800] =	vst v0  }
0xf2: {  	[tilespmem:$0x9810] =	vst v0  }
0xf3: {  	[tilespmem:$0x9820] =	vst v0  }
0xf4: {  	[tilespmem:$0x9830] =	vst v0  }
0xf5: {  	[tilespmem:$0x9840] =	vst v0  }
0xf6: {  	[tilespmem:$0x9850] =	vst v0  }
0xf7: {  	[tilespmem:$0x9860] =	vst v0  }
0xf8: {  	[tilespmem:$0x9870] =	vst v0  }
0xf9: {  	[tilespmem:$0x9880] =	vst v0  }
0xfa: {  	[tilespmem:$0x9890] =	vst v0  }
0xfb: {  	[tilespmem:$0x98A0] =	vst v0  }
0xfc: {  	[tilespmem:$0x98B0] =	vst v0  }
0xfd: {  	[tilespmem:$0x98C0] =	vst v0  }
0xfe: {  	[tilespmem:$0x98D0] =	vst v0  }
0xff: {  	[tilespmem:$0x98E0] =	vst v0  }
0x100: {  	[tilespmem:$0x98F0] =	vst v0  }
0x101: {  	[tilespmem:$0x9900] =	vst v0  }
0x102: {  	[tilespmem:$0x9910] =	vst v0  }
0x103: {  	[tilespmem:$0x9920] =	vst v0  }
0x104: {  	[tilespmem:$0x9930] =	vst v0  }
0x105: {  	[tilespmem:$0x9940] =	vst v0  }
0x106: {  	[tilespmem:$0x9950] =	vst v0  }
0x107: {  	[tilespmem:$0x9960] =	vst v0  }
0x108: {  	[tilespmem:$0x9970] =	vst v0  }
0x109: {  	[tilespmem:$0x9980] =	vst v0  }
0x10a: {  	[tilespmem:$0x9990] =	vst v0  }
0x10b: {  	[tilespmem:$0x99A0] =	vst v0  }
0x10c: {  	[tilespmem:$0x99B0] =	vst v0  }
0x10d: {  	[tilespmem:$0x99C0] =	vst v0  }
0x10e: {  	[tilespmem:$0x99D0] =	vst v0  }
0x10f: {  	[tilespmem:$0x99E0] =	vst v0  }
0x110: {  	[tilespmem:$0x99F0] =	vst v0  }
0x111: {  	[tilespmem:$0x9A00] =	vst v0  }
0x112: {  	[tilespmem:$0x9A10] =	vst v0  }
0x113: {  	[tilespmem:$0x9A20] =	vst v0  }
0x114: {  	[tilespmem:$0x9A30] =	vst v0  }
0x115: {  	[tilespmem:$0x9A40] =	vst v0  }
0x116: {  	[tilespmem:$0x9A50] =	vst v0  }
0x117: {  	[tilespmem:$0x9A60] =	vst v0  }
0x118: {  	[tilespmem:$0x9A70] =	vst v0  }
0x119: {  	[tilespmem:$0x9A80] =	vst v0  }
0x11a: {  	[tilespmem:$0x9A90] =	vst v0  }
0x11b: {  	[tilespmem:$0x9AA0] =	vst v0  }
0x11c: {  	[tilespmem:$0x9AB0] =	vst v0  }
0x11d: {  	[tilespmem:$0x9AC0] =	vst v0  }
0x11e: {  	[tilespmem:$0x9AD0] =	vst v0  }
0x11f: {  	[tilespmem:$0x9AE0] =	vst v0  }
0x120: {  	[tilespmem:$0x9AF0] =	vst v0  }
0x121: {  	[tilespmem:$0x9B00] =	vst v0  }
0x122: {  	[tilespmem:$0x9B10] =	vst v0  }
0x123: {  	[tilespmem:$0x9B20] =	vst v0  }
0x124: {  	[tilespmem:$0x9B30] =	vst v0  }
0x125: {  	[tilespmem:$0x9B40] =	vst v0  }
0x126: {  	[tilespmem:$0x9B50] =	vst v0  }
0x127: {  	[tilespmem:$0x9B60] =	vst v0  }
0x128: {  	[tilespmem:$0x9B70] =	vst v0  }
0x129: {  	[tilespmem:$0x9B80] =	vst v0  }
0x12a: {  	[tilespmem:$0x9B90] =	vst v0  }
0x12b: {  	[tilespmem:$0x9BA0] =	vst v0  }
0x12c: {  	[tilespmem:$0x9BB0] =	vst v0  }
0x12d: {  	[tilespmem:$0x9BC0] =	vst v0  }
0x12e: {  	[tilespmem:$0x9BD0] =	vst v0  }
0x12f: {  	[tilespmem:$0x9BE0] =	vst v0  }
0x130: {  	s25 =	sadd.s32 $0x0, s8;
	[tilespmem:$0x9BF0] =	vst v0  }
0x131: {  	[spmem:s25] =	stream.linear.scatter [tilespmem:s17], [sflag:$0x5], $0x800, $0x38;
	[tilespmem:$0x1D480] =	vst v63  }
0x132: {  	s13 =	simm.s32 $0x2000;
	_ =	swait.ge [sflag:s18], $0x800  }
.LBB2_2:
0x133: {  	s22 =	sshra.s32 s13, $0x2;
	[sflag:s18] =	ssyncset.done $0x0;
	p2 =	sne.s32 s13, $0x4C000  }
.Ltmp2:
0x134: {  	s22 =	sadd.s32 s22, s8;
	[sflag:s18] =	ssyncadd.s32 $0xFFFFF800;
	(pc) =	sbr.rel @p2 .LBB2_2-.Ltmp2, $3  }
0x135: {  	[spmem:s22] =	stream.linear.scatter [tilespmem:s17], [sflag:$0x5], $0x800, $0x38;
	[tilespmem:$0x1D480] =	vst v63  }
0x136: {  	s13 =	sadd.s32 $0x2000, s13;
	_ =	sdelay $0x1  }
0x137: {  	_ =	swait.ge [sflag:s18], $0x800  }
0x138: {  	[sflag:s18] =	ssyncset.done $0x0  }
0x139: {  	s13 =	simm.s32 @!p0 $0x9400;
	[sflag:s18] =	ssyncadd.s32 $0xFFFFF800  }
0x13a: {  	[spmem:s15] =	stream.linear.scatter @!p0 [tilespmem:s13], [sflag:$0x5], $0x800, $0x38;
	[tilespmem:$0x1D480] =	vst v63  }
0x13b: {  	s13 =	simm.s32 @!p0 $0x5  }
0x13c: {  	_ =	swait.ge @!p0 [sflag:s13], $0x800  }
0x13d: {  	[sflag:s13] =	ssyncset.done @!p0 $0x0  }
0x13e: {  	[sflag:s13] =	ssyncadd.s32 @!p0 $0xFFFFF800  }
0x13f: {  	_ =	swait.ge [sflag:s19], $0x600  }
0x140: {  	[sflag:s19] =	ssyncset.done $0x0  }
0x141: {  	s22 =	simm.s32 $0x0;
	[sflag:s19] =	ssyncadd.s32 $0xFFFFFA00  }
0x142: {  	[tilespmem:s21], [sflag:$0x3] =	stream.indirect.gather [hbm4b:s1+s20], $0x80, s22, s20, $0xb8;
	[tilespmem:$0x1D480] =	vst v63  }
0x143: {  	[bflag:$0x0] =	sbarrier.arrive $0xFFFF  }
0x144: {  	s25 =	simm.s32 $0x100;
	s13 =	rddreg [dreg:$0xc]  }
.LBB2_4:
0x145: {  	v1 =	vld [tilespmem:$0x80]  }
0x146: {  	v2 =	vld [tilespmem:$0x90]  }
0x147: {  	v3 =	vld [tilespmem:$0xA0]  }
0x148: {  	v4 =	vld [tilespmem:$0xB0]  }
0x149: {  	v5 =	vld [tilespmem:$0xC0]  }
0x14a: {  	[tilespmem:$0xC00] =	vst v1;
	v1 =	vld [tilespmem:$0xD0]  }
0x14b: {  	[tilespmem:$0xC10] =	vst v2;
	v2 =	vld [tilespmem:$0xE0]  }
0x14c: {  	[tilespmem:$0xC20] =	vst v3;
	v3 =	vld [tilespmem:$0xF0]  }
0x14d: {  	v30 =	vld [tilespmem:$0x180];
	[tilespmem:$0xC30] =	vst v4  }
0x14e: {  	v31 =	vld [tilespmem:$0x190];
	[tilespmem:$0xC40] =	vst v5  }
0x14f: {  	[tilespmem:$0xC50] =	vst v1;
	v1 =	vld [tilespmem:$0x1A0]  }
0x150: {  	[tilespmem:$0xC60] =	vst v2;
	v2 =	vld [tilespmem:$0x1B0]  }
0x151: {  	[tilespmem:$0xC70] =	vst v3;
	v3 =	vld [tilespmem:$0x1C0]  }
0x152: {  	v32 =	vld [tilespmem:$0x1D0];
	[tilespmem:$0xC80] =	vst v30  }
0x153: {  	v33 =	vld [tilespmem:$0x1E0];
	[tilespmem:$0xC90] =	vst v31  }
0x154: {  	[tilespmem:$0xCA0] =	vst v1;
	v1 =	vld [tilespmem:$0x1F0]  }
0x155: {  	[tilespmem:$0xCB0] =	vst v2;
	v2 =	vld [tilespmem:$0x280]  }
0x156: {  	[tilespmem:$0xCC0] =	vst v3;
	v3 =	vld [tilespmem:$0x290]  }
0x157: {  	v34 =	vld [tilespmem:$0x2A0];
	[tilespmem:$0xCD0] =	vst v32  }
0x158: {  	v35 =	vld [tilespmem:$0x2B0];
	[tilespmem:$0xCE0] =	vst v33  }
0x159: {  	[tilespmem:$0xCF0] =	vst v1;
	v1 =	vld [tilespmem:$0x2C0]  }
0x15a: {  	[tilespmem:$0xD00] =	vst v2;
	v2 =	vld [tilespmem:$0x2D0]  }
0x15b: {  	[tilespmem:$0xD10] =	vst v3;
	v3 =	vld [tilespmem:$0x2E0]  }
0x15c: {  	v36 =	vld [tilespmem:$0x2F0];
	[tilespmem:$0xD20] =	vst v34  }
0x15d: {  	v37 =	vld [tilespmem:$0x380];
	[tilespmem:$0xD30] =	vst v35  }
0x15e: {  	[tilespmem:$0xD40] =	vst v1;
	v1 =	vld [tilespmem:$0x390]  }
0x15f: {  	[tilespmem:$0xD50] =	vst v2;
	v2 =	vld [tilespmem:$0x3A0]  }
0x160: {  	[tilespmem:$0xD60] =	vst v3;
	v3 =	vld [tilespmem:$0x3B0]  }
0x161: {  	v38 =	vld [tilespmem:$0x3C0];
	[tilespmem:$0xD70] =	vst v36  }
0x162: {  	v39 =	vld [tilespmem:$0x3D0];
	[tilespmem:$0xD80] =	vst v37  }
0x163: {  	[tilespmem:$0xD90] =	vst v1;
	v1 =	vld [tilespmem:$0x3E0]  }
0x164: {  	[tilespmem:$0xDA0] =	vst v2;
	v2 =	vld [tilespmem:$0x3F0]  }
0x165: {  	[tilespmem:$0xDB0] =	vst v3;
	v3 =	vld [tilespmem:$0x480]  }
0x166: {  	v40 =	vld [tilespmem:$0x490];
	[tilespmem:$0xDC0] =	vst v38  }
0x167: {  	v41 =	vld [tilespmem:$0x4A0];
	[tilespmem:$0xDD0] =	vst v39  }
0x168: {  	[tilespmem:$0xDE0] =	vst v1;
	v1 =	vld [tilespmem:$0x4B0]  }
0x169: {  	[tilespmem:$0xDF0] =	vst v2;
	v2 =	vld [tilespmem:$0x4C0]  }
0x16a: {  	[tilespmem:$0xE00] =	vst v3;
	v3 =	vld [tilespmem:$0x4D0]  }
0x16b: {  	v42 =	vld [tilespmem:$0x4E0];
	[tilespmem:$0xE10] =	vst v40  }
0x16c: {  	v43 =	vld [tilespmem:$0x4F0];
	[tilespmem:$0xE20] =	vst v41  }
0x16d: {  	[tilespmem:$0xE30] =	vst v1;
	v1 =	vld [tilespmem:$0x580]  }
0x16e: {  	[tilespmem:$0xE40] =	vst v2;
	v2 =	vld [tilespmem:$0x590]  }
0x16f: {  	[tilespmem:$0xE50] =	vst v3;
	v3 =	vld [tilespmem:$0x5A0]  }
0x170: {  	v44 =	vld [tilespmem:$0x5B0];
	[tilespmem:$0xE60] =	vst v42  }
0x171: {  	v45 =	vld [tilespmem:$0x5C0];
	[tilespmem:$0xE70] =	vst v43  }
0x172: {  	[tilespmem:$0xE80] =	vst v1;
	v1 =	vld [tilespmem:$0x5D0]  }
0x173: {  	[tilespmem:$0xE90] =	vst v2;
	v2 =	vld [tilespmem:$0x5E0]  }
0x174: {  	[tilespmem:$0xEA0] =	vst v3;
	v3 =	vld [tilespmem:$0x5F0]  }
0x175: {  	[tilespmem:$0xEB0] =	vst v44  }
0x176: {  	[tilespmem:$0xEC0] =	vst v45  }
0x177: {  	[tilespmem:$0xED0] =	vst v1  }
0x178: {  	[tilespmem:$0xEE0] =	vst v2  }
0x179: {  	[tilespmem:$0xEF0] =	vst v3  }
0x17a: {  	[tilespmem:s23], [sflag:$0x4] =	stream.indirect.gather [hbm4b:s1+s20], $0x80, s25, s20, $0xb8;
	[tilespmem:$0x1D480] =	vst v63  }
0x17b: {  	_ =	swait.ge [sflag:s24], $0x4000  }
0x17c: {  	[sflag:s24] =	ssyncset.done $0x0  }
0x17d: {  	s15 =	simm.s32 $0xC00;
	[sflag:s24] =	ssyncadd.s32 $0xFFFFC000  }
0x17e: {  	[spmem:s4] =	stream.indirect.scatter.add.f32 [tilespmem:s21], [sflag:$0x5], $0x80, s15, s20, $0xb8;
	[tilespmem:$0x1D480] =	vst v63  }
0x17f: {  	_ =	swait.ge [sflag:s18], $0x4000  }
0x180: {  	[sflag:s18] =	ssyncset.done $0x0  }
0x181: {  	[sflag:s18] =	ssyncadd.s32 $0xFFFFC000  }
0x182: {  	[tilespmem:s21], [sflag:$0x3] =	stream.indirect.gather [hbm4b:s1+s20], $0x80, s26, s20, $0xb8;
	[tilespmem:$0x1D480] =	vst v63  }
0x183: {  	_ =	swait.ge [sflag:s28], $0x4000  }
0x184: {  	[sflag:s28] =	ssyncset.done $0x0  }
0x185: {  	[sflag:s28] =	ssyncadd.s32 $0xFFFFC000  }
0x186: {  	[spmem:s4] =	stream.indirect.scatter.add.f32 [tilespmem:s23], [sflag:$0x5], $0x80, s29, s20, $0xb8;
	[tilespmem:$0x1D480] =	vst v63  }
0x187: {  	_ =	swait.ge [sflag:s18], $0x4000  }
0x188: {  	[sflag:s18] =	ssyncset.done $0x0  }
0x189: {  	[sflag:s18] =	ssyncadd.s32 $0xFFFFC000  }
0x18a: {  	[tilespmem:s23], [sflag:$0x4] =	stream.indirect.gather [hbm4b:s1+s20], $0x80, s30, s20, $0xb8;
	[tilespmem:$0x1D480] =	vst v63  }
0x18b: {  	_ =	swait.ge [sflag:s24], $0x4000  }
0x18c: {  	[sflag:s24] =	ssyncset.done $0x0  }
0x18d: {  	[sflag:s24] =	ssyncadd.s32 $0xFFFFC000  }
0x18e: {  	[spmem:s4] =	stream.indirect.scatter.add.f32 [tilespmem:s21], [sflag:$0x5], $0x80, s31, s20, $0xb8;
	[tilespmem:$0x1D480] =	vst v63  }
0x18f: {  	_ =	swait.ge [sflag:s18], $0x4000  }
0x190: {  	[sflag:s18] =	ssyncset.done $0x0  }
0x191: {  	[sflag:s18] =	ssyncadd.s32 $0xFFFFC000  }
0x192: {  	[tilespmem:s21], [sflag:$0x3] =	stream.indirect.gather [hbm4b:s1+s20], $0x80, s3, s20, $0xb8;
	[tilespmem:$0x1D480] =	vst v63  }
0x193: {  	_ =	swait.ge [sflag:s28], $0x4000  }
0x194: {  	[sflag:s28] =	ssyncset.done $0x0  }
0x195: {  	[sflag:s28] =	ssyncadd.s32 $0xFFFFC000  }
0x196: {  	[spmem:s4] =	stream.indirect.scatter.add.f32 [tilespmem:s23], [sflag:$0x5], $0x80, s0, s20, $0xb8;
	[tilespmem:$0x1D480] =	vst v63  }
0x197: {  	_ =	swait.ge [sflag:s18], $0x4000  }
0x198: {  	[sflag:s18] =	ssyncset.done $0x0  }
0x199: {  	[sflag:s18] =	ssyncadd.s32 $0xFFFFC000  }
0x19a: {  	[tilespmem:s23], [sflag:$0x4] =	stream.indirect.gather [hbm4b:s1+s20], $0x80, s6, s20, $0xb8;
	[tilespmem:$0x1D480] =	vst v63  }
0x19b: {  	_ =	swait.ge [sflag:s24], $0x4000  }
0x19c: {  	[sflag:s24] =	ssyncset.done $0x0  }
0x19d: {  	[sflag:s24] =	ssyncadd.s32 $0xFFFFC000  }
0x19e: {  	[spmem:s4] =	stream.indirect.scatter.add.f32 [tilespmem:s21], [sflag:$0x5], $0x80, s7, s20, $0xb8;
	[tilespmem:$0x1D480] =	vst v63  }
0x19f: {  	_ =	swait.ge [sflag:s18], $0x4000  }
0x1a0: {  	[sflag:s18] =	ssyncset.done $0x0  }
0x1a1: {  	[sflag:s18] =	ssyncadd.s32 $0xFFFFC000  }
0x1a2: {  	_ =	swait.ge [sflag:s10], $0x600  }
0x1a3: {  	[sflag:s10] =	ssyncset.done $0x0  }
0x1a4: {  	[sflag:s10] =	ssyncadd.s32 $0xFFFFFA00  }
0x1a5: {  	[tilespmem:s21], [sflag:$0x3] =	stream.indirect.gather [hbm4b:s1+s20], $0x80, s16, s20, $0xb8;
	[tilespmem:$0x1D480] =	vst v63  }
0x1a6: {  	_ =	swait.ge [sflag:s28], $0x4000  }
0x1a7: {  	[sflag:s28] =	ssyncset.done $0x0  }
0x1a8: {  	[sflag:s28] =	ssyncadd.s32 $0xFFFFC000  }
0x1a9: {  	[spmem:s4] =	stream.indirect.scatter.add.f32 [tilespmem:s23], [sflag:$0x5], $0x80, s11, s20, $0xb8;
	[tilespmem:$0x1D480] =	vst v63  }
0x1aa: {  	_ =	swait.ge [sflag:s18], $0x4000  }
0x1ab: {  	s15 =	sshrl.u32 s13, $0x2;
	[sflag:s18] =	ssyncset.done $0x0  }
0x1ac: {  	s15 =	sadd.s32 s9, s15;
	[sflag:s18] =	ssyncadd.s32 $0xFFFFC000  }
0x1ad: {  	[tilespmem:s5], [sflag:$0x1] =	stream.linear.gather [hbm4b:s15+s5], $0x600, $0x38;
	[tilespmem:$0x1D480] =	vst v63  }
0x1ae: {  	v1 =	vld [tilespmem:$0x680]  }
0x1af: {  	v2 =	vld [tilespmem:$0x690]  }
0x1b0: {  	v3 =	vld [tilespmem:$0x6A0]  }
0x1b1: {  	v46 =	vld [tilespmem:$0x6B0]  }
0x1b2: {  	v47 =	vld [tilespmem:$0x6C0]  }
0x1b3: {  	[tilespmem:$0x1000] =	vst v1;
	v1 =	vld [tilespmem:$0x6D0]  }
0x1b4: {  	[tilespmem:$0x1010] =	vst v2;
	v2 =	vld [tilespmem:$0x6E0]  }
0x1b5: {  	[tilespmem:$0x1020] =	vst v3;
	v3 =	vld [tilespmem:$0x6F0]  }
0x1b6: {  	v48 =	vld [tilespmem:$0x780];
	[tilespmem:$0x1030] =	vst v46  }
0x1b7: {  	v49 =	vld [tilespmem:$0x790];
	[tilespmem:$0x1040] =	vst v47  }
0x1b8: {  	[tilespmem:$0x1050] =	vst v1;
	v1 =	vld [tilespmem:$0x7A0]  }
0x1b9: {  	[tilespmem:$0x1060] =	vst v2;
	v2 =	vld [tilespmem:$0x7B0]  }
0x1ba: {  	[tilespmem:$0x1070] =	vst v3;
	v3 =	vld [tilespmem:$0x7C0]  }
0x1bb: {  	v50 =	vld [tilespmem:$0x7D0];
	[tilespmem:$0x1080] =	vst v48  }
0x1bc: {  	v51 =	vld [tilespmem:$0x7E0];
	[tilespmem:$0x1090] =	vst v49  }
0x1bd: {  	[tilespmem:$0x10A0] =	vst v1;
	v1 =	vld [tilespmem:$0x7F0]  }
0x1be: {  	[tilespmem:$0x10B0] =	vst v2;
	v2 =	vld [tilespmem:$0x880]  }
0x1bf: {  	[tilespmem:$0x10C0] =	vst v3;
	v3 =	vld [tilespmem:$0x890]  }
0x1c0: {  	v52 =	vld [tilespmem:$0x8A0];
	[tilespmem:$0x10D0] =	vst v50  }
0x1c1: {  	v53 =	vld [tilespmem:$0x8B0];
	[tilespmem:$0x10E0] =	vst v51  }
0x1c2: {  	[tilespmem:$0x10F0] =	vst v1;
	v1 =	vld [tilespmem:$0x8C0]  }
0x1c3: {  	[tilespmem:$0x1100] =	vst v2;
	v2 =	vld [tilespmem:$0x8D0]  }
0x1c4: {  	[tilespmem:$0x1110] =	vst v3;
	v3 =	vld [tilespmem:$0x8E0]  }
0x1c5: {  	v54 =	vld [tilespmem:$0x8F0];
	[tilespmem:$0x1120] =	vst v52  }
0x1c6: {  	v55 =	vld [tilespmem:$0x980];
	[tilespmem:$0x1130] =	vst v53  }
0x1c7: {  	[tilespmem:$0x1140] =	vst v1;
	v1 =	vld [tilespmem:$0x990]  }
0x1c8: {  	[tilespmem:$0x1150] =	vst v2;
	v2 =	vld [tilespmem:$0x9A0]  }
0x1c9: {  	[tilespmem:$0x1160] =	vst v3;
	v3 =	vld [tilespmem:$0x9B0]  }
0x1ca: {  	v56 =	vld [tilespmem:$0x9C0];
	[tilespmem:$0x1170] =	vst v54  }
0x1cb: {  	v57 =	vld [tilespmem:$0x9D0];
	[tilespmem:$0x1180] =	vst v55  }
0x1cc: {  	[tilespmem:$0x1190] =	vst v1;
	v1 =	vld [tilespmem:$0x9E0]  }
0x1cd: {  	[tilespmem:$0x11A0] =	vst v2;
	v2 =	vld [tilespmem:$0x9F0]  }
0x1ce: {  	[tilespmem:$0x11B0] =	vst v3;
	v3 =	vld [tilespmem:$0xA80]  }
0x1cf: {  	v58 =	vld [tilespmem:$0xA90];
	[tilespmem:$0x11C0] =	vst v56  }
0x1d0: {  	v59 =	vld [tilespmem:$0xAA0];
	[tilespmem:$0x11D0] =	vst v57  }
0x1d1: {  	[tilespmem:$0x11E0] =	vst v1;
	v1 =	vld [tilespmem:$0xAB0]  }
0x1d2: {  	[tilespmem:$0x11F0] =	vst v2;
	v2 =	vld [tilespmem:$0xAC0]  }
0x1d3: {  	[tilespmem:$0x1200] =	vst v3;
	v3 =	vld [tilespmem:$0xAD0]  }
0x1d4: {  	v60 =	vld [tilespmem:$0xAE0];
	[tilespmem:$0x1210] =	vst v58  }
0x1d5: {  	v61 =	vld [tilespmem:$0xAF0];
	[tilespmem:$0x1220] =	vst v59  }
0x1d6: {  	[tilespmem:$0x1230] =	vst v1;
	v1 =	vld [tilespmem:$0xB80]  }
0x1d7: {  	[tilespmem:$0x1240] =	vst v2;
	v2 =	vld [tilespmem:$0xB90]  }
0x1d8: {  	[tilespmem:$0x1250] =	vst v3;
	v3 =	vld [tilespmem:$0xBA0]  }
0x1d9: {  	v62 =	vld [tilespmem:$0xBB0];
	[tilespmem:$0x1260] =	vst v60  }
0x1da: {  	v63 =	vld [tilespmem:$0xBC0];
	[tilespmem:$0x1270] =	vst v61  }
0x1db: {  	[tilespmem:$0x1280] =	vst v1;
	v1 =	vld [tilespmem:$0xBD0]  }
0x1dc: {  	[tilespmem:$0x1290] =	vst v2;
	v2 =	vld [tilespmem:$0xBE0]  }
0x1dd: {  	[tilespmem:$0x12A0] =	vst v3;
	v3 =	vld [tilespmem:$0xBF0]  }
0x1de: {  	[tilespmem:$0x12B0] =	vst v62  }
0x1df: {  	[tilespmem:$0x12C0] =	vst v63  }
0x1e0: {  	[tilespmem:$0x12D0] =	vst v1  }
0x1e1: {  	[tilespmem:$0x12E0] =	vst v2  }
0x1e2: {  	s15 =	simm.s32 $0x700;
	[tilespmem:$0x12F0] =	vst v3  }
0x1e3: {  	[tilespmem:s23], [sflag:$0x4] =	stream.indirect.gather [hbm4b:s1+s20], $0x80, s15, s20, $0xb8;
	[tilespmem:$0x1D480] =	vst v63  }
0x1e4: {  	_ =	swait.ge [sflag:s24], $0x4000  }
0x1e5: {  	[sflag:s24] =	ssyncset.done $0x0  }
0x1e6: {  	s15 =	simm.s32 $0x1000;
	[sflag:s24] =	ssyncadd.s32 $0xFFFFC000  }
0x1e7: {  	[spmem:s4] =	stream.indirect.scatter.add.f32 [tilespmem:s21], [sflag:$0x5], $0x80, s15, s20, $0xb8;
	[tilespmem:$0x1D480] =	vst v63  }
0x1e8: {  	_ =	swait.ge [sflag:s18], $0x4000  }
0x1e9: {  	[sflag:s18] =	ssyncset.done $0x0  }
0x1ea: {  	s15 =	simm.s32 $0x800;
	[sflag:s18] =	ssyncadd.s32 $0xFFFFC000  }
0x1eb: {  	[tilespmem:s21], [sflag:$0x3] =	stream.indirect.gather [hbm4b:s1+s20], $0x80, s15, s20, $0xb8;
	[tilespmem:$0x1D480] =	vst v63  }
0x1ec: {  	_ =	swait.ge [sflag:s28], $0x4000  }
0x1ed: {  	[sflag:s28] =	ssyncset.done $0x0  }
0x1ee: {  	s15 =	simm.s32 $0x1080;
	[sflag:s28] =	ssyncadd.s32 $0xFFFFC000  }
0x1ef: {  	[spmem:s4] =	stream.indirect.scatter.add.f32 [tilespmem:s23], [sflag:$0x5], $0x80, s15, s20, $0xb8;
	[tilespmem:$0x1D480] =	vst v63  }
0x1f0: {  	_ =	swait.ge [sflag:s18], $0x4000  }
0x1f1: {  	[sflag:s18] =	ssyncset.done $0x0  }
0x1f2: {  	s15 =	simm.s32 $0x900;
	[sflag:s18] =	ssyncadd.s32 $0xFFFFC000  }
0x1f3: {  	[tilespmem:s23], [sflag:$0x4] =	stream.indirect.gather [hbm4b:s1+s20], $0x80, s15, s20, $0xb8;
	[tilespmem:$0x1D480] =	vst v63  }
0x1f4: {  	_ =	swait.ge [sflag:s24], $0x4000  }
0x1f5: {  	[sflag:s24] =	ssyncset.done $0x0  }
0x1f6: {  	s15 =	simm.s32 $0x1100;
	[sflag:s24] =	ssyncadd.s32 $0xFFFFC000  }
0x1f7: {  	[spmem:s4] =	stream.indirect.scatter.add.f32 [tilespmem:s21], [sflag:$0x5], $0x80, s15, s20, $0xb8;
	[tilespmem:$0x1D480] =	vst v63  }
0x1f8: {  	_ =	swait.ge [sflag:s18], $0x4000  }
0x1f9: {  	[sflag:s18] =	ssyncset.done $0x0  }
0x1fa: {  	s15 =	simm.s32 $0xA00;
	[sflag:s18] =	ssyncadd.s32 $0xFFFFC000  }
0x1fb: {  	[tilespmem:s21], [sflag:$0x3] =	stream.indirect.gather [hbm4b:s1+s20], $0x80, s15, s20, $0xb8;
	[tilespmem:$0x1D480] =	vst v63  }
0x1fc: {  	_ =	swait.ge [sflag:s28], $0x4000  }
0x1fd: {  	[sflag:s28] =	ssyncset.done $0x0  }
0x1fe: {  	s15 =	simm.s32 $0x1180;
	[sflag:s28] =	ssyncadd.s32 $0xFFFFC000  }
0x1ff: {  	[spmem:s4] =	stream.indirect.scatter.add.f32 [tilespmem:s23], [sflag:$0x5], $0x80, s15, s20, $0xb8;
	[tilespmem:$0x1D480] =	vst v63  }
0x200: {  	_ =	swait.ge [sflag:s18], $0x4000  }
0x201: {  	[sflag:s18] =	ssyncset.done $0x0  }
0x202: {  	s15 =	simm.s32 $0xB00;
	[sflag:s18] =	ssyncadd.s32 $0xFFFFC000  }
0x203: {  	[tilespmem:s23], [sflag:$0x4] =	stream.indirect.gather [hbm4b:s1+s20], $0x80, s15, s20, $0xb8;
	[tilespmem:$0x1D480] =	vst v63  }
0x204: {  	_ =	swait.ge [sflag:s24], $0x4000  }
0x205: {  	[sflag:s24] =	ssyncset.done $0x0  }
0x206: {  	[sflag:s24] =	ssyncadd.s32 $0xFFFFC000  }
0x207: {  	[spmem:s4] =	stream.indirect.scatter.add.f32 [tilespmem:s21], [sflag:$0x5], $0x80, s2, s20, $0xb8;
	[tilespmem:$0x1D480] =	vst v63  }
0x208: {  	_ =	swait.ge [sflag:s18], $0x4000  }
0x209: {  	[sflag:s18] =	ssyncset.done $0x0  }
0x20a: {  	[sflag:s18] =	ssyncadd.s32 $0xFFFFC000  }
0x20b: {  	_ =	swait.ge [sflag:s19], $0x600  }
0x20c: {  	[sflag:s19] =	ssyncset.done $0x0  }
0x20d: {  	[sflag:s19] =	ssyncadd.s32 $0xFFFFFA00  }
0x20e: {  	[tilespmem:s21], [sflag:$0x3] =	stream.indirect.gather [hbm4b:s1+s20], $0x80, s5, s20, $0xb8;
	[tilespmem:$0x1D480] =	vst v63  }
0x20f: {  	_ =	swait.ge [sflag:s28], $0x4000  }
0x210: {  	p2 =	seq.s32 s22, $0x780;
	[sflag:s28] =	ssyncset.done $0x0  }
.Ltmp3:
0x211: {  	[sflag:s28] =	ssyncadd.s32 $0xFFFFC000;
	(pc) =	sbr.rel @p2 .LBB2_6-.Ltmp3, $4  }
0x212: {  	[spmem:s4] =	stream.indirect.scatter.add.f32 [tilespmem:s23], [sflag:$0x5], $0x80, s12, s20, $0xb8;
	[tilespmem:$0x1D480] =	vst v63  }
0x213: {  	_ =	swait.ge [sflag:s18], $0x4000  }
0x214: {  	[sflag:s18] =	ssyncset.done $0x0  }
0x215: {  	[sflag:s18] =	ssyncadd.s32 $0xFFFFC000  }
.Ltmp4:
0x216: {  	(pc) =	sbr.rel .LBB2_4-.Ltmp4, $3  }
0x217: {  	_ =	sdelay $0x1  }
0x218: {  	s15 =	sadd.s32 s22, s14;
	s22 =	sadd.s32 $0x180, s22;
	s13 =	sadd.s32 $0x600, s13  }
0x219: {  	[tilespmem:s16], [sflag:$0x2] =	stream.linear.gather [hbm4b:s15+s5], $0x600, $0x38;
	[tilespmem:$0x1D480] =	vst v63  }
.LBB2_7:
0x21a: {  	_ =	sfence.sel $0x180000  }
0x21b: {  	[bflag:$0x0] =	sbarrier.arrive $0xFFFF  }
0x21c: {  	_ =	strace $0x90000047  }
0x21d: {  	s0 =	stileid.u32;
	[bflag:$0x2] =	sbarrier.arrive $0xFFFF  }
0x21e: {  	p0 =	sne.s32 s0, $0x0;
	s0 =	rddreg [dreg:$0x4]  }
0x21f: {  	s0 =	sadd.s32 @!p0 $0x100000, s0  }
0x220: {  	[sflag:s0] =	ssyncadd.tile.s32 @!p0 $0x1;
	_ =	shalt  }
.Lfunc_end2:
_tile_overlayer_lowered:
.L_overlay_start_2:
0x221: {  	(tag) =	ssettag $0x2  }
0x222: {  	s0 =	rddreg [dreg:$0x0];
	s2 =	stileid.u32  }
0x223: {  	s1 =	rddreg [dreg:$0x1];
	p0 =	sne.s32 s2, $0x0  }
0x224: {  	s3 =	rddreg [dreg:$0x2];
	[bflag:$0x3] =	sbarrier.arrive $0xFFFF;
	s2 =	simm.s32 @!p0 $0x1C05  }
0x225: {  	[timem:s3], [sflag:s2] =	dma.local @!p0 [hbm:s0], s1  }
0x226: {  	s0 =	simm.s32 @!p0 $0x5  }
0x227: {  	_ =	swait.ge @!p0 [sflag:s0], s1  }
0x228: {  	s1 =	ssub.s32 @!p0 $0x0, s1;
	[sflag:s0] =	ssyncset.done @!p0 $0x0  }
0x229: {  	[sflag:s0] =	ssyncadd.s32 @!p0 s1  }
0x22a: {  	[bflag:$0x3] =	sbarrier.arrive $0xFFFF  }
0x22b: {  	_ =	shalt  }

</sc_bundles>
